<compile_context>
chip_gen: v7x
topology: tpu7x:2x2x1
jax: 0.10.2.dev20260603
libtpu: 0.0.44.dev20260713+nightly
codegen_flags: <defaults>
</compile_context>

<pallas_src>
import functools

import jax
import jax.numpy as jnp
from jax import lax
from jax.experimental import pallas as pl
from jax.experimental.pallas import tpu as pltpu
from jax.experimental.pallas import tpu_sc as plsc

NND = 10000
NED = 320000
HD = 128
NCORE, NSUB, LN = 2, 16, 16
NREG = NCORE * NSUB
NPADR = 10240
ACCR = 10368
DUMPROW = NPADR
CH = 128
SL = NED // NREG
BLKE = 2000
PADN = SL + 512

_mesh = plsc.VectorSubcoreMesh(
    core_axis_name="c", subcore_axis_name="s", num_cores=NCORE, num_subcores=NSUB)
_sc_params = pltpu.CompilerParams(
    needs_layout_passes=False, use_tc_tiling_on_sc=False)


def _lrelu(v):
    return jnp.where(v >= 0, v, 0.01 * v)


@functools.partial(
    pl.kernel,
    out_type=[
        jax.ShapeDtypeStruct((2 * NREG * PADN,), jnp.int32),
        jax.ShapeDtypeStruct((2 * NREG * PADN,), jnp.int32),
        jax.ShapeDtypeStruct((NREG, LN), jnp.int32),
        jax.ShapeDtypeStruct((NREG, 2 * NPADR), jnp.float32),
    ],
    mesh=_mesh,
    scratch_types=[
        pltpu.VMEM((BLKE,), jnp.int32),
        pltpu.VMEM((BLKE,), jnp.int32),
        pltpu.VMEM((BLKE,), jnp.int32),
        pltpu.VMEM((PADN,), jnp.int32),
        pltpu.VMEM((PADN,), jnp.int32),
        pltpu.VMEM((PADN,), jnp.int32),
        pltpu.VMEM((PADN,), jnp.int32),
        pltpu.VMEM((LN,), jnp.int32),
        pltpu.VMEM((2 * NPADR,), jnp.float32),
    ],
    compiler_params=_sc_params,
)
def _sc_part(src_hbm, dst_hbm, typ_hbm, psrc_hbm, pdst_hbm, narr_hbm, cnts_hbm,
             sb, db, tb, cs0, cd0, cs1, cd1, nb, cnt):
    cid = lax.axis_index("c")
    sid = lax.axis_index("s")
    wid = cid * NSUB + sid
    zeros16 = jnp.zeros((LN,), jnp.float32)
    zeros16i = jnp.zeros((LN,), jnp.int32)
    ones16 = jnp.ones((LN,), jnp.float32)
    dump16 = jnp.full((LN,), DUMPROW, jnp.int32)
    iota16 = lax.broadcasted_iota(jnp.int32, (LN,), 0)

    def zc(i, carry):
        cnt[pl.ds(i * LN, LN)] = zeros16
        return carry
    lax.fori_loop(0, 2 * NPADR // LN, zc, 0)

    def blk(b, fills):
        eoff = wid * SL + b * BLKE
        pltpu.sync_copy(src_hbm.at[pl.ds(eoff, BLKE)], sb)
        pltpu.sync_copy(dst_hbm.at[pl.ds(eoff, BLKE)], db)
        pltpu.sync_copy(typ_hbm.at[pl.ds(eoff, BLKE)], tb)

        def grp(g, fills2):
            f0, f1 = fills2
            s16 = sb[pl.ds(g * LN, LN)]
            d16 = db[pl.ds(g * LN, LN)]
            t16 = tb[pl.ds(g * LN, LN)]
            plsc.addupdate_scatter(cnt, [d16 * 2 + t16], ones16)
            m0 = t16 == 0
            m1 = jnp.logical_not(m0)
            plsc.store_compressed(cs0.at[pl.ds(f0, LN)], s16, mask=m0)
            plsc.store_compressed(cd0.at[pl.ds(f0, LN)], d16, mask=m0)
            plsc.store_compressed(cs1.at[pl.ds(f1, LN)], s16, mask=m1)
            plsc.store_compressed(cd1.at[pl.ds(f1, LN)], d16, mask=m1)
            c0 = jnp.sum(m0.astype(jnp.int32))
            return (f0 + c0, f1 + (LN - c0))
        return lax.fori_loop(0, BLKE // LN, grp, fills)
    f0, f1 = lax.fori_loop(0, SL // BLKE, blk, (0, 0))

    for k in range(512 // LN):
        cs0[pl.ds(f0 + k * LN, LN)] = zeros16i
        cd0[pl.ds(f0 + k * LN, LN)] = dump16
        cs1[pl.ds(f1 + k * LN, LN)] = zeros16i
        cd1[pl.ds(f1 + k * LN, LN)] = dump16
    p0 = lax.shift_right_logical(f0 + 511, 9)
    p1 = lax.shift_right_logical(f1 + 511, 9)
    nb[pl.ds(0, LN)] = jnp.where(iota16 == 0, p0, jnp.where(iota16 == 1, p1, 0))

    pltpu.sync_copy(cs0, psrc_hbm.at[pl.ds(wid * PADN, PADN)])
    pltpu.sync_copy(cd0, pdst_hbm.at[pl.ds(wid * PADN, PADN)])
    pltpu.sync_copy(cs1, psrc_hbm.at[pl.ds((NREG + wid) * PADN, PADN)])
    pltpu.sync_copy(cd1, pdst_hbm.at[pl.ds((NREG + wid) * PADN, PADN)])
    pltpu.sync_copy(nb, narr_hbm.at[wid])
    pltpu.sync_copy(cnt, cnts_hbm.at[wid])


@functools.partial(
    pl.kernel,
    out_type=jax.ShapeDtypeStruct((2 * NPADR, HD), jnp.float32),
    mesh=_mesh,
    scratch_types=[
        pltpu.VMEM_SHARED((ACCR, HD), jnp.float32),
        pltpu.VMEM((LN,), jnp.int32),
        pltpu.VMEM((LN,), jnp.int32),
        pltpu.VMEM((CH,), jnp.int32),
        pltpu.VMEM((CH,), jnp.int32),
        pltpu.VMEM((CH,), jnp.int32),
        pltpu.VMEM((CH,), jnp.int32),
        pltpu.VMEM((CH,), jnp.int32),
        pltpu.VMEM((CH,), jnp.int32),
        pltpu.VMEM((CH,), jnp.int32),
        pltpu.VMEM((CH,), jnp.int32),
        pltpu.VMEM((CH, HD), jnp.float32),
        pltpu.VMEM((CH, HD), jnp.float32),
        pltpu.SemaphoreType.DMA,
        pltpu.SemaphoreType.DMA,
        pltpu.SemaphoreType.DMA,
        pltpu.SemaphoreType.DMA,
        pltpu.SemaphoreType.DMA,
        pltpu.SemaphoreType.DMA,
        pltpu.SemaphoreType.DMA,
        pltpu.SemaphoreType.DMA,
    ],
    compiler_params=_sc_params,
)
def _sc_agg(x_hbm, psrc_hbm, pdst_hbm, narr_hbm, out_hbm,
            accum, nbA, nbB, s0, d0, s1, d1, s2, d2, s3, d3,
            rowsA, rowsB, ix0, ix1, ix2, ix3, gsA, gsB, ssA, ssB):
    cid = lax.axis_index("c")
    sid = lax.axis_index("s")
    zeros16 = jnp.zeros((LN,), jnp.float32)
    dump16 = jnp.full((LN,), DUMPROW, jnp.int32)
    sets = ((s0, d0, ix0), (s1, d1, ix1), (s2, d2, ix2), (s3, d3, ix3))

    def zrow(r, carry):
        for c in range(8):
            rowsA[r, pl.ds(c * LN, LN)] = zeros16
            rowsB[r, pl.ds(c * LN, LN)] = zeros16
        return carry
    lax.fori_loop(0, CH, zrow, 0)
    for v in range(CH // LN):
        d2[pl.ds(v * LN, LN)] = dump16
        d3[pl.ds(v * LN, LN)] = dump16

    ZR = ACCR // NSUB
    def zacc(i, carry):
        pltpu.sync_copy(rowsA, accum.at[pl.ds(sid * ZR + i * CH, CH)])
        return carry
    lax.fori_loop(0, ZR // CH, zacc, 0)
    pltpu.sync_copy(rowsA.at[pl.ds(0, ZR % CH)],
                    accum.at[pl.ds(sid * ZR + (ZR // CH) * CH, ZR % CH)])
    plsc.subcore_barrier()

    pltpu.sync_copy(narr_hbm.at[2 * sid], nbA)
    pltpu.sync_copy(narr_hbm.at[2 * sid + 1], nbB)
    iota16 = lax.broadcasted_iota(jnp.int32, (LN,), 0)
    qA = jnp.sum(jnp.where(iota16 == cid, nbA[pl.ds(0, LN)], 0))
    qB = jnp.sum(jnp.where(iota16 == cid, nbB[pl.ds(0, LN)], 0))
    baseA = (cid * NREG + 2 * sid) * PADN
    baseB = (cid * NREG + 2 * sid + 1) * PADN
    tot = 4 * (qA + qB)

    def off(c):
        return pl.multiple_of(
            jnp.where(c < 4 * qA, baseA + c * CH, baseB + (c - 4 * qA) * CH), CH)

    def offpf(c):
        return pl.multiple_of(
            jnp.where(c < tot,
                      jnp.where(c < 4 * qA, baseA + c * CH,
                                baseB + (c - 4 * qA) * CH),
                      baseA), CH)

    def idx_pair(k, o):
        sb, db, sem = sets[k]
        return (pltpu.make_async_copy(psrc_hbm.at[pl.ds(o, CH)], sb, sem),
                pltpu.make_async_copy(pdst_hbm.at[pl.ds(o, CH)], db, sem))

    def fire_idx(k, o):
        a, b = idx_pair(k, o)
        a.start(); b.start()

    def wait_idx(k, o):
        a, b = idx_pair(k, o)
        a.wait(); b.wait()

    def scat(rows, idx, sem):
        return pltpu.make_async_copy(rows, accum.at[idx], sem)

    def gath(idx, rows, sem):
        return pltpu.make_async_copy(x_hbm.at[idx], rows, sem)

    fire_idx(0, offpf(0))
    fire_idx(1, offpf(1))
    scat(rowsA, d2, ssA).start(add=True)
    scat(rowsB, d3, ssB).start(add=True)

    def quad(g, carry):
        c0 = 4 * g
        wait_idx(0, off(c0))
        scat(rowsA, d2, ssA).wait()
        fire_idx(2, off(c0 + 2))
        gath(s0, rowsA, gsA).start()
        wait_idx(1, off(c0 + 1))
        scat(rowsB, d3, ssB).wait()
        fire_idx(3, off(c0 + 3))
        gath(s1, rowsB, gsB).start()
        gath(s0, rowsA, gsA).wait()
        scat(rowsA, d0, ssA).start(add=True)
        gath(s1, rowsB, gsB).wait()
        scat(rowsB, d1, ssB).start(add=True)
        scat(rowsA, d0, ssA).wait()
        fire_idx(0, offpf(c0 + 4))
        wait_idx(2, off(c0 + 2))
        gath(s2, rowsA, gsA).start()
        scat(rowsB, d1, ssB).wait()
        fire_idx(1, offpf(c0 + 5))
        wait_idx(3, off(c0 + 3))
        gath(s3, rowsB, gsB).start()
        gath(s2, rowsA, gsA).wait()
        scat(rowsA, d2, ssA).start(add=True)
        gath(s3, rowsB, gsB).wait()
        scat(rowsB, d3, ssB).start(add=True)
        return carry
    lax.fori_loop(0, qA + qB, quad, 0)
    scat(rowsA, d2, ssA).wait()
    scat(rowsB, d3, ssB).wait()
    wait_idx(0, offpf(tot))
    wait_idx(1, offpf(tot + 1))
    plsc.subcore_barrier()

    rpt = NPADR // NSUB
    pltpu.sync_copy(accum.at[pl.ds(sid * rpt, rpt)],
                    out_hbm.at[pl.ds(cid * NPADR + sid * rpt, rpt)])


_BLK = 1000
_GRID = NND // _BLK


def _tc_pre_body(des_r, tw_r, np_r, cp_r, wd_r, wt_r, wn_r, wc_r,
                 bd_r, bt_r, bn_r, bc_r, win_r, bin_r, out_r):
    d = _lrelu(jnp.dot(des_r[...], wd_r[...], preferred_element_type=jnp.float32) + bd_r[...])
    t = _lrelu(jnp.dot(tw_r[...], wt_r[...], preferred_element_type=jnp.float32) + bt_r[...])
    n = _lrelu(jnp.dot(np_r[...], wn_r[...], preferred_element_type=jnp.float32) + bn_r[...])
    c = _lrelu(jnp.dot(cp_r[...], wc_r[...], preferred_element_type=jnp.float32) + bc_r[...])
    x = jnp.concatenate([d, t, n, c], axis=1)
    out_r[...] = _lrelu(jnp.dot(x, win_r[...], preferred_element_type=jnp.float32) + bin_r[...])


def _tc_pre(des, tw, npad, cpad, wd, wt, wn, wc, bd, bt, bn, bc, win, bin_):
    full = lambda s: pl.BlockSpec(s, lambda i: (0, 0))
    rows = lambda w: pl.BlockSpec((_BLK, w), lambda i: (i, 0))
    return pl.pallas_call(
        _tc_pre_body,
        grid=(_GRID,),
        in_specs=[rows(768), rows(768), rows(8), rows(8),
                  full((768, 32)), full((768, 32)), full((8, 32)), full((8, 32)),
                  full((1, 32)), full((1, 32)), full((1, 32)), full((1, 32)),
                  full((HD, HD)), full((1, HD))],
        out_specs=rows(HD),
        out_shape=jax.ShapeDtypeStruct((NND, HD), jnp.float32),
    )(des, tw, npad, cpad, wd, wt, wn, wc, bd, bt, bn, bc, win, bin_)


def _conv_out(x_r, s0_r, s1_r, cnt_r, root_r, r0_r, r1_r, bias_r):
    cnt = jnp.sum(cnt_r[...], axis=0)
    c0 = jnp.maximum(cnt[:, 0:1], 1.0)
    c1 = jnp.maximum(cnt[:, 1:2], 1.0)
    h0 = s0_r[...] / c0
    h1 = s1_r[...] / c1
    return (jnp.dot(x_r[...], root_r[...], preferred_element_type=jnp.float32)
            + bias_r[...]
            + jnp.dot(h0, r0_r[...], preferred_element_type=jnp.float32)
            + jnp.dot(h1, r1_r[...], preferred_element_type=jnp.float32))


def _tc_conv_body(x_r, s0_r, s1_r, cnt_r, root_r, r0_r, r1_r, bias_r, out_r):
    out_r[...] = _conv_out(x_r, s0_r, s1_r, cnt_r, root_r, r0_r, r1_r, bias_r)


def _tc_conv2_body(x_r, s0_r, s1_r, cnt_r, root_r, r0_r, r1_r, bias_r,
                   wo1_r, bo1_r, wo2_r, bo2_r, out_r):
    o = _conv_out(x_r, s0_r, s1_r, cnt_r, root_r, r0_r, r1_r, bias_r)
    y = _lrelu(jnp.dot(o, wo1_r[...], preferred_element_type=jnp.float32) + bo1_r[...])
    out_r[...] = jnp.dot(y, wo2_r[...], preferred_element_type=jnp.float32) + bo2_r[...]


def _tc_conv(x, s0, s1, cnt, root, r0, r1, bias):
    full = lambda s: pl.BlockSpec(s, lambda i: (0, 0))
    rows = lambda w: pl.BlockSpec((_BLK, w), lambda i: (i, 0))
    return pl.pallas_call(
        _tc_conv_body,
        grid=(_GRID,),
        in_specs=[rows(HD), rows(HD), rows(HD),
                  pl.BlockSpec((NREG, _BLK, 2), lambda i: (0, i, 0)),
                  full((HD, HD)), full((HD, HD)), full((HD, HD)), full((1, HD))],
        out_specs=rows(HD),
        out_shape=jax.ShapeDtypeStruct((NND, HD), jnp.float32),
    )(x, s0, s1, cnt, root, r0, r1, bias)


def _tc_conv2(x, s0, s1, cnt, root, r0, r1, bias, wo1, bo1, wo2, bo2):
    full = lambda s: pl.BlockSpec(s, lambda i: (0, 0))
    rows = lambda w: pl.BlockSpec((_BLK, w), lambda i: (i, 0))
    return pl.pallas_call(
        _tc_conv2_body,
        grid=(_GRID,),
        in_specs=[rows(HD), rows(HD), rows(HD),
                  pl.BlockSpec((NREG, _BLK, 2), lambda i: (0, i, 0)),
                  full((HD, HD)), full((HD, HD)), full((HD, HD)), full((1, HD)),
                  full((HD, HD)), full((1, HD)), full((HD, 2)), full((1, 2))],
        out_specs=rows(2),
        out_shape=jax.ShapeDtypeStruct((NND, 2), jnp.float32),
    )(x, s0, s1, cnt, root, r0, r1, bias, wo1, bo1, wo2, bo2)


def kernel(des, tweet, num_prop, cat_prop, edge_index, edge_type,
           W_des, b_des, W_tweet, b_tweet, W_num, b_num, W_cat, b_cat,
           W_in, b_in, root1, rel1, bias1, root2, rel2, bias2,
           W_o1, b_o1, W_o2, b_o2):
    src = edge_index[0]
    dst = edge_index[1]
    et = edge_type

    npad = jnp.pad(num_prop, ((0, 0), (0, 3)))
    cpad = jnp.pad(cat_prop, ((0, 0), (0, 5)))
    wn = jnp.pad(W_num, ((0, 3), (0, 0)))
    wc = jnp.pad(W_cat, ((0, 5), (0, 0)))
    r2 = lambda b: b.reshape(1, -1)

    x = _tc_pre(des, tweet, npad, cpad, W_des, W_tweet, wn, wc,
                r2(b_des), r2(b_tweet), r2(b_num), r2(b_cat), W_in, r2(b_in))

    psrc, pdst, narr, cnts = _sc_part(src, dst, et)
    cnt = cnts.reshape(NREG, NPADR, 2)

    s1 = _sc_agg(x, psrc, pdst, narr).reshape(2, NPADR, HD)
    x1 = _tc_conv(x, s1[0], s1[1], cnt, root1, rel1[0], rel1[1], r2(bias1))

    s2 = _sc_agg(x1, psrc, pdst, narr).reshape(2, NPADR, HD)
    out = _tc_conv2(x1, s2[0], s2[1], cnt, root2, rel2[0], rel2[1], r2(bias2),
                    W_o1, r2(b_o1), W_o2, r2(b_o2))
    return out

# --- scband reference (transcript-rebuilt; emitter-appended) ---
"""Pipeline reference for scband-bot-rgcn-5901285065196 (READ-ONLY COPY).

The authoritative reference and input builder live on the scoring server;
editing this copy changes nothing except your own understanding.
"""

import jax, jax.numpy as jnp
import numpy as np

HID = 128
N = 10000
E = 320000
NREL = 2

def _lin_relu(x, W, b):
    return jax.nn.leaky_relu(x @ W + b, negative_slope=0.01)

def rgcn_conv(x, src, dst, edge_type, rel_w, root, bias):
    # PyG RGCNConv: mean aggregation per relation, then per-relation weight, plus root weight and bias
    out = x @ root + bias
    xs = x[src]
    for r in range(NREL):
        m = (edge_type == r).astype(x.dtype)
        s = jnp.zeros_like(x).at[dst].add(xs * m[:, None])
        cnt = jnp.zeros((x.shape[0],), x.dtype).at[dst].add(m)
        h = s / jnp.clip(cnt, 1.0)[:, None]
        out = out + h @ rel_w[r]
    return out

def setup_inputs(seed: int = 0):
    key = jax.random.key(seed)
    ks = jax.random.split(key, 30)
    h4 = HID // 4
    sc = 0.02
    inp = {}
    inp['des'] = jax.random.normal(ks[0], (N, 768), jnp.float32)
    inp['tweet'] = jax.random.normal(ks[1], (N, 768), jnp.float32)
    inp['num_prop'] = jax.random.normal(ks[2], (N, 5), jnp.float32)
    inp['cat_prop'] = jax.random.normal(ks[3], (N, 3), jnp.float32)
    inp['edge_index'] = jax.random.randint(ks[4], (2, E), 0, N, dtype=jnp.int32)
    inp['edge_type'] = jax.random.randint(ks[5], (E,), 0, NREL, dtype=jnp.int32)
    inp['W_des'] = jax.random.normal(ks[6], (768, h4), jnp.float32) * sc
    inp['b_des'] = jnp.zeros((h4,), jnp.float32)
    inp['W_tweet'] = jax.random.normal(ks[7], (768, h4), jnp.float32) * sc
    inp['b_tweet'] = jnp.zeros((h4,), jnp.float32)
    inp['W_num'] = jax.random.normal(ks[8], (5, h4), jnp.float32) * sc
    inp['b_num'] = jnp.zeros((h4,), jnp.float32)
    inp['W_cat'] = jax.random.normal(ks[9], (3, h4), jnp.float32) * sc
    inp['b_cat'] = jnp.zeros((h4,), jnp.float32)
    inp['W_in'] = jax.random.normal(ks[10], (HID, HID), jnp.float32) * sc
    inp['b_in'] = jnp.zeros((HID,), jnp.float32)
    inp['root1'] = jax.random.normal(ks[11], (HID, HID), jnp.float32) * sc
    inp['rel1'] = jax.random.normal(ks[12], (NREL, HID, HID), jnp.float32) * sc
    inp['bias1'] = jnp.zeros((HID,), jnp.float32)
    inp['root2'] = jax.random.normal(ks[13], (HID, HID), jnp.float32) * sc
    inp['rel2'] = jax.random.normal(ks[14], (NREL, HID, HID), jnp.float32) * sc
    inp['bias2'] = jnp.zeros((HID,), jnp.float32)
    inp['W_o1'] = jax.random.normal(ks[15], (HID, HID), jnp.float32) * sc
    inp['b_o1'] = jnp.zeros((HID,), jnp.float32)
    inp['W_o2'] = jax.random.normal(ks[16], (HID, 2), jnp.float32) * sc
    inp['b_o2'] = jnp.zeros((2,), jnp.float32)
    return inp

def reference(des, tweet, num_prop, cat_prop, edge_index, edge_type, W_des, b_des, W_tweet, b_tweet, W_num, b_num, W_cat, b_cat, W_in, b_in, root1, rel1, bias1, root2, rel2, bias2, W_o1, b_o1, W_o2, b_o2):
    d = _lin_relu(des, W_des, b_des)
    t = _lin_relu(tweet, W_tweet, b_tweet)
    n = _lin_relu(num_prop, W_num, b_num)
    c = _lin_relu(cat_prop, W_cat, b_cat)
    x = jnp.concatenate([d, t, n, c], axis=1)
    # dropout is identity in eval mode (p effectively 0)
    x = _lin_relu(x, W_in, b_in)
    src, dst = edge_index[0], edge_index[1]
    x = rgcn_conv(x, src, dst, edge_type, rel1, root1, bias1)
    x = rgcn_conv(x, src, dst, edge_type, rel2, root2, bias2)
    x = _lin_relu(x, W_o1, b_o1)
    x = x @ W_o2 + b_o2
    return x

if __name__ == "__main__":
    import jax
    _d = setup_inputs()
    print(jax.jit(kernel)(*tuple(_d.values())))

</pallas_src>

<mosaic_0001>
#map = affine_map<(d0, d1) -> (0, 0)>
#map1 = affine_map<(d0, d1) -> (0)>
module attributes {stable_mosaic.version = 14 : i64} {
  func.func @_sc_agg(%arg0: i32, %arg1: i32, %arg2: memref<10000x128xf32, #tpu.memory_space<hbm>>, %arg3: memref<672768xi32, #tpu.memory_space<hbm>>, %arg4: memref<672768xi32, #tpu.memory_space<hbm>>, %arg5: memref<32x16xi32, #tpu.memory_space<hbm>>, %arg6: memref<20480x128xf32, #tpu.memory_space<hbm>>, %arg7: memref<10368x128xf32, #tpu.memory_space<vmem_shared>>, %arg8: memref<16xi32, #tpu.memory_space<vmem>>, %arg9: memref<16xi32, #tpu.memory_space<vmem>>, %arg10: memref<128xi32, #tpu.memory_space<vmem>>, %arg11: memref<128xi32, #tpu.memory_space<vmem>>, %arg12: memref<128xi32, #tpu.memory_space<vmem>>, %arg13: memref<128xi32, #tpu.memory_space<vmem>>, %arg14: memref<128xi32, #tpu.memory_space<vmem>>, %arg15: memref<128xi32, #tpu.memory_space<vmem>>, %arg16: memref<128xi32, #tpu.memory_space<vmem>>, %arg17: memref<128xi32, #tpu.memory_space<vmem>>, %arg18: memref<128x128xf32, #tpu.memory_space<vmem>>, %arg19: memref<128x128xf32, #tpu.memory_space<vmem>>, %arg20: memref<!tpu.dma_semaphore, #tpu.memory_space<semaphore_mem>>, %arg21: memref<!tpu.dma_semaphore, #tpu.memory_space<semaphore_mem>>, %arg22: memref<!tpu.dma_semaphore, #tpu.memory_space<semaphore_mem>>, %arg23: memref<!tpu.dma_semaphore, #tpu.memory_space<semaphore_mem>>, %arg24: memref<!tpu.dma_semaphore, #tpu.memory_space<semaphore_mem>>, %arg25: memref<!tpu.dma_semaphore, #tpu.memory_space<semaphore_mem>>, %arg26: memref<!tpu.dma_semaphore, #tpu.memory_space<semaphore_mem>>, %arg27: memref<!tpu.dma_semaphore, #tpu.memory_space<semaphore_mem>>) attributes {dimension_semantics = [#tpu.dimension_semantics<core_parallel>, #tpu.dimension_semantics<subcore_parallel>], iteration_bounds = array<i64: 2, 16>, scalar_prefetch = 0 : i64, scratch_operands = 21 : i64, tpu.core_type = #tpu.core_type<sc_vector_subcore>, window_params = [{transform_indices = #map}, {transform_indices = #map1}, {transform_indices = #map1}, {transform_indices = #map}, {transform_indices = #map}]} {
    %broadcast_in_dim3A = arith.constant 0.000000e+00 : f32
    %broadcast_in_dim3A_0 = vector.broadcast %broadcast_in_dim3A : f32 to vector<16xf32>
    %broadcast_in_dim3A_1 = arith.constant 10240 : i32
    %broadcast_in_dim3A_2 = vector.broadcast %broadcast_in_dim3A_1 : i32 to vector<16xi32>
    %scan3A = arith.constant 0 : i32
    %scan3A_3 = arith.constant 0 : i32
    %scan3A_4 = arith.constant 128 : i32
    %scan3A_5 = arith.addi %scan3A_3, %scan3A_4 : i32
    %scan3A_6 = arith.constant 1 : i32
    scf.for %scan3A_199 = %scan3A_3 to %scan3A_5 step %scan3A_6  : i32 {
      %swap3A_200 = arith.index_cast %scan3A_199 : i32 to index
      %swap3A_201 = arith.constant 0 : index
      %swap3A_202 = tpu.vector_load %arg18[%swap3A_200, %swap3A_201] {strides = array<i32>} : memref<128x128xf32, #tpu.memory_space<vmem>>, vector<16xf32>,
      tpu.vector_store %arg18[%swap3A_200, %swap3A_201], %broadcast_in_dim3A_0 {strides = array<i32>} : memref<128x128xf32, #tpu.memory_space<vmem>>, vector<16xf32>,
      %swap3A_203 = arith.index_cast %scan3A_199 : i32 to index
      %swap3A_204 = arith.constant 0 : index
      %swap3A_205 = tpu.vector_load %arg19[%swap3A_203, %swap3A_204] {strides = array<i32>} : memref<128x128xf32, #tpu.memory_space<vmem>>, vector<16xf32>,
      tpu.vector_store %arg19[%swap3A_203, %swap3A_204], %broadcast_in_dim3A_0 {strides = array<i32>} : memref<128x128xf32, #tpu.memory_space<vmem>>, vector<16xf32>,
      %swap3A_206 = arith.index_cast %scan3A_199 : i32 to index
      %swap3A_207 = arith.constant 16 : index
      %swap3A_208 = tpu.vector_load %arg18[%swap3A_206, %swap3A_207] {strides = array<i32>} : memref<128x128xf32, #tpu.memory_space<vmem>>, vector<16xf32>,
      tpu.vector_store %arg18[%swap3A_206, %swap3A_207], %broadcast_in_dim3A_0 {strides = array<i32>} : memref<128x128xf32, #tpu.memory_space<vmem>>, vector<16xf32>,
      %swap3A_209 = arith.index_cast %scan3A_199 : i32 to index
      %swap3A_210 = arith.constant 16 : index
      %swap3A_211 = tpu.vector_load %arg19[%swap3A_209, %swap3A_210] {strides = array<i32>} : memref<128x128xf32, #tpu.memory_space<vmem>>, vector<16xf32>,
      tpu.vector_store %arg19[%swap3A_209, %swap3A_210], %broadcast_in_dim3A_0 {strides = array<i32>} : memref<128x128xf32, #tpu.memory_space<vmem>>, vector<16xf32>,
      %swap3A_212 = arith.index_cast %scan3A_199 : i32 to index
      %swap3A_213 = arith.constant 32 : index
      %swap3A_214 = tpu.vector_load %arg18[%swap3A_212, %swap3A_213] {strides = array<i32>} : memref<128x128xf32, #tpu.memory_space<vmem>>, vector<16xf32>,
      tpu.vector_store %arg18[%swap3A_212, %swap3A_213], %broadcast_in_dim3A_0 {strides = array<i32>} : memref<128x128xf32, #tpu.memory_space<vmem>>, vector<16xf32>,
      %swap3A_215 = arith.index_cast %scan3A_199 : i32 to index
      %swap3A_216 = arith.constant 32 : index
      %swap3A_217 = tpu.vector_load %arg19[%swap3A_215, %swap3A_216] {strides = array<i32>} : memref<128x128xf32, #tpu.memory_space<vmem>>, vector<16xf32>,
      tpu.vector_store %arg19[%swap3A_215, %swap3A_216], %broadcast_in_dim3A_0 {strides = array<i32>} : memref<128x128xf32, #tpu.memory_space<vmem>>, vector<16xf32>,
      %swap3A_218 = arith.index_cast %scan3A_199 : i32 to index
      %swap3A_219 = arith.constant 48 : index
      %swap3A_220 = tpu.vector_load %arg18[%swap3A_218, %swap3A_219] {strides = array<i32>} : memref<128x128xf32, #tpu.memory_space<vmem>>, vector<16xf32>,
      tpu.vector_store %arg18[%swap3A_218, %swap3A_219], %broadcast_in_dim3A_0 {strides = array<i32>} : memref<128x128xf32, #tpu.memory_space<vmem>>, vector<16xf32>,
      %swap3A_221 = arith.index_cast %scan3A_199 : i32 to index
      %swap3A_222 = arith.constant 48 : index
      %swap3A_223 = tpu.vector_load %arg19[%swap3A_221, %swap3A_222] {strides = array<i32>} : memref<128x128xf32, #tpu.memory_space<vmem>>, vector<16xf32>,
      tpu.vector_store %arg19[%swap3A_221, %swap3A_222], %broadcast_in_dim3A_0 {strides = array<i32>} : memref<128x128xf32, #tpu.memory_space<vmem>>, vector<16xf32>,
      %swap3A_224 = arith.index_cast %scan3A_199 : i32 to index
      %swap3A_225 = arith.constant 64 : index
      %swap3A_226 = tpu.vector_load %arg18[%swap3A_224, %swap3A_225] {strides = array<i32>} : memref<128x128xf32, #tpu.memory_space<vmem>>, vector<16xf32>,
      tpu.vector_store %arg18[%swap3A_224, %swap3A_225], %broadcast_in_dim3A_0 {strides = array<i32>} : memref<128x128xf32, #tpu.memory_space<vmem>>, vector<16xf32>,
      %swap3A_227 = arith.index_cast %scan3A_199 : i32 to index
      %swap3A_228 = arith.constant 64 : index
      %swap3A_229 = tpu.vector_load %arg19[%swap3A_227, %swap3A_228] {strides = array<i32>} : memref<128x128xf32, #tpu.memory_space<vmem>>, vector<16xf32>,
      tpu.vector_store %arg19[%swap3A_227, %swap3A_228], %broadcast_in_dim3A_0 {strides = array<i32>} : memref<128x128xf32, #tpu.memory_space<vmem>>, vector<16xf32>,
      %swap3A_230 = arith.index_cast %scan3A_199 : i32 to index
      %swap3A_231 = arith.constant 80 : index
      %swap3A_232 = tpu.vector_load %arg18[%swap3A_230, %swap3A_231] {strides = array<i32>} : memref<128x128xf32, #tpu.memory_space<vmem>>, vector<16xf32>,
      tpu.vector_store %arg18[%swap3A_230, %swap3A_231], %broadcast_in_dim3A_0 {strides = array<i32>} : memref<128x128xf32, #tpu.memory_space<vmem>>, vector<16xf32>,
      %swap3A_233 = arith.index_cast %scan3A_199 : i32 to index
      %swap3A_234 = arith.constant 80 : index
      %swap3A_235 = tpu.vector_load %arg19[%swap3A_233, %swap3A_234] {strides = array<i32>} : memref<128x128xf32, #tpu.memory_space<vmem>>, vector<16xf32>,
      tpu.vector_store %arg19[%swap3A_233, %swap3A_234], %broadcast_in_dim3A_0 {strides = array<i32>} : memref<128x128xf32, #tpu.memory_space<vmem>>, vector<16xf32>,
      %swap3A_236 = arith.index_cast %scan3A_199 : i32 to index
      %swap3A_237 = arith.constant 96 : index
      %swap3A_238 = tpu.vector_load %arg18[%swap3A_236, %swap3A_237] {strides = array<i32>} : memref<128x128xf32, #tpu.memory_space<vmem>>, vector<16xf32>,
      tpu.vector_store %arg18[%swap3A_236, %swap3A_237], %broadcast_in_dim3A_0 {strides = array<i32>} : memref<128x128xf32, #tpu.memory_space<vmem>>, vector<16xf32>,
      %swap3A_239 = arith.index_cast %scan3A_199 : i32 to index
      %swap3A_240 = arith.constant 96 : index
      %swap3A_241 = tpu.vector_load %arg19[%swap3A_239, %swap3A_240] {strides = array<i32>} : memref<128x128xf32, #tpu.memory_space<vmem>>, vector<16xf32>,
      tpu.vector_store %arg19[%swap3A_239, %swap3A_240], %broadcast_in_dim3A_0 {strides = array<i32>} : memref<128x128xf32, #tpu.memory_space<vmem>>, vector<16xf32>,
      %swap3A_242 = arith.index_cast %scan3A_199 : i32 to index
      %swap3A_243 = arith.constant 112 : index
      %swap3A_244 = tpu.vector_load %arg18[%swap3A_242, %swap3A_243] {strides = array<i32>} : memref<128x128xf32, #tpu.memory_space<vmem>>, vector<16xf32>,
      tpu.vector_store %arg18[%swap3A_242, %swap3A_243], %broadcast_in_dim3A_0 {strides = array<i32>} : memref<128x128xf32, #tpu.memory_space<vmem>>, vector<16xf32>,
      %swap3A_245 = arith.index_cast %scan3A_199 : i32 to index
      %swap3A_246 = arith.constant 112 : index
      %swap3A_247 = tpu.vector_load %arg19[%swap3A_245, %swap3A_246] {strides = array<i32>} : memref<128x128xf32, #tpu.memory_space<vmem>>, vector<16xf32>,
      tpu.vector_store %arg19[%swap3A_245, %swap3A_246], %broadcast_in_dim3A_0 {strides = array<i32>} : memref<128x128xf32, #tpu.memory_space<vmem>>, vector<16xf32>,
    }
    %scan3A_7 = arith.constant 128 : i32
    %swap3A = arith.constant 0 : index
    %swap3A_8 = tpu.vector_load %arg15[%swap3A] {strides = array<i32>} : memref<128xi32, #tpu.memory_space<vmem>>, vector<16xi32>,
    tpu.vector_store %arg15[%swap3A], %broadcast_in_dim3A_2 {strides = array<i32>} : memref<128xi32, #tpu.memory_space<vmem>>, vector<16xi32>,
    %swap3A_9 = arith.constant 0 : index
    %swap3A_10 = tpu.vector_load %arg17[%swap3A_9] {strides = array<i32>} : memref<128xi32, #tpu.memory_space<vmem>>, vector<16xi32>,
    tpu.vector_store %arg17[%swap3A_9], %broadcast_in_dim3A_2 {strides = array<i32>} : memref<128xi32, #tpu.memory_space<vmem>>, vector<16xi32>,
    %swap3A_11 = arith.constant 16 : index
    %swap3A_12 = tpu.vector_load %arg15[%swap3A_11] {strides = array<i32>} : memref<128xi32, #tpu.memory_space<vmem>>, vector<16xi32>,
    tpu.vector_store %arg15[%swap3A_11], %broadcast_in_dim3A_2 {strides = array<i32>} : memref<128xi32, #tpu.memory_space<vmem>>, vector<16xi32>,
    %swap3A_13 = arith.constant 16 : index
    %swap3A_14 = tpu.vector_load %arg17[%swap3A_13] {strides = array<i32>} : memref<128xi32, #tpu.memory_space<vmem>>, vector<16xi32>,
    tpu.vector_store %arg17[%swap3A_13], %broadcast_in_dim3A_2 {strides = array<i32>} : memref<128xi32, #tpu.memory_space<vmem>>, vector<16xi32>,
    %swap3A_15 = arith.constant 32 : index
    %swap3A_16 = tpu.vector_load %arg15[%swap3A_15] {strides = array<i32>} : memref<128xi32, #tpu.memory_space<vmem>>, vector<16xi32>,
    tpu.vector_store %arg15[%swap3A_15], %broadcast_in_dim3A_2 {strides = array<i32>} : memref<128xi32, #tpu.memory_space<vmem>>, vector<16xi32>,
    %swap3A_17 = arith.constant 32 : index
    %swap3A_18 = tpu.vector_load %arg17[%swap3A_17] {strides = array<i32>} : memref<128xi32, #tpu.memory_space<vmem>>, vector<16xi32>,
    tpu.vector_store %arg17[%swap3A_17], %broadcast_in_dim3A_2 {strides = array<i32>} : memref<128xi32, #tpu.memory_space<vmem>>, vector<16xi32>,
    %swap3A_19 = arith.constant 48 : index
    %swap3A_20 = tpu.vector_load %arg15[%swap3A_19] {strides = array<i32>} : memref<128xi32, #tpu.memory_space<vmem>>, vector<16xi32>,
    tpu.vector_store %arg15[%swap3A_19], %broadcast_in_dim3A_2 {strides = array<i32>} : memref<128xi32, #tpu.memory_space<vmem>>, vector<16xi32>,
    %swap3A_21 = arith.constant 48 : index
    %swap3A_22 = tpu.vector_load %arg17[%swap3A_21] {strides = array<i32>} : memref<128xi32, #tpu.memory_space<vmem>>, vector<16xi32>,
    tpu.vector_store %arg17[%swap3A_21], %broadcast_in_dim3A_2 {strides = array<i32>} : memref<128xi32, #tpu.memory_space<vmem>>, vector<16xi32>,
    %swap3A_23 = arith.constant 64 : index
    %swap3A_24 = tpu.vector_load %arg15[%swap3A_23] {strides = array<i32>} : memref<128xi32, #tpu.memory_space<vmem>>, vector<16xi32>,
    tpu.vector_store %arg15[%swap3A_23], %broadcast_in_dim3A_2 {strides = array<i32>} : memref<128xi32, #tpu.memory_space<vmem>>, vector<16xi32>,
    %swap3A_25 = arith.constant 64 : index
    %swap3A_26 = tpu.vector_load %arg17[%swap3A_25] {strides = array<i32>} : memref<128xi32, #tpu.memory_space<vmem>>, vector<16xi32>,
    tpu.vector_store %arg17[%swap3A_25], %broadcast_in_dim3A_2 {strides = array<i32>} : memref<128xi32, #tpu.memory_space<vmem>>, vector<16xi32>,
    %swap3A_27 = arith.constant 80 : index
    %swap3A_28 = tpu.vector_load %arg15[%swap3A_27] {strides = array<i32>} : memref<128xi32, #tpu.memory_space<vmem>>, vector<16xi32>,
    tpu.vector_store %arg15[%swap3A_27], %broadcast_in_dim3A_2 {strides = array<i32>} : memref<128xi32, #tpu.memory_space<vmem>>, vector<16xi32>,
    %swap3A_29 = arith.constant 80 : index
    %swap3A_30 = tpu.vector_load %arg17[%swap3A_29] {strides = array<i32>} : memref<128xi32, #tpu.memory_space<vmem>>, vector<16xi32>,
    tpu.vector_store %arg17[%swap3A_29], %broadcast_in_dim3A_2 {strides = array<i32>} : memref<128xi32, #tpu.memory_space<vmem>>, vector<16xi32>,
    %swap3A_31 = arith.constant 96 : index
    %swap3A_32 = tpu.vector_load %arg15[%swap3A_31] {strides = array<i32>} : memref<128xi32, #tpu.memory_space<vmem>>, vector<16xi32>,
    tpu.vector_store %arg15[%swap3A_31], %broadcast_in_dim3A_2 {strides = array<i32>} : memref<128xi32, #tpu.memory_space<vmem>>, vector<16xi32>,
    %swap3A_33 = arith.constant 96 : index
    %swap3A_34 = tpu.vector_load %arg17[%swap3A_33] {strides = array<i32>} : memref<128xi32, #tpu.memory_space<vmem>>, vector<16xi32>,
    tpu.vector_store %arg17[%swap3A_33], %broadcast_in_dim3A_2 {strides = array<i32>} : memref<128xi32, #tpu.memory_space<vmem>>, vector<16xi32>,
    %swap3A_35 = arith.constant 112 : index
    %swap3A_36 = tpu.vector_load %arg15[%swap3A_35] {strides = array<i32>} : memref<128xi32, #tpu.memory_space<vmem>>, vector<16xi32>,
    tpu.vector_store %arg15[%swap3A_35], %broadcast_in_dim3A_2 {strides = array<i32>} : memref<128xi32, #tpu.memory_space<vmem>>, vector<16xi32>,
    %swap3A_37 = arith.constant 112 : index
    %swap3A_38 = tpu.vector_load %arg17[%swap3A_37] {strides = array<i32>} : memref<128xi32, #tpu.memory_space<vmem>>, vector<16xi32>,
    tpu.vector_store %arg17[%swap3A_37], %broadcast_in_dim3A_2 {strides = array<i32>} : memref<128xi32, #tpu.memory_space<vmem>>, vector<16xi32>,
    %scan3A_39 = arith.constant 0 : i32
    %scan3A_40 = arith.constant 0 : i32
    %scan3A_41 = arith.constant 5 : i32
    %scan3A_42 = arith.addi %scan3A_40, %scan3A_41 : i32
    %scan3A_43 = arith.constant 1 : i32
    scf.for %scan3A_199 = %scan3A_40 to %scan3A_42 step %scan3A_43  : i32 {
      %mul3A_200 = arith.constant 648 : i32
      %mul3A_201 = arith.muli %arg1, %mul3A_200 : i32
      %mul3A_202 = arith.constant 128 : i32
      %mul3A_203 = arith.muli %scan3A_199, %mul3A_202 : i32
      %add3A_204 = arith.addi %mul3A_201, %mul3A_203 : i32
      "tpu.region"() ({
        %run_scoped3A = tpu.sem_alloc : memref<!tpu.dma_semaphore, #tpu.memory_space<semaphore_mem>>
        %dma_start3A_205 = arith.constant 0 : i32
        %dma_start3A_206 = tpu.memref_slice %arg7[%add3A_204, %dma_start3A_205] : memref<10368x128xf32, #tpu.memory_space<vmem_shared>> -> memref<128x128xf32, #tpu.memory_space<vmem_shared>>
        %dma_start3A_207 = arith.constant 0 : i32
        %dma_start3A_208 = tpu.memref_slice %arg7[%add3A_204, %dma_start3A_207] : memref<10368x128xf32, #tpu.memory_space<vmem_shared>> -> memref<128x128xf32, #tpu.memory_space<vmem_shared>>
        tpu.enqueue_dma source(%arg18 : memref<128x128xf32, #tpu.memory_space<vmem>>) target(%dma_start3A_208 : memref<128x128xf32, #tpu.memory_space<vmem_shared>>) target_semaphore(%run_scoped3A : memref<!tpu.dma_semaphore, #tpu.memory_space<semaphore_mem>>)
        %dma_wait3A_209 = arith.constant 0 : i32
        %dma_wait3A_210 = tpu.memref_slice %arg7[%add3A_204, %dma_wait3A_209] : memref<10368x128xf32, #tpu.memory_space<vmem_shared>> -> memref<128x128xf32, #tpu.memory_space<vmem_shared>>
        %dma_wait3A_211 = arith.constant 0 : i32
        %dma_wait3A_212 = tpu.memref_slice %arg7[%add3A_204, %dma_wait3A_211] : memref<10368x128xf32, #tpu.memory_space<vmem_shared>> -> memref<128x128xf32, #tpu.memory_space<vmem_shared>>
        tpu.wait_dma2 semaphore(%run_scoped3A : memref<!tpu.dma_semaphore, #tpu.memory_space<semaphore_mem>>) src(%arg18 : memref<128x128xf32, #tpu.memory_space<vmem>>) dst(%dma_wait3A_212 : memref<128x128xf32, #tpu.memory_space<vmem_shared>>)
        tpu.yield
      }) : () -> ()
    }
    %scan3A_44 = arith.constant 5 : i32
    %mul3A = arith.constant 648 : i32
    %mul3A_45 = arith.muli %arg1, %mul3A : i32
    %add3A = arith.constant 640 : i32
    %add3A_46 = arith.addi %mul3A_45, %add3A : i32
    "tpu.region"() ({
      %run_scoped3A = tpu.sem_alloc : memref<!tpu.dma_semaphore, #tpu.memory_space<semaphore_mem>>
      %dma_start3A_199 = arith.constant 0 : i32
      %dma_start3A_200 = arith.constant 0 : i32
      %dma_start3A_201 = tpu.memref_slice %arg18[%dma_start3A_199, %dma_start3A_200] : memref<128x128xf32, #tpu.memory_space<vmem>> -> memref<8x128xf32, #tpu.memory_space<vmem>>
      %dma_start3A_202 = arith.constant 0 : i32
      %dma_start3A_203 = tpu.memref_slice %arg7[%add3A_46, %dma_start3A_202] : memref<10368x128xf32, #tpu.memory_space<vmem_shared>> -> memref<8x128xf32, #tpu.memory_space<vmem_shared>>
      %dma_start3A_204 = arith.constant 0 : i32
      %dma_start3A_205 = tpu.memref_slice %arg7[%add3A_46, %dma_start3A_204] : memref<10368x128xf32, #tpu.memory_space<vmem_shared>> -> memref<8x128xf32, #tpu.memory_space<vmem_shared>>
      %dma_start3A_206 = arith.constant 0 : i32
      %dma_start3A_207 = arith.constant 0 : i32
      %dma_start3A_208 = tpu.memref_slice %arg18[%dma_start3A_206, %dma_start3A_207] : memref<128x128xf32, #tpu.memory_space<vmem>> -> memref<8x128xf32, #tpu.memory_space<vmem>>
      tpu.enqueue_dma source(%dma_start3A_208 : memref<8x128xf32, #tpu.memory_space<vmem>>) target(%dma_start3A_205 : memref<8x128xf32, #tpu.memory_space<vmem_shared>>) target_semaphore(%run_scoped3A : memref<!tpu.dma_semaphore, #tpu.memory_space<semaphore_mem>>)
      %dma_wait3A_209 = arith.constant 0 : i32
      %dma_wait3A_210 = arith.constant 0 : i32
      %dma_wait3A_211 = tpu.memref_slice %arg18[%dma_wait3A_209, %dma_wait3A_210] : memref<128x128xf32, #tpu.memory_space<vmem>> -> memref<8x128xf32, #tpu.memory_space<vmem>>
      %dma_wait3A_212 = arith.constant 0 : i32
      %dma_wait3A_213 = tpu.memref_slice %arg7[%add3A_46, %dma_wait3A_212] : memref<10368x128xf32, #tpu.memory_space<vmem_shared>> -> memref<8x128xf32, #tpu.memory_space<vmem_shared>>
      %dma_wait3A_214 = arith.constant 0 : i32
      %dma_wait3A_215 = tpu.memref_slice %arg7[%add3A_46, %dma_wait3A_214] : memref<10368x128xf32, #tpu.memory_space<vmem_shared>> -> memref<8x128xf32, #tpu.memory_space<vmem_shared>>
      %dma_wait3A_216 = arith.constant 0 : i32
      %dma_wait3A_217 = arith.constant 0 : i32
      %dma_wait3A_218 = tpu.memref_slice %arg18[%dma_wait3A_216, %dma_wait3A_217] : memref<128x128xf32, #tpu.memory_space<vmem>> -> memref<8x128xf32, #tpu.memory_space<vmem>>
      tpu.wait_dma2 semaphore(%run_scoped3A : memref<!tpu.dma_semaphore, #tpu.memory_space<semaphore_mem>>) src(%dma_wait3A_218 : memref<8x128xf32, #tpu.memory_space<vmem>>) dst(%dma_wait3A_215 : memref<8x128xf32, #tpu.memory_space<vmem_shared>>)
      tpu.yield
    }) : () -> ()
    %barrier3A = arith.constant 0 : index
    tpu.barrier barrier_id(%barrier3A)
    %mul3A_47 = arith.constant 2 : i32
    %mul3A_48 = arith.muli %mul3A_47, %arg1 : i32
    "tpu.region"() ({
      %run_scoped3A = tpu.sem_alloc : memref<!tpu.dma_semaphore, #tpu.memory_space<semaphore_mem>>
      %dma_start3A_199 = arith.constant 0 : i32
      %dma_start3A_200 = tpu.memref_slice %arg5[%mul3A_48, %dma_start3A_199] : memref<32x16xi32, #tpu.memory_space<hbm>> -> memref<1x16xi32, #tpu.memory_space<hbm>>
      %dma_start3A_201 = tpu.memref_squeeze %dma_start3A_200 : memref<1x16xi32, #tpu.memory_space<hbm>> -> memref<16xi32, #tpu.memory_space<hbm>>
      %dma_start3A_202 = arith.constant 0 : i32
      %dma_start3A_203 = tpu.memref_slice %arg5[%mul3A_48, %dma_start3A_202] : memref<32x16xi32, #tpu.memory_space<hbm>> -> memref<1x16xi32, #tpu.memory_space<hbm>>
      %dma_start3A_204 = tpu.memref_squeeze %dma_start3A_203 : memref<1x16xi32, #tpu.memory_space<hbm>> -> memref<16xi32, #tpu.memory_space<hbm>>
      tpu.enqueue_dma source(%dma_start3A_204 : memref<16xi32, #tpu.memory_space<hbm>>) target(%arg8 : memref<16xi32, #tpu.memory_space<vmem>>) target_semaphore(%run_scoped3A : memref<!tpu.dma_semaphore, #tpu.memory_space<semaphore_mem>>)
      %dma_wait3A_205 = arith.constant 0 : i32
      %dma_wait3A_206 = tpu.memref_slice %arg5[%mul3A_48, %dma_wait3A_205] : memref<32x16xi32, #tpu.memory_space<hbm>> -> memref<1x16xi32, #tpu.memory_space<hbm>>
      %dma_wait3A_207 = tpu.memref_squeeze %dma_wait3A_206 : memref<1x16xi32, #tpu.memory_space<hbm>> -> memref<16xi32, #tpu.memory_space<hbm>>
      %dma_wait3A_208 = arith.constant 0 : i32
      %dma_wait3A_209 = tpu.memref_slice %arg5[%mul3A_48, %dma_wait3A_208] : memref<32x16xi32, #tpu.memory_space<hbm>> -> memref<1x16xi32, #tpu.memory_space<hbm>>
      %dma_wait3A_210 = tpu.memref_squeeze %dma_wait3A_209 : memref<1x16xi32, #tpu.memory_space<hbm>> -> memref<16xi32, #tpu.memory_space<hbm>>
      tpu.wait_dma2 semaphore(%run_scoped3A : memref<!tpu.dma_semaphore, #tpu.memory_space<semaphore_mem>>) src(%dma_wait3A_210 : memref<16xi32, #tpu.memory_space<hbm>>) dst(%arg8 : memref<16xi32, #tpu.memory_space<vmem>>)
      tpu.yield
    }) : () -> ()
    %mul3A_49 = arith.constant 2 : i32
    %mul3A_50 = arith.muli %mul3A_49, %arg1 : i32
    %add3A_51 = arith.constant 1 : i32
    %add3A_52 = arith.addi %mul3A_50, %add3A_51 : i32
    "tpu.region"() ({
      %run_scoped3A = tpu.sem_alloc : memref<!tpu.dma_semaphore, #tpu.memory_space<semaphore_mem>>
      %dma_start3A_199 = arith.constant 0 : i32
      %dma_start3A_200 = tpu.memref_slice %arg5[%add3A_52, %dma_start3A_199] : memref<32x16xi32, #tpu.memory_space<hbm>> -> memref<1x16xi32, #tpu.memory_space<hbm>>
      %dma_start3A_201 = tpu.memref_squeeze %dma_start3A_200 : memref<1x16xi32, #tpu.memory_space<hbm>> -> memref<16xi32, #tpu.memory_space<hbm>>
      %dma_start3A_202 = arith.constant 0 : i32
      %dma_start3A_203 = tpu.memref_slice %arg5[%add3A_52, %dma_start3A_202] : memref<32x16xi32, #tpu.memory_space<hbm>> -> memref<1x16xi32, #tpu.memory_space<hbm>>
      %dma_start3A_204 = tpu.memref_squeeze %dma_start3A_203 : memref<1x16xi32, #tpu.memory_space<hbm>> -> memref<16xi32, #tpu.memory_space<hbm>>
      tpu.enqueue_dma source(%dma_start3A_204 : memref<16xi32, #tpu.memory_space<hbm>>) target(%arg9 : memref<16xi32, #tpu.memory_space<vmem>>) target_semaphore(%run_scoped3A : memref<!tpu.dma_semaphore, #tpu.memory_space<semaphore_mem>>)
      %dma_wait3A_205 = arith.constant 0 : i32
      %dma_wait3A_206 = tpu.memref_slice %arg5[%add3A_52, %dma_wait3A_205] : memref<32x16xi32, #tpu.memory_space<hbm>> -> memref<1x16xi32, #tpu.memory_space<hbm>>
      %dma_wait3A_207 = tpu.memref_squeeze %dma_wait3A_206 : memref<1x16xi32, #tpu.memory_space<hbm>> -> memref<16xi32, #tpu.memory_space<hbm>>
      %dma_wait3A_208 = arith.constant 0 : i32
      %dma_wait3A_209 = tpu.memref_slice %arg5[%add3A_52, %dma_wait3A_208] : memref<32x16xi32, #tpu.memory_space<hbm>> -> memref<1x16xi32, #tpu.memory_space<hbm>>
      %dma_wait3A_210 = tpu.memref_squeeze %dma_wait3A_209 : memref<1x16xi32, #tpu.memory_space<hbm>> -> memref<16xi32, #tpu.memory_space<hbm>>
      tpu.wait_dma2 semaphore(%run_scoped3A : memref<!tpu.dma_semaphore, #tpu.memory_space<semaphore_mem>>) src(%dma_wait3A_210 : memref<16xi32, #tpu.memory_space<hbm>>) dst(%arg9 : memref<16xi32, #tpu.memory_space<vmem>>)
      tpu.yield
    }) : () -> ()
    %iota3A = tpu.iota {dimensions = array<i32: 0>} : vector<16xi32>
    %eq3A = vector.broadcast %arg0 : i32 to vector<16xi32>
    %eq3A_53 = arith.cmpi eq, %iota3A, %eq3A : vector<16xi32>
    %get3A = arith.constant 0 : index
    %get3A_54 = tpu.vector_load %arg8[%get3A] {strides = array<i32>} : memref<16xi32, #tpu.memory_space<vmem>>, vector<16xi32>,
    %jit3A = arith.constant 0 : i32
    %broadcast_in_dim3A_55 = vector.broadcast %jit3A : i32 to vector<16xi32>
    %select_n3A = arith.select %eq3A_53, %get3A_54, %broadcast_in_dim3A_55 : vector<16xi1>, vector<16xi32>
    %reduce_sum3A = arith.constant true
    %reduce_sum3A_56 = vector.broadcast %reduce_sum3A : i1 to vector<16xi1>
    %reduce_sum3A_57 = tpu.scan <sum>, %select_n3A masked %reduce_sum3A_56 : vector<16xi32>, vector<16xi1> -> vector<16xi32>
    %reduce_sum3A_58 = vector.extract %reduce_sum3A_57[15] : i32 from vector<16xi32>
    %eq3A_59 = vector.broadcast %arg0 : i32 to vector<16xi32>
    %eq3A_60 = arith.cmpi eq, %iota3A, %eq3A_59 : vector<16xi32>
    %get3A_61 = arith.constant 0 : index
    %get3A_62 = tpu.vector_load %arg9[%get3A_61] {strides = array<i32>} : memref<16xi32, #tpu.memory_space<vmem>>, vector<16xi32>,
    %jit3A_63 = arith.constant 0 : i32
    %broadcast_in_dim3A_64 = vector.broadcast %jit3A_63 : i32 to vector<16xi32>
    %select_n3A_65 = arith.select %eq3A_60, %get3A_62, %broadcast_in_dim3A_64 : vector<16xi1>, vector<16xi32>
    %reduce_sum3A_66 = arith.constant true
    %reduce_sum3A_67 = vector.broadcast %reduce_sum3A_66 : i1 to vector<16xi1>
    %reduce_sum3A_68 = tpu.scan <sum>, %select_n3A_65 masked %reduce_sum3A_67 : vector<16xi32>, vector<16xi1> -> vector<16xi32>
    %reduce_sum3A_69 = vector.extract %reduce_sum3A_68[15] : i32 from vector<16xi32>
    %mul3A_70 = arith.constant 32 : i32
    %mul3A_71 = arith.muli %arg0, %mul3A_70 : i32
    %mul3A_72 = arith.constant 2 : i32
    %mul3A_73 = arith.muli %mul3A_72, %arg1 : i32
    %add3A_74 = arith.addi %mul3A_71, %mul3A_73 : i32
    %mul3A_75 = arith.constant 10512 : i32
    %mul3A_76 = arith.muli %add3A_74, %mul3A_75 : i32
    %mul3A_77 = arith.constant 32 : i32
    %mul3A_78 = arith.muli %arg0, %mul3A_77 : i32
    %mul3A_79 = arith.constant 2 : i32
    %mul3A_80 = arith.muli %mul3A_79, %arg1 : i32
    %add3A_81 = arith.addi %mul3A_78, %mul3A_80 : i32
    %add3A_82 = arith.constant 1 : i32
    %add3A_83 = arith.addi %add3A_81, %add3A_82 : i32
    %mul3A_84 = arith.constant 10512 : i32
    %mul3A_85 = arith.muli %add3A_83, %mul3A_84 : i32
    %add3A_86 = arith.addi %reduce_sum3A_58, %reduce_sum3A_69 : i32
    %mul3A_87 = arith.constant 4 : i32
    %mul3A_88 = arith.muli %mul3A_87, %add3A_86 : i32
    %gt3A = arith.constant 0 : i32
    %gt3A_89 = arith.cmpi sgt, %mul3A_88, %gt3A : i32
    %mul3A_90 = arith.constant 4 : i32
    %mul3A_91 = arith.muli %mul3A_90, %reduce_sum3A_58 : i32
    %gt3A_92 = arith.constant 0 : i32
    %gt3A_93 = arith.cmpi sgt, %mul3A_91, %gt3A_92 : i32
    %add3A_94 = arith.constant 0 : i32
    %add3A_95 = arith.addi %mul3A_76, %add3A_94 : i32
    %mul3A_96 = arith.constant 4 : i32
    %mul3A_97 = arith.muli %mul3A_96, %reduce_sum3A_58 : i32
    %sub3A = arith.constant 0 : i32
    %sub3A_98 = arith.subi %sub3A, %mul3A_97 : i32
    %mul3A_99 = arith.constant 128 : i32
    %mul3A_100 = arith.muli %sub3A_98, %mul3A_99 : i32
    %add3A_101 = arith.addi %mul3A_85, %mul3A_100 : i32
    %select_n3A_102 = arith.select %gt3A_93, %add3A_95, %add3A_101 : i32
    %select_n3A_103 = arith.select %gt3A_89, %select_n3A_102, %mul3A_76 : i32
    %multiple_of3A = tpu.assume_multiple %select_n3A_103, 128 : i32
    %dma_start3A = tpu.memref_slice %arg3[%multiple_of3A] : memref<672768xi32, #tpu.memory_space<hbm>> -> memref<128xi32, #tpu.memory_space<hbm>>
    %dma_start3A_104 = tpu.memref_slice %arg3[%multiple_of3A] : memref<672768xi32, #tpu.memory_space<hbm>> -> memref<128xi32, #tpu.memory_space<hbm>>
    tpu.enqueue_dma source(%dma_start3A_104 : memref<128xi32, #tpu.memory_space<hbm>>) target(%arg10 : memref<128xi32, #tpu.memory_space<vmem>>) target_semaphore(%arg20 : memref<!tpu.dma_semaphore, #tpu.memory_space<semaphore_mem>>)
    %dma_start3A_105 = tpu.memref_slice %arg4[%multiple_of3A] : memref<672768xi32, #tpu.memory_space<hbm>> -> memref<128xi32, #tpu.memory_space<hbm>>
    %dma_start3A_106 = tpu.memref_slice %arg4[%multiple_of3A] : memref<672768xi32, #tpu.memory_space<hbm>> -> memref<128xi32, #tpu.memory_space<hbm>>
    tpu.enqueue_dma source(%dma_start3A_106 : memref<128xi32, #tpu.memory_space<hbm>>) target(%arg11 : memref<128xi32, #tpu.memory_space<vmem>>) target_semaphore(%arg20 : memref<!tpu.dma_semaphore, #tpu.memory_space<semaphore_mem>>)
    %gt3A_107 = arith.constant 1 : i32
    %gt3A_108 = arith.cmpi sgt, %mul3A_88, %gt3A_107 : i32
    %mul3A_109 = arith.constant 4 : i32
    %mul3A_110 = arith.muli %mul3A_109, %reduce_sum3A_58 : i32
    %gt3A_111 = arith.constant 1 : i32
    %gt3A_112 = arith.cmpi sgt, %mul3A_110, %gt3A_111 : i32
    %add3A_113 = arith.constant 128 : i32
    %add3A_114 = arith.addi %mul3A_76, %add3A_113 : i32
    %mul3A_115 = arith.constant 4 : i32
    %mul3A_116 = arith.muli %mul3A_115, %reduce_sum3A_58 : i32
    %sub3A_117 = arith.constant 1 : i32
    %sub3A_118 = arith.subi %sub3A_117, %mul3A_116 : i32
    %mul3A_119 = arith.constant 128 : i32
    %mul3A_120 = arith.muli %sub3A_118, %mul3A_119 : i32
    %add3A_121 = arith.addi %mul3A_85, %mul3A_120 : i32
    %select_n3A_122 = arith.select %gt3A_112, %add3A_114, %add3A_121 : i32
    %select_n3A_123 = arith.select %gt3A_108, %select_n3A_122, %mul3A_76 : i32
    %multiple_of3A_124 = tpu.assume_multiple %select_n3A_123, 128 : i32
    %dma_start3A_125 = tpu.memref_slice %arg3[%multiple_of3A_124] : memref<672768xi32, #tpu.memory_space<hbm>> -> memref<128xi32, #tpu.memory_space<hbm>>
    %dma_start3A_126 = tpu.memref_slice %arg3[%multiple_of3A_124] : memref<672768xi32, #tpu.memory_space<hbm>> -> memref<128xi32, #tpu.memory_space<hbm>>
    tpu.enqueue_dma source(%dma_start3A_126 : memref<128xi32, #tpu.memory_space<hbm>>) target(%arg12 : memref<128xi32, #tpu.memory_space<vmem>>) target_semaphore(%arg21 : memref<!tpu.dma_semaphore, #tpu.memory_space<semaphore_mem>>)
    %dma_start3A_127 = tpu.memref_slice %arg4[%multiple_of3A_124] : memref<672768xi32, #tpu.memory_space<hbm>> -> memref<128xi32, #tpu.memory_space<hbm>>
    %dma_start3A_128 = tpu.memref_slice %arg4[%multiple_of3A_124] : memref<672768xi32, #tpu.memory_space<hbm>> -> memref<128xi32, #tpu.memory_space<hbm>>
    tpu.enqueue_dma source(%dma_start3A_128 : memref<128xi32, #tpu.memory_space<hbm>>) target(%arg13 : memref<128xi32, #tpu.memory_space<vmem>>) target_semaphore(%arg21 : memref<!tpu.dma_semaphore, #tpu.memory_space<semaphore_mem>>)
    %dma_start3A_129 = arith.constant 0 : i32
    %dma_start3A_130 = arith.constant 0 : i32
    %dma_start3A_131 = tpu.memref_slice %arg7[%dma_start3A_129, %dma_start3A_130] : memref<10368x128xf32, #tpu.memory_space<vmem_shared>> -> memref<10368x128xf32, #tpu.memory_space<vmem_shared>>
    tpu.enqueue_indirect_dma source(%arg18 : memref<128x128xf32, #tpu.memory_space<vmem>>) target(%dma_start3A_131 : memref<10368x128xf32, #tpu.memory_space<vmem_shared>>) offsets(%arg15 : memref<128xi32, #tpu.memory_space<vmem>>) semaphore(%arg26 : memref<!tpu.dma_semaphore, #tpu.memory_space<semaphore_mem>>) {add = true}
    %dma_start3A_132 = arith.constant 0 : i32
    %dma_start3A_133 = arith.constant 0 : i32
    %dma_start3A_134 = tpu.memref_slice %arg7[%dma_start3A_132, %dma_start3A_133] : memref<10368x128xf32, #tpu.memory_space<vmem_shared>> -> memref<10368x128xf32, #tpu.memory_space<vmem_shared>>
    tpu.enqueue_indirect_dma source(%arg19 : memref<128x128xf32, #tpu.memory_space<vmem>>) target(%dma_start3A_134 : memref<10368x128xf32, #tpu.memory_space<vmem_shared>>) offsets(%arg17 : memref<128xi32, #tpu.memory_space<vmem>>) semaphore(%arg27 : memref<!tpu.dma_semaphore, #tpu.memory_space<semaphore_mem>>) {add = true}
    %add3A_135 = arith.addi %reduce_sum3A_58, %reduce_sum3A_69 : i32
    %while3A = arith.constant 0 : i32
    %while3A_136 = arith.constant 0 : i32
    %while3A_137 = arith.subi %add3A_135, %while3A_136 : i32
    %while3A_138 = arith.addi %while3A_136, %while3A_137 : i32
    %while3A_139 = arith.constant 1 : i32
    %while3A_140 = arith.divsi %while3A_137, %while3A_139 : i32
    %while3A_141 = arith.muli %while3A_140, %while3A_139 : i32
    %while3A_142 = arith.addi %while3A_136, %while3A_141 : i32
    %while3A_143 = arith.constant 1 : i32
    scf.for %while3A_199 = %while3A_136 to %while3A_142 step %while3A_143  : i32 {
      %mul3A_200 = arith.constant 4 : i32
      %mul3A_201 = arith.muli %mul3A_200, %while3A_199 : i32
      %mul3A_202 = arith.constant 4 : i32
      %mul3A_203 = arith.muli %mul3A_202, %reduce_sum3A_58 : i32
      %lt3A_204 = arith.cmpi slt, %mul3A_201, %mul3A_203 : i32
      %mul3A_205 = arith.constant 128 : i32
      %mul3A_206 = arith.muli %mul3A_201, %mul3A_205 : i32
      %add3A_207 = arith.addi %mul3A_76, %mul3A_206 : i32
      %mul3A_208 = arith.constant 4 : i32
      %mul3A_209 = arith.muli %mul3A_208, %reduce_sum3A_58 : i32
      %sub3A_210 = arith.subi %mul3A_201, %mul3A_209 : i32
      %mul3A_211 = arith.constant 128 : i32
      %mul3A_212 = arith.muli %sub3A_210, %mul3A_211 : i32
      %add3A_213 = arith.addi %mul3A_85, %mul3A_212 : i32
      %select_n3A_214 = arith.select %lt3A_204, %add3A_207, %add3A_213 : i32
      %multiple_of3A_215 = tpu.assume_multiple %select_n3A_214, 128 : i32
      %dma_wait3A_216 = tpu.memref_slice %arg3[%multiple_of3A_215] : memref<672768xi32, #tpu.memory_space<hbm>> -> memref<128xi32, #tpu.memory_space<hbm>>
      %dma_wait3A_217 = tpu.memref_slice %arg3[%multiple_of3A_215] : memref<672768xi32, #tpu.memory_space<hbm>> -> memref<128xi32, #tpu.memory_space<hbm>>
      tpu.wait_dma2 semaphore(%arg20 : memref<!tpu.dma_semaphore, #tpu.memory_space<semaphore_mem>>) src(%dma_wait3A_217 : memref<128xi32, #tpu.memory_space<hbm>>) dst(%arg10 : memref<128xi32, #tpu.memory_space<vmem>>)
      %dma_wait3A_218 = tpu.memref_slice %arg4[%multiple_of3A_215] : memref<672768xi32, #tpu.memory_space<hbm>> -> memref<128xi32, #tpu.memory_space<hbm>>
      %dma_wait3A_219 = tpu.memref_slice %arg4[%multiple_of3A_215] : memref<672768xi32, #tpu.memory_space<hbm>> -> memref<128xi32, #tpu.memory_space<hbm>>
      tpu.wait_dma2 semaphore(%arg20 : memref<!tpu.dma_semaphore, #tpu.memory_space<semaphore_mem>>) src(%dma_wait3A_219 : memref<128xi32, #tpu.memory_space<hbm>>) dst(%arg11 : memref<128xi32, #tpu.memory_space<vmem>>)
      %dma_wait3A_220 = arith.constant 0 : i32
      %dma_wait3A_221 = arith.constant 0 : i32
      %dma_wait3A_222 = tpu.memref_slice %arg7[%dma_wait3A_220, %dma_wait3A_221] : memref<10368x128xf32, #tpu.memory_space<vmem_shared>> -> memref<10368x128xf32, #tpu.memory_space<vmem_shared>>
      tpu.wait_indirect_dma semaphore(%arg26 : memref<!tpu.dma_semaphore, #tpu.memory_space<semaphore_mem>>) src(%arg18 : memref<128x128xf32, #tpu.memory_space<vmem>>) dst(%dma_wait3A_222 : memref<10368x128xf32, #tpu.memory_space<vmem_shared>>)
      %add3A_223 = arith.constant 2 : i32
      %add3A_224 = arith.addi %mul3A_201, %add3A_223 : i32
      %mul3A_225 = arith.constant 4 : i32
      %mul3A_226 = arith.muli %mul3A_225, %reduce_sum3A_58 : i32
      %lt3A_227 = arith.cmpi slt, %add3A_224, %mul3A_226 : i32
      %mul3A_228 = arith.constant 128 : i32
      %mul3A_229 = arith.muli %add3A_224, %mul3A_228 : i32
      %add3A_230 = arith.addi %mul3A_76, %mul3A_229 : i32
      %mul3A_231 = arith.constant 4 : i32
      %mul3A_232 = arith.muli %mul3A_231, %reduce_sum3A_58 : i32
      %sub3A_233 = arith.subi %add3A_224, %mul3A_232 : i32
      %mul3A_234 = arith.constant 128 : i32
      %mul3A_235 = arith.muli %sub3A_233, %mul3A_234 : i32
      %add3A_236 = arith.addi %mul3A_85, %mul3A_235 : i32
      %select_n3A_237 = arith.select %lt3A_227, %add3A_230, %add3A_236 : i32
      %multiple_of3A_238 = tpu.assume_multiple %select_n3A_237, 128 : i32
      %dma_start3A_239 = tpu.memref_slice %arg3[%multiple_of3A_238] : memref<672768xi32, #tpu.memory_space<hbm>> -> memref<128xi32, #tpu.memory_space<hbm>>
      %dma_start3A_240 = tpu.memref_slice %arg3[%multiple_of3A_238] : memref<672768xi32, #tpu.memory_space<hbm>> -> memref<128xi32, #tpu.memory_space<hbm>>
      tpu.enqueue_dma source(%dma_start3A_240 : memref<128xi32, #tpu.memory_space<hbm>>) target(%arg14 : memref<128xi32, #tpu.memory_space<vmem>>) target_semaphore(%arg22 : memref<!tpu.dma_semaphore, #tpu.memory_space<semaphore_mem>>)
      %dma_start3A_241 = tpu.memref_slice %arg4[%multiple_of3A_238] : memref<672768xi32, #tpu.memory_space<hbm>> -> memref<128xi32, #tpu.memory_space<hbm>>
      %dma_start3A_242 = tpu.memref_slice %arg4[%multiple_of3A_238] : memref<672768xi32, #tpu.memory_space<hbm>> -> memref<128xi32, #tpu.memory_space<hbm>>
      tpu.enqueue_dma source(%dma_start3A_242 : memref<128xi32, #tpu.memory_space<hbm>>) target(%arg15 : memref<128xi32, #tpu.memory_space<vmem>>) target_semaphore(%arg22 : memref<!tpu.dma_semaphore, #tpu.memory_space<semaphore_mem>>)
      %dma_start3A_243 = arith.constant 0 : i32
      %dma_start3A_244 = arith.constant 0 : i32
      %dma_start3A_245 = tpu.memref_slice %arg2[%dma_start3A_243, %dma_start3A_244] : memref<10000x128xf32, #tpu.memory_space<hbm>> -> memref<10000x128xf32, #tpu.memory_space<hbm>>
      tpu.enqueue_indirect_dma source(%dma_start3A_245 : memref<10000x128xf32, #tpu.memory_space<hbm>>) target(%arg18 : memref<128x128xf32, #tpu.memory_space<vmem>>) offsets(%arg10 : memref<128xi32, #tpu.memory_space<vmem>>) semaphore(%arg24 : memref<!tpu.dma_semaphore, #tpu.memory_space<semaphore_mem>>)
      %add3A_246 = arith.constant 1 : i32
      %add3A_247 = arith.addi %mul3A_201, %add3A_246 : i32
      %mul3A_248 = arith.constant 4 : i32
      %mul3A_249 = arith.muli %mul3A_248, %reduce_sum3A_58 : i32
      %lt3A_250 = arith.cmpi slt, %add3A_247, %mul3A_249 : i32
      %mul3A_251 = arith.constant 128 : i32
      %mul3A_252 = arith.muli %add3A_247, %mul3A_251 : i32
      %add3A_253 = arith.addi %mul3A_76, %mul3A_252 : i32
      %mul3A_254 = arith.constant 4 : i32
      %mul3A_255 = arith.muli %mul3A_254, %reduce_sum3A_58 : i32
      %sub3A_256 = arith.subi %add3A_247, %mul3A_255 : i32
      %mul3A_257 = arith.constant 128 : i32
      %mul3A_258 = arith.muli %sub3A_256, %mul3A_257 : i32
      %add3A_259 = arith.addi %mul3A_85, %mul3A_258 : i32
      %select_n3A_260 = arith.select %lt3A_250, %add3A_253, %add3A_259 : i32
      %multiple_of3A_261 = tpu.assume_multiple %select_n3A_260, 128 : i32
      %dma_wait3A_262 = tpu.memref_slice %arg3[%multiple_of3A_261] : memref<672768xi32, #tpu.memory_space<hbm>> -> memref<128xi32, #tpu.memory_space<hbm>>
      %dma_wait3A_263 = tpu.memref_slice %arg3[%multiple_of3A_261] : memref<672768xi32, #tpu.memory_space<hbm>> -> memref<128xi32, #tpu.memory_space<hbm>>
      tpu.wait_dma2 semaphore(%arg21 : memref<!tpu.dma_semaphore, #tpu.memory_space<semaphore_mem>>) src(%dma_wait3A_263 : memref<128xi32, #tpu.memory_space<hbm>>) dst(%arg12 : memref<128xi32, #tpu.memory_space<vmem>>)
      %dma_wait3A_264 = tpu.memref_slice %arg4[%multiple_of3A_261] : memref<672768xi32, #tpu.memory_space<hbm>> -> memref<128xi32, #tpu.memory_space<hbm>>
      %dma_wait3A_265 = tpu.memref_slice %arg4[%multiple_of3A_261] : memref<672768xi32, #tpu.memory_space<hbm>> -> memref<128xi32, #tpu.memory_space<hbm>>
      tpu.wait_dma2 semaphore(%arg21 : memref<!tpu.dma_semaphore, #tpu.memory_space<semaphore_mem>>) src(%dma_wait3A_265 : memref<128xi32, #tpu.memory_space<hbm>>) dst(%arg13 : memref<128xi32, #tpu.memory_space<vmem>>)
      %dma_wait3A_266 = arith.constant 0 : i32
      %dma_wait3A_267 = arith.constant 0 : i32
      %dma_wait3A_268 = tpu.memref_slice %arg7[%dma_wait3A_266, %dma_wait3A_267] : memref<10368x128xf32, #tpu.memory_space<vmem_shared>> -> memref<10368x128xf32, #tpu.memory_space<vmem_shared>>
      tpu.wait_indirect_dma semaphore(%arg27 : memref<!tpu.dma_semaphore, #tpu.memory_space<semaphore_mem>>) src(%arg19 : memref<128x128xf32, #tpu.memory_space<vmem>>) dst(%dma_wait3A_268 : memref<10368x128xf32, #tpu.memory_space<vmem_shared>>)
      %add3A_269 = arith.constant 3 : i32
      %add3A_270 = arith.addi %mul3A_201, %add3A_269 : i32
      %mul3A_271 = arith.constant 4 : i32
      %mul3A_272 = arith.muli %mul3A_271, %reduce_sum3A_58 : i32
      %lt3A_273 = arith.cmpi slt, %add3A_270, %mul3A_272 : i32
      %mul3A_274 = arith.constant 128 : i32
      %mul3A_275 = arith.muli %add3A_270, %mul3A_274 : i32
      %add3A_276 = arith.addi %mul3A_76, %mul3A_275 : i32
      %mul3A_277 = arith.constant 4 : i32
      %mul3A_278 = arith.muli %mul3A_277, %reduce_sum3A_58 : i32
      %sub3A_279 = arith.subi %add3A_270, %mul3A_278 : i32
      %mul3A_280 = arith.constant 128 : i32
      %mul3A_281 = arith.muli %sub3A_279, %mul3A_280 : i32
      %add3A_282 = arith.addi %mul3A_85, %mul3A_281 : i32
      %select_n3A_283 = arith.select %lt3A_273, %add3A_276, %add3A_282 : i32
      %multiple_of3A_284 = tpu.assume_multiple %select_n3A_283, 128 : i32
      %dma_start3A_285 = tpu.memref_slice %arg3[%multiple_of3A_284] : memref<672768xi32, #tpu.memory_space<hbm>> -> memref<128xi32, #tpu.memory_space<hbm>>
      %dma_start3A_286 = tpu.memref_slice %arg3[%multiple_of3A_284] : memref<672768xi32, #tpu.memory_space<hbm>> -> memref<128xi32, #tpu.memory_space<hbm>>
      tpu.enqueue_dma source(%dma_start3A_286 : memref<128xi32, #tpu.memory_space<hbm>>) target(%arg16 : memref<128xi32, #tpu.memory_space<vmem>>) target_semaphore(%arg23 : memref<!tpu.dma_semaphore, #tpu.memory_space<semaphore_mem>>)
      %dma_start3A_287 = tpu.memref_slice %arg4[%multiple_of3A_284] : memref<672768xi32, #tpu.memory_space<hbm>> -> memref<128xi32, #tpu.memory_space<hbm>>
      %dma_start3A_288 = tpu.memref_slice %arg4[%multiple_of3A_284] : memref<672768xi32, #tpu.memory_space<hbm>> -> memref<128xi32, #tpu.memory_space<hbm>>
      tpu.enqueue_dma source(%dma_start3A_288 : memref<128xi32, #tpu.memory_space<hbm>>) target(%arg17 : memref<128xi32, #tpu.memory_space<vmem>>) target_semaphore(%arg23 : memref<!tpu.dma_semaphore, #tpu.memory_space<semaphore_mem>>)
      %dma_start3A_289 = arith.constant 0 : i32
      %dma_start3A_290 = arith.constant 0 : i32
      %dma_start3A_291 = tpu.memref_slice %arg2[%dma_start3A_289, %dma_start3A_290] : memref<10000x128xf32, #tpu.memory_space<hbm>> -> memref<10000x128xf32, #tpu.memory_space<hbm>>
      tpu.enqueue_indirect_dma source(%dma_start3A_291 : memref<10000x128xf32, #tpu.memory_space<hbm>>) target(%arg19 : memref<128x128xf32, #tpu.memory_space<vmem>>) offsets(%arg12 : memref<128xi32, #tpu.memory_space<vmem>>) semaphore(%arg25 : memref<!tpu.dma_semaphore, #tpu.memory_space<semaphore_mem>>)
      %dma_wait3A_292 = arith.constant 0 : i32
      %dma_wait3A_293 = arith.constant 0 : i32
      %dma_wait3A_294 = tpu.memref_slice %arg2[%dma_wait3A_292, %dma_wait3A_293] : memref<10000x128xf32, #tpu.memory_space<hbm>> -> memref<10000x128xf32, #tpu.memory_space<hbm>>
      tpu.wait_indirect_dma semaphore(%arg24 : memref<!tpu.dma_semaphore, #tpu.memory_space<semaphore_mem>>) src(%dma_wait3A_294 : memref<10000x128xf32, #tpu.memory_space<hbm>>) dst(%arg18 : memref<128x128xf32, #tpu.memory_space<vmem>>)
      %dma_start3A_295 = arith.constant 0 : i32
      %dma_start3A_296 = arith.constant 0 : i32
      %dma_start3A_297 = tpu.memref_slice %arg7[%dma_start3A_295, %dma_start3A_296] : memref<10368x128xf32, #tpu.memory_space<vmem_shared>> -> memref<10368x128xf32, #tpu.memory_space<vmem_shared>>
      tpu.enqueue_indirect_dma source(%arg18 : memref<128x128xf32, #tpu.memory_space<vmem>>) target(%dma_start3A_297 : memref<10368x128xf32, #tpu.memory_space<vmem_shared>>) offsets(%arg11 : memref<128xi32, #tpu.memory_space<vmem>>) semaphore(%arg26 : memref<!tpu.dma_semaphore, #tpu.memory_space<semaphore_mem>>) {add = true}
      %dma_wait3A_298 = arith.constant 0 : i32
      %dma_wait3A_299 = arith.constant 0 : i32
      %dma_wait3A_300 = tpu.memref_slice %arg2[%dma_wait3A_298, %dma_wait3A_299] : memref<10000x128xf32, #tpu.memory_space<hbm>> -> memref<10000x128xf32, #tpu.memory_space<hbm>>
      tpu.wait_indirect_dma semaphore(%arg25 : memref<!tpu.dma_semaphore, #tpu.memory_space<semaphore_mem>>) src(%dma_wait3A_300 : memref<10000x128xf32, #tpu.memory_space<hbm>>) dst(%arg19 : memref<128x128xf32, #tpu.memory_space<vmem>>)
      %dma_start3A_301 = arith.constant 0 : i32
      %dma_start3A_302 = arith.constant 0 : i32
      %dma_start3A_303 = tpu.memref_slice %arg7[%dma_start3A_301, %dma_start3A_302] : memref<10368x128xf32, #tpu.memory_space<vmem_shared>> -> memref<10368x128xf32, #tpu.memory_space<vmem_shared>>
      tpu.enqueue_indirect_dma source(%arg19 : memref<128x128xf32, #tpu.memory_space<vmem>>) target(%dma_start3A_303 : memref<10368x128xf32, #tpu.memory_space<vmem_shared>>) offsets(%arg13 : memref<128xi32, #tpu.memory_space<vmem>>) semaphore(%arg27 : memref<!tpu.dma_semaphore, #tpu.memory_space<semaphore_mem>>) {add = true}
      %dma_wait3A_304 = arith.constant 0 : i32
      %dma_wait3A_305 = arith.constant 0 : i32
      %dma_wait3A_306 = tpu.memref_slice %arg7[%dma_wait3A_304, %dma_wait3A_305] : memref<10368x128xf32, #tpu.memory_space<vmem_shared>> -> memref<10368x128xf32, #tpu.memory_space<vmem_shared>>
      tpu.wait_indirect_dma semaphore(%arg26 : memref<!tpu.dma_semaphore, #tpu.memory_space<semaphore_mem>>) src(%arg18 : memref<128x128xf32, #tpu.memory_space<vmem>>) dst(%dma_wait3A_306 : memref<10368x128xf32, #tpu.memory_space<vmem_shared>>)
      %add3A_307 = arith.constant 4 : i32
      %add3A_308 = arith.addi %mul3A_201, %add3A_307 : i32
      %lt3A_309 = arith.cmpi slt, %add3A_308, %mul3A_88 : i32
      %mul3A_310 = arith.constant 4 : i32
      %mul3A_311 = arith.muli %mul3A_310, %reduce_sum3A_58 : i32
      %lt3A_312 = arith.cmpi slt, %add3A_308, %mul3A_311 : i32
      %mul3A_313 = arith.constant 128 : i32
      %mul3A_314 = arith.muli %add3A_308, %mul3A_313 : i32
      %add3A_315 = arith.addi %mul3A_76, %mul3A_314 : i32
      %mul3A_316 = arith.constant 4 : i32
      %mul3A_317 = arith.muli %mul3A_316, %reduce_sum3A_58 : i32
      %sub3A_318 = arith.subi %add3A_308, %mul3A_317 : i32
      %mul3A_319 = arith.constant 128 : i32
      %mul3A_320 = arith.muli %sub3A_318, %mul3A_319 : i32
      %add3A_321 = arith.addi %mul3A_85, %mul3A_320 : i32
      %select_n3A_322 = arith.select %lt3A_312, %add3A_315, %add3A_321 : i32
      %select_n3A_323 = arith.select %lt3A_309, %select_n3A_322, %mul3A_76 : i32
      %multiple_of3A_324 = tpu.assume_multiple %select_n3A_323, 128 : i32
      %dma_start3A_325 = tpu.memref_slice %arg3[%multiple_of3A_324] : memref<672768xi32, #tpu.memory_space<hbm>> -> memref<128xi32, #tpu.memory_space<hbm>>
      %dma_start3A_326 = tpu.memref_slice %arg3[%multiple_of3A_324] : memref<672768xi32, #tpu.memory_space<hbm>> -> memref<128xi32, #tpu.memory_space<hbm>>
      tpu.enqueue_dma source(%dma_start3A_326 : memref<128xi32, #tpu.memory_space<hbm>>) target(%arg10 : memref<128xi32, #tpu.memory_space<vmem>>) target_semaphore(%arg20 : memref<!tpu.dma_semaphore, #tpu.memory_space<semaphore_mem>>)
      %dma_start3A_327 = tpu.memref_slice %arg4[%multiple_of3A_324] : memref<672768xi32, #tpu.memory_space<hbm>> -> memref<128xi32, #tpu.memory_space<hbm>>
      %dma_start3A_328 = tpu.memref_slice %arg4[%multiple_of3A_324] : memref<672768xi32, #tpu.memory_space<hbm>> -> memref<128xi32, #tpu.memory_space<hbm>>
      tpu.enqueue_dma source(%dma_start3A_328 : memref<128xi32, #tpu.memory_space<hbm>>) target(%arg11 : memref<128xi32, #tpu.memory_space<vmem>>) target_semaphore(%arg20 : memref<!tpu.dma_semaphore, #tpu.memory_space<semaphore_mem>>)
      %add3A_329 = arith.constant 2 : i32
      %add3A_330 = arith.addi %mul3A_201, %add3A_329 : i32
      %mul3A_331 = arith.constant 4 : i32
      %mul3A_332 = arith.muli %mul3A_331, %reduce_sum3A_58 : i32
      %lt3A_333 = arith.cmpi slt, %add3A_330, %mul3A_332 : i32
      %mul3A_334 = arith.constant 128 : i32
      %mul3A_335 = arith.muli %add3A_330, %mul3A_334 : i32
      %add3A_336 = arith.addi %mul3A_76, %mul3A_335 : i32
      %mul3A_337 = arith.constant 4 : i32
      %mul3A_338 = arith.muli %mul3A_337, %reduce_sum3A_58 : i32
      %sub3A_339 = arith.subi %add3A_330, %mul3A_338 : i32
      %mul3A_340 = arith.constant 128 : i32
      %mul3A_341 = arith.muli %sub3A_339, %mul3A_340 : i32
      %add3A_342 = arith.addi %mul3A_85, %mul3A_341 : i32
      %select_n3A_343 = arith.select %lt3A_333, %add3A_336, %add3A_342 : i32
      %multiple_of3A_344 = tpu.assume_multiple %select_n3A_343, 128 : i32
      %dma_wait3A_345 = tpu.memref_slice %arg3[%multiple_of3A_344] : memref<672768xi32, #tpu.memory_space<hbm>> -> memref<128xi32, #tpu.memory_space<hbm>>
      %dma_wait3A_346 = tpu.memref_slice %arg3[%multiple_of3A_344] : memref<672768xi32, #tpu.memory_space<hbm>> -> memref<128xi32, #tpu.memory_space<hbm>>
      tpu.wait_dma2 semaphore(%arg22 : memref<!tpu.dma_semaphore, #tpu.memory_space<semaphore_mem>>) src(%dma_wait3A_346 : memref<128xi32, #tpu.memory_space<hbm>>) dst(%arg14 : memref<128xi32, #tpu.memory_space<vmem>>)
      %dma_wait3A_347 = tpu.memref_slice %arg4[%multiple_of3A_344] : memref<672768xi32, #tpu.memory_space<hbm>> -> memref<128xi32, #tpu.memory_space<hbm>>
      %dma_wait3A_348 = tpu.memref_slice %arg4[%multiple_of3A_344] : memref<672768xi32, #tpu.memory_space<hbm>> -> memref<128xi32, #tpu.memory_space<hbm>>
      tpu.wait_dma2 semaphore(%arg22 : memref<!tpu.dma_semaphore, #tpu.memory_space<semaphore_mem>>) src(%dma_wait3A_348 : memref<128xi32, #tpu.memory_space<hbm>>) dst(%arg15 : memref<128xi32, #tpu.memory_space<vmem>>)
      %dma_start3A_349 = arith.constant 0 : i32
      %dma_start3A_350 = arith.constant 0 : i32
      %dma_start3A_351 = tpu.memref_slice %arg2[%dma_start3A_349, %dma_start3A_350] : memref<10000x128xf32, #tpu.memory_space<hbm>> -> memref<10000x128xf32, #tpu.memory_space<hbm>>
      tpu.enqueue_indirect_dma source(%dma_start3A_351 : memref<10000x128xf32, #tpu.memory_space<hbm>>) target(%arg18 : memref<128x128xf32, #tpu.memory_space<vmem>>) offsets(%arg14 : memref<128xi32, #tpu.memory_space<vmem>>) semaphore(%arg24 : memref<!tpu.dma_semaphore, #tpu.memory_space<semaphore_mem>>)
      %dma_wait3A_352 = arith.constant 0 : i32
      %dma_wait3A_353 = arith.constant 0 : i32
      %dma_wait3A_354 = tpu.memref_slice %arg7[%dma_wait3A_352, %dma_wait3A_353] : memref<10368x128xf32, #tpu.memory_space<vmem_shared>> -> memref<10368x128xf32, #tpu.memory_space<vmem_shared>>
      tpu.wait_indirect_dma semaphore(%arg27 : memref<!tpu.dma_semaphore, #tpu.memory_space<semaphore_mem>>) src(%arg19 : memref<128x128xf32, #tpu.memory_space<vmem>>) dst(%dma_wait3A_354 : memref<10368x128xf32, #tpu.memory_space<vmem_shared>>)
      %add3A_355 = arith.constant 5 : i32
      %add3A_356 = arith.addi %mul3A_201, %add3A_355 : i32
      %lt3A_357 = arith.cmpi slt, %add3A_356, %mul3A_88 : i32
      %mul3A_358 = arith.constant 4 : i32
      %mul3A_359 = arith.muli %mul3A_358, %reduce_sum3A_58 : i32
      %lt3A_360 = arith.cmpi slt, %add3A_356, %mul3A_359 : i32
      %mul3A_361 = arith.constant 128 : i32
      %mul3A_362 = arith.muli %add3A_356, %mul3A_361 : i32
      %add3A_363 = arith.addi %mul3A_76, %mul3A_362 : i32
      %mul3A_364 = arith.constant 4 : i32
      %mul3A_365 = arith.muli %mul3A_364, %reduce_sum3A_58 : i32
      %sub3A_366 = arith.subi %add3A_356, %mul3A_365 : i32
      %mul3A_367 = arith.constant 128 : i32
      %mul3A_368 = arith.muli %sub3A_366, %mul3A_367 : i32
      %add3A_369 = arith.addi %mul3A_85, %mul3A_368 : i32
      %select_n3A_370 = arith.select %lt3A_360, %add3A_363, %add3A_369 : i32
      %select_n3A_371 = arith.select %lt3A_357, %select_n3A_370, %mul3A_76 : i32
      %multiple_of3A_372 = tpu.assume_multiple %select_n3A_371, 128 : i32
      %dma_start3A_373 = tpu.memref_slice %arg3[%multiple_of3A_372] : memref<672768xi32, #tpu.memory_space<hbm>> -> memref<128xi32, #tpu.memory_space<hbm>>
      %dma_start3A_374 = tpu.memref_slice %arg3[%multiple_of3A_372] : memref<672768xi32, #tpu.memory_space<hbm>> -> memref<128xi32, #tpu.memory_space<hbm>>
      tpu.enqueue_dma source(%dma_start3A_374 : memref<128xi32, #tpu.memory_space<hbm>>) target(%arg12 : memref<128xi32, #tpu.memory_space<vmem>>) target_semaphore(%arg21 : memref<!tpu.dma_semaphore, #tpu.memory_space<semaphore_mem>>)
      %dma_start3A_375 = tpu.memref_slice %arg4[%multiple_of3A_372] : memref<672768xi32, #tpu.memory_space<hbm>> -> memref<128xi32, #tpu.memory_space<hbm>>
      %dma_start3A_376 = tpu.memref_slice %arg4[%multiple_of3A_372] : memref<672768xi32, #tpu.memory_space<hbm>> -> memref<128xi32, #tpu.memory_space<hbm>>
      tpu.enqueue_dma source(%dma_start3A_376 : memref<128xi32, #tpu.memory_space<hbm>>) target(%arg13 : memref<128xi32, #tpu.memory_space<vmem>>) target_semaphore(%arg21 : memref<!tpu.dma_semaphore, #tpu.memory_space<semaphore_mem>>)
      %add3A_377 = arith.constant 3 : i32
      %add3A_378 = arith.addi %mul3A_201, %add3A_377 : i32
      %mul3A_379 = arith.constant 4 : i32
      %mul3A_380 = arith.muli %mul3A_379, %reduce_sum3A_58 : i32
      %lt3A_381 = arith.cmpi slt, %add3A_378, %mul3A_380 : i32
      %mul3A_382 = arith.constant 128 : i32
      %mul3A_383 = arith.muli %add3A_378, %mul3A_382 : i32
      %add3A_384 = arith.addi %mul3A_76, %mul3A_383 : i32
      %mul3A_385 = arith.constant 4 : i32
      %mul3A_386 = arith.muli %mul3A_385, %reduce_sum3A_58 : i32
      %sub3A_387 = arith.subi %add3A_378, %mul3A_386 : i32
      %mul3A_388 = arith.constant 128 : i32
      %mul3A_389 = arith.muli %sub3A_387, %mul3A_388 : i32
      %add3A_390 = arith.addi %mul3A_85, %mul3A_389 : i32
      %select_n3A_391 = arith.select %lt3A_381, %add3A_384, %add3A_390 : i32
      %multiple_of3A_392 = tpu.assume_multiple %select_n3A_391, 128 : i32
      %dma_wait3A_393 = tpu.memref_slice %arg3[%multiple_of3A_392] : memref<672768xi32, #tpu.memory_space<hbm>> -> memref<128xi32, #tpu.memory_space<hbm>>
      %dma_wait3A_394 = tpu.memref_slice %arg3[%multiple_of3A_392] : memref<672768xi32, #tpu.memory_space<hbm>> -> memref<128xi32, #tpu.memory_space<hbm>>
      tpu.wait_dma2 semaphore(%arg23 : memref<!tpu.dma_semaphore, #tpu.memory_space<semaphore_mem>>) src(%dma_wait3A_394 : memref<128xi32, #tpu.memory_space<hbm>>) dst(%arg16 : memref<128xi32, #tpu.memory_space<vmem>>)
      %dma_wait3A_395 = tpu.memref_slice %arg4[%multiple_of3A_392] : memref<672768xi32, #tpu.memory_space<hbm>> -> memref<128xi32, #tpu.memory_space<hbm>>
      %dma_wait3A_396 = tpu.memref_slice %arg4[%multiple_of3A_392] : memref<672768xi32, #tpu.memory_space<hbm>> -> memref<128xi32, #tpu.memory_space<hbm>>
      tpu.wait_dma2 semaphore(%arg23 : memref<!tpu.dma_semaphore, #tpu.memory_space<semaphore_mem>>) src(%dma_wait3A_396 : memref<128xi32, #tpu.memory_space<hbm>>) dst(%arg17 : memref<128xi32, #tpu.memory_space<vmem>>)
      %dma_start3A_397 = arith.constant 0 : i32
      %dma_start3A_398 = arith.constant 0 : i32
      %dma_start3A_399 = tpu.memref_slice %arg2[%dma_start3A_397, %dma_start3A_398] : memref<10000x128xf32, #tpu.memory_space<hbm>> -> memref<10000x128xf32, #tpu.memory_space<hbm>>
      tpu.enqueue_indirect_dma source(%dma_start3A_399 : memref<10000x128xf32, #tpu.memory_space<hbm>>) target(%arg19 : memref<128x128xf32, #tpu.memory_space<vmem>>) offsets(%arg16 : memref<128xi32, #tpu.memory_space<vmem>>) semaphore(%arg25 : memref<!tpu.dma_semaphore, #tpu.memory_space<semaphore_mem>>)
      %dma_wait3A_400 = arith.constant 0 : i32
      %dma_wait3A_401 = arith.constant 0 : i32
      %dma_wait3A_402 = tpu.memref_slice %arg2[%dma_wait3A_400, %dma_wait3A_401] : memref<10000x128xf32, #tpu.memory_space<hbm>> -> memref<10000x128xf32, #tpu.memory_space<hbm>>
      tpu.wait_indirect_dma semaphore(%arg24 : memref<!tpu.dma_semaphore, #tpu.memory_space<semaphore_mem>>) src(%dma_wait3A_402 : memref<10000x128xf32, #tpu.memory_space<hbm>>) dst(%arg18 : memref<128x128xf32, #tpu.memory_space<vmem>>)
      %dma_start3A_403 = arith.constant 0 : i32
      %dma_start3A_404 = arith.constant 0 : i32
      %dma_start3A_405 = tpu.memref_slice %arg7[%dma_start3A_403, %dma_start3A_404] : memref<10368x128xf32, #tpu.memory_space<vmem_shared>> -> memref<10368x128xf32, #tpu.memory_space<vmem_shared>>
      tpu.enqueue_indirect_dma source(%arg18 : memref<128x128xf32, #tpu.memory_space<vmem>>) target(%dma_start3A_405 : memref<10368x128xf32, #tpu.memory_space<vmem_shared>>) offsets(%arg15 : memref<128xi32, #tpu.memory_space<vmem>>) semaphore(%arg26 : memref<!tpu.dma_semaphore, #tpu.memory_space<semaphore_mem>>) {add = true}
      %dma_wait3A_406 = arith.constant 0 : i32
      %dma_wait3A_407 = arith.constant 0 : i32
      %dma_wait3A_408 = tpu.memref_slice %arg2[%dma_wait3A_406, %dma_wait3A_407] : memref<10000x128xf32, #tpu.memory_space<hbm>> -> memref<10000x128xf32, #tpu.memory_space<hbm>>
      tpu.wait_indirect_dma semaphore(%arg25 : memref<!tpu.dma_semaphore, #tpu.memory_space<semaphore_mem>>) src(%dma_wait3A_408 : memref<10000x128xf32, #tpu.memory_space<hbm>>) dst(%arg19 : memref<128x128xf32, #tpu.memory_space<vmem>>)
      %dma_start3A_409 = arith.constant 0 : i32
      %dma_start3A_410 = arith.constant 0 : i32
      %dma_start3A_411 = tpu.memref_slice %arg7[%dma_start3A_409, %dma_start3A_410] : memref<10368x128xf32, #tpu.memory_space<vmem_shared>> -> memref<10368x128xf32, #tpu.memory_space<vmem_shared>>
      tpu.enqueue_indirect_dma source(%arg19 : memref<128x128xf32, #tpu.memory_space<vmem>>) target(%dma_start3A_411 : memref<10368x128xf32, #tpu.memory_space<vmem_shared>>) offsets(%arg17 : memref<128xi32, #tpu.memory_space<vmem>>) semaphore(%arg27 : memref<!tpu.dma_semaphore, #tpu.memory_space<semaphore_mem>>) {add = true}
    }
    %while3A_144 = arith.constant 1 : i32
    scf.for %while3A_199 = %while3A_142 to %while3A_138 step %while3A_144  : i32 {
      %mul3A_200 = arith.constant 4 : i32
      %mul3A_201 = arith.muli %mul3A_200, %while3A_199 : i32
      %mul3A_202 = arith.constant 4 : i32
      %mul3A_203 = arith.muli %mul3A_202, %reduce_sum3A_58 : i32
      %lt3A_204 = arith.cmpi slt, %mul3A_201, %mul3A_203 : i32
      %mul3A_205 = arith.constant 128 : i32
      %mul3A_206 = arith.muli %mul3A_201, %mul3A_205 : i32
      %add3A_207 = arith.addi %mul3A_76, %mul3A_206 : i32
      %mul3A_208 = arith.constant 4 : i32
      %mul3A_209 = arith.muli %mul3A_208, %reduce_sum3A_58 : i32
      %sub3A_210 = arith.subi %mul3A_201, %mul3A_209 : i32
      %mul3A_211 = arith.constant 128 : i32
      %mul3A_212 = arith.muli %sub3A_210, %mul3A_211 : i32
      %add3A_213 = arith.addi %mul3A_85, %mul3A_212 : i32
      %select_n3A_214 = arith.select %lt3A_204, %add3A_207, %add3A_213 : i32
      %multiple_of3A_215 = tpu.assume_multiple %select_n3A_214, 128 : i32
      %dma_wait3A_216 = tpu.memref_slice %arg3[%multiple_of3A_215] : memref<672768xi32, #tpu.memory_space<hbm>> -> memref<128xi32, #tpu.memory_space<hbm>>
      %dma_wait3A_217 = tpu.memref_slice %arg3[%multiple_of3A_215] : memref<672768xi32, #tpu.memory_space<hbm>> -> memref<128xi32, #tpu.memory_space<hbm>>
      tpu.wait_dma2 semaphore(%arg20 : memref<!tpu.dma_semaphore, #tpu.memory_space<semaphore_mem>>) src(%dma_wait3A_217 : memref<128xi32, #tpu.memory_space<hbm>>) dst(%arg10 : memref<128xi32, #tpu.memory_space<vmem>>)
      %dma_wait3A_218 = tpu.memref_slice %arg4[%multiple_of3A_215] : memref<672768xi32, #tpu.memory_space<hbm>> -> memref<128xi32, #tpu.memory_space<hbm>>
      %dma_wait3A_219 = tpu.memref_slice %arg4[%multiple_of3A_215] : memref<672768xi32, #tpu.memory_space<hbm>> -> memref<128xi32, #tpu.memory_space<hbm>>
      tpu.wait_dma2 semaphore(%arg20 : memref<!tpu.dma_semaphore, #tpu.memory_space<semaphore_mem>>) src(%dma_wait3A_219 : memref<128xi32, #tpu.memory_space<hbm>>) dst(%arg11 : memref<128xi32, #tpu.memory_space<vmem>>)
      %dma_wait3A_220 = arith.constant 0 : i32
      %dma_wait3A_221 = arith.constant 0 : i32
      %dma_wait3A_222 = tpu.memref_slice %arg7[%dma_wait3A_220, %dma_wait3A_221] : memref<10368x128xf32, #tpu.memory_space<vmem_shared>> -> memref<10368x128xf32, #tpu.memory_space<vmem_shared>>
      tpu.wait_indirect_dma semaphore(%arg26 : memref<!tpu.dma_semaphore, #tpu.memory_space<semaphore_mem>>) src(%arg18 : memref<128x128xf32, #tpu.memory_space<vmem>>) dst(%dma_wait3A_222 : memref<10368x128xf32, #tpu.memory_space<vmem_shared>>)
      %add3A_223 = arith.constant 2 : i32
      %add3A_224 = arith.addi %mul3A_201, %add3A_223 : i32
      %mul3A_225 = arith.constant 4 : i32
      %mul3A_226 = arith.muli %mul3A_225, %reduce_sum3A_58 : i32
      %lt3A_227 = arith.cmpi slt, %add3A_224, %mul3A_226 : i32
      %mul3A_228 = arith.constant 128 : i32
      %mul3A_229 = arith.muli %add3A_224, %mul3A_228 : i32
      %add3A_230 = arith.addi %mul3A_76, %mul3A_229 : i32
      %mul3A_231 = arith.constant 4 : i32
      %mul3A_232 = arith.muli %mul3A_231, %reduce_sum3A_58 : i32
      %sub3A_233 = arith.subi %add3A_224, %mul3A_232 : i32
      %mul3A_234 = arith.constant 128 : i32
      %mul3A_235 = arith.muli %sub3A_233, %mul3A_234 : i32
      %add3A_236 = arith.addi %mul3A_85, %mul3A_235 : i32
      %select_n3A_237 = arith.select %lt3A_227, %add3A_230, %add3A_236 : i32
      %multiple_of3A_238 = tpu.assume_multiple %select_n3A_237, 128 : i32
      %dma_start3A_239 = tpu.memref_slice %arg3[%multiple_of3A_238] : memref<672768xi32, #tpu.memory_space<hbm>> -> memref<128xi32, #tpu.memory_space<hbm>>
      %dma_start3A_240 = tpu.memref_slice %arg3[%multiple_of3A_238] : memref<672768xi32, #tpu.memory_space<hbm>> -> memref<128xi32, #tpu.memory_space<hbm>>
      tpu.enqueue_dma source(%dma_start3A_240 : memref<128xi32, #tpu.memory_space<hbm>>) target(%arg14 : memref<128xi32, #tpu.memory_space<vmem>>) target_semaphore(%arg22 : memref<!tpu.dma_semaphore, #tpu.memory_space<semaphore_mem>>)
      %dma_start3A_241 = tpu.memref_slice %arg4[%multiple_of3A_238] : memref<672768xi32, #tpu.memory_space<hbm>> -> memref<128xi32, #tpu.memory_space<hbm>>
      %dma_start3A_242 = tpu.memref_slice %arg4[%multiple_of3A_238] : memref<672768xi32, #tpu.memory_space<hbm>> -> memref<128xi32, #tpu.memory_space<hbm>>
      tpu.enqueue_dma source(%dma_start3A_242 : memref<128xi32, #tpu.memory_space<hbm>>) target(%arg15 : memref<128xi32, #tpu.memory_space<vmem>>) target_semaphore(%arg22 : memref<!tpu.dma_semaphore, #tpu.memory_space<semaphore_mem>>)
      %dma_start3A_243 = arith.constant 0 : i32
      %dma_start3A_244 = arith.constant 0 : i32
      %dma_start3A_245 = tpu.memref_slice %arg2[%dma_start3A_243, %dma_start3A_244] : memref<10000x128xf32, #tpu.memory_space<hbm>> -> memref<10000x128xf32, #tpu.memory_space<hbm>>
      tpu.enqueue_indirect_dma source(%dma_start3A_245 : memref<10000x128xf32, #tpu.memory_space<hbm>>) target(%arg18 : memref<128x128xf32, #tpu.memory_space<vmem>>) offsets(%arg10 : memref<128xi32, #tpu.memory_space<vmem>>) semaphore(%arg24 : memref<!tpu.dma_semaphore, #tpu.memory_space<semaphore_mem>>)
      %add3A_246 = arith.constant 1 : i32
      %add3A_247 = arith.addi %mul3A_201, %add3A_246 : i32
      %mul3A_248 = arith.constant 4 : i32
      %mul3A_249 = arith.muli %mul3A_248, %reduce_sum3A_58 : i32
      %lt3A_250 = arith.cmpi slt, %add3A_247, %mul3A_249 : i32
      %mul3A_251 = arith.constant 128 : i32
      %mul3A_252 = arith.muli %add3A_247, %mul3A_251 : i32
      %add3A_253 = arith.addi %mul3A_76, %mul3A_252 : i32
      %mul3A_254 = arith.constant 4 : i32
      %mul3A_255 = arith.muli %mul3A_254, %reduce_sum3A_58 : i32
      %sub3A_256 = arith.subi %add3A_247, %mul3A_255 : i32
      %mul3A_257 = arith.constant 128 : i32
      %mul3A_258 = arith.muli %sub3A_256, %mul3A_257 : i32
      %add3A_259 = arith.addi %mul3A_85, %mul3A_258 : i32
      %select_n3A_260 = arith.select %lt3A_250, %add3A_253, %add3A_259 : i32
      %multiple_of3A_261 = tpu.assume_multiple %select_n3A_260, 128 : i32
      %dma_wait3A_262 = tpu.memref_slice %arg3[%multiple_of3A_261] : memref<672768xi32, #tpu.memory_space<hbm>> -> memref<128xi32, #tpu.memory_space<hbm>>
      %dma_wait3A_263 = tpu.memref_slice %arg3[%multiple_of3A_261] : memref<672768xi32, #tpu.memory_space<hbm>> -> memref<128xi32, #tpu.memory_space<hbm>>
      tpu.wait_dma2 semaphore(%arg21 : memref<!tpu.dma_semaphore, #tpu.memory_space<semaphore_mem>>) src(%dma_wait3A_263 : memref<128xi32, #tpu.memory_space<hbm>>) dst(%arg12 : memref<128xi32, #tpu.memory_space<vmem>>)
      %dma_wait3A_264 = tpu.memref_slice %arg4[%multiple_of3A_261] : memref<672768xi32, #tpu.memory_space<hbm>> -> memref<128xi32, #tpu.memory_space<hbm>>
      %dma_wait3A_265 = tpu.memref_slice %arg4[%multiple_of3A_261] : memref<672768xi32, #tpu.memory_space<hbm>> -> memref<128xi32, #tpu.memory_space<hbm>>
      tpu.wait_dma2 semaphore(%arg21 : memref<!tpu.dma_semaphore, #tpu.memory_space<semaphore_mem>>) src(%dma_wait3A_265 : memref<128xi32, #tpu.memory_space<hbm>>) dst(%arg13 : memref<128xi32, #tpu.memory_space<vmem>>)
      %dma_wait3A_266 = arith.constant 0 : i32
      %dma_wait3A_267 = arith.constant 0 : i32
      %dma_wait3A_268 = tpu.memref_slice %arg7[%dma_wait3A_266, %dma_wait3A_267] : memref<10368x128xf32, #tpu.memory_space<vmem_shared>> -> memref<10368x128xf32, #tpu.memory_space<vmem_shared>>
      tpu.wait_indirect_dma semaphore(%arg27 : memref<!tpu.dma_semaphore, #tpu.memory_space<semaphore_mem>>) src(%arg19 : memref<128x128xf32, #tpu.memory_space<vmem>>) dst(%dma_wait3A_268 : memref<10368x128xf32, #tpu.memory_space<vmem_shared>>)
      %add3A_269 = arith.constant 3 : i32
      %add3A_270 = arith.addi %mul3A_201, %add3A_269 : i32
      %mul3A_271 = arith.constant 4 : i32
      %mul3A_272 = arith.muli %mul3A_271, %reduce_sum3A_58 : i32
      %lt3A_273 = arith.cmpi slt, %add3A_270, %mul3A_272 : i32
      %mul3A_274 = arith.constant 128 : i32
      %mul3A_275 = arith.muli %add3A_270, %mul3A_274 : i32
      %add3A_276 = arith.addi %mul3A_76, %mul3A_275 : i32
      %mul3A_277 = arith.constant 4 : i32
      %mul3A_278 = arith.muli %mul3A_277, %reduce_sum3A_58 : i32
      %sub3A_279 = arith.subi %add3A_270, %mul3A_278 : i32
      %mul3A_280 = arith.constant 128 : i32
      %mul3A_281 = arith.muli %sub3A_279, %mul3A_280 : i32
      %add3A_282 = arith.addi %mul3A_85, %mul3A_281 : i32
      %select_n3A_283 = arith.select %lt3A_273, %add3A_276, %add3A_282 : i32
      %multiple_of3A_284 = tpu.assume_multiple %select_n3A_283, 128 : i32
      %dma_start3A_285 = tpu.memref_slice %arg3[%multiple_of3A_284] : memref<672768xi32, #tpu.memory_space<hbm>> -> memref<128xi32, #tpu.memory_space<hbm>>
      %dma_start3A_286 = tpu.memref_slice %arg3[%multiple_of3A_284] : memref<672768xi32, #tpu.memory_space<hbm>> -> memref<128xi32, #tpu.memory_space<hbm>>
      tpu.enqueue_dma source(%dma_start3A_286 : memref<128xi32, #tpu.memory_space<hbm>>) target(%arg16 : memref<128xi32, #tpu.memory_space<vmem>>) target_semaphore(%arg23 : memref<!tpu.dma_semaphore, #tpu.memory_space<semaphore_mem>>)
      %dma_start3A_287 = tpu.memref_slice %arg4[%multiple_of3A_284] : memref<672768xi32, #tpu.memory_space<hbm>> -> memref<128xi32, #tpu.memory_space<hbm>>
      %dma_start3A_288 = tpu.memref_slice %arg4[%multiple_of3A_284] : memref<672768xi32, #tpu.memory_space<hbm>> -> memref<128xi32, #tpu.memory_space<hbm>>
      tpu.enqueue_dma source(%dma_start3A_288 : memref<128xi32, #tpu.memory_space<hbm>>) target(%arg17 : memref<128xi32, #tpu.memory_space<vmem>>) target_semaphore(%arg23 : memref<!tpu.dma_semaphore, #tpu.memory_space<semaphore_mem>>)
      %dma_start3A_289 = arith.constant 0 : i32
      %dma_start3A_290 = arith.constant 0 : i32
      %dma_start3A_291 = tpu.memref_slice %arg2[%dma_start3A_289, %dma_start3A_290] : memref<10000x128xf32, #tpu.memory_space<hbm>> -> memref<10000x128xf32, #tpu.memory_space<hbm>>
      tpu.enqueue_indirect_dma source(%dma_start3A_291 : memref<10000x128xf32, #tpu.memory_space<hbm>>) target(%arg19 : memref<128x128xf32, #tpu.memory_space<vmem>>) offsets(%arg12 : memref<128xi32, #tpu.memory_space<vmem>>) semaphore(%arg25 : memref<!tpu.dma_semaphore, #tpu.memory_space<semaphore_mem>>)
      %dma_wait3A_292 = arith.constant 0 : i32
      %dma_wait3A_293 = arith.constant 0 : i32
      %dma_wait3A_294 = tpu.memref_slice %arg2[%dma_wait3A_292, %dma_wait3A_293] : memref<10000x128xf32, #tpu.memory_space<hbm>> -> memref<10000x128xf32, #tpu.memory_space<hbm>>
      tpu.wait_indirect_dma semaphore(%arg24 : memref<!tpu.dma_semaphore, #tpu.memory_space<semaphore_mem>>) src(%dma_wait3A_294 : memref<10000x128xf32, #tpu.memory_space<hbm>>) dst(%arg18 : memref<128x128xf32, #tpu.memory_space<vmem>>)
      %dma_start3A_295 = arith.constant 0 : i32
      %dma_start3A_296 = arith.constant 0 : i32
      %dma_start3A_297 = tpu.memref_slice %arg7[%dma_start3A_295, %dma_start3A_296] : memref<10368x128xf32, #tpu.memory_space<vmem_shared>> -> memref<10368x128xf32, #tpu.memory_space<vmem_shared>>
      tpu.enqueue_indirect_dma source(%arg18 : memref<128x128xf32, #tpu.memory_space<vmem>>) target(%dma_start3A_297 : memref<10368x128xf32, #tpu.memory_space<vmem_shared>>) offsets(%arg11 : memref<128xi32, #tpu.memory_space<vmem>>) semaphore(%arg26 : memref<!tpu.dma_semaphore, #tpu.memory_space<semaphore_mem>>) {add = true}
      %dma_wait3A_298 = arith.constant 0 : i32
      %dma_wait3A_299 = arith.constant 0 : i32
      %dma_wait3A_300 = tpu.memref_slice %arg2[%dma_wait3A_298, %dma_wait3A_299] : memref<10000x128xf32, #tpu.memory_space<hbm>> -> memref<10000x128xf32, #tpu.memory_space<hbm>>
      tpu.wait_indirect_dma semaphore(%arg25 : memref<!tpu.dma_semaphore, #tpu.memory_space<semaphore_mem>>) src(%dma_wait3A_300 : memref<10000x128xf32, #tpu.memory_space<hbm>>) dst(%arg19 : memref<128x128xf32, #tpu.memory_space<vmem>>)
      %dma_start3A_301 = arith.constant 0 : i32
      %dma_start3A_302 = arith.constant 0 : i32
      %dma_start3A_303 = tpu.memref_slice %arg7[%dma_start3A_301, %dma_start3A_302] : memref<10368x128xf32, #tpu.memory_space<vmem_shared>> -> memref<10368x128xf32, #tpu.memory_space<vmem_shared>>
      tpu.enqueue_indirect_dma source(%arg19 : memref<128x128xf32, #tpu.memory_space<vmem>>) target(%dma_start3A_303 : memref<10368x128xf32, #tpu.memory_space<vmem_shared>>) offsets(%arg13 : memref<128xi32, #tpu.memory_space<vmem>>) semaphore(%arg27 : memref<!tpu.dma_semaphore, #tpu.memory_space<semaphore_mem>>) {add = true}
      %dma_wait3A_304 = arith.constant 0 : i32
      %dma_wait3A_305 = arith.constant 0 : i32
      %dma_wait3A_306 = tpu.memref_slice %arg7[%dma_wait3A_304, %dma_wait3A_305] : memref<10368x128xf32, #tpu.memory_space<vmem_shared>> -> memref<10368x128xf32, #tpu.memory_space<vmem_shared>>
      tpu.wait_indirect_dma semaphore(%arg26 : memref<!tpu.dma_semaphore, #tpu.memory_space<semaphore_mem>>) src(%arg18 : memref<128x128xf32, #tpu.memory_space<vmem>>) dst(%dma_wait3A_306 : memref<10368x128xf32, #tpu.memory_space<vmem_shared>>)
      %add3A_307 = arith.constant 4 : i32
      %add3A_308 = arith.addi %mul3A_201, %add3A_307 : i32
      %lt3A_309 = arith.cmpi slt, %add3A_308, %mul3A_88 : i32
      %mul3A_310 = arith.constant 4 : i32
      %mul3A_311 = arith.muli %mul3A_310, %reduce_sum3A_58 : i32
      %lt3A_312 = arith.cmpi slt, %add3A_308, %mul3A_311 : i32
      %mul3A_313 = arith.constant 128 : i32
      %mul3A_314 = arith.muli %add3A_308, %mul3A_313 : i32
      %add3A_315 = arith.addi %mul3A_76, %mul3A_314 : i32
      %mul3A_316 = arith.constant 4 : i32
      %mul3A_317 = arith.muli %mul3A_316, %reduce_sum3A_58 : i32
      %sub3A_318 = arith.subi %add3A_308, %mul3A_317 : i32
      %mul3A_319 = arith.constant 128 : i32
      %mul3A_320 = arith.muli %sub3A_318, %mul3A_319 : i32
      %add3A_321 = arith.addi %mul3A_85, %mul3A_320 : i32
      %select_n3A_322 = arith.select %lt3A_312, %add3A_315, %add3A_321 : i32
      %select_n3A_323 = arith.select %lt3A_309, %select_n3A_322, %mul3A_76 : i32
      %multiple_of3A_324 = tpu.assume_multiple %select_n3A_323, 128 : i32
      %dma_start3A_325 = tpu.memref_slice %arg3[%multiple_of3A_324] : memref<672768xi32, #tpu.memory_space<hbm>> -> memref<128xi32, #tpu.memory_space<hbm>>
      %dma_start3A_326 = tpu.memref_slice %arg3[%multiple_of3A_324] : memref<672768xi32, #tpu.memory_space<hbm>> -> memref<128xi32, #tpu.memory_space<hbm>>
      tpu.enqueue_dma source(%dma_start3A_326 : memref<128xi32, #tpu.memory_space<hbm>>) target(%arg10 : memref<128xi32, #tpu.memory_space<vmem>>) target_semaphore(%arg20 : memref<!tpu.dma_semaphore, #tpu.memory_space<semaphore_mem>>)
      %dma_start3A_327 = tpu.memref_slice %arg4[%multiple_of3A_324] : memref<672768xi32, #tpu.memory_space<hbm>> -> memref<128xi32, #tpu.memory_space<hbm>>
      %dma_start3A_328 = tpu.memref_slice %arg4[%multiple_of3A_324] : memref<672768xi32, #tpu.memory_space<hbm>> -> memref<128xi32, #tpu.memory_space<hbm>>
      tpu.enqueue_dma source(%dma_start3A_328 : memref<128xi32, #tpu.memory_space<hbm>>) target(%arg11 : memref<128xi32, #tpu.memory_space<vmem>>) target_semaphore(%arg20 : memref<!tpu.dma_semaphore, #tpu.memory_space<semaphore_mem>>)
      %add3A_329 = arith.constant 2 : i32
      %add3A_330 = arith.addi %mul3A_201, %add3A_329 : i32
      %mul3A_331 = arith.constant 4 : i32
      %mul3A_332 = arith.muli %mul3A_331, %reduce_sum3A_58 : i32
      %lt3A_333 = arith.cmpi slt, %add3A_330, %mul3A_332 : i32
      %mul3A_334 = arith.constant 128 : i32
      %mul3A_335 = arith.muli %add3A_330, %mul3A_334 : i32
      %add3A_336 = arith.addi %mul3A_76, %mul3A_335 : i32
      %mul3A_337 = arith.constant 4 : i32
      %mul3A_338 = arith.muli %mul3A_337, %reduce_sum3A_58 : i32
      %sub3A_339 = arith.subi %add3A_330, %mul3A_338 : i32
      %mul3A_340 = arith.constant 128 : i32
      %mul3A_341 = arith.muli %sub3A_339, %mul3A_340 : i32
      %add3A_342 = arith.addi %mul3A_85, %mul3A_341 : i32
      %select_n3A_343 = arith.select %lt3A_333, %add3A_336, %add3A_342 : i32
      %multiple_of3A_344 = tpu.assume_multiple %select_n3A_343, 128 : i32
      %dma_wait3A_345 = tpu.memref_slice %arg3[%multiple_of3A_344] : memref<672768xi32, #tpu.memory_space<hbm>> -> memref<128xi32, #tpu.memory_space<hbm>>
      %dma_wait3A_346 = tpu.memref_slice %arg3[%multiple_of3A_344] : memref<672768xi32, #tpu.memory_space<hbm>> -> memref<128xi32, #tpu.memory_space<hbm>>
      tpu.wait_dma2 semaphore(%arg22 : memref<!tpu.dma_semaphore, #tpu.memory_space<semaphore_mem>>) src(%dma_wait3A_346 : memref<128xi32, #tpu.memory_space<hbm>>) dst(%arg14 : memref<128xi32, #tpu.memory_space<vmem>>)
      %dma_wait3A_347 = tpu.memref_slice %arg4[%multiple_of3A_344] : memref<672768xi32, #tpu.memory_space<hbm>> -> memref<128xi32, #tpu.memory_space<hbm>>
      %dma_wait3A_348 = tpu.memref_slice %arg4[%multiple_of3A_344] : memref<672768xi32, #tpu.memory_space<hbm>> -> memref<128xi32, #tpu.memory_space<hbm>>
      tpu.wait_dma2 semaphore(%arg22 : memref<!tpu.dma_semaphore, #tpu.memory_space<semaphore_mem>>) src(%dma_wait3A_348 : memref<128xi32, #tpu.memory_space<hbm>>) dst(%arg15 : memref<128xi32, #tpu.memory_space<vmem>>)
      %dma_start3A_349 = arith.constant 0 : i32
      %dma_start3A_350 = arith.constant 0 : i32
      %dma_start3A_351 = tpu.memref_slice %arg2[%dma_start3A_349, %dma_start3A_350] : memref<10000x128xf32, #tpu.memory_space<hbm>> -> memref<10000x128xf32, #tpu.memory_space<hbm>>
      tpu.enqueue_indirect_dma source(%dma_start3A_351 : memref<10000x128xf32, #tpu.memory_space<hbm>>) target(%arg18 : memref<128x128xf32, #tpu.memory_space<vmem>>) offsets(%arg14 : memref<128xi32, #tpu.memory_space<vmem>>) semaphore(%arg24 : memref<!tpu.dma_semaphore, #tpu.memory_space<semaphore_mem>>)
      %dma_wait3A_352 = arith.constant 0 : i32
      %dma_wait3A_353 = arith.constant 0 : i32
      %dma_wait3A_354 = tpu.memref_slice %arg7[%dma_wait3A_352, %dma_wait3A_353] : memref<10368x128xf32, #tpu.memory_space<vmem_shared>> -> memref<10368x128xf32, #tpu.memory_space<vmem_shared>>
      tpu.wait_indirect_dma semaphore(%arg27 : memref<!tpu.dma_semaphore, #tpu.memory_space<semaphore_mem>>) src(%arg19 : memref<128x128xf32, #tpu.memory_space<vmem>>) dst(%dma_wait3A_354 : memref<10368x128xf32, #tpu.memory_space<vmem_shared>>)
      %add3A_355 = arith.constant 5 : i32
      %add3A_356 = arith.addi %mul3A_201, %add3A_355 : i32
      %lt3A_357 = arith.cmpi slt, %add3A_356, %mul3A_88 : i32
      %mul3A_358 = arith.constant 4 : i32
      %mul3A_359 = arith.muli %mul3A_358, %reduce_sum3A_58 : i32
      %lt3A_360 = arith.cmpi slt, %add3A_356, %mul3A_359 : i32
      %mul3A_361 = arith.constant 128 : i32
      %mul3A_362 = arith.muli %add3A_356, %mul3A_361 : i32
      %add3A_363 = arith.addi %mul3A_76, %mul3A_362 : i32
      %mul3A_364 = arith.constant 4 : i32
      %mul3A_365 = arith.muli %mul3A_364, %reduce_sum3A_58 : i32
      %sub3A_366 = arith.subi %add3A_356, %mul3A_365 : i32
      %mul3A_367 = arith.constant 128 : i32
      %mul3A_368 = arith.muli %sub3A_366, %mul3A_367 : i32
      %add3A_369 = arith.addi %mul3A_85, %mul3A_368 : i32
      %select_n3A_370 = arith.select %lt3A_360, %add3A_363, %add3A_369 : i32
      %select_n3A_371 = arith.select %lt3A_357, %select_n3A_370, %mul3A_76 : i32
      %multiple_of3A_372 = tpu.assume_multiple %select_n3A_371, 128 : i32
      %dma_start3A_373 = tpu.memref_slice %arg3[%multiple_of3A_372] : memref<672768xi32, #tpu.memory_space<hbm>> -> memref<128xi32, #tpu.memory_space<hbm>>
      %dma_start3A_374 = tpu.memref_slice %arg3[%multiple_of3A_372] : memref<672768xi32, #tpu.memory_space<hbm>> -> memref<128xi32, #tpu.memory_space<hbm>>
      tpu.enqueue_dma source(%dma_start3A_374 : memref<128xi32, #tpu.memory_space<hbm>>) target(%arg12 : memref<128xi32, #tpu.memory_space<vmem>>) target_semaphore(%arg21 : memref<!tpu.dma_semaphore, #tpu.memory_space<semaphore_mem>>)
      %dma_start3A_375 = tpu.memref_slice %arg4[%multiple_of3A_372] : memref<672768xi32, #tpu.memory_space<hbm>> -> memref<128xi32, #tpu.memory_space<hbm>>
      %dma_start3A_376 = tpu.memref_slice %arg4[%multiple_of3A_372] : memref<672768xi32, #tpu.memory_space<hbm>> -> memref<128xi32, #tpu.memory_space<hbm>>
      tpu.enqueue_dma source(%dma_start3A_376 : memref<128xi32, #tpu.memory_space<hbm>>) target(%arg13 : memref<128xi32, #tpu.memory_space<vmem>>) target_semaphore(%arg21 : memref<!tpu.dma_semaphore, #tpu.memory_space<semaphore_mem>>)
      %add3A_377 = arith.constant 3 : i32
      %add3A_378 = arith.addi %mul3A_201, %add3A_377 : i32
      %mul3A_379 = arith.constant 4 : i32
      %mul3A_380 = arith.muli %mul3A_379, %reduce_sum3A_58 : i32
      %lt3A_381 = arith.cmpi slt, %add3A_378, %mul3A_380 : i32
      %mul3A_382 = arith.constant 128 : i32
      %mul3A_383 = arith.muli %add3A_378, %mul3A_382 : i32
      %add3A_384 = arith.addi %mul3A_76, %mul3A_383 : i32
      %mul3A_385 = arith.constant 4 : i32
      %mul3A_386 = arith.muli %mul3A_385, %reduce_sum3A_58 : i32
      %sub3A_387 = arith.subi %add3A_378, %mul3A_386 : i32
      %mul3A_388 = arith.constant 128 : i32
      %mul3A_389 = arith.muli %sub3A_387, %mul3A_388 : i32
      %add3A_390 = arith.addi %mul3A_85, %mul3A_389 : i32
      %select_n3A_391 = arith.select %lt3A_381, %add3A_384, %add3A_390 : i32
      %multiple_of3A_392 = tpu.assume_multiple %select_n3A_391, 128 : i32
      %dma_wait3A_393 = tpu.memref_slice %arg3[%multiple_of3A_392] : memref<672768xi32, #tpu.memory_space<hbm>> -> memref<128xi32, #tpu.memory_space<hbm>>
      %dma_wait3A_394 = tpu.memref_slice %arg3[%multiple_of3A_392] : memref<672768xi32, #tpu.memory_space<hbm>> -> memref<128xi32, #tpu.memory_space<hbm>>
      tpu.wait_dma2 semaphore(%arg23 : memref<!tpu.dma_semaphore, #tpu.memory_space<semaphore_mem>>) src(%dma_wait3A_394 : memref<128xi32, #tpu.memory_space<hbm>>) dst(%arg16 : memref<128xi32, #tpu.memory_space<vmem>>)
      %dma_wait3A_395 = tpu.memref_slice %arg4[%multiple_of3A_392] : memref<672768xi32, #tpu.memory_space<hbm>> -> memref<128xi32, #tpu.memory_space<hbm>>
      %dma_wait3A_396 = tpu.memref_slice %arg4[%multiple_of3A_392] : memref<672768xi32, #tpu.memory_space<hbm>> -> memref<128xi32, #tpu.memory_space<hbm>>
      tpu.wait_dma2 semaphore(%arg23 : memref<!tpu.dma_semaphore, #tpu.memory_space<semaphore_mem>>) src(%dma_wait3A_396 : memref<128xi32, #tpu.memory_space<hbm>>) dst(%arg17 : memref<128xi32, #tpu.memory_space<vmem>>)
      %dma_start3A_397 = arith.constant 0 : i32
      %dma_start3A_398 = arith.constant 0 : i32
      %dma_start3A_399 = tpu.memref_slice %arg2[%dma_start3A_397, %dma_start3A_398] : memref<10000x128xf32, #tpu.memory_space<hbm>> -> memref<10000x128xf32, #tpu.memory_space<hbm>>
      tpu.enqueue_indirect_dma source(%dma_start3A_399 : memref<10000x128xf32, #tpu.memory_space<hbm>>) target(%arg19 : memref<128x128xf32, #tpu.memory_space<vmem>>) offsets(%arg16 : memref<128xi32, #tpu.memory_space<vmem>>) semaphore(%arg25 : memref<!tpu.dma_semaphore, #tpu.memory_space<semaphore_mem>>)
      %dma_wait3A_400 = arith.constant 0 : i32
      %dma_wait3A_401 = arith.constant 0 : i32
      %dma_wait3A_402 = tpu.memref_slice %arg2[%dma_wait3A_400, %dma_wait3A_401] : memref<10000x128xf32, #tpu.memory_space<hbm>> -> memref<10000x128xf32, #tpu.memory_space<hbm>>
      tpu.wait_indirect_dma semaphore(%arg24 : memref<!tpu.dma_semaphore, #tpu.memory_space<semaphore_mem>>) src(%dma_wait3A_402 : memref<10000x128xf32, #tpu.memory_space<hbm>>) dst(%arg18 : memref<128x128xf32, #tpu.memory_space<vmem>>)
      %dma_start3A_403 = arith.constant 0 : i32
      %dma_start3A_404 = arith.constant 0 : i32
      %dma_start3A_405 = tpu.memref_slice %arg7[%dma_start3A_403, %dma_start3A_404] : memref<10368x128xf32, #tpu.memory_space<vmem_shared>> -> memref<10368x128xf32, #tpu.memory_space<vmem_shared>>
      tpu.enqueue_indirect_dma source(%arg18 : memref<128x128xf32, #tpu.memory_space<vmem>>) target(%dma_start3A_405 : memref<10368x128xf32, #tpu.memory_space<vmem_shared>>) offsets(%arg15 : memref<128xi32, #tpu.memory_space<vmem>>) semaphore(%arg26 : memref<!tpu.dma_semaphore, #tpu.memory_space<semaphore_mem>>) {add = true}
      %dma_wait3A_406 = arith.constant 0 : i32
      %dma_wait3A_407 = arith.constant 0 : i32
      %dma_wait3A_408 = tpu.memref_slice %arg2[%dma_wait3A_406, %dma_wait3A_407] : memref<10000x128xf32, #tpu.memory_space<hbm>> -> memref<10000x128xf32, #tpu.memory_space<hbm>>
      tpu.wait_indirect_dma semaphore(%arg25 : memref<!tpu.dma_semaphore, #tpu.memory_space<semaphore_mem>>) src(%dma_wait3A_408 : memref<10000x128xf32, #tpu.memory_space<hbm>>) dst(%arg19 : memref<128x128xf32, #tpu.memory_space<vmem>>)
      %dma_start3A_409 = arith.constant 0 : i32
      %dma_start3A_410 = arith.constant 0 : i32
      %dma_start3A_411 = tpu.memref_slice %arg7[%dma_start3A_409, %dma_start3A_410] : memref<10368x128xf32, #tpu.memory_space<vmem_shared>> -> memref<10368x128xf32, #tpu.memory_space<vmem_shared>>
      tpu.enqueue_indirect_dma source(%arg19 : memref<128x128xf32, #tpu.memory_space<vmem>>) target(%dma_start3A_411 : memref<10368x128xf32, #tpu.memory_space<vmem_shared>>) offsets(%arg17 : memref<128xi32, #tpu.memory_space<vmem>>) semaphore(%arg27 : memref<!tpu.dma_semaphore, #tpu.memory_space<semaphore_mem>>) {add = true}
    }
    %dma_wait3A = arith.constant 0 : i32
    %dma_wait3A_145 = arith.constant 0 : i32
    %dma_wait3A_146 = tpu.memref_slice %arg7[%dma_wait3A, %dma_wait3A_145] : memref<10368x128xf32, #tpu.memory_space<vmem_shared>> -> memref<10368x128xf32, #tpu.memory_space<vmem_shared>>
    tpu.wait_indirect_dma semaphore(%arg26 : memref<!tpu.dma_semaphore, #tpu.memory_space<semaphore_mem>>) src(%arg18 : memref<128x128xf32, #tpu.memory_space<vmem>>) dst(%dma_wait3A_146 : memref<10368x128xf32, #tpu.memory_space<vmem_shared>>)
    %dma_wait3A_147 = arith.constant 0 : i32
    %dma_wait3A_148 = arith.constant 0 : i32
    %dma_wait3A_149 = tpu.memref_slice %arg7[%dma_wait3A_147, %dma_wait3A_148] : memref<10368x128xf32, #tpu.memory_space<vmem_shared>> -> memref<10368x128xf32, #tpu.memory_space<vmem_shared>>
    tpu.wait_indirect_dma semaphore(%arg27 : memref<!tpu.dma_semaphore, #tpu.memory_space<semaphore_mem>>) src(%arg19 : memref<128x128xf32, #tpu.memory_space<vmem>>) dst(%dma_wait3A_149 : memref<10368x128xf32, #tpu.memory_space<vmem_shared>>)
    %lt3A = arith.cmpi slt, %mul3A_88, %mul3A_88 : i32
    %mul3A_150 = arith.constant 4 : i32
    %mul3A_151 = arith.muli %mul3A_150, %reduce_sum3A_58 : i32
    %lt3A_152 = arith.cmpi slt, %mul3A_88, %mul3A_151 : i32
    %mul3A_153 = arith.constant 128 : i32
    %mul3A_154 = arith.muli %mul3A_88, %mul3A_153 : i32
    %add3A_155 = arith.addi %mul3A_76, %mul3A_154 : i32
    %mul3A_156 = arith.constant 4 : i32
    %mul3A_157 = arith.muli %mul3A_156, %reduce_sum3A_58 : i32
    %sub3A_158 = arith.subi %mul3A_88, %mul3A_157 : i32
    %mul3A_159 = arith.constant 128 : i32
    %mul3A_160 = arith.muli %sub3A_158, %mul3A_159 : i32
    %add3A_161 = arith.addi %mul3A_85, %mul3A_160 : i32
    %select_n3A_162 = arith.select %lt3A_152, %add3A_155, %add3A_161 : i32
    %select_n3A_163 = arith.select %lt3A, %select_n3A_162, %mul3A_76 : i32
    %multiple_of3A_164 = tpu.assume_multiple %select_n3A_163, 128 : i32
    %dma_wait3A_165 = tpu.memref_slice %arg3[%multiple_of3A_164] : memref<672768xi32, #tpu.memory_space<hbm>> -> memref<128xi32, #tpu.memory_space<hbm>>
    %dma_wait3A_166 = tpu.memref_slice %arg3[%multiple_of3A_164] : memref<672768xi32, #tpu.memory_space<hbm>> -> memref<128xi32, #tpu.memory_space<hbm>>
    tpu.wait_dma2 semaphore(%arg20 : memref<!tpu.dma_semaphore, #tpu.memory_space<semaphore_mem>>) src(%dma_wait3A_166 : memref<128xi32, #tpu.memory_space<hbm>>) dst(%arg10 : memref<128xi32, #tpu.memory_space<vmem>>)
    %dma_wait3A_167 = tpu.memref_slice %arg4[%multiple_of3A_164] : memref<672768xi32, #tpu.memory_space<hbm>> -> memref<128xi32, #tpu.memory_space<hbm>>
    %dma_wait3A_168 = tpu.memref_slice %arg4[%multiple_of3A_164] : memref<672768xi32, #tpu.memory_space<hbm>> -> memref<128xi32, #tpu.memory_space<hbm>>
    tpu.wait_dma2 semaphore(%arg20 : memref<!tpu.dma_semaphore, #tpu.memory_space<semaphore_mem>>) src(%dma_wait3A_168 : memref<128xi32, #tpu.memory_space<hbm>>) dst(%arg11 : memref<128xi32, #tpu.memory_space<vmem>>)
    %add3A_169 = arith.constant 1 : i32
    %add3A_170 = arith.addi %mul3A_88, %add3A_169 : i32
    %lt3A_171 = arith.cmpi slt, %add3A_170, %mul3A_88 : i32
    %mul3A_172 = arith.constant 4 : i32
    %mul3A_173 = arith.muli %mul3A_172, %reduce_sum3A_58 : i32
    %lt3A_174 = arith.cmpi slt, %add3A_170, %mul3A_173 : i32
    %mul3A_175 = arith.constant 128 : i32
    %mul3A_176 = arith.muli %add3A_170, %mul3A_175 : i32
    %add3A_177 = arith.addi %mul3A_76, %mul3A_176 : i32
    %mul3A_178 = arith.constant 4 : i32
    %mul3A_179 = arith.muli %mul3A_178, %reduce_sum3A_58 : i32
    %sub3A_180 = arith.subi %add3A_170, %mul3A_179 : i32
    %mul3A_181 = arith.constant 128 : i32
    %mul3A_182 = arith.muli %sub3A_180, %mul3A_181 : i32
    %add3A_183 = arith.addi %mul3A_85, %mul3A_182 : i32
    %select_n3A_184 = arith.select %lt3A_174, %add3A_177, %add3A_183 : i32
    %select_n3A_185 = arith.select %lt3A_171, %select_n3A_184, %mul3A_76 : i32
    %multiple_of3A_186 = tpu.assume_multiple %select_n3A_185, 128 : i32
    %dma_wait3A_187 = tpu.memref_slice %arg3[%multiple_of3A_186] : memref<672768xi32, #tpu.memory_space<hbm>> -> memref<128xi32, #tpu.memory_space<hbm>>
    %dma_wait3A_188 = tpu.memref_slice %arg3[%multiple_of3A_186] : memref<672768xi32, #tpu.memory_space<hbm>> -> memref<128xi32, #tpu.memory_space<hbm>>
    tpu.wait_dma2 semaphore(%arg21 : memref<!tpu.dma_semaphore, #tpu.memory_space<semaphore_mem>>) src(%dma_wait3A_188 : memref<128xi32, #tpu.memory_space<hbm>>) dst(%arg12 : memref<128xi32, #tpu.memory_space<vmem>>)
    %dma_wait3A_189 = tpu.memref_slice %arg4[%multiple_of3A_186] : memref<672768xi32, #tpu.memory_space<hbm>> -> memref<128xi32, #tpu.memory_space<hbm>>
    %dma_wait3A_190 = tpu.memref_slice %arg4[%multiple_of3A_186] : memref<672768xi32, #tpu.memory_space<hbm>> -> memref<128xi32, #tpu.memory_space<hbm>>
    tpu.wait_dma2 semaphore(%arg21 : memref<!tpu.dma_semaphore, #tpu.memory_space<semaphore_mem>>) src(%dma_wait3A_190 : memref<128xi32, #tpu.memory_space<hbm>>) dst(%arg13 : memref<128xi32, #tpu.memory_space<vmem>>)
    %barrier3A_191 = arith.constant 0 : index
    tpu.barrier barrier_id(%barrier3A_191)
    %mul3A_192 = arith.constant 640 : i32
    %mul3A_193 = arith.muli %arg1, %mul3A_192 : i32
    %mul3A_194 = arith.constant 10240 : i32
    %mul3A_195 = arith.muli %arg0, %mul3A_194 : i32
    %mul3A_196 = arith.constant 640 : i32
    %mul3A_197 = arith.muli %arg1, %mul3A_196 : i32
    %add3A_198 = arith.addi %mul3A_195, %mul3A_197 : i32
    "tpu.region"() ({
      %run_scoped3A = tpu.sem_alloc : memref<!tpu.dma_semaphore, #tpu.memory_space<semaphore_mem>>
      %dma_start3A_199 = arith.constant 0 : i32
      %dma_start3A_200 = tpu.memref_slice %arg6[%add3A_198, %dma_start3A_199] : memref<20480x128xf32, #tpu.memory_space<hbm>> -> memref<640x128xf32, #tpu.memory_space<hbm>>
      %dma_start3A_201 = arith.constant 0 : i32
      %dma_start3A_202 = tpu.memref_slice %arg7[%mul3A_193, %dma_start3A_201] : memref<10368x128xf32, #tpu.memory_space<vmem_shared>> -> memref<640x128xf32, #tpu.memory_space<vmem_shared>>
      tpu.enqueue_dma source(%dma_start3A_202 : memref<640x128xf32, #tpu.memory_space<vmem_shared>>) target(%dma_start3A_200 : memref<640x128xf32, #tpu.memory_space<hbm>>) target_semaphore(%run_scoped3A : memref<!tpu.dma_semaphore, #tpu.memory_space<semaphore_mem>>)
      %dma_wait3A_203 = arith.constant 0 : i32
      %dma_wait3A_204 = tpu.memref_slice %arg6[%add3A_198, %dma_wait3A_203] : memref<20480x128xf32, #tpu.memory_space<hbm>> -> memref<640x128xf32, #tpu.memory_space<hbm>>
      %dma_wait3A_205 = arith.constant 0 : i32
      %dma_wait3A_206 = tpu.memref_slice %arg7[%mul3A_193, %dma_wait3A_205] : memref<10368x128xf32, #tpu.memory_space<vmem_shared>> -> memref<640x128xf32, #tpu.memory_space<vmem_shared>>
      tpu.wait_dma2 semaphore(%run_scoped3A : memref<!tpu.dma_semaphore, #tpu.memory_space<semaphore_mem>>) src(%dma_wait3A_206 : memref<640x128xf32, #tpu.memory_space<vmem_shared>>) dst(%dma_wait3A_204 : memref<640x128xf32, #tpu.memory_space<hbm>>)
      tpu.yield
    }) : () -> ()
    return
  }
}

#map = affine_map<(d0, d1) -> (0, 0)>
#map1 = affine_map<(d0, d1) -> (0)>
module attributes {stable_mosaic.version = 14 : i64} {
  func.func @_sc_agg(%arg0: i32, %arg1: i32, %arg2: memref<10000x128xf32, #tpu.memory_space<hbm>>, %arg3: memref<672768xi32, #tpu.memory_space<hbm>>, %arg4: memref<672768xi32, #tpu.memory_space<hbm>>, %arg5: memref<32x16xi32, #tpu.memory_space<hbm>>, %arg6: memref<20480x128xf32, #tpu.memory_space<hbm>>, %arg7: memref<10368x128xf32, #tpu.memory_space<vmem_shared>>, %arg8: memref<16xi32, #tpu.memory_space<vmem>>, %arg9: memref<16xi32, #tpu.memory_space<vmem>>, %arg10: memref<128xi32, #tpu.memory_space<vmem>>, %arg11: memref<128xi32, #tpu.memory_space<vmem>>, %arg12: memref<128xi32, #tpu.memory_space<vmem>>, %arg13: memref<128xi32, #tpu.memory_space<vmem>>, %arg14: memref<128xi32, #tpu.memory_space<vmem>>, %arg15: memref<128xi32, #tpu.memory_space<vmem>>, %arg16: memref<128xi32, #tpu.memory_space<vmem>>, %arg17: memref<128xi32, #tpu.memory_space<vmem>>, %arg18: memref<128x128xf32, #tpu.memory_space<vmem>>, %arg19: memref<128x128xf32, #tpu.memory_space<vmem>>, %arg20: memref<!tpu.dma_semaphore, #tpu.memory_space<semaphore_mem>>, %arg21: memref<!tpu.dma_semaphore, #tpu.memory_space<semaphore_mem>>, %arg22: memref<!tpu.dma_semaphore, #tpu.memory_space<semaphore_mem>>, %arg23: memref<!tpu.dma_semaphore, #tpu.memory_space<semaphore_mem>>, %arg24: memref<!tpu.dma_semaphore, #tpu.memory_space<semaphore_mem>>, %arg25: memref<!tpu.dma_semaphore, #tpu.memory_space<semaphore_mem>>, %arg26: memref<!tpu.dma_semaphore, #tpu.memory_space<semaphore_mem>>, %arg27: memref<!tpu.dma_semaphore, #tpu.memory_space<semaphore_mem>>) attributes {dimension_semantics = [#tpu.dimension_semantics<core_parallel>, #tpu.dimension_semantics<subcore_parallel>], iteration_bounds = array<i64: 2, 16>, scalar_prefetch = 0 : i64, scratch_operands = 21 : i64, tpu.core_type = #tpu.core_type<sc_vector_subcore>, window_params = [{transform_indices = #map}, {transform_indices = #map1}, {transform_indices = #map1}, {transform_indices = #map}, {transform_indices = #map}]} {
    %broadcast_in_dim3A = arith.constant 0.000000e+00 : f32
    %broadcast_in_dim3A_0 = vector.broadcast %broadcast_in_dim3A : f32 to vector<16xf32>
    %broadcast_in_dim3A_1 = arith.constant 10240 : i32
    %broadcast_in_dim3A_2 = vector.broadcast %broadcast_in_dim3A_1 : i32 to vector<16xi32>
    %scan3A = arith.constant 0 : i32
    %scan3A_3 = arith.constant 0 : i32
    %scan3A_4 = arith.constant 128 : i32
    %scan3A_5 = arith.addi %scan3A_3, %scan3A_4 : i32
    %scan3A_6 = arith.constant 1 : i32
    scf.for %scan3A_199 = %scan3A_3 to %scan3A_5 step %scan3A_6  : i32 {
      %swap3A_200 = arith.index_cast %scan3A_199 : i32 to index
      %swap3A_201 = arith.constant 0 : index
      %swap3A_202 = tpu.vector_load %arg18[%swap3A_200, %swap3A_201] {strides = array<i32>} : memref<128x128xf32, #tpu.memory_space<vmem>>, vector<16xf32>,
      tpu.vector_store %arg18[%swap3A_200, %swap3A_201], %broadcast_in_dim3A_0 {strides = array<i32>} : memref<128x128xf32, #tpu.memory_space<vmem>>, vector<16xf32>,
      %swap3A_203 = arith.index_cast %scan3A_199 : i32 to index
      %swap3A_204 = arith.constant 0 : index
      %swap3A_205 = tpu.vector_load %arg19[%swap3A_203, %swap3A_204] {strides = array<i32>} : memref<128x128xf32, #tpu.memory_space<vmem>>, vector<16xf32>,
      tpu.vector_store %arg19[%swap3A_203, %swap3A_204], %broadcast_in_dim3A_0 {strides = array<i32>} : memref<128x128xf32, #tpu.memory_space<vmem>>, vector<16xf32>,
      %swap3A_206 = arith.index_cast %scan3A_199 : i32 to index
      %swap3A_207 = arith.constant 16 : index
      %swap3A_208 = tpu.vector_load %arg18[%swap3A_206, %swap3A_207] {strides = array<i32>} : memref<128x128xf32, #tpu.memory_space<vmem>>, vector<16xf32>,
      tpu.vector_store %arg18[%swap3A_206, %swap3A_207], %broadcast_in_dim3A_0 {strides = array<i32>} : memref<128x128xf32, #tpu.memory_space<vmem>>, vector<16xf32>,
      %swap3A_209 = arith.index_cast %scan3A_199 : i32 to index
      %swap3A_210 = arith.constant 16 : index
      %swap3A_211 = tpu.vector_load %arg19[%swap3A_209, %swap3A_210] {strides = array<i32>} : memref<128x128xf32, #tpu.memory_space<vmem>>, vector<16xf32>,
      tpu.vector_store %arg19[%swap3A_209, %swap3A_210], %broadcast_in_dim3A_0 {strides = array<i32>} : memref<128x128xf32, #tpu.memory_space<vmem>>, vector<16xf32>,
      %swap3A_212 = arith.index_cast %scan3A_199 : i32 to index
      %swap3A_213 = arith.constant 32 : index
      %swap3A_214 = tpu.vector_load %arg18[%swap3A_212, %swap3A_213] {strides = array<i32>} : memref<128x128xf32, #tpu.memory_space<vmem>>, vector<16xf32>,
      tpu.vector_store %arg18[%swap3A_212, %swap3A_213], %broadcast_in_dim3A_0 {strides = array<i32>} : memref<128x128xf32, #tpu.memory_space<vmem>>, vector<16xf32>,
      %swap3A_215 = arith.index_cast %scan3A_199 : i32 to index
      %swap3A_216 = arith.constant 32 : index
      %swap3A_217 = tpu.vector_load %arg19[%swap3A_215, %swap3A_216] {strides = array<i32>} : memref<128x128xf32, #tpu.memory_space<vmem>>, vector<16xf32>,
      tpu.vector_store %arg19[%swap3A_215, %swap3A_216], %broadcast_in_dim3A_0 {strides = array<i32>} : memref<128x128xf32, #tpu.memory_space<vmem>>, vector<16xf32>,
      %swap3A_218 = arith.index_cast %scan3A_199 : i32 to index
      %swap3A_219 = arith.constant 48 : index
      %swap3A_220 = tpu.vector_load %arg18[%swap3A_218, %swap3A_219] {strides = array<i32>} : memref<128x128xf32, #tpu.memory_space<vmem>>, vector<16xf32>,
      tpu.vector_store %arg18[%swap3A_218, %swap3A_219], %broadcast_in_dim3A_0 {strides = array<i32>} : memref<128x128xf32, #tpu.memory_space<vmem>>, vector<16xf32>,
      %swap3A_221 = arith.index_cast %scan3A_199 : i32 to index
      %swap3A_222 = arith.constant 48 : index
      %swap3A_223 = tpu.vector_load %arg19[%swap3A_221, %swap3A_222] {strides = array<i32>} : memref<128x128xf32, #tpu.memory_space<vmem>>, vector<16xf32>,
      tpu.vector_store %arg19[%swap3A_221, %swap3A_222], %broadcast_in_dim3A_0 {strides = array<i32>} : memref<128x128xf32, #tpu.memory_space<vmem>>, vector<16xf32>,
      %swap3A_224 = arith.index_cast %scan3A_199 : i32 to index
      %swap3A_225 = arith.constant 64 : index
      %swap3A_226 = tpu.vector_load %arg18[%swap3A_224, %swap3A_225] {strides = array<i32>} : memref<128x128xf32, #tpu.memory_space<vmem>>, vector<16xf32>,
      tpu.vector_store %arg18[%swap3A_224, %swap3A_225], %broadcast_in_dim3A_0 {strides = array<i32>} : memref<128x128xf32, #tpu.memory_space<vmem>>, vector<16xf32>,
      %swap3A_227 = arith.index_cast %scan3A_199 : i32 to index
      %swap3A_228 = arith.constant 64 : index
      %swap3A_229 = tpu.vector_load %arg19[%swap3A_227, %swap3A_228] {strides = array<i32>} : memref<128x128xf32, #tpu.memory_space<vmem>>, vector<16xf32>,
      tpu.vector_store %arg19[%swap3A_227, %swap3A_228], %broadcast_in_dim3A_0 {strides = array<i32>} : memref<128x128xf32, #tpu.memory_space<vmem>>, vector<16xf32>,
      %swap3A_230 = arith.index_cast %scan3A_199 : i32 to index
      %swap3A_231 = arith.constant 80 : index
      %swap3A_232 = tpu.vector_load %arg18[%swap3A_230, %swap3A_231] {strides = array<i32>} : memref<128x128xf32, #tpu.memory_space<vmem>>, vector<16xf32>,
      tpu.vector_store %arg18[%swap3A_230, %swap3A_231], %broadcast_in_dim3A_0 {strides = array<i32>} : memref<128x128xf32, #tpu.memory_space<vmem>>, vector<16xf32>,
      %swap3A_233 = arith.index_cast %scan3A_199 : i32 to index
      %swap3A_234 = arith.constant 80 : index
      %swap3A_235 = tpu.vector_load %arg19[%swap3A_233, %swap3A_234] {strides = array<i32>} : memref<128x128xf32, #tpu.memory_space<vmem>>, vector<16xf32>,
      tpu.vector_store %arg19[%swap3A_233, %swap3A_234], %broadcast_in_dim3A_0 {strides = array<i32>} : memref<128x128xf32, #tpu.memory_space<vmem>>, vector<16xf32>,
      %swap3A_236 = arith.index_cast %scan3A_199 : i32 to index
      %swap3A_237 = arith.constant 96 : index
      %swap3A_238 = tpu.vector_load %arg18[%swap3A_236, %swap3A_237] {strides = array<i32>} : memref<128x128xf32, #tpu.memory_space<vmem>>, vector<16xf32>,
      tpu.vector_store %arg18[%swap3A_236, %swap3A_237], %broadcast_in_dim3A_0 {strides = array<i32>} : memref<128x128xf32, #tpu.memory_space<vmem>>, vector<16xf32>,
      %swap3A_239 = arith.index_cast %scan3A_199 : i32 to index
      %swap3A_240 = arith.constant 96 : index
      %swap3A_241 = tpu.vector_load %arg19[%swap3A_239, %swap3A_240] {strides = array<i32>} : memref<128x128xf32, #tpu.memory_space<vmem>>, vector<16xf32>,
      tpu.vector_store %arg19[%swap3A_239, %swap3A_240], %broadcast_in_dim3A_0 {strides = array<i32>} : memref<128x128xf32, #tpu.memory_space<vmem>>, vector<16xf32>,
      %swap3A_242 = arith.index_cast %scan3A_199 : i32 to index
      %swap3A_243 = arith.constant 112 : index
      %swap3A_244 = tpu.vector_load %arg18[%swap3A_242, %swap3A_243] {strides = array<i32>} : memref<128x128xf32, #tpu.memory_space<vmem>>, vector<16xf32>,
      tpu.vector_store %arg18[%swap3A_242, %swap3A_243], %broadcast_in_dim3A_0 {strides = array<i32>} : memref<128x128xf32, #tpu.memory_space<vmem>>, vector<16xf32>,
      %swap3A_245 = arith.index_cast %scan3A_199 : i32 to index
      %swap3A_246 = arith.constant 112 : index
      %swap3A_247 = tpu.vector_load %arg19[%swap3A_245, %swap3A_246] {strides = array<i32>} : memref<128x128xf32, #tpu.memory_space<vmem>>, vector<16xf32>,
      tpu.vector_store %arg19[%swap3A_245, %swap3A_246], %broadcast_in_dim3A_0 {strides = array<i32>} : memref<128x128xf32, #tpu.memory_space<vmem>>, vector<16xf32>,
    }
    %scan3A_7 = arith.constant 128 : i32
    %swap3A = arith.constant 0 : index
    %swap3A_8 = tpu.vector_load %arg15[%swap3A] {strides = array<i32>} : memref<128xi32, #tpu.memory_space<vmem>>, vector<16xi32>,
    tpu.vector_store %arg15[%swap3A], %broadcast_in_dim3A_2 {strides = array<i32>} : memref<128xi32, #tpu.memory_space<vmem>>, vector<16xi32>,
    %swap3A_9 = arith.constant 0 : index
    %swap3A_10 = tpu.vector_load %arg17[%swap3A_9] {strides = array<i32>} : memref<128xi32, #tpu.memory_space<vmem>>, vector<16xi32>,
    tpu.vector_store %arg17[%swap3A_9], %broadcast_in_dim3A_2 {strides = array<i32>} : memref<128xi32, #tpu.memory_space<vmem>>, vector<16xi32>,
    %swap3A_11 = arith.constant 16 : index
    %swap3A_12 = tpu.vector_load %arg15[%swap3A_11] {strides = array<i32>} : memref<128xi32, #tpu.memory_space<vmem>>, vector<16xi32>,
    tpu.vector_store %arg15[%swap3A_11], %broadcast_in_dim3A_2 {strides = array<i32>} : memref<128xi32, #tpu.memory_space<vmem>>, vector<16xi32>,
    %swap3A_13 = arith.constant 16 : index
    %swap3A_14 = tpu.vector_load %arg17[%swap3A_13] {strides = array<i32>} : memref<128xi32, #tpu.memory_space<vmem>>, vector<16xi32>,
    tpu.vector_store %arg17[%swap3A_13], %broadcast_in_dim3A_2 {strides = array<i32>} : memref<128xi32, #tpu.memory_space<vmem>>, vector<16xi32>,
    %swap3A_15 = arith.constant 32 : index
    %swap3A_16 = tpu.vector_load %arg15[%swap3A_15] {strides = array<i32>} : memref<128xi32, #tpu.memory_space<vmem>>, vector<16xi32>,
    tpu.vector_store %arg15[%swap3A_15], %broadcast_in_dim3A_2 {strides = array<i32>} : memref<128xi32, #tpu.memory_space<vmem>>, vector<16xi32>,
    %swap3A_17 = arith.constant 32 : index
    %swap3A_18 = tpu.vector_load %arg17[%swap3A_17] {strides = array<i32>} : memref<128xi32, #tpu.memory_space<vmem>>, vector<16xi32>,
    tpu.vector_store %arg17[%swap3A_17], %broadcast_in_dim3A_2 {strides = array<i32>} : memref<128xi32, #tpu.memory_space<vmem>>, vector<16xi32>,
    %swap3A_19 = arith.constant 48 : index
    %swap3A_20 = tpu.vector_load %arg15[%swap3A_19] {strides = array<i32>} : memref<128xi32, #tpu.memory_space<vmem>>, vector<16xi32>,
    tpu.vector_store %arg15[%swap3A_19], %broadcast_in_dim3A_2 {strides = array<i32>} : memref<128xi32, #tpu.memory_space<vmem>>, vector<16xi32>,
    %swap3A_21 = arith.constant 48 : index
    %swap3A_22 = tpu.vector_load %arg17[%swap3A_21] {strides = array<i32>} : memref<128xi32, #tpu.memory_space<vmem>>, vector<16xi32>,
    tpu.vector_store %arg17[%swap3A_21], %broadcast_in_dim3A_2 {strides = array<i32>} : memref<128xi32, #tpu.memory_space<vmem>>, vector<16xi32>,
    %swap3A_23 = arith.constant 64 : index
    %swap3A_24 = tpu.vector_load %arg15[%swap3A_23] {strides = array<i32>} : memref<128xi32, #tpu.memory_space<vmem>>, vector<16xi32>,
    tpu.vector_store %arg15[%swap3A_23], %broadcast_in_dim3A_2 {strides = array<i32>} : memref<128xi32, #tpu.memory_space<vmem>>, vector<16xi32>,
    %swap3A_25 = arith.constant 64 : index
    %swap3A_26 = tpu.vector_load %arg17[%swap3A_25] {strides = array<i32>} : memref<128xi32, #tpu.memory_space<vmem>>, vector<16xi32>,
    tpu.vector_store %arg17[%swap3A_25], %broadcast_in_dim3A_2 {strides = array<i32>} : memref<128xi32, #tpu.memory_space<vmem>>, vector<16xi32>,
    %swap3A_27 = arith.constant 80 : index
    %swap3A_28 = tpu.vector_load %arg15[%swap3A_27] {strides = array<i32>} : memref<128xi32, #tpu.memory_space<vmem>>, vector<16xi32>,
    tpu.vector_store %arg15[%swap3A_27], %broadcast_in_dim3A_2 {strides = array<i32>} : memref<128xi32, #tpu.memory_space<vmem>>, vector<16xi32>,
    %swap3A_29 = arith.constant 80 : index
    %swap3A_30 = tpu.vector_load %arg17[%swap3A_29] {strides = array<i32>} : memref<128xi32, #tpu.memory_space<vmem>>, vector<16xi32>,
    tpu.vector_store %arg17[%swap3A_29], %broadcast_in_dim3A_2 {strides = array<i32>} : memref<128xi32, #tpu.memory_space<vmem>>, vector<16xi32>,
    %swap3A_31 = arith.constant 96 : index
    %swap3A_32 = tpu.vector_load %arg15[%swap3A_31] {strides = array<i32>} : memref<128xi32, #tpu.memory_space<vmem>>, vector<16xi32>,
    tpu.vector_store %arg15[%swap3A_31], %broadcast_in_dim3A_2 {strides = array<i32>} : memref<128xi32, #tpu.memory_space<vmem>>, vector<16xi32>,
    %swap3A_33 = arith.constant 96 : index
    %swap3A_34 = tpu.vector_load %arg17[%swap3A_33] {strides = array<i32>} : memref<128xi32, #tpu.memory_space<vmem>>, vector<16xi32>,
    tpu.vector_store %arg17[%swap3A_33], %broadcast_in_dim3A_2 {strides = array<i32>} : memref<128xi32, #tpu.memory_space<vmem>>, vector<16xi32>,
    %swap3A_35 = arith.constant 112 : index
    %swap3A_36 = tpu.vector_load %arg15[%swap3A_35] {strides = array<i32>} : memref<128xi32, #tpu.memory_space<vmem>>, vector<16xi32>,
    tpu.vector_store %arg15[%swap3A_35], %broadcast_in_dim3A_2 {strides = array<i32>} : memref<128xi32, #tpu.memory_space<vmem>>, vector<16xi32>,
    %swap3A_37 = arith.constant 112 : index
    %swap3A_38 = tpu.vector_load %arg17[%swap3A_37] {strides = array<i32>} : memref<128xi32, #tpu.memory_space<vmem>>, vector<16xi32>,
    tpu.vector_store %arg17[%swap3A_37], %broadcast_in_dim3A_2 {strides = array<i32>} : memref<128xi32, #tpu.memory_space<vmem>>, vector<16xi32>,
    %scan3A_39 = arith.constant 0 : i32
    %scan3A_40 = arith.constant 0 : i32
    %scan3A_41 = arith.constant 5 : i32
    %scan3A_42 = arith.addi %scan3A_40, %scan3A_41 : i32
    %scan3A_43 = arith.constant 1 : i32
    scf.for %scan3A_199 = %scan3A_40 to %scan3A_42 step %scan3A_43  : i32 {
      %mul3A_200 = arith.constant 648 : i32
      %mul3A_201 = arith.muli %arg1, %mul3A_200 : i32
      %mul3A_202 = arith.constant 128 : i32
      %mul3A_203 = arith.muli %scan3A_199, %mul3A_202 : i32
      %add3A_204 = arith.addi %mul3A_201, %mul3A_203 : i32
      "tpu.region"() ({
        %run_scoped3A = tpu.sem_alloc : memref<!tpu.dma_semaphore, #tpu.memory_space<semaphore_mem>>
        %dma_start3A_205 = arith.constant 0 : i32
        %dma_start3A_206 = tpu.memref_slice %arg7[%add3A_204, %dma_start3A_205] : memref<10368x128xf32, #tpu.memory_space<vmem_shared>> -> memref<128x128xf32, #tpu.memory_space<vmem_shared>>
        %dma_start3A_207 = arith.constant 0 : i32
        %dma_start3A_208 = tpu.memref_slice %arg7[%add3A_204, %dma_start3A_207] : memref<10368x128xf32, #tpu.memory_space<vmem_shared>> -> memref<128x128xf32, #tpu.memory_space<vmem_shared>>
        tpu.enqueue_dma source(%arg18 : memref<128x128xf32, #tpu.memory_space<vmem>>) target(%dma_start3A_208 : memref<128x128xf32, #tpu.memory_space<vmem_shared>>) target_semaphore(%run_scoped3A : memref<!tpu.dma_semaphore, #tpu.memory_space<semaphore_mem>>)
        %dma_wait3A_209 = arith.constant 0 : i32
        %dma_wait3A_210 = tpu.memref_slice %arg7[%add3A_204, %dma_wait3A_209] : memref<10368x128xf32, #tpu.memory_space<vmem_shared>> -> memref<128x128xf32, #tpu.memory_space<vmem_shared>>
        %dma_wait3A_211 = arith.constant 0 : i32
        %dma_wait3A_212 = tpu.memref_slice %arg7[%add3A_204, %dma_wait3A_211] : memref<10368x128xf32, #tpu.memory_space<vmem_shared>> -> memref<128x128xf32, #tpu.memory_space<vmem_shared>>
        tpu.wait_dma2 semaphore(%run_scoped3A : memref<!tpu.dma_semaphore, #tpu.memory_space<semaphore_mem>>) src(%arg18 : memref<128x128xf32, #tpu.memory_space<vmem>>) dst(%dma_wait3A_212 : memref<128x128xf32, #tpu.memory_space<vmem_shared>>)
        tpu.yield
      }) : () -> ()
    }
    %scan3A_44 = arith.constant 5 : i32
    %mul3A = arith.constant 648 : i32
    %mul3A_45 = arith.muli %arg1, %mul3A : i32
    %add3A = arith.constant 640 : i32
    %add3A_46 = arith.addi %mul3A_45, %add3A : i32
    "tpu.region"() ({
      %run_scoped3A = tpu.sem_alloc : memref<!tpu.dma_semaphore, #tpu.memory_space<semaphore_mem>>
      %dma_start3A_199 = arith.constant 0 : i32
      %dma_start3A_200 = arith.constant 0 : i32
      %dma_start3A_201 = tpu.memref_slice %arg18[%dma_start3A_199, %dma_start3A_200] : memref<128x128xf32, #tpu.memory_space<vmem>> -> memref<8x128xf32, #tpu.memory_space<vmem>>
      %dma_start3A_202 = arith.constant 0 : i32
      %dma_start3A_203 = tpu.memref_slice %arg7[%add3A_46, %dma_start3A_202] : memref<10368x128xf32, #tpu.memory_space<vmem_shared>> -> memref<8x128xf32, #tpu.memory_space<vmem_shared>>
      %dma_start3A_204 = arith.constant 0 : i32
      %dma_start3A_205 = tpu.memref_slice %arg7[%add3A_46, %dma_start3A_204] : memref<10368x128xf32, #tpu.memory_space<vmem_shared>> -> memref<8x128xf32, #tpu.memory_space<vmem_shared>>
      %dma_start3A_206 = arith.constant 0 : i32
      %dma_start3A_207 = arith.constant 0 : i32
      %dma_start3A_208 = tpu.memref_slice %arg18[%dma_start3A_206, %dma_start3A_207] : memref<128x128xf32, #tpu.memory_space<vmem>> -> memref<8x128xf32, #tpu.memory_space<vmem>>
      tpu.enqueue_dma source(%dma_start3A_208 : memref<8x128xf32, #tpu.memory_space<vmem>>) target(%dma_start3A_205 : memref<8x128xf32, #tpu.memory_space<vmem_shared>>) target_semaphore(%run_scoped3A : memref<!tpu.dma_semaphore, #tpu.memory_space<semaphore_mem>>)
      %dma_wait3A_209 = arith.constant 0 : i32
      %dma_wait3A_210 = arith.constant 0 : i32
      %dma_wait3A_211 = tpu.memref_slice %arg18[%dma_wait3A_209, %dma_wait3A_210] : memref<128x128xf32, #tpu.memory_space<vmem>> -> memref<8x128xf32, #tpu.memory_space<vmem>>
      %dma_wait3A_212 = arith.constant 0 : i32
      %dma_wait3A_213 = tpu.memref_slice %arg7[%add3A_46, %dma_wait3A_212] : memref<10368x128xf32, #tpu.memory_space<vmem_shared>> -> memref<8x128xf32, #tpu.memory_space<vmem_shared>>
      %dma_wait3A_214 = arith.constant 0 : i32
      %dma_wait3A_215 = tpu.memref_slice %arg7[%add3A_46, %dma_wait3A_214] : memref<10368x128xf32, #tpu.memory_space<vmem_shared>> -> memref<8x128xf32, #tpu.memory_space<vmem_shared>>
      %dma_wait3A_216 = arith.constant 0 : i32
      %dma_wait3A_217 = arith.constant 0 : i32
      %dma_wait3A_218 = tpu.memref_slice %arg18[%dma_wait3A_216, %dma_wait3A_217] : memref<128x128xf32, #tpu.memory_space<vmem>> -> memref<8x128xf32, #tpu.memory_space<vmem>>
      tpu.wait_dma2 semaphore(%run_scoped3A : memref<!tpu.dma_semaphore, #tpu.memory_space<semaphore_mem>>) src(%dma_wait3A_218 : memref<8x128xf32, #tpu.memory_space<vmem>>) dst(%dma_wait3A_215 : memref<8x128xf32, #tpu.memory_space<vmem_shared>>)
      tpu.yield
    }) : () -> ()
    %barrier3A = arith.constant 0 : index
    tpu.barrier barrier_id(%barrier3A)
    %mul3A_47 = arith.constant 2 : i32
    %mul3A_48 = arith.muli %mul3A_47, %arg1 : i32
    "tpu.region"() ({
      %run_scoped3A = tpu.sem_alloc : memref<!tpu.dma_semaphore, #tpu.memory_space<semaphore_mem>>
      %dma_start3A_199 = arith.constant 0 : i32
      %dma_start3A_200 = tpu.memref_slice %arg5[%mul3A_48, %dma_start3A_199] : memref<32x16xi32, #tpu.memory_space<hbm>> -> memref<1x16xi32, #tpu.memory_space<hbm>>
      %dma_start3A_201 = tpu.memref_squeeze %dma_start3A_200 : memref<1x16xi32, #tpu.memory_space<hbm>> -> memref<16xi32, #tpu.memory_space<hbm>>
      %dma_start3A_202 = arith.constant 0 : i32
      %dma_start3A_203 = tpu.memref_slice %arg5[%mul3A_48, %dma_start3A_202] : memref<32x16xi32, #tpu.memory_space<hbm>> -> memref<1x16xi32, #tpu.memory_space<hbm>>
      %dma_start3A_204 = tpu.memref_squeeze %dma_start3A_203 : memref<1x16xi32, #tpu.memory_space<hbm>> -> memref<16xi32, #tpu.memory_space<hbm>>
      tpu.enqueue_dma source(%dma_start3A_204 : memref<16xi32, #tpu.memory_space<hbm>>) target(%arg8 : memref<16xi32, #tpu.memory_space<vmem>>) target_semaphore(%run_scoped3A : memref<!tpu.dma_semaphore, #tpu.memory_space<semaphore_mem>>)
      %dma_wait3A_205 = arith.constant 0 : i32
      %dma_wait3A_206 = tpu.memref_slice %arg5[%mul3A_48, %dma_wait3A_205] : memref<32x16xi32, #tpu.memory_space<hbm>> -> memref<1x16xi32, #tpu.memory_space<hbm>>
      %dma_wait3A_207 = tpu.memref_squeeze %dma_wait3A_206 : memref<1x16xi32, #tpu.memory_space<hbm>> -> memref<16xi32, #tpu.memory_space<hbm>>
      %dma_wait3A_208 = arith.constant 0 : i32
      %dma_wait3A_209 = tpu.memref_slice %arg5[%mul3A_48, %dma_wait3A_208] : memref<32x16xi32, #tpu.memory_space<hbm>> -> memref<1x16xi32, #tpu.memory_space<hbm>>
      %dma_wait3A_210 = tpu.memref_squeeze %dma_wait3A_209 : memref<1x16xi32, #tpu.memory_space<hbm>> -> memref<16xi32, #tpu.memory_space<hbm>>
      tpu.wait_dma2 semaphore(%run_scoped3A : memref<!tpu.dma_semaphore, #tpu.memory_space<semaphore_mem>>) src(%dma_wait3A_210 : memref<16xi32, #tpu.memory_space<hbm>>) dst(%arg8 : memref<16xi32, #tpu.memory_space<vmem>>)
      tpu.yield
    }) : () -> ()
    %mul3A_49 = arith.constant 2 : i32
    %mul3A_50 = arith.muli %mul3A_49, %arg1 : i32
    %add3A_51 = arith.constant 1 : i32
    %add3A_52 = arith.addi %mul3A_50, %add3A_51 : i32
    "tpu.region"() ({
      %run_scoped3A = tpu.sem_alloc : memref<!tpu.dma_semaphore, #tpu.memory_space<semaphore_mem>>
      %dma_start3A_199 = arith.constant 0 : i32
      %dma_start3A_200 = tpu.memref_slice %arg5[%add3A_52, %dma_start3A_199] : memref<32x16xi32, #tpu.memory_space<hbm>> -> memref<1x16xi32, #tpu.memory_space<hbm>>
      %dma_start3A_201 = tpu.memref_squeeze %dma_start3A_200 : memref<1x16xi32, #tpu.memory_space<hbm>> -> memref<16xi32, #tpu.memory_space<hbm>>
      %dma_start3A_202 = arith.constant 0 : i32
      %dma_start3A_203 = tpu.memref_slice %arg5[%add3A_52, %dma_start3A_202] : memref<32x16xi32, #tpu.memory_space<hbm>> -> memref<1x16xi32, #tpu.memory_space<hbm>>
      %dma_start3A_204 = tpu.memref_squeeze %dma_start3A_203 : memref<1x16xi32, #tpu.memory_space<hbm>> -> memref<16xi32, #tpu.memory_space<hbm>>
      tpu.enqueue_dma source(%dma_start3A_204 : memref<16xi32, #tpu.memory_space<hbm>>) target(%arg9 : memref<16xi32, #tpu.memory_space<vmem>>) target_semaphore(%run_scoped3A : memref<!tpu.dma_semaphore, #tpu.memory_space<semaphore_mem>>)
      %dma_wait3A_205 = arith.constant 0 : i32
      %dma_wait3A_206 = tpu.memref_slice %arg5[%add3A_52, %dma_wait3A_205] : memref<32x16xi32, #tpu.memory_space<hbm>> -> memref<1x16xi32, #tpu.memory_space<hbm>>
      %dma_wait3A_207 = tpu.memref_squeeze %dma_wait3A_206 : memref<1x16xi32, #tpu.memory_space<hbm>> -> memref<16xi32, #tpu.memory_space<hbm>>
      %dma_wait3A_208 = arith.constant 0 : i32
      %dma_wait3A_209 = tpu.memref_slice %arg5[%add3A_52, %dma_wait3A_208] : memref<32x16xi32, #tpu.memory_space<hbm>> -> memref<1x16xi32, #tpu.memory_space<hbm>>
      %dma_wait3A_210 = tpu.memref_squeeze %dma_wait3A_209 : memref<1x16xi32, #tpu.memory_space<hbm>> -> memref<16xi32, #tpu.memory_space<hbm>>
      tpu.wait_dma2 semaphore(%run_scoped3A : memref<!tpu.dma_semaphore, #tpu.memory_space<semaphore_mem>>) src(%dma_wait3A_210 : memref<16xi32, #tpu.memory_space<hbm>>) dst(%arg9 : memref<16xi32, #tpu.memory_space<vmem>>)
      tpu.yield
    }) : () -> ()
    %iota3A = tpu.iota {dimensions = array<i32: 0>} : vector<16xi32>
    %eq3A = vector.broadcast %arg0 : i32 to vector<16xi32>
    %eq3A_53 = arith.cmpi eq, %iota3A, %eq3A : vector<16xi32>
    %get3A = arith.constant 0 : index
    %get3A_54 = tpu.vector_load %arg8[%get3A] {strides = array<i32>} : memref<16xi32, #tpu.memory_space<vmem>>, vector<16xi32>,
    %jit3A = arith.constant 0 : i32
    %broadcast_in_dim3A_55 = vector.broadcast %jit3A : i32 to vector<16xi32>
    %select_n3A = arith.select %eq3A_53, %get3A_54, %broadcast_in_dim3A_55 : vector<16xi1>, vector<16xi32>
    %reduce_sum3A = arith.constant true
    %reduce_sum3A_56 = vector.broadcast %reduce_sum3A : i1 to vector<16xi1>
    %reduce_sum3A_57 = tpu.scan <sum>, %select_n3A masked %reduce_sum3A_56 : vector<16xi32>, vector<16xi1> -> vector<16xi32>
    %reduce_sum3A_58 = vector.extract %reduce_sum3A_57[15] : i32 from vector<16xi32>
    %eq3A_59 = vector.broadcast %arg0 : i32 to vector<16xi32>
    %eq3A_60 = arith.cmpi eq, %iota3A, %eq3A_59 : vector<16xi32>
    %get3A_61 = arith.constant 0 : index
    %get3A_62 = tpu.vector_load %arg9[%get3A_61] {strides = array<i32>} : memref<16xi32, #tpu.memory_space<vmem>>, vector<16xi32>,
    %jit3A_63 = arith.constant 0 : i32
    %broadcast_in_dim3A_64 = vector.broadcast %jit3A_63 : i32 to vector<16xi32>
    %select_n3A_65 = arith.select %eq3A_60, %get3A_62, %broadcast_in_dim3A_64 : vector<16xi1>, vector<16xi32>
    %reduce_sum3A_66 = arith.constant true
    %reduce_sum3A_67 = vector.broadcast %reduce_sum3A_66 : i1 to vector<16xi1>
    %reduce_sum3A_68 = tpu.scan <sum>, %select_n3A_65 masked %reduce_sum3A_67 : vector<16xi32>, vector<16xi1> -> vector<16xi32>
    %reduce_sum3A_69 = vector.extract %reduce_sum3A_68[15] : i32 from vector<16xi32>
    %mul3A_70 = arith.constant 32 : i32
    %mul3A_71 = arith.muli %arg0, %mul3A_70 : i32
    %mul3A_72 = arith.constant 2 : i32
    %mul3A_73 = arith.muli %mul3A_72, %arg1 : i32
    %add3A_74 = arith.addi %mul3A_71, %mul3A_73 : i32
    %mul3A_75 = arith.constant 10512 : i32
    %mul3A_76 = arith.muli %add3A_74, %mul3A_75 : i32
    %mul3A_77 = arith.constant 32 : i32
    %mul3A_78 = arith.muli %arg0, %mul3A_77 : i32
    %mul3A_79 = arith.constant 2 : i32
    %mul3A_80 = arith.muli %mul3A_79, %arg1 : i32
    %add3A_81 = arith.addi %mul3A_78, %mul3A_80 : i32
    %add3A_82 = arith.constant 1 : i32
    %add3A_83 = arith.addi %add3A_81, %add3A_82 : i32
    %mul3A_84 = arith.constant 10512 : i32
    %mul3A_85 = arith.muli %add3A_83, %mul3A_84 : i32
    %add3A_86 = arith.addi %reduce_sum3A_58, %reduce_sum3A_69 : i32
    %mul3A_87 = arith.constant 4 : i32
    %mul3A_88 = arith.muli %mul3A_87, %add3A_86 : i32
    %gt3A = arith.constant 0 : i32
    %gt3A_89 = arith.cmpi sgt, %mul3A_88, %gt3A : i32
    %mul3A_90 = arith.constant 4 : i32
    %mul3A_91 = arith.muli %mul3A_90, %reduce_sum3A_58 : i32
    %gt3A_92 = arith.constant 0 : i32
    %gt3A_93 = arith.cmpi sgt, %mul3A_91, %gt3A_92 : i32
    %add3A_94 = arith.constant 0 : i32
    %add3A_95 = arith.addi %mul3A_76, %add3A_94 : i32
    %mul3A_96 = arith.constant 4 : i32
    %mul3A_97 = arith.muli %mul3A_96, %reduce_sum3A_58 : i32
    %sub3A = arith.constant 0 : i32
    %sub3A_98 = arith.subi %sub3A, %mul3A_97 : i32
    %mul3A_99 = arith.constant 128 : i32
    %mul3A_100 = arith.muli %sub3A_98, %mul3A_99 : i32
    %add3A_101 = arith.addi %mul3A_85, %mul3A_100 : i32
    %select_n3A_102 = arith.select %gt3A_93, %add3A_95, %add3A_101 : i32
    %select_n3A_103 = arith.select %gt3A_89, %select_n3A_102, %mul3A_76 : i32
    %multiple_of3A = tpu.assume_multiple %select_n3A_103, 128 : i32
    %dma_start3A = tpu.memref_slice %arg3[%multiple_of3A] : memref<672768xi32, #tpu.memory_space<hbm>> -> memref<128xi32, #tpu.memory_space<hbm>>
    %dma_start3A_104 = tpu.memref_slice %arg3[%multiple_of3A] : memref<672768xi32, #tpu.memory_space<hbm>> -> memref<128xi32, #tpu.memory_space<hbm>>
    tpu.enqueue_dma source(%dma_start3A_104 : memref<128xi32, #tpu.memory_space<hbm>>) target(%arg10 : memref<128xi32, #tpu.memory_space<vmem>>) target_semaphore(%arg20 : memref<!tpu.dma_semaphore, #tpu.memory_space<semaphore_mem>>)
    %dma_start3A_105 = tpu.memref_slice %arg4[%multiple_of3A] : memref<672768xi32, #tpu.memory_space<hbm>> -> memref<128xi32, #tpu.memory_space<hbm>>
    %dma_start3A_106 = tpu.memref_slice %arg4[%multiple_of3A] : memref<672768xi32, #tpu.memory_space<hbm>> -> memref<128xi32, #tpu.memory_space<hbm>>
    tpu.enqueue_dma source(%dma_start3A_106 : memref<128xi32, #tpu.memory_space<hbm>>) target(%arg11 : memref<128xi32, #tpu.memory_space<vmem>>) target_semaphore(%arg20 : memref<!tpu.dma_semaphore, #tpu.memory_space<semaphore_mem>>)
    %gt3A_107 = arith.constant 1 : i32
    %gt3A_108 = arith.cmpi sgt, %mul3A_88, %gt3A_107 : i32
    %mul3A_109 = arith.constant 4 : i32
    %mul3A_110 = arith.muli %mul3A_109, %reduce_sum3A_58 : i32
    %gt3A_111 = arith.constant 1 : i32
    %gt3A_112 = arith.cmpi sgt, %mul3A_110, %gt3A_111 : i32
    %add3A_113 = arith.constant 128 : i32
    %add3A_114 = arith.addi %mul3A_76, %add3A_113 : i32
    %mul3A_115 = arith.constant 4 : i32
    %mul3A_116 = arith.muli %mul3A_115, %reduce_sum3A_58 : i32
    %sub3A_117 = arith.constant 1 : i32
    %sub3A_118 = arith.subi %sub3A_117, %mul3A_116 : i32
    %mul3A_119 = arith.constant 128 : i32
    %mul3A_120 = arith.muli %sub3A_118, %mul3A_119 : i32
    %add3A_121 = arith.addi %mul3A_85, %mul3A_120 : i32
    %select_n3A_122 = arith.select %gt3A_112, %add3A_114, %add3A_121 : i32
    %select_n3A_123 = arith.select %gt3A_108, %select_n3A_122, %mul3A_76 : i32
    %multiple_of3A_124 = tpu.assume_multiple %select_n3A_123, 128 : i32
    %dma_start3A_125 = tpu.memref_slice %arg3[%multiple_of3A_124] : memref<672768xi32, #tpu.memory_space<hbm>> -> memref<128xi32, #tpu.memory_space<hbm>>
    %dma_start3A_126 = tpu.memref_slice %arg3[%multiple_of3A_124] : memref<672768xi32, #tpu.memory_space<hbm>> -> memref<128xi32, #tpu.memory_space<hbm>>
    tpu.enqueue_dma source(%dma_start3A_126 : memref<128xi32, #tpu.memory_space<hbm>>) target(%arg12 : memref<128xi32, #tpu.memory_space<vmem>>) target_semaphore(%arg21 : memref<!tpu.dma_semaphore, #tpu.memory_space<semaphore_mem>>)
    %dma_start3A_127 = tpu.memref_slice %arg4[%multiple_of3A_124] : memref<672768xi32, #tpu.memory_space<hbm>> -> memref<128xi32, #tpu.memory_space<hbm>>
    %dma_start3A_128 = tpu.memref_slice %arg4[%multiple_of3A_124] : memref<672768xi32, #tpu.memory_space<hbm>> -> memref<128xi32, #tpu.memory_space<hbm>>
    tpu.enqueue_dma source(%dma_start3A_128 : memref<128xi32, #tpu.memory_space<hbm>>) target(%arg13 : memref<128xi32, #tpu.memory_space<vmem>>) target_semaphore(%arg21 : memref<!tpu.dma_semaphore, #tpu.memory_space<semaphore_mem>>)
    %dma_start3A_129 = arith.constant 0 : i32
    %dma_start3A_130 = arith.constant 0 : i32
    %dma_start3A_131 = tpu.memref_slice %arg7[%dma_start3A_129, %dma_start3A_130] : memref<10368x128xf32, #tpu.memory_space<vmem_shared>> -> memref<10368x128xf32, #tpu.memory_space<vmem_shared>>
    tpu.enqueue_indirect_dma source(%arg18 : memref<128x128xf32, #tpu.memory_space<vmem>>) target(%dma_start3A_131 : memref<10368x128xf32, #tpu.memory_space<vmem_shared>>) offsets(%arg15 : memref<128xi32, #tpu.memory_space<vmem>>) semaphore(%arg26 : memref<!tpu.dma_semaphore, #tpu.memory_space<semaphore_mem>>) {add = true}
    %dma_start3A_132 = arith.constant 0 : i32
    %dma_start3A_133 = arith.constant 0 : i32
    %dma_start3A_134 = tpu.memref_slice %arg7[%dma_start3A_132, %dma_start3A_133] : memref<10368x128xf32, #tpu.memory_space<vmem_shared>> -> memref<10368x128xf32, #tpu.memory_space<vmem_shared>>
    tpu.enqueue_indirect_dma source(%arg19 : memref<128x128xf32, #tpu.memory_space<vmem>>) target(%dma_start3A_134 : memref<10368x128xf32, #tpu.memory_space<vmem_shared>>) offsets(%arg17 : memref<128xi32, #tpu.memory_space<vmem>>) semaphore(%arg27 : memref<!tpu.dma_semaphore, #tpu.memory_space<semaphore_mem>>) {add = true}
    %add3A_135 = arith.addi %reduce_sum3A_58, %reduce_sum3A_69 : i32
    %while3A = arith.constant 0 : i32
    %while3A_136 = arith.constant 0 : i32
    %while3A_137 = arith.subi %add3A_135, %while3A_136 : i32
    %while3A_138 = arith.addi %while3A_136, %while3A_137 : i32
    %while3A_139 = arith.constant 1 : i32
    %while3A_140 = arith.divsi %while3A_137, %while3A_139 : i32
    %while3A_141 = arith.muli %while3A_140, %while3A_139 : i32
    %while3A_142 = arith.addi %while3A_136, %while3A_141 : i32
    %while3A_143 = arith.constant 1 : i32
    scf.for %while3A_199 = %while3A_136 to %while3A_142 step %while3A_143  : i32 {
      %mul3A_200 = arith.constant 4 : i32
      %mul3A_201 = arith.muli %mul3A_200, %while3A_199 : i32
      %mul3A_202 = arith.constant 4 : i32
      %mul3A_203 = arith.muli %mul3A_202, %reduce_sum3A_58 : i32
      %lt3A_204 = arith.cmpi slt, %mul3A_201, %mul3A_203 : i32
      %mul3A_205 = arith.constant 128 : i32
      %mul3A_206 = arith.muli %mul3A_201, %mul3A_205 : i32
      %add3A_207 = arith.addi %mul3A_76, %mul3A_206 : i32
      %mul3A_208 = arith.constant 4 : i32
      %mul3A_209 = arith.muli %mul3A_208, %reduce_sum3A_58 : i32
      %sub3A_210 = arith.subi %mul3A_201, %mul3A_209 : i32
      %mul3A_211 = arith.constant 128 : i32
      %mul3A_212 = arith.muli %sub3A_210, %mul3A_211 : i32
      %add3A_213 = arith.addi %mul3A_85, %mul3A_212 : i32
      %select_n3A_214 = arith.select %lt3A_204, %add3A_207, %add3A_213 : i32
      %multiple_of3A_215 = tpu.assume_multiple %select_n3A_214, 128 : i32
      %dma_wait3A_216 = tpu.memref_slice %arg3[%multiple_of3A_215] : memref<672768xi32, #tpu.memory_space<hbm>> -> memref<128xi32, #tpu.memory_space<hbm>>
      %dma_wait3A_217 = tpu.memref_slice %arg3[%multiple_of3A_215] : memref<672768xi32, #tpu.memory_space<hbm>> -> memref<128xi32, #tpu.memory_space<hbm>>
      tpu.wait_dma2 semaphore(%arg20 : memref<!tpu.dma_semaphore, #tpu.memory_space<semaphore_mem>>) src(%dma_wait3A_217 : memref<128xi32, #tpu.memory_space<hbm>>) dst(%arg10 : memref<128xi32, #tpu.memory_space<vmem>>)
      %dma_wait3A_218 = tpu.memref_slice %arg4[%multiple_of3A_215] : memref<672768xi32, #tpu.memory_space<hbm>> -> memref<128xi32, #tpu.memory_space<hbm>>
      %dma_wait3A_219 = tpu.memref_slice %arg4[%multiple_of3A_215] : memref<672768xi32, #tpu.memory_space<hbm>> -> memref<128xi32, #tpu.memory_space<hbm>>
      tpu.wait_dma2 semaphore(%arg20 : memref<!tpu.dma_semaphore, #tpu.memory_space<semaphore_mem>>) src(%dma_wait3A_219 : memref<128xi32, #tpu.memory_space<hbm>>) dst(%arg11 : memref<128xi32, #tpu.memory_space<vmem>>)
      %dma_wait3A_220 = arith.constant 0 : i32
      %dma_wait3A_221 = arith.constant 0 : i32
      %dma_wait3A_222 = tpu.memref_slice %arg7[%dma_wait3A_220, %dma_wait3A_221] : memref<10368x128xf32, #tpu.memory_space<vmem_shared>> -> memref<10368x128xf32, #tpu.memory_space<vmem_shared>>
      tpu.wait_indirect_dma semaphore(%arg26 : memref<!tpu.dma_semaphore, #tpu.memory_space<semaphore_mem>>) src(%arg18 : memref<128x128xf32, #tpu.memory_space<vmem>>) dst(%dma_wait3A_222 : memref<10368x128xf32, #tpu.memory_space<vmem_shared>>)
      %add3A_223 = arith.constant 2 : i32
      %add3A_224 = arith.addi %mul3A_201, %add3A_223 : i32
      %mul3A_225 = arith.constant 4 : i32
      %mul3A_226 = arith.muli %mul3A_225, %reduce_sum3A_58 : i32
      %lt3A_227 = arith.cmpi slt, %add3A_224, %mul3A_226 : i32
      %mul3A_228 = arith.constant 128 : i32
      %mul3A_229 = arith.muli %add3A_224, %mul3A_228 : i32
      %add3A_230 = arith.addi %mul3A_76, %mul3A_229 : i32
      %mul3A_231 = arith.constant 4 : i32
      %mul3A_232 = arith.muli %mul3A_231, %reduce_sum3A_58 : i32
      %sub3A_233 = arith.subi %add3A_224, %mul3A_232 : i32
      %mul3A_234 = arith.constant 128 : i32
      %mul3A_235 = arith.muli %sub3A_233, %mul3A_234 : i32
      %add3A_236 = arith.addi %mul3A_85, %mul3A_235 : i32
      %select_n3A_237 = arith.select %lt3A_227, %add3A_230, %add3A_236 : i32
      %multiple_of3A_238 = tpu.assume_multiple %select_n3A_237, 128 : i32
      %dma_start3A_239 = tpu.memref_slice %arg3[%multiple_of3A_238] : memref<672768xi32, #tpu.memory_space<hbm>> -> memref<128xi32, #tpu.memory_space<hbm>>
      %dma_start3A_240 = tpu.memref_slice %arg3[%multiple_of3A_238] : memref<672768xi32, #tpu.memory_space<hbm>> -> memref<128xi32, #tpu.memory_space<hbm>>
      tpu.enqueue_dma source(%dma_start3A_240 : memref<128xi32, #tpu.memory_space<hbm>>) target(%arg14 : memref<128xi32, #tpu.memory_space<vmem>>) target_semaphore(%arg22 : memref<!tpu.dma_semaphore, #tpu.memory_space<semaphore_mem>>)
      %dma_start3A_241 = tpu.memref_slice %arg4[%multiple_of3A_238] : memref<672768xi32, #tpu.memory_space<hbm>> -> memref<128xi32, #tpu.memory_space<hbm>>
      %dma_start3A_242 = tpu.memref_slice %arg4[%multiple_of3A_238] : memref<672768xi32, #tpu.memory_space<hbm>> -> memref<128xi32, #tpu.memory_space<hbm>>
      tpu.enqueue_dma source(%dma_start3A_242 : memref<128xi32, #tpu.memory_space<hbm>>) target(%arg15 : memref<128xi32, #tpu.memory_space<vmem>>) target_semaphore(%arg22 : memref<!tpu.dma_semaphore, #tpu.memory_space<semaphore_mem>>)
      %dma_start3A_243 = arith.constant 0 : i32
      %dma_start3A_244 = arith.constant 0 : i32
      %dma_start3A_245 = tpu.memref_slice %arg2[%dma_start3A_243, %dma_start3A_244] : memref<10000x128xf32, #tpu.memory_space<hbm>> -> memref<10000x128xf32, #tpu.memory_space<hbm>>
      tpu.enqueue_indirect_dma source(%dma_start3A_245 : memref<10000x128xf32, #tpu.memory_space<hbm>>) target(%arg18 : memref<128x128xf32, #tpu.memory_space<vmem>>) offsets(%arg10 : memref<128xi32, #tpu.memory_space<vmem>>) semaphore(%arg24 : memref<!tpu.dma_semaphore, #tpu.memory_space<semaphore_mem>>)
      %add3A_246 = arith.constant 1 : i32
      %add3A_247 = arith.addi %mul3A_201, %add3A_246 : i32
      %mul3A_248 = arith.constant 4 : i32
      %mul3A_249 = arith.muli %mul3A_248, %reduce_sum3A_58 : i32
      %lt3A_250 = arith.cmpi slt, %add3A_247, %mul3A_249 : i32
      %mul3A_251 = arith.constant 128 : i32
      %mul3A_252 = arith.muli %add3A_247, %mul3A_251 : i32
      %add3A_253 = arith.addi %mul3A_76, %mul3A_252 : i32
      %mul3A_254 = arith.constant 4 : i32
      %mul3A_255 = arith.muli %mul3A_254, %reduce_sum3A_58 : i32
      %sub3A_256 = arith.subi %add3A_247, %mul3A_255 : i32
      %mul3A_257 = arith.constant 128 : i32
      %mul3A_258 = arith.muli %sub3A_256, %mul3A_257 : i32
      %add3A_259 = arith.addi %mul3A_85, %mul3A_258 : i32
      %select_n3A_260 = arith.select %lt3A_250, %add3A_253, %add3A_259 : i32
      %multiple_of3A_261 = tpu.assume_multiple %select_n3A_260, 128 : i32
      %dma_wait3A_262 = tpu.memref_slice %arg3[%multiple_of3A_261] : memref<672768xi32, #tpu.memory_space<hbm>> -> memref<128xi32, #tpu.memory_space<hbm>>
      %dma_wait3A_263 = tpu.memref_slice %arg3[%multiple_of3A_261] : memref<672768xi32, #tpu.memory_space<hbm>> -> memref<128xi32, #tpu.memory_space<hbm>>
      tpu.wait_dma2 semaphore(%arg21 : memref<!tpu.dma_semaphore, #tpu.memory_space<semaphore_mem>>) src(%dma_wait3A_263 : memref<128xi32, #tpu.memory_space<hbm>>) dst(%arg12 : memref<128xi32, #tpu.memory_space<vmem>>)
      %dma_wait3A_264 = tpu.memref_slice %arg4[%multiple_of3A_261] : memref<672768xi32, #tpu.memory_space<hbm>> -> memref<128xi32, #tpu.memory_space<hbm>>
      %dma_wait3A_265 = tpu.memref_slice %arg4[%multiple_of3A_261] : memref<672768xi32, #tpu.memory_space<hbm>> -> memref<128xi32, #tpu.memory_space<hbm>>
      tpu.wait_dma2 semaphore(%arg21 : memref<!tpu.dma_semaphore, #tpu.memory_space<semaphore_mem>>) src(%dma_wait3A_265 : memref<128xi32, #tpu.memory_space<hbm>>) dst(%arg13 : memref<128xi32, #tpu.memory_space<vmem>>)
      %dma_wait3A_266 = arith.constant 0 : i32
      %dma_wait3A_267 = arith.constant 0 : i32
      %dma_wait3A_268 = tpu.memref_slice %arg7[%dma_wait3A_266, %dma_wait3A_267] : memref<10368x128xf32, #tpu.memory_space<vmem_shared>> -> memref<10368x128xf32, #tpu.memory_space<vmem_shared>>
      tpu.wait_indirect_dma semaphore(%arg27 : memref<!tpu.dma_semaphore, #tpu.memory_space<semaphore_mem>>) src(%arg19 : memref<128x128xf32, #tpu.memory_space<vmem>>) dst(%dma_wait3A_268 : memref<10368x128xf32, #tpu.memory_space<vmem_shared>>)
      %add3A_269 = arith.constant 3 : i32
      %add3A_270 = arith.addi %mul3A_201, %add3A_269 : i32
      %mul3A_271 = arith.constant 4 : i32
      %mul3A_272 = arith.muli %mul3A_271, %reduce_sum3A_58 : i32
      %lt3A_273 = arith.cmpi slt, %add3A_270, %mul3A_272 : i32
      %mul3A_274 = arith.constant 128 : i32
      %mul3A_275 = arith.muli %add3A_270, %mul3A_274 : i32
      %add3A_276 = arith.addi %mul3A_76, %mul3A_275 : i32
      %mul3A_277 = arith.constant 4 : i32
      %mul3A_278 = arith.muli %mul3A_277, %reduce_sum3A_58 : i32
      %sub3A_279 = arith.subi %add3A_270, %mul3A_278 : i32
      %mul3A_280 = arith.constant 128 : i32
      %mul3A_281 = arith.muli %sub3A_279, %mul3A_280 : i32
      %add3A_282 = arith.addi %mul3A_85, %mul3A_281 : i32
      %select_n3A_283 = arith.select %lt3A_273, %add3A_276, %add3A_282 : i32
      %multiple_of3A_284 = tpu.assume_multiple %select_n3A_283, 128 : i32
      %dma_start3A_285 = tpu.memref_slice %arg3[%multiple_of3A_284] : memref<672768xi32, #tpu.memory_space<hbm>> -> memref<128xi32, #tpu.memory_space<hbm>>
      %dma_start3A_286 = tpu.memref_slice %arg3[%multiple_of3A_284] : memref<672768xi32, #tpu.memory_space<hbm>> -> memref<128xi32, #tpu.memory_space<hbm>>
      tpu.enqueue_dma source(%dma_start3A_286 : memref<128xi32, #tpu.memory_space<hbm>>) target(%arg16 : memref<128xi32, #tpu.memory_space<vmem>>) target_semaphore(%arg23 : memref<!tpu.dma_semaphore, #tpu.memory_space<semaphore_mem>>)
      %dma_start3A_287 = tpu.memref_slice %arg4[%multiple_of3A_284] : memref<672768xi32, #tpu.memory_space<hbm>> -> memref<128xi32, #tpu.memory_space<hbm>>
      %dma_start3A_288 = tpu.memref_slice %arg4[%multiple_of3A_284] : memref<672768xi32, #tpu.memory_space<hbm>> -> memref<128xi32, #tpu.memory_space<hbm>>
      tpu.enqueue_dma source(%dma_start3A_288 : memref<128xi32, #tpu.memory_space<hbm>>) target(%arg17 : memref<128xi32, #tpu.memory_space<vmem>>) target_semaphore(%arg23 : memref<!tpu.dma_semaphore, #tpu.memory_space<semaphore_mem>>)
      %dma_start3A_289 = arith.constant 0 : i32
      %dma_start3A_290 = arith.constant 0 : i32
      %dma_start3A_291 = tpu.memref_slice %arg2[%dma_start3A_289, %dma_start3A_290] : memref<10000x128xf32, #tpu.memory_space<hbm>> -> memref<10000x128xf32, #tpu.memory_space<hbm>>
      tpu.enqueue_indirect_dma source(%dma_start3A_291 : memref<10000x128xf32, #tpu.memory_space<hbm>>) target(%arg19 : memref<128x128xf32, #tpu.memory_space<vmem>>) offsets(%arg12 : memref<128xi32, #tpu.memory_space<vmem>>) semaphore(%arg25 : memref<!tpu.dma_semaphore, #tpu.memory_space<semaphore_mem>>)
      %dma_wait3A_292 = arith.constant 0 : i32
      %dma_wait3A_293 = arith.constant 0 : i32
      %dma_wait3A_294 = tpu.memref_slice %arg2[%dma_wait3A_292, %dma_wait3A_293] : memref<10000x128xf32, #tpu.memory_space<hbm>> -> memref<10000x128xf32, #tpu.memory_space<hbm>>
      tpu.wait_indirect_dma semaphore(%arg24 : memref<!tpu.dma_semaphore, #tpu.memory_space<semaphore_mem>>) src(%dma_wait3A_294 : memref<10000x128xf32, #tpu.memory_space<hbm>>) dst(%arg18 : memref<128x128xf32, #tpu.memory_space<vmem>>)
      %dma_start3A_295 = arith.constant 0 : i32
      %dma_start3A_296 = arith.constant 0 : i32
      %dma_start3A_297 = tpu.memref_slice %arg7[%dma_start3A_295, %dma_start3A_296] : memref<10368x128xf32, #tpu.memory_space<vmem_shared>> -> memref<10368x128xf32, #tpu.memory_space<vmem_shared>>
      tpu.enqueue_indirect_dma source(%arg18 : memref<128x128xf32, #tpu.memory_space<vmem>>) target(%dma_start3A_297 : memref<10368x128xf32, #tpu.memory_space<vmem_shared>>) offsets(%arg11 : memref<128xi32, #tpu.memory_space<vmem>>) semaphore(%arg26 : memref<!tpu.dma_semaphore, #tpu.memory_space<semaphore_mem>>) {add = true}
      %dma_wait3A_298 = arith.constant 0 : i32
      %dma_wait3A_299 = arith.constant 0 : i32
      %dma_wait3A_300 = tpu.memref_slice %arg2[%dma_wait3A_298, %dma_wait3A_299] : memref<10000x128xf32, #tpu.memory_space<hbm>> -> memref<10000x128xf32, #tpu.memory_space<hbm>>
      tpu.wait_indirect_dma semaphore(%arg25 : memref<!tpu.dma_semaphore, #tpu.memory_space<semaphore_mem>>) src(%dma_wait3A_300 : memref<10000x128xf32, #tpu.memory_space<hbm>>) dst(%arg19 : memref<128x128xf32, #tpu.memory_space<vmem>>)
      %dma_start3A_301 = arith.constant 0 : i32
      %dma_start3A_302 = arith.constant 0 : i32
      %dma_start3A_303 = tpu.memref_slice %arg7[%dma_start3A_301, %dma_start3A_302] : memref<10368x128xf32, #tpu.memory_space<vmem_shared>> -> memref<10368x128xf32, #tpu.memory_space<vmem_shared>>
      tpu.enqueue_indirect_dma source(%arg19 : memref<128x128xf32, #tpu.memory_space<vmem>>) target(%dma_start3A_303 : memref<10368x128xf32, #tpu.memory_space<vmem_shared>>) offsets(%arg13 : memref<128xi32, #tpu.memory_space<vmem>>) semaphore(%arg27 : memref<!tpu.dma_semaphore, #tpu.memory_space<semaphore_mem>>) {add = true}
      %dma_wait3A_304 = arith.constant 0 : i32
      %dma_wait3A_305 = arith.constant 0 : i32
      %dma_wait3A_306 = tpu.memref_slice %arg7[%dma_wait3A_304, %dma_wait3A_305] : memref<10368x128xf32, #tpu.memory_space<vmem_shared>> -> memref<10368x128xf32, #tpu.memory_space<vmem_shared>>
      tpu.wait_indirect_dma semaphore(%arg26 : memref<!tpu.dma_semaphore, #tpu.memory_space<semaphore_mem>>) src(%arg18 : memref<128x128xf32, #tpu.memory_space<vmem>>) dst(%dma_wait3A_306 : memref<10368x128xf32, #tpu.memory_space<vmem_shared>>)
      %add3A_307 = arith.constant 4 : i32
      %add3A_308 = arith.addi %mul3A_201, %add3A_307 : i32
      %lt3A_309 = arith.cmpi slt, %add3A_308, %mul3A_88 : i32
      %mul3A_310 = arith.constant 4 : i32
      %mul3A_311 = arith.muli %mul3A_310, %reduce_sum3A_58 : i32
      %lt3A_312 = arith.cmpi slt, %add3A_308, %mul3A_311 : i32
      %mul3A_313 = arith.constant 128 : i32
      %mul3A_314 = arith.muli %add3A_308, %mul3A_313 : i32
      %add3A_315 = arith.addi %mul3A_76, %mul3A_314 : i32
      %mul3A_316 = arith.constant 4 : i32
      %mul3A_317 = arith.muli %mul3A_316, %reduce_sum3A_58 : i32
      %sub3A_318 = arith.subi %add3A_308, %mul3A_317 : i32
      %mul3A_319 = arith.constant 128 : i32
      %mul3A_320 = arith.muli %sub3A_318, %mul3A_319 : i32
      %add3A_321 = arith.addi %mul3A_85, %mul3A_320 : i32
      %select_n3A_322 = arith.select %lt3A_312, %add3A_315, %add3A_321 : i32
      %select_n3A_323 = arith.select %lt3A_309, %select_n3A_322, %mul3A_76 : i32
      %multiple_of3A_324 = tpu.assume_multiple %select_n3A_323, 128 : i32
      %dma_start3A_325 = tpu.memref_slice %arg3[%multiple_of3A_324] : memref<672768xi32, #tpu.memory_space<hbm>> -> memref<128xi32, #tpu.memory_space<hbm>>
      %dma_start3A_326 = tpu.memref_slice %arg3[%multiple_of3A_324] : memref<672768xi32, #tpu.memory_space<hbm>> -> memref<128xi32, #tpu.memory_space<hbm>>
      tpu.enqueue_dma source(%dma_start3A_326 : memref<128xi32, #tpu.memory_space<hbm>>) target(%arg10 : memref<128xi32, #tpu.memory_space<vmem>>) target_semaphore(%arg20 : memref<!tpu.dma_semaphore, #tpu.memory_space<semaphore_mem>>)
      %dma_start3A_327 = tpu.memref_slice %arg4[%multiple_of3A_324] : memref<672768xi32, #tpu.memory_space<hbm>> -> memref<128xi32, #tpu.memory_space<hbm>>
      %dma_start3A_328 = tpu.memref_slice %arg4[%multiple_of3A_324] : memref<672768xi32, #tpu.memory_space<hbm>> -> memref<128xi32, #tpu.memory_space<hbm>>
      tpu.enqueue_dma source(%dma_start3A_328 : memref<128xi32, #tpu.memory_space<hbm>>) target(%arg11 : memref<128xi32, #tpu.memory_space<vmem>>) target_semaphore(%arg20 : memref<!tpu.dma_semaphore, #tpu.memory_space<semaphore_mem>>)
      %add3A_329 = arith.constant 2 : i32
      %add3A_330 = arith.addi %mul3A_201, %add3A_329 : i32
      %mul3A_331 = arith.constant 4 : i32
      %mul3A_332 = arith.muli %mul3A_331, %reduce_sum3A_58 : i32
      %lt3A_333 = arith.cmpi slt, %add3A_330, %mul3A_332 : i32
      %mul3A_334 = arith.constant 128 : i32
      %mul3A_335 = arith.muli %add3A_330, %mul3A_334 : i32
      %add3A_336 = arith.addi %mul3A_76, %mul3A_335 : i32
      %mul3A_337 = arith.constant 4 : i32
      %mul3A_338 = arith.muli %mul3A_337, %reduce_sum3A_58 : i32
      %sub3A_339 = arith.subi %add3A_330, %mul3A_338 : i32
      %mul3A_340 = arith.constant 128 : i32
      %mul3A_341 = arith.muli %sub3A_339, %mul3A_340 : i32
      %add3A_342 = arith.addi %mul3A_85, %mul3A_341 : i32
      %select_n3A_343 = arith.select %lt3A_333, %add3A_336, %add3A_342 : i32
      %multiple_of3A_344 = tpu.assume_multiple %select_n3A_343, 128 : i32
      %dma_wait3A_345 = tpu.memref_slice %arg3[%multiple_of3A_344] : memref<672768xi32, #tpu.memory_space<hbm>> -> memref<128xi32, #tpu.memory_space<hbm>>
      %dma_wait3A_346 = tpu.memref_slice %arg3[%multiple_of3A_344] : memref<672768xi32, #tpu.memory_space<hbm>> -> memref<128xi32, #tpu.memory_space<hbm>>
      tpu.wait_dma2 semaphore(%arg22 : memref<!tpu.dma_semaphore, #tpu.memory_space<semaphore_mem>>) src(%dma_wait3A_346 : memref<128xi32, #tpu.memory_space<hbm>>) dst(%arg14 : memref<128xi32, #tpu.memory_space<vmem>>)
      %dma_wait3A_347 = tpu.memref_slice %arg4[%multiple_of3A_344] : memref<672768xi32, #tpu.memory_space<hbm>> -> memref<128xi32, #tpu.memory_space<hbm>>
      %dma_wait3A_348 = tpu.memref_slice %arg4[%multiple_of3A_344] : memref<672768xi32, #tpu.memory_space<hbm>> -> memref<128xi32, #tpu.memory_space<hbm>>
      tpu.wait_dma2 semaphore(%arg22 : memref<!tpu.dma_semaphore, #tpu.memory_space<semaphore_mem>>) src(%dma_wait3A_348 : memref<128xi32, #tpu.memory_space<hbm>>) dst(%arg15 : memref<128xi32, #tpu.memory_space<vmem>>)
      %dma_start3A_349 = arith.constant 0 : i32
      %dma_start3A_350 = arith.constant 0 : i32
      %dma_start3A_351 = tpu.memref_slice %arg2[%dma_start3A_349, %dma_start3A_350] : memref<10000x128xf32, #tpu.memory_space<hbm>> -> memref<10000x128xf32, #tpu.memory_space<hbm>>
      tpu.enqueue_indirect_dma source(%dma_start3A_351 : memref<10000x128xf32, #tpu.memory_space<hbm>>) target(%arg18 : memref<128x128xf32, #tpu.memory_space<vmem>>) offsets(%arg14 : memref<128xi32, #tpu.memory_space<vmem>>) semaphore(%arg24 : memref<!tpu.dma_semaphore, #tpu.memory_space<semaphore_mem>>)
      %dma_wait3A_352 = arith.constant 0 : i32
      %dma_wait3A_353 = arith.constant 0 : i32
      %dma_wait3A_354 = tpu.memref_slice %arg7[%dma_wait3A_352, %dma_wait3A_353] : memref<10368x128xf32, #tpu.memory_space<vmem_shared>> -> memref<10368x128xf32, #tpu.memory_space<vmem_shared>>
      tpu.wait_indirect_dma semaphore(%arg27 : memref<!tpu.dma_semaphore, #tpu.memory_space<semaphore_mem>>) src(%arg19 : memref<128x128xf32, #tpu.memory_space<vmem>>) dst(%dma_wait3A_354 : memref<10368x128xf32, #tpu.memory_space<vmem_shared>>)
      %add3A_355 = arith.constant 5 : i32
      %add3A_356 = arith.addi %mul3A_201, %add3A_355 : i32
      %lt3A_357 = arith.cmpi slt, %add3A_356, %mul3A_88 : i32
      %mul3A_358 = arith.constant 4 : i32
      %mul3A_359 = arith.muli %mul3A_358, %reduce_sum3A_58 : i32
      %lt3A_360 = arith.cmpi slt, %add3A_356, %mul3A_359 : i32
      %mul3A_361 = arith.constant 128 : i32
      %mul3A_362 = arith.muli %add3A_356, %mul3A_361 : i32
      %add3A_363 = arith.addi %mul3A_76, %mul3A_362 : i32
      %mul3A_364 = arith.constant 4 : i32
      %mul3A_365 = arith.muli %mul3A_364, %reduce_sum3A_58 : i32
      %sub3A_366 = arith.subi %add3A_356, %mul3A_365 : i32
      %mul3A_367 = arith.constant 128 : i32
      %mul3A_368 = arith.muli %sub3A_366, %mul3A_367 : i32
      %add3A_369 = arith.addi %mul3A_85, %mul3A_368 : i32
      %select_n3A_370 = arith.select %lt3A_360, %add3A_363, %add3A_369 : i32
      %select_n3A_371 = arith.select %lt3A_357, %select_n3A_370, %mul3A_76 : i32
      %multiple_of3A_372 = tpu.assume_multiple %select_n3A_371, 128 : i32
      %dma_start3A_373 = tpu.memref_slice %arg3[%multiple_of3A_372] : memref<672768xi32, #tpu.memory_space<hbm>> -> memref<128xi32, #tpu.memory_space<hbm>>
      %dma_start3A_374 = tpu.memref_slice %arg3[%multiple_of3A_372] : memref<672768xi32, #tpu.memory_space<hbm>> -> memref<128xi32, #tpu.memory_space<hbm>>
      tpu.enqueue_dma source(%dma_start3A_374 : memref<128xi32, #tpu.memory_space<hbm>>) target(%arg12 : memref<128xi32, #tpu.memory_space<vmem>>) target_semaphore(%arg21 : memref<!tpu.dma_semaphore, #tpu.memory_space<semaphore_mem>>)
      %dma_start3A_375 = tpu.memref_slice %arg4[%multiple_of3A_372] : memref<672768xi32, #tpu.memory_space<hbm>> -> memref<128xi32, #tpu.memory_space<hbm>>
      %dma_start3A_376 = tpu.memref_slice %arg4[%multiple_of3A_372] : memref<672768xi32, #tpu.memory_space<hbm>> -> memref<128xi32, #tpu.memory_space<hbm>>
      tpu.enqueue_dma source(%dma_start3A_376 : memref<128xi32, #tpu.memory_space<hbm>>) target(%arg13 : memref<128xi32, #tpu.memory_space<vmem>>) target_semaphore(%arg21 : memref<!tpu.dma_semaphore, #tpu.memory_space<semaphore_mem>>)
      %add3A_377 = arith.constant 3 : i32
      %add3A_378 = arith.addi %mul3A_201, %add3A_377 : i32
      %mul3A_379 = arith.constant 4 : i32
      %mul3A_380 = arith.muli %mul3A_379, %reduce_sum3A_58 : i32
      %lt3A_381 = arith.cmpi slt, %add3A_378, %mul3A_380 : i32
      %mul3A_382 = arith.constant 128 : i32
      %mul3A_383 = arith.muli %add3A_378, %mul3A_382 : i32
      %add3A_384 = arith.addi %mul3A_76, %mul3A_383 : i32
      %mul3A_385 = arith.constant 4 : i32
      %mul3A_386 = arith.muli %mul3A_385, %reduce_sum3A_58 : i32
      %sub3A_387 = arith.subi %add3A_378, %mul3A_386 : i32
      %mul3A_388 = arith.constant 128 : i32
      %mul3A_389 = arith.muli %sub3A_387, %mul3A_388 : i32
      %add3A_390 = arith.addi %mul3A_85, %mul3A_389 : i32
      %select_n3A_391 = arith.select %lt3A_381, %add3A_384, %add3A_390 : i32
      %multiple_of3A_392 = tpu.assume_multiple %select_n3A_391, 128 : i32
      %dma_wait3A_393 = tpu.memref_slice %arg3[%multiple_of3A_392] : memref<672768xi32, #tpu.memory_space<hbm>> -> memref<128xi32, #tpu.memory_space<hbm>>
      %dma_wait3A_394 = tpu.memref_slice %arg3[%multiple_of3A_392] : memref<672768xi32, #tpu.memory_space<hbm>> -> memref<128xi32, #tpu.memory_space<hbm>>
      tpu.wait_dma2 semaphore(%arg23 : memref<!tpu.dma_semaphore, #tpu.memory_space<semaphore_mem>>) src(%dma_wait3A_394 : memref<128xi32, #tpu.memory_space<hbm>>) dst(%arg16 : memref<128xi32, #tpu.memory_space<vmem>>)
      %dma_wait3A_395 = tpu.memref_slice %arg4[%multiple_of3A_392] : memref<672768xi32, #tpu.memory_space<hbm>> -> memref<128xi32, #tpu.memory_space<hbm>>
      %dma_wait3A_396 = tpu.memref_slice %arg4[%multiple_of3A_392] : memref<672768xi32, #tpu.memory_space<hbm>> -> memref<128xi32, #tpu.memory_space<hbm>>
      tpu.wait_dma2 semaphore(%arg23 : memref<!tpu.dma_semaphore, #tpu.memory_space<semaphore_mem>>) src(%dma_wait3A_396 : memref<128xi32, #tpu.memory_space<hbm>>) dst(%arg17 : memref<128xi32, #tpu.memory_space<vmem>>)
      %dma_start3A_397 = arith.constant 0 : i32
      %dma_start3A_398 = arith.constant 0 : i32
      %dma_start3A_399 = tpu.memref_slice %arg2[%dma_start3A_397, %dma_start3A_398] : memref<10000x128xf32, #tpu.memory_space<hbm>> -> memref<10000x128xf32, #tpu.memory_space<hbm>>
      tpu.enqueue_indirect_dma source(%dma_start3A_399 : memref<10000x128xf32, #tpu.memory_space<hbm>>) target(%arg19 : memref<128x128xf32, #tpu.memory_space<vmem>>) offsets(%arg16 : memref<128xi32, #tpu.memory_space<vmem>>) semaphore(%arg25 : memref<!tpu.dma_semaphore, #tpu.memory_space<semaphore_mem>>)
      %dma_wait3A_400 = arith.constant 0 : i32
      %dma_wait3A_401 = arith.constant 0 : i32
      %dma_wait3A_402 = tpu.memref_slice %arg2[%dma_wait3A_400, %dma_wait3A_401] : memref<10000x128xf32, #tpu.memory_space<hbm>> -> memref<10000x128xf32, #tpu.memory_space<hbm>>
      tpu.wait_indirect_dma semaphore(%arg24 : memref<!tpu.dma_semaphore, #tpu.memory_space<semaphore_mem>>) src(%dma_wait3A_402 : memref<10000x128xf32, #tpu.memory_space<hbm>>) dst(%arg18 : memref<128x128xf32, #tpu.memory_space<vmem>>)
      %dma_start3A_403 = arith.constant 0 : i32
      %dma_start3A_404 = arith.constant 0 : i32
      %dma_start3A_405 = tpu.memref_slice %arg7[%dma_start3A_403, %dma_start3A_404] : memref<10368x128xf32, #tpu.memory_space<vmem_shared>> -> memref<10368x128xf32, #tpu.memory_space<vmem_shared>>
      tpu.enqueue_indirect_dma source(%arg18 : memref<128x128xf32, #tpu.memory_space<vmem>>) target(%dma_start3A_405 : memref<10368x128xf32, #tpu.memory_space<vmem_shared>>) offsets(%arg15 : memref<128xi32, #tpu.memory_space<vmem>>) semaphore(%arg26 : memref<!tpu.dma_semaphore, #tpu.memory_space<semaphore_mem>>) {add = true}
      %dma_wait3A_406 = arith.constant 0 : i32
      %dma_wait3A_407 = arith.constant 0 : i32
      %dma_wait3A_408 = tpu.memref_slice %arg2[%dma_wait3A_406, %dma_wait3A_407] : memref<10000x128xf32, #tpu.memory_space<hbm>> -> memref<10000x128xf32, #tpu.memory_space<hbm>>
      tpu.wait_indirect_dma semaphore(%arg25 : memref<!tpu.dma_semaphore, #tpu.memory_space<semaphore_mem>>) src(%dma_wait3A_408 : memref<10000x128xf32, #tpu.memory_space<hbm>>) dst(%arg19 : memref<128x128xf32, #tpu.memory_space<vmem>>)
      %dma_start3A_409 = arith.constant 0 : i32
      %dma_start3A_410 = arith.constant 0 : i32
      %dma_start3A_411 = tpu.memref_slice %arg7[%dma_start3A_409, %dma_start3A_410] : memref<10368x128xf32, #tpu.memory_space<vmem_shared>> -> memref<10368x128xf32, #tpu.memory_space<vmem_shared>>
      tpu.enqueue_indirect_dma source(%arg19 : memref<128x128xf32, #tpu.memory_space<vmem>>) target(%dma_start3A_411 : memref<10368x128xf32, #tpu.memory_space<vmem_shared>>) offsets(%arg17 : memref<128xi32, #tpu.memory_space<vmem>>) semaphore(%arg27 : memref<!tpu.dma_semaphore, #tpu.memory_space<semaphore_mem>>) {add = true}
    }
    %while3A_144 = arith.constant 1 : i32
    scf.for %while3A_199 = %while3A_142 to %while3A_138 step %while3A_144  : i32 {
      %mul3A_200 = arith.constant 4 : i32
      %mul3A_201 = arith.muli %mul3A_200, %while3A_199 : i32
      %mul3A_202 = arith.constant 4 : i32
      %mul3A_203 = arith.muli %mul3A_202, %reduce_sum3A_58 : i32
      %lt3A_204 = arith.cmpi slt, %mul3A_201, %mul3A_203 : i32
      %mul3A_205 = arith.constant 128 : i32
      %mul3A_206 = arith.muli %mul3A_201, %mul3A_205 : i32
      %add3A_207 = arith.addi %mul3A_76, %mul3A_206 : i32
      %mul3A_208 = arith.constant 4 : i32
      %mul3A_209 = arith.muli %mul3A_208, %reduce_sum3A_58 : i32
      %sub3A_210 = arith.subi %mul3A_201, %mul3A_209 : i32
      %mul3A_211 = arith.constant 128 : i32
      %mul3A_212 = arith.muli %sub3A_210, %mul3A_211 : i32
      %add3A_213 = arith.addi %mul3A_85, %mul3A_212 : i32
      %select_n3A_214 = arith.select %lt3A_204, %add3A_207, %add3A_213 : i32
      %multiple_of3A_215 = tpu.assume_multiple %select_n3A_214, 128 : i32
      %dma_wait3A_216 = tpu.memref_slice %arg3[%multiple_of3A_215] : memref<672768xi32, #tpu.memory_space<hbm>> -> memref<128xi32, #tpu.memory_space<hbm>>
      %dma_wait3A_217 = tpu.memref_slice %arg3[%multiple_of3A_215] : memref<672768xi32, #tpu.memory_space<hbm>> -> memref<128xi32, #tpu.memory_space<hbm>>
      tpu.wait_dma2 semaphore(%arg20 : memref<!tpu.dma_semaphore, #tpu.memory_space<semaphore_mem>>) src(%dma_wait3A_217 : memref<128xi32, #tpu.memory_space<hbm>>) dst(%arg10 : memref<128xi32, #tpu.memory_space<vmem>>)
      %dma_wait3A_218 = tpu.memref_slice %arg4[%multiple_of3A_215] : memref<672768xi32, #tpu.memory_space<hbm>> -> memref<128xi32, #tpu.memory_space<hbm>>
      %dma_wait3A_219 = tpu.memref_slice %arg4[%multiple_of3A_215] : memref<672768xi32, #tpu.memory_space<hbm>> -> memref<128xi32, #tpu.memory_space<hbm>>
      tpu.wait_dma2 semaphore(%arg20 : memref<!tpu.dma_semaphore, #tpu.memory_space<semaphore_mem>>) src(%dma_wait3A_219 : memref<128xi32, #tpu.memory_space<hbm>>) dst(%arg11 : memref<128xi32, #tpu.memory_space<vmem>>)
      %dma_wait3A_220 = arith.constant 0 : i32
      %dma_wait3A_221 = arith.constant 0 : i32
      %dma_wait3A_222 = tpu.memref_slice %arg7[%dma_wait3A_220, %dma_wait3A_221] : memref<10368x128xf32, #tpu.memory_space<vmem_shared>> -> memref<10368x128xf32, #tpu.memory_space<vmem_shared>>
      tpu.wait_indirect_dma semaphore(%arg26 : memref<!tpu.dma_semaphore, #tpu.memory_space<semaphore_mem>>) src(%arg18 : memref<128x128xf32, #tpu.memory_space<vmem>>) dst(%dma_wait3A_222 : memref<10368x128xf32, #tpu.memory_space<vmem_shared>>)
      %add3A_223 = arith.constant 2 : i32
      %add3A_224 = arith.addi %mul3A_201, %add3A_223 : i32
      %mul3A_225 = arith.constant 4 : i32
      %mul3A_226 = arith.muli %mul3A_225, %reduce_sum3A_58 : i32
      %lt3A_227 = arith.cmpi slt, %add3A_224, %mul3A_226 : i32
      %mul3A_228 = arith.constant 128 : i32
      %mul3A_229 = arith.muli %add3A_224, %mul3A_228 : i32
      %add3A_230 = arith.addi %mul3A_76, %mul3A_229 : i32
      %mul3A_231 = arith.constant 4 : i32
      %mul3A_232 = arith.muli %mul3A_231, %reduce_sum3A_58 : i32
      %sub3A_233 = arith.subi %add3A_224, %mul3A_232 : i32
      %mul3A_234 = arith.constant 128 : i32
      %mul3A_235 = arith.muli %sub3A_233, %mul3A_234 : i32
      %add3A_236 = arith.addi %mul3A_85, %mul3A_235 : i32
      %select_n3A_237 = arith.select %lt3A_227, %add3A_230, %add3A_236 : i32
      %multiple_of3A_238 = tpu.assume_multiple %select_n3A_237, 128 : i32
      %dma_start3A_239 = tpu.memref_slice %arg3[%multiple_of3A_238] : memref<672768xi32, #tpu.memory_space<hbm>> -> memref<128xi32, #tpu.memory_space<hbm>>
      %dma_start3A_240 = tpu.memref_slice %arg3[%multiple_of3A_238] : memref<672768xi32, #tpu.memory_space<hbm>> -> memref<128xi32, #tpu.memory_space<hbm>>
      tpu.enqueue_dma source(%dma_start3A_240 : memref<128xi32, #tpu.memory_space<hbm>>) target(%arg14 : memref<128xi32, #tpu.memory_space<vmem>>) target_semaphore(%arg22 : memref<!tpu.dma_semaphore, #tpu.memory_space<semaphore_mem>>)
      %dma_start3A_241 = tpu.memref_slice %arg4[%multiple_of3A_238] : memref<672768xi32, #tpu.memory_space<hbm>> -> memref<128xi32, #tpu.memory_space<hbm>>
      %dma_start3A_242 = tpu.memref_slice %arg4[%multiple_of3A_238] : memref<672768xi32, #tpu.memory_space<hbm>> -> memref<128xi32, #tpu.memory_space<hbm>>
      tpu.enqueue_dma source(%dma_start3A_242 : memref<128xi32, #tpu.memory_space<hbm>>) target(%arg15 : memref<128xi32, #tpu.memory_space<vmem>>) target_semaphore(%arg22 : memref<!tpu.dma_semaphore, #tpu.memory_space<semaphore_mem>>)
      %dma_start3A_243 = arith.constant 0 : i32
      %dma_start3A_244 = arith.constant 0 : i32
      %dma_start3A_245 = tpu.memref_slice %arg2[%dma_start3A_243, %dma_start3A_244] : memref<10000x128xf32, #tpu.memory_space<hbm>> -> memref<10000x128xf32, #tpu.memory_space<hbm>>
      tpu.enqueue_indirect_dma source(%dma_start3A_245 : memref<10000x128xf32, #tpu.memory_space<hbm>>) target(%arg18 : memref<128x128xf32, #tpu.memory_space<vmem>>) offsets(%arg10 : memref<128xi32, #tpu.memory_space<vmem>>) semaphore(%arg24 : memref<!tpu.dma_semaphore, #tpu.memory_space<semaphore_mem>>)
      %add3A_246 = arith.constant 1 : i32
      %add3A_247 = arith.addi %mul3A_201, %add3A_246 : i32
      %mul3A_248 = arith.constant 4 : i32
      %mul3A_249 = arith.muli %mul3A_248, %reduce_sum3A_58 : i32
      %lt3A_250 = arith.cmpi slt, %add3A_247, %mul3A_249 : i32
      %mul3A_251 = arith.constant 128 : i32
      %mul3A_252 = arith.muli %add3A_247, %mul3A_251 : i32
      %add3A_253 = arith.addi %mul3A_76, %mul3A_252 : i32
      %mul3A_254 = arith.constant 4 : i32
      %mul3A_255 = arith.muli %mul3A_254, %reduce_sum3A_58 : i32
      %sub3A_256 = arith.subi %add3A_247, %mul3A_255 : i32
      %mul3A_257 = arith.constant 128 : i32
      %mul3A_258 = arith.muli %sub3A_256, %mul3A_257 : i32
      %add3A_259 = arith.addi %mul3A_85, %mul3A_258 : i32
      %select_n3A_260 = arith.select %lt3A_250, %add3A_253, %add3A_259 : i32
      %multiple_of3A_261 = tpu.assume_multiple %select_n3A_260, 128 : i32
      %dma_wait3A_262 = tpu.memref_slice %arg3[%multiple_of3A_261] : memref<672768xi32, #tpu.memory_space<hbm>> -> memref<128xi32, #tpu.memory_space<hbm>>
      %dma_wait3A_263 = tpu.memref_slice %arg3[%multiple_of3A_261] : memref<672768xi32, #tpu.memory_space<hbm>> -> memref<128xi32, #tpu.memory_space<hbm>>
      tpu.wait_dma2 semaphore(%arg21 : memref<!tpu.dma_semaphore, #tpu.memory_space<semaphore_mem>>) src(%dma_wait3A_263 : memref<128xi32, #tpu.memory_space<hbm>>) dst(%arg12 : memref<128xi32, #tpu.memory_space<vmem>>)
      %dma_wait3A_264 = tpu.memref_slice %arg4[%multiple_of3A_261] : memref<672768xi32, #tpu.memory_space<hbm>> -> memref<128xi32, #tpu.memory_space<hbm>>
      %dma_wait3A_265 = tpu.memref_slice %arg4[%multiple_of3A_261] : memref<672768xi32, #tpu.memory_space<hbm>> -> memref<128xi32, #tpu.memory_space<hbm>>
      tpu.wait_dma2 semaphore(%arg21 : memref<!tpu.dma_semaphore, #tpu.memory_space<semaphore_mem>>) src(%dma_wait3A_265 : memref<128xi32, #tpu.memory_space<hbm>>) dst(%arg13 : memref<128xi32, #tpu.memory_space<vmem>>)
      %dma_wait3A_266 = arith.constant 0 : i32
      %dma_wait3A_267 = arith.constant 0 : i32
      %dma_wait3A_268 = tpu.memref_slice %arg7[%dma_wait3A_266, %dma_wait3A_267] : memref<10368x128xf32, #tpu.memory_space<vmem_shared>> -> memref<10368x128xf32, #tpu.memory_space<vmem_shared>>
      tpu.wait_indirect_dma semaphore(%arg27 : memref<!tpu.dma_semaphore, #tpu.memory_space<semaphore_mem>>) src(%arg19 : memref<128x128xf32, #tpu.memory_space<vmem>>) dst(%dma_wait3A_268 : memref<10368x128xf32, #tpu.memory_space<vmem_shared>>)
      %add3A_269 = arith.constant 3 : i32
      %add3A_270 = arith.addi %mul3A_201, %add3A_269 : i32
      %mul3A_271 = arith.constant 4 : i32
      %mul3A_272 = arith.muli %mul3A_271, %reduce_sum3A_58 : i32
      %lt3A_273 = arith.cmpi slt, %add3A_270, %mul3A_272 : i32
      %mul3A_274 = arith.constant 128 : i32
      %mul3A_275 = arith.muli %add3A_270, %mul3A_274 : i32
      %add3A_276 = arith.addi %mul3A_76, %mul3A_275 : i32
      %mul3A_277 = arith.constant 4 : i32
      %mul3A_278 = arith.muli %mul3A_277, %reduce_sum3A_58 : i32
      %sub3A_279 = arith.subi %add3A_270, %mul3A_278 : i32
      %mul3A_280 = arith.constant 128 : i32
      %mul3A_281 = arith.muli %sub3A_279, %mul3A_280 : i32
      %add3A_282 = arith.addi %mul3A_85, %mul3A_281 : i32
      %select_n3A_283 = arith.select %lt3A_273, %add3A_276, %add3A_282 : i32
      %multiple_of3A_284 = tpu.assume_multiple %select_n3A_283, 128 : i32
      %dma_start3A_285 = tpu.memref_slice %arg3[%multiple_of3A_284] : memref<672768xi32, #tpu.memory_space<hbm>> -> memref<128xi32, #tpu.memory_space<hbm>>
      %dma_start3A_286 = tpu.memref_slice %arg3[%multiple_of3A_284] : memref<672768xi32, #tpu.memory_space<hbm>> -> memref<128xi32, #tpu.memory_space<hbm>>
      tpu.enqueue_dma source(%dma_start3A_286 : memref<128xi32, #tpu.memory_space<hbm>>) target(%arg16 : memref<128xi32, #tpu.memory_space<vmem>>) target_semaphore(%arg23 : memref<!tpu.dma_semaphore, #tpu.memory_space<semaphore_mem>>)
      %dma_start3A_287 = tpu.memref_slice %arg4[%multiple_of3A_284] : memref<672768xi32, #tpu.memory_space<hbm>> -> memref<128xi32, #tpu.memory_space<hbm>>
      %dma_start3A_288 = tpu.memref_slice %arg4[%multiple_of3A_284] : memref<672768xi32, #tpu.memory_space<hbm>> -> memref<128xi32, #tpu.memory_space<hbm>>
      tpu.enqueue_dma source(%dma_start3A_288 : memref<128xi32, #tpu.memory_space<hbm>>) target(%arg17 : memref<128xi32, #tpu.memory_space<vmem>>) target_semaphore(%arg23 : memref<!tpu.dma_semaphore, #tpu.memory_space<semaphore_mem>>)
      %dma_start3A_289 = arith.constant 0 : i32
      %dma_start3A_290 = arith.constant 0 : i32
      %dma_start3A_291 = tpu.memref_slice %arg2[%dma_start3A_289, %dma_start3A_290] : memref<10000x128xf32, #tpu.memory_space<hbm>> -> memref<10000x128xf32, #tpu.memory_space<hbm>>
      tpu.enqueue_indirect_dma source(%dma_start3A_291 : memref<10000x128xf32, #tpu.memory_space<hbm>>) target(%arg19 : memref<128x128xf32, #tpu.memory_space<vmem>>) offsets(%arg12 : memref<128xi32, #tpu.memory_space<vmem>>) semaphore(%arg25 : memref<!tpu.dma_semaphore, #tpu.memory_space<semaphore_mem>>)
      %dma_wait3A_292 = arith.constant 0 : i32
      %dma_wait3A_293 = arith.constant 0 : i32
      %dma_wait3A_294 = tpu.memref_slice %arg2[%dma_wait3A_292, %dma_wait3A_293] : memref<10000x128xf32, #tpu.memory_space<hbm>> -> memref<10000x128xf32, #tpu.memory_space<hbm>>
      tpu.wait_indirect_dma semaphore(%arg24 : memref<!tpu.dma_semaphore, #tpu.memory_space<semaphore_mem>>) src(%dma_wait3A_294 : memref<10000x128xf32, #tpu.memory_space<hbm>>) dst(%arg18 : memref<128x128xf32, #tpu.memory_space<vmem>>)
      %dma_start3A_295 = arith.constant 0 : i32
      %dma_start3A_296 = arith.constant 0 : i32
      %dma_start3A_297 = tpu.memref_slice %arg7[%dma_start3A_295, %dma_start3A_296] : memref<10368x128xf32, #tpu.memory_space<vmem_shared>> -> memref<10368x128xf32, #tpu.memory_space<vmem_shared>>
      tpu.enqueue_indirect_dma source(%arg18 : memref<128x128xf32, #tpu.memory_space<vmem>>) target(%dma_start3A_297 : memref<10368x128xf32, #tpu.memory_space<vmem_shared>>) offsets(%arg11 : memref<128xi32, #tpu.memory_space<vmem>>) semaphore(%arg26 : memref<!tpu.dma_semaphore, #tpu.memory_space<semaphore_mem>>) {add = true}
      %dma_wait3A_298 = arith.constant 0 : i32
      %dma_wait3A_299 = arith.constant 0 : i32
      %dma_wait3A_300 = tpu.memref_slice %arg2[%dma_wait3A_298, %dma_wait3A_299] : memref<10000x128xf32, #tpu.memory_space<hbm>> -> memref<10000x128xf32, #tpu.memory_space<hbm>>
      tpu.wait_indirect_dma semaphore(%arg25 : memref<!tpu.dma_semaphore, #tpu.memory_space<semaphore_mem>>) src(%dma_wait3A_300 : memref<10000x128xf32, #tpu.memory_space<hbm>>) dst(%arg19 : memref<128x128xf32, #tpu.memory_space<vmem>>)
      %dma_start3A_301 = arith.constant 0 : i32
      %dma_start3A_302 = arith.constant 0 : i32
      %dma_start3A_303 = tpu.memref_slice %arg7[%dma_start3A_301, %dma_start3A_302] : memref<10368x128xf32, #tpu.memory_space<vmem_shared>> -> memref<10368x128xf32, #tpu.memory_space<vmem_shared>>
      tpu.enqueue_indirect_dma source(%arg19 : memref<128x128xf32, #tpu.memory_space<vmem>>) target(%dma_start3A_303 : memref<10368x128xf32, #tpu.memory_space<vmem_shared>>) offsets(%arg13 : memref<128xi32, #tpu.memory_space<vmem>>) semaphore(%arg27 : memref<!tpu.dma_semaphore, #tpu.memory_space<semaphore_mem>>) {add = true}
      %dma_wait3A_304 = arith.constant 0 : i32
      %dma_wait3A_305 = arith.constant 0 : i32
      %dma_wait3A_306 = tpu.memref_slice %arg7[%dma_wait3A_304, %dma_wait3A_305] : memref<10368x128xf32, #tpu.memory_space<vmem_shared>> -> memref<10368x128xf32, #tpu.memory_space<vmem_shared>>
      tpu.wait_indirect_dma semaphore(%arg26 : memref<!tpu.dma_semaphore, #tpu.memory_space<semaphore_mem>>) src(%arg18 : memref<128x128xf32, #tpu.memory_space<vmem>>) dst(%dma_wait3A_306 : memref<10368x128xf32, #tpu.memory_space<vmem_shared>>)
      %add3A_307 = arith.constant 4 : i32
      %add3A_308 = arith.addi %mul3A_201, %add3A_307 : i32
      %lt3A_309 = arith.cmpi slt, %add3A_308, %mul3A_88 : i32
      %mul3A_310 = arith.constant 4 : i32
      %mul3A_311 = arith.muli %mul3A_310, %reduce_sum3A_58 : i32
      %lt3A_312 = arith.cmpi slt, %add3A_308, %mul3A_311 : i32
      %mul3A_313 = arith.constant 128 : i32
      %mul3A_314 = arith.muli %add3A_308, %mul3A_313 : i32
      %add3A_315 = arith.addi %mul3A_76, %mul3A_314 : i32
      %mul3A_316 = arith.constant 4 : i32
      %mul3A_317 = arith.muli %mul3A_316, %reduce_sum3A_58 : i32
      %sub3A_318 = arith.subi %add3A_308, %mul3A_317 : i32
      %mul3A_319 = arith.constant 128 : i32
      %mul3A_320 = arith.muli %sub3A_318, %mul3A_319 : i32
      %add3A_321 = arith.addi %mul3A_85, %mul3A_320 : i32
      %select_n3A_322 = arith.select %lt3A_312, %add3A_315, %add3A_321 : i32
      %select_n3A_323 = arith.select %lt3A_309, %select_n3A_322, %mul3A_76 : i32
      %multiple_of3A_324 = tpu.assume_multiple %select_n3A_323, 128 : i32
      %dma_start3A_325 = tpu.memref_slice %arg3[%multiple_of3A_324] : memref<672768xi32, #tpu.memory_space<hbm>> -> memref<128xi32, #tpu.memory_space<hbm>>
      %dma_start3A_326 = tpu.memref_slice %arg3[%multiple_of3A_324] : memref<672768xi32, #tpu.memory_space<hbm>> -> memref<128xi32, #tpu.memory_space<hbm>>
      tpu.enqueue_dma source(%dma_start3A_326 : memref<128xi32, #tpu.memory_space<hbm>>) target(%arg10 : memref<128xi32, #tpu.memory_space<vmem>>) target_semaphore(%arg20 : memref<!tpu.dma_semaphore, #tpu.memory_space<semaphore_mem>>)
      %dma_start3A_327 = tpu.memref_slice %arg4[%multiple_of3A_324] : memref<672768xi32, #tpu.memory_space<hbm>> -> memref<128xi32, #tpu.memory_space<hbm>>
      %dma_start3A_328 = tpu.memref_slice %arg4[%multiple_of3A_324] : memref<672768xi32, #tpu.memory_space<hbm>> -> memref<128xi32, #tpu.memory_space<hbm>>
      tpu.enqueue_dma source(%dma_start3A_328 : memref<128xi32, #tpu.memory_space<hbm>>) target(%arg11 : memref<128xi32, #tpu.memory_space<vmem>>) target_semaphore(%arg20 : memref<!tpu.dma_semaphore, #tpu.memory_space<semaphore_mem>>)
      %add3A_329 = arith.constant 2 : i32
      %add3A_330 = arith.addi %mul3A_201, %add3A_329 : i32
      %mul3A_331 = arith.constant 4 : i32
      %mul3A_332 = arith.muli %mul3A_331, %reduce_sum3A_58 : i32
      %lt3A_333 = arith.cmpi slt, %add3A_330, %mul3A_332 : i32
      %mul3A_334 = arith.constant 128 : i32
      %mul3A_335 = arith.muli %add3A_330, %mul3A_334 : i32
      %add3A_336 = arith.addi %mul3A_76, %mul3A_335 : i32
      %mul3A_337 = arith.constant 4 : i32
      %mul3A_338 = arith.muli %mul3A_337, %reduce_sum3A_58 : i32
      %sub3A_339 = arith.subi %add3A_330, %mul3A_338 : i32
      %mul3A_340 = arith.constant 128 : i32
      %mul3A_341 = arith.muli %sub3A_339, %mul3A_340 : i32
      %add3A_342 = arith.addi %mul3A_85, %mul3A_341 : i32
      %select_n3A_343 = arith.select %lt3A_333, %add3A_336, %add3A_342 : i32
      %multiple_of3A_344 = tpu.assume_multiple %select_n3A_343, 128 : i32
      %dma_wait3A_345 = tpu.memref_slice %arg3[%multiple_of3A_344] : memref<672768xi32, #tpu.memory_space<hbm>> -> memref<128xi32, #tpu.memory_space<hbm>>
      %dma_wait3A_346 = tpu.memref_slice %arg3[%multiple_of3A_344] : memref<672768xi32, #tpu.memory_space<hbm>> -> memref<128xi32, #tpu.memory_space<hbm>>
      tpu.wait_dma2 semaphore(%arg22 : memref<!tpu.dma_semaphore, #tpu.memory_space<semaphore_mem>>) src(%dma_wait3A_346 : memref<128xi32, #tpu.memory_space<hbm>>) dst(%arg14 : memref<128xi32, #tpu.memory_space<vmem>>)
      %dma_wait3A_347 = tpu.memref_slice %arg4[%multiple_of3A_344] : memref<672768xi32, #tpu.memory_space<hbm>> -> memref<128xi32, #tpu.memory_space<hbm>>
      %dma_wait3A_348 = tpu.memref_slice %arg4[%multiple_of3A_344] : memref<672768xi32, #tpu.memory_space<hbm>> -> memref<128xi32, #tpu.memory_space<hbm>>
      tpu.wait_dma2 semaphore(%arg22 : memref<!tpu.dma_semaphore, #tpu.memory_space<semaphore_mem>>) src(%dma_wait3A_348 : memref<128xi32, #tpu.memory_space<hbm>>) dst(%arg15 : memref<128xi32, #tpu.memory_space<vmem>>)
      %dma_start3A_349 = arith.constant 0 : i32
      %dma_start3A_350 = arith.constant 0 : i32
      %dma_start3A_351 = tpu.memref_slice %arg2[%dma_start3A_349, %dma_start3A_350] : memref<10000x128xf32, #tpu.memory_space<hbm>> -> memref<10000x128xf32, #tpu.memory_space<hbm>>
      tpu.enqueue_indirect_dma source(%dma_start3A_351 : memref<10000x128xf32, #tpu.memory_space<hbm>>) target(%arg18 : memref<128x128xf32, #tpu.memory_space<vmem>>) offsets(%arg14 : memref<128xi32, #tpu.memory_space<vmem>>) semaphore(%arg24 : memref<!tpu.dma_semaphore, #tpu.memory_space<semaphore_mem>>)
      %dma_wait3A_352 = arith.constant 0 : i32
      %dma_wait3A_353 = arith.constant 0 : i32
      %dma_wait3A_354 = tpu.memref_slice %arg7[%dma_wait3A_352, %dma_wait3A_353] : memref<10368x128xf32, #tpu.memory_space<vmem_shared>> -> memref<10368x128xf32, #tpu.memory_space<vmem_shared>>
      tpu.wait_indirect_dma semaphore(%arg27 : memref<!tpu.dma_semaphore, #tpu.memory_space<semaphore_mem>>) src(%arg19 : memref<128x128xf32, #tpu.memory_space<vmem>>) dst(%dma_wait3A_354 : memref<10368x128xf32, #tpu.memory_space<vmem_shared>>)
      %add3A_355 = arith.constant 5 : i32
      %add3A_356 = arith.addi %mul3A_201, %add3A_355 : i32
      %lt3A_357 = arith.cmpi slt, %add3A_356, %mul3A_88 : i32
      %mul3A_358 = arith.constant 4 : i32
      %mul3A_359 = arith.muli %mul3A_358, %reduce_sum3A_58 : i32
      %lt3A_360 = arith.cmpi slt, %add3A_356, %mul3A_359 : i32
      %mul3A_361 = arith.constant 128 : i32
      %mul3A_362 = arith.muli %add3A_356, %mul3A_361 : i32
      %add3A_363 = arith.addi %mul3A_76, %mul3A_362 : i32
      %mul3A_364 = arith.constant 4 : i32
      %mul3A_365 = arith.muli %mul3A_364, %reduce_sum3A_58 : i32
      %sub3A_366 = arith.subi %add3A_356, %mul3A_365 : i32
      %mul3A_367 = arith.constant 128 : i32
      %mul3A_368 = arith.muli %sub3A_366, %mul3A_367 : i32
      %add3A_369 = arith.addi %mul3A_85, %mul3A_368 : i32
      %select_n3A_370 = arith.select %lt3A_360, %add3A_363, %add3A_369 : i32
      %select_n3A_371 = arith.select %lt3A_357, %select_n3A_370, %mul3A_76 : i32
      %multiple_of3A_372 = tpu.assume_multiple %select_n3A_371, 128 : i32
      %dma_start3A_373 = tpu.memref_slice %arg3[%multiple_of3A_372] : memref<672768xi32, #tpu.memory_space<hbm>> -> memref<128xi32, #tpu.memory_space<hbm>>
      %dma_start3A_374 = tpu.memref_slice %arg3[%multiple_of3A_372] : memref<672768xi32, #tpu.memory_space<hbm>> -> memref<128xi32, #tpu.memory_space<hbm>>
      tpu.enqueue_dma source(%dma_start3A_374 : memref<128xi32, #tpu.memory_space<hbm>>) target(%arg12 : memref<128xi32, #tpu.memory_space<vmem>>) target_semaphore(%arg21 : memref<!tpu.dma_semaphore, #tpu.memory_space<semaphore_mem>>)
      %dma_start3A_375 = tpu.memref_slice %arg4[%multiple_of3A_372] : memref<672768xi32, #tpu.memory_space<hbm>> -> memref<128xi32, #tpu.memory_space<hbm>>
      %dma_start3A_376 = tpu.memref_slice %arg4[%multiple_of3A_372] : memref<672768xi32, #tpu.memory_space<hbm>> -> memref<128xi32, #tpu.memory_space<hbm>>
      tpu.enqueue_dma source(%dma_start3A_376 : memref<128xi32, #tpu.memory_space<hbm>>) target(%arg13 : memref<128xi32, #tpu.memory_space<vmem>>) target_semaphore(%arg21 : memref<!tpu.dma_semaphore, #tpu.memory_space<semaphore_mem>>)
      %add3A_377 = arith.constant 3 : i32
      %add3A_378 = arith.addi %mul3A_201, %add3A_377 : i32
      %mul3A_379 = arith.constant 4 : i32
      %mul3A_380 = arith.muli %mul3A_379, %reduce_sum3A_58 : i32
      %lt3A_381 = arith.cmpi slt, %add3A_378, %mul3A_380 : i32
      %mul3A_382 = arith.constant 128 : i32
      %mul3A_383 = arith.muli %add3A_378, %mul3A_382 : i32
      %add3A_384 = arith.addi %mul3A_76, %mul3A_383 : i32
      %mul3A_385 = arith.constant 4 : i32
      %mul3A_386 = arith.muli %mul3A_385, %reduce_sum3A_58 : i32
      %sub3A_387 = arith.subi %add3A_378, %mul3A_386 : i32
      %mul3A_388 = arith.constant 128 : i32
      %mul3A_389 = arith.muli %sub3A_387, %mul3A_388 : i32
      %add3A_390 = arith.addi %mul3A_85, %mul3A_389 : i32
      %select_n3A_391 = arith.select %lt3A_381, %add3A_384, %add3A_390 : i32
      %multiple_of3A_392 = tpu.assume_multiple %select_n3A_391, 128 : i32
      %dma_wait3A_393 = tpu.memref_slice %arg3[%multiple_of3A_392] : memref<672768xi32, #tpu.memory_space<hbm>> -> memref<128xi32, #tpu.memory_space<hbm>>
      %dma_wait3A_394 = tpu.memref_slice %arg3[%multiple_of3A_392] : memref<672768xi32, #tpu.memory_space<hbm>> -> memref<128xi32, #tpu.memory_space<hbm>>
      tpu.wait_dma2 semaphore(%arg23 : memref<!tpu.dma_semaphore, #tpu.memory_space<semaphore_mem>>) src(%dma_wait3A_394 : memref<128xi32, #tpu.memory_space<hbm>>) dst(%arg16 : memref<128xi32, #tpu.memory_space<vmem>>)
      %dma_wait3A_395 = tpu.memref_slice %arg4[%multiple_of3A_392] : memref<672768xi32, #tpu.memory_space<hbm>> -> memref<128xi32, #tpu.memory_space<hbm>>
      %dma_wait3A_396 = tpu.memref_slice %arg4[%multiple_of3A_392] : memref<672768xi32, #tpu.memory_space<hbm>> -> memref<128xi32, #tpu.memory_space<hbm>>
      tpu.wait_dma2 semaphore(%arg23 : memref<!tpu.dma_semaphore, #tpu.memory_space<semaphore_mem>>) src(%dma_wait3A_396 : memref<128xi32, #tpu.memory_space<hbm>>) dst(%arg17 : memref<128xi32, #tpu.memory_space<vmem>>)
      %dma_start3A_397 = arith.constant 0 : i32
      %dma_start3A_398 = arith.constant 0 : i32
      %dma_start3A_399 = tpu.memref_slice %arg2[%dma_start3A_397, %dma_start3A_398] : memref<10000x128xf32, #tpu.memory_space<hbm>> -> memref<10000x128xf32, #tpu.memory_space<hbm>>
      tpu.enqueue_indirect_dma source(%dma_start3A_399 : memref<10000x128xf32, #tpu.memory_space<hbm>>) target(%arg19 : memref<128x128xf32, #tpu.memory_space<vmem>>) offsets(%arg16 : memref<128xi32, #tpu.memory_space<vmem>>) semaphore(%arg25 : memref<!tpu.dma_semaphore, #tpu.memory_space<semaphore_mem>>)
      %dma_wait3A_400 = arith.constant 0 : i32
      %dma_wait3A_401 = arith.constant 0 : i32
      %dma_wait3A_402 = tpu.memref_slice %arg2[%dma_wait3A_400, %dma_wait3A_401] : memref<10000x128xf32, #tpu.memory_space<hbm>> -> memref<10000x128xf32, #tpu.memory_space<hbm>>
      tpu.wait_indirect_dma semaphore(%arg24 : memref<!tpu.dma_semaphore, #tpu.memory_space<semaphore_mem>>) src(%dma_wait3A_402 : memref<10000x128xf32, #tpu.memory_space<hbm>>) dst(%arg18 : memref<128x128xf32, #tpu.memory_space<vmem>>)
      %dma_start3A_403 = arith.constant 0 : i32
      %dma_start3A_404 = arith.constant 0 : i32
      %dma_start3A_405 = tpu.memref_slice %arg7[%dma_start3A_403, %dma_start3A_404] : memref<10368x128xf32, #tpu.memory_space<vmem_shared>> -> memref<10368x128xf32, #tpu.memory_space<vmem_shared>>
      tpu.enqueue_indirect_dma source(%arg18 : memref<128x128xf32, #tpu.memory_space<vmem>>) target(%dma_start3A_405 : memref<10368x128xf32, #tpu.memory_space<vmem_shared>>) offsets(%arg15 : memref<128xi32, #tpu.memory_space<vmem>>) semaphore(%arg26 : memref<!tpu.dma_semaphore, #tpu.memory_space<semaphore_mem>>) {add = true}
      %dma_wait3A_406 = arith.constant 0 : i32
      %dma_wait3A_407 = arith.constant 0 : i32
      %dma_wait3A_408 = tpu.memref_slice %arg2[%dma_wait3A_406, %dma_wait3A_407] : memref<10000x128xf32, #tpu.memory_space<hbm>> -> memref<10000x128xf32, #tpu.memory_space<hbm>>
      tpu.wait_indirect_dma semaphore(%arg25 : memref<!tpu.dma_semaphore, #tpu.memory_space<semaphore_mem>>) src(%dma_wait3A_408 : memref<10000x128xf32, #tpu.memory_space<hbm>>) dst(%arg19 : memref<128x128xf32, #tpu.memory_space<vmem>>)
      %dma_start3A_409 = arith.constant 0 : i32
      %dma_start3A_410 = arith.constant 0 : i32
      %dma_start3A_411 = tpu.memref_slice %arg7[%dma_start3A_409, %dma_start3A_410] : memref<10368x128xf32, #tpu.memory_space<vmem_shared>> -> memref<10368x128xf32, #tpu.memory_space<vmem_shared>>
      tpu.enqueue_indirect_dma source(%arg19 : memref<128x128xf32, #tpu.memory_space<vmem>>) target(%dma_start3A_411 : memref<10368x128xf32, #tpu.memory_space<vmem_shared>>) offsets(%arg17 : memref<128xi32, #tpu.memory_space<vmem>>) semaphore(%arg27 : memref<!tpu.dma_semaphore, #tpu.memory_space<semaphore_mem>>) {add = true}
    }
    %dma_wait3A = arith.constant 0 : i32
    %dma_wait3A_145 = arith.constant 0 : i32
    %dma_wait3A_146 = tpu.memref_slice %arg7[%dma_wait3A, %dma_wait3A_145] : memref<10368x128xf32, #tpu.memory_space<vmem_shared>> -> memref<10368x128xf32, #tpu.memory_space<vmem_shared>>
    tpu.wait_indirect_dma semaphore(%arg26 : memref<!tpu.dma_semaphore, #tpu.memory_space<semaphore_mem>>) src(%arg18 : memref<128x128xf32, #tpu.memory_space<vmem>>) dst(%dma_wait3A_146 : memref<10368x128xf32, #tpu.memory_space<vmem_shared>>)
    %dma_wait3A_147 = arith.constant 0 : i32
    %dma_wait3A_148 = arith.constant 0 : i32
    %dma_wait3A_149 = tpu.memref_slice %arg7[%dma_wait3A_147, %dma_wait3A_148] : memref<10368x128xf32, #tpu.memory_space<vmem_shared>> -> memref<10368x128xf32, #tpu.memory_space<vmem_shared>>
    tpu.wait_indirect_dma semaphore(%arg27 : memref<!tpu.dma_semaphore, #tpu.memory_space<semaphore_mem>>) src(%arg19 : memref<128x128xf32, #tpu.memory_space<vmem>>) dst(%dma_wait3A_149 : memref<10368x128xf32, #tpu.memory_space<vmem_shared>>)
    %lt3A = arith.cmpi slt, %mul3A_88, %mul3A_88 : i32
    %mul3A_150 = arith.constant 4 : i32
    %mul3A_151 = arith.muli %mul3A_150, %reduce_sum3A_58 : i32
    %lt3A_152 = arith.cmpi slt, %mul3A_88, %mul3A_151 : i32
    %mul3A_153 = arith.constant 128 : i32
    %mul3A_154 = arith.muli %mul3A_88, %mul3A_153 : i32
    %add3A_155 = arith.addi %mul3A_76, %mul3A_154 : i32
    %mul3A_156 = arith.constant 4 : i32
    %mul3A_157 = arith.muli %mul3A_156, %reduce_sum3A_58 : i32
    %sub3A_158 = arith.subi %mul3A_88, %mul3A_157 : i32
    %mul3A_159 = arith.constant 128 : i32
    %mul3A_160 = arith.muli %sub3A_158, %mul3A_159 : i32
    %add3A_161 = arith.addi %mul3A_85, %mul3A_160 : i32
    %select_n3A_162 = arith.select %lt3A_152, %add3A_155, %add3A_161 : i32
    %select_n3A_163 = arith.select %lt3A, %select_n3A_162, %mul3A_76 : i32
    %multiple_of3A_164 = tpu.assume_multiple %select_n3A_163, 128 : i32
    %dma_wait3A_165 = tpu.memref_slice %arg3[%multiple_of3A_164] : memref<672768xi32, #tpu.memory_space<hbm>> -> memref<128xi32, #tpu.memory_space<hbm>>
    %dma_wait3A_166 = tpu.memref_slice %arg3[%multiple_of3A_164] : memref<672768xi32, #tpu.memory_space<hbm>> -> memref<128xi32, #tpu.memory_space<hbm>>
    tpu.wait_dma2 semaphore(%arg20 : memref<!tpu.dma_semaphore, #tpu.memory_space<semaphore_mem>>) src(%dma_wait3A_166 : memref<128xi32, #tpu.memory_space<hbm>>) dst(%arg10 : memref<128xi32, #tpu.memory_space<vmem>>)
    %dma_wait3A_167 = tpu.memref_slice %arg4[%multiple_of3A_164] : memref<672768xi32, #tpu.memory_space<hbm>> -> memref<128xi32, #tpu.memory_space<hbm>>
    %dma_wait3A_168 = tpu.memref_slice %arg4[%multiple_of3A_164] : memref<672768xi32, #tpu.memory_space<hbm>> -> memref<128xi32, #tpu.memory_space<hbm>>
    tpu.wait_dma2 semaphore(%arg20 : memref<!tpu.dma_semaphore, #tpu.memory_space<semaphore_mem>>) src(%dma_wait3A_168 : memref<128xi32, #tpu.memory_space<hbm>>) dst(%arg11 : memref<128xi32, #tpu.memory_space<vmem>>)
    %add3A_169 = arith.constant 1 : i32
    %add3A_170 = arith.addi %mul3A_88, %add3A_169 : i32
    %lt3A_171 = arith.cmpi slt, %add3A_170, %mul3A_88 : i32
    %mul3A_172 = arith.constant 4 : i32
    %mul3A_173 = arith.muli %mul3A_172, %reduce_sum3A_58 : i32
    %lt3A_174 = arith.cmpi slt, %add3A_170, %mul3A_173 : i32
    %mul3A_175 = arith.constant 128 : i32
    %mul3A_176 = arith.muli %add3A_170, %mul3A_175 : i32
    %add3A_177 = arith.addi %mul3A_76, %mul3A_176 : i32
    %mul3A_178 = arith.constant 4 : i32
    %mul3A_179 = arith.muli %mul3A_178, %reduce_sum3A_58 : i32
    %sub3A_180 = arith.subi %add3A_170, %mul3A_179 : i32
    %mul3A_181 = arith.constant 128 : i32
    %mul3A_182 = arith.muli %sub3A_180, %mul3A_181 : i32
    %add3A_183 = arith.addi %mul3A_85, %mul3A_182 : i32
    %select_n3A_184 = arith.select %lt3A_174, %add3A_177, %add3A_183 : i32
    %select_n3A_185 = arith.select %lt3A_171, %select_n3A_184, %mul3A_76 : i32
    %multiple_of3A_186 = tpu.assume_multiple %select_n3A_185, 128 : i32
    %dma_wait3A_187 = tpu.memref_slice %arg3[%multiple_of3A_186] : memref<672768xi32, #tpu.memory_space<hbm>> -> memref<128xi32, #tpu.memory_space<hbm>>
    %dma_wait3A_188 = tpu.memref_slice %arg3[%multiple_of3A_186] : memref<672768xi32, #tpu.memory_space<hbm>> -> memref<128xi32, #tpu.memory_space<hbm>>
    tpu.wait_dma2 semaphore(%arg21 : memref<!tpu.dma_semaphore, #tpu.memory_space<semaphore_mem>>) src(%dma_wait3A_188 : memref<128xi32, #tpu.memory_space<hbm>>) dst(%arg12 : memref<128xi32, #tpu.memory_space<vmem>>)
    %dma_wait3A_189 = tpu.memref_slice %arg4[%multiple_of3A_186] : memref<672768xi32, #tpu.memory_space<hbm>> -> memref<128xi32, #tpu.memory_space<hbm>>
    %dma_wait3A_190 = tpu.memref_slice %arg4[%multiple_of3A_186] : memref<672768xi32, #tpu.memory_space<hbm>> -> memref<128xi32, #tpu.memory_space<hbm>>
    tpu.wait_dma2 semaphore(%arg21 : memref<!tpu.dma_semaphore, #tpu.memory_space<semaphore_mem>>) src(%dma_wait3A_190 : memref<128xi32, #tpu.memory_space<hbm>>) dst(%arg13 : memref<128xi32, #tpu.memory_space<vmem>>)
    %barrier3A_191 = arith.constant 0 : index
    tpu.barrier barrier_id(%barrier3A_191)
    %mul3A_192 = arith.constant 640 : i32
    %mul3A_193 = arith.muli %arg1, %mul3A_192 : i32
    %mul3A_194 = arith.constant 10240 : i32
    %mul3A_195 = arith.muli %arg0, %mul3A_194 : i32
    %mul3A_196 = arith.constant 640 : i32
    %mul3A_197 = arith.muli %arg1, %mul3A_196 : i32
    %add3A_198 = arith.addi %mul3A_195, %mul3A_197 : i32
    "tpu.region"() ({
      %run_scoped3A = tpu.sem_alloc : memref<!tpu.dma_semaphore, #tpu.memory_space<semaphore_mem>>
      %dma_start3A_199 = arith.constant 0 : i32
      %dma_start3A_200 = tpu.memref_slice %arg6[%add3A_198, %dma_start3A_199] : memref<20480x128xf32, #tpu.memory_space<hbm>> -> memref<640x128xf32, #tpu.memory_space<hbm>>
      %dma_start3A_201 = arith.constant 0 : i32
      %dma_start3A_202 = tpu.memref_slice %arg7[%mul3A_193, %dma_start3A_201] : memref<10368x128xf32, #tpu.memory_space<vmem_shared>> -> memref<640x128xf32, #tpu.memory_space<vmem_shared>>
      tpu.enqueue_dma source(%dma_start3A_202 : memref<640x128xf32, #tpu.memory_space<vmem_shared>>) target(%dma_start3A_200 : memref<640x128xf32, #tpu.memory_space<hbm>>) target_semaphore(%run_scoped3A : memref<!tpu.dma_semaphore, #tpu.memory_space<semaphore_mem>>)
      %dma_wait3A_203 = arith.constant 0 : i32
      %dma_wait3A_204 = tpu.memref_slice %arg6[%add3A_198, %dma_wait3A_203] : memref<20480x128xf32, #tpu.memory_space<hbm>> -> memref<640x128xf32, #tpu.memory_space<hbm>>
      %dma_wait3A_205 = arith.constant 0 : i32
      %dma_wait3A_206 = tpu.memref_slice %arg7[%mul3A_193, %dma_wait3A_205] : memref<10368x128xf32, #tpu.memory_space<vmem_shared>> -> memref<640x128xf32, #tpu.memory_space<vmem_shared>>
      tpu.wait_dma2 semaphore(%run_scoped3A : memref<!tpu.dma_semaphore, #tpu.memory_space<semaphore_mem>>) src(%dma_wait3A_206 : memref<640x128xf32, #tpu.memory_space<vmem_shared>>) dst(%dma_wait3A_204 : memref<640x128xf32, #tpu.memory_space<hbm>>)
      tpu.yield
    }) : () -> ()
    return
  }
}

#map = affine_map<(d0, d1) -> (0)>
#map1 = affine_map<(d0, d1) -> (0, 0)>
module attributes {stable_mosaic.version = 14 : i64} {
  func.func @_sc_part(%arg0: i32, %arg1: i32, %arg2: memref<320000xi32, #tpu.memory_space<hbm>>, %arg3: memref<320000xi32, #tpu.memory_space<hbm>>, %arg4: memref<320000xi32, #tpu.memory_space<hbm>>, %arg5: memref<672768xi32, #tpu.memory_space<hbm>>, %arg6: memref<672768xi32, #tpu.memory_space<hbm>>, %arg7: memref<32x16xi32, #tpu.memory_space<hbm>>, %arg8: memref<32x20480xf32, #tpu.memory_space<hbm>>, %arg9: memref<2000xi32, #tpu.memory_space<vmem>>, %arg10: memref<2000xi32, #tpu.memory_space<vmem>>, %arg11: memref<2000xi32, #tpu.memory_space<vmem>>, %arg12: memref<10512xi32, #tpu.memory_space<vmem>>, %arg13: memref<10512xi32, #tpu.memory_space<vmem>>, %arg14: memref<10512xi32, #tpu.memory_space<vmem>>, %arg15: memref<10512xi32, #tpu.memory_space<vmem>>, %arg16: memref<16xi32, #tpu.memory_space<vmem>>, %arg17: memref<20480xf32, #tpu.memory_space<vmem>>) attributes {dimension_semantics = [#tpu.dimension_semantics<core_parallel>, #tpu.dimension_semantics<subcore_parallel>], iteration_bounds = array<i64: 2, 16>, scalar_prefetch = 0 : i64, scratch_operands = 9 : i64, tpu.core_type = #tpu.core_type<sc_vector_subcore>, window_params = [{transform_indices = #map}, {transform_indices = #map}, {transform_indices = #map}, {transform_indices = #map}, {transform_indices = #map}, {transform_indices = #map1}, {transform_indices = #map1}]} {
    %mul3A = arith.constant 16 : i32
    %mul3A_0 = arith.muli %arg0, %mul3A : i32
    %add3A = arith.addi %mul3A_0, %arg1 : i32
    %broadcast_in_dim3A = arith.constant 0.000000e+00 : f32
    %broadcast_in_dim3A_1 = vector.broadcast %broadcast_in_dim3A : f32 to vector<16xf32>
    %broadcast_in_dim3A_2 = arith.constant 0 : i32
    %broadcast_in_dim3A_3 = vector.broadcast %broadcast_in_dim3A_2 : i32 to vector<16xi32>
    %broadcast_in_dim3A_4 = arith.constant 1.000000e+00 : f32
    %broadcast_in_dim3A_5 = vector.broadcast %broadcast_in_dim3A_4 : f32 to vector<16xf32>
    %broadcast_in_dim3A_6 = arith.constant 10240 : i32
    %broadcast_in_dim3A_7 = vector.broadcast %broadcast_in_dim3A_6 : i32 to vector<16xi32>
    %iota3A = tpu.iota {dimensions = array<i32: 0>} : vector<16xi32>
    %scan3A = arith.constant 0 : i32
    %scan3A_8 = arith.constant 0 : i32
    %scan3A_9 = arith.constant 1280 : i32
    %scan3A_10 = arith.addi %scan3A_8, %scan3A_9 : i32
    %scan3A_11 = arith.constant 1 : i32
    scf.for %scan3A_562 = %scan3A_8 to %scan3A_10 step %scan3A_11  : i32 {
      %mul3A_563 = arith.constant 16 : i32
      %mul3A_564 = arith.muli %scan3A_562, %mul3A_563 : i32
      %swap3A_565 = arith.index_cast %mul3A_564 : i32 to index
      %swap3A_566 = tpu.vector_load %arg17[%swap3A_565] {strides = array<i32>} : memref<20480xf32, #tpu.memory_space<vmem>>, vector<16xf32>,
      tpu.vector_store %arg17[%swap3A_565], %broadcast_in_dim3A_1 {strides = array<i32>} : memref<20480xf32, #tpu.memory_space<vmem>>, vector<16xf32>,
    }
    %scan3A_12 = arith.constant 1280 : i32
    %scan3A_13 = arith.constant 0 : i32
    %scan3A_14 = arith.constant 0 : i32
    %scan3A_15 = arith.constant 0 : i32
    %scan3A_16 = arith.constant 5 : i32
    %scan3A_17 = arith.addi %scan3A_15, %scan3A_16 : i32
    %scan3A_18 = arith.constant 1 : i32
    %scan3A_19:2 = scf.for %scan3A_562 = %scan3A_15 to %scan3A_17 step %scan3A_18 iter_args(%scan3A_563 = %scan3A_13, %scan3A_564 = %scan3A_14) -> (i32, i32)  : i32 {
      %mul3A_565 = arith.constant 10000 : i32
      %mul3A_566 = arith.muli %add3A, %mul3A_565 : i32
      %mul3A_567 = arith.constant 2000 : i32
      %mul3A_568 = arith.muli %scan3A_562, %mul3A_567 : i32
      %add3A_569 = arith.addi %mul3A_566, %mul3A_568 : i32
      "tpu.region"() ({
        %run_scoped3A = tpu.sem_alloc : memref<!tpu.dma_semaphore, #tpu.memory_space<semaphore_mem>>
        %dma_start3A = tpu.memref_slice %arg2[%add3A_569] : memref<320000xi32, #tpu.memory_space<hbm>> -> memref<2000xi32, #tpu.memory_space<hbm>>
        %dma_start3A_576 = tpu.memref_slice %arg2[%add3A_569] : memref<320000xi32, #tpu.memory_space<hbm>> -> memref<2000xi32, #tpu.memory_space<hbm>>
        tpu.enqueue_dma source(%dma_start3A_576 : memref<2000xi32, #tpu.memory_space<hbm>>) target(%arg9 : memref<2000xi32, #tpu.memory_space<vmem>>) target_semaphore(%run_scoped3A : memref<!tpu.dma_semaphore, #tpu.memory_space<semaphore_mem>>)
        %dma_wait3A = tpu.memref_slice %arg2[%add3A_569] : memref<320000xi32, #tpu.memory_space<hbm>> -> memref<2000xi32, #tpu.memory_space<hbm>>
        %dma_wait3A_577 = tpu.memref_slice %arg2[%add3A_569] : memref<320000xi32, #tpu.memory_space<hbm>> -> memref<2000xi32, #tpu.memory_space<hbm>>
        tpu.wait_dma2 semaphore(%run_scoped3A : memref<!tpu.dma_semaphore, #tpu.memory_space<semaphore_mem>>) src(%dma_wait3A_577 : memref<2000xi32, #tpu.memory_space<hbm>>) dst(%arg9 : memref<2000xi32, #tpu.memory_space<vmem>>)
        tpu.yield
      }) : () -> ()
      "tpu.region"() ({
        %run_scoped3A = tpu.sem_alloc : memref<!tpu.dma_semaphore, #tpu.memory_space<semaphore_mem>>
        %dma_start3A = tpu.memref_slice %arg3[%add3A_569] : memref<320000xi32, #tpu.memory_space<hbm>> -> memref<2000xi32, #tpu.memory_space<hbm>>
        %dma_start3A_576 = tpu.memref_slice %arg3[%add3A_569] : memref<320000xi32, #tpu.memory_space<hbm>> -> memref<2000xi32, #tpu.memory_space<hbm>>
        tpu.enqueue_dma source(%dma_start3A_576 : memref<2000xi32, #tpu.memory_space<hbm>>) target(%arg10 : memref<2000xi32, #tpu.memory_space<vmem>>) target_semaphore(%run_scoped3A : memref<!tpu.dma_semaphore, #tpu.memory_space<semaphore_mem>>)
        %dma_wait3A = tpu.memref_slice %arg3[%add3A_569] : memref<320000xi32, #tpu.memory_space<hbm>> -> memref<2000xi32, #tpu.memory_space<hbm>>
        %dma_wait3A_577 = tpu.memref_slice %arg3[%add3A_569] : memref<320000xi32, #tpu.memory_space<hbm>> -> memref<2000xi32, #tpu.memory_space<hbm>>
        tpu.wait_dma2 semaphore(%run_scoped3A : memref<!tpu.dma_semaphore, #tpu.memory_space<semaphore_mem>>) src(%dma_wait3A_577 : memref<2000xi32, #tpu.memory_space<hbm>>) dst(%arg10 : memref<2000xi32, #tpu.memory_space<vmem>>)
        tpu.yield
      }) : () -> ()
      "tpu.region"() ({
        %run_scoped3A = tpu.sem_alloc : memref<!tpu.dma_semaphore, #tpu.memory_space<semaphore_mem>>
        %dma_start3A = tpu.memref_slice %arg4[%add3A_569] : memref<320000xi32, #tpu.memory_space<hbm>> -> memref<2000xi32, #tpu.memory_space<hbm>>
        %dma_start3A_576 = tpu.memref_slice %arg4[%add3A_569] : memref<320000xi32, #tpu.memory_space<hbm>> -> memref<2000xi32, #tpu.memory_space<hbm>>
        tpu.enqueue_dma source(%dma_start3A_576 : memref<2000xi32, #tpu.memory_space<hbm>>) target(%arg11 : memref<2000xi32, #tpu.memory_space<vmem>>) target_semaphore(%run_scoped3A : memref<!tpu.dma_semaphore, #tpu.memory_space<semaphore_mem>>)
        %dma_wait3A = tpu.memref_slice %arg4[%add3A_569] : memref<320000xi32, #tpu.memory_space<hbm>> -> memref<2000xi32, #tpu.memory_space<hbm>>
        %dma_wait3A_577 = tpu.memref_slice %arg4[%add3A_569] : memref<320000xi32, #tpu.memory_space<hbm>> -> memref<2000xi32, #tpu.memory_space<hbm>>
        tpu.wait_dma2 semaphore(%run_scoped3A : memref<!tpu.dma_semaphore, #tpu.memory_space<semaphore_mem>>) src(%dma_wait3A_577 : memref<2000xi32, #tpu.memory_space<hbm>>) dst(%arg11 : memref<2000xi32, #tpu.memory_space<vmem>>)
        tpu.yield
      }) : () -> ()
      %scan3A_570 = arith.constant 0 : i32
      %scan3A_571 = arith.constant 125 : i32
      %scan3A_572 = arith.addi %scan3A_570, %scan3A_571 : i32
      %scan3A_573 = arith.constant 1 : i32
      %scan3A_574:2 = scf.for %scan3A_576 = %scan3A_570 to %scan3A_572 step %scan3A_573 iter_args(%scan3A_577 = %scan3A_563, %scan3A_578 = %scan3A_564) -> (i32, i32)  : i32 {
        %mul3A_579 = arith.constant 16 : i32
        %mul3A_580 = arith.muli %scan3A_576, %mul3A_579 : i32
        %get3A = arith.index_cast %mul3A_580 : i32 to index
        %get3A_581 = tpu.vector_load %arg9[%get3A] {strides = array<i32>} : memref<2000xi32, #tpu.memory_space<vmem>>, vector<16xi32>,
        %mul3A_582 = arith.constant 16 : i32
        %mul3A_583 = arith.muli %scan3A_576, %mul3A_582 : i32
        %get3A_584 = arith.index_cast %mul3A_583 : i32 to index
        %get3A_585 = tpu.vector_load %arg10[%get3A_584] {strides = array<i32>} : memref<2000xi32, #tpu.memory_space<vmem>>, vector<16xi32>,
        %mul3A_586 = arith.constant 16 : i32
        %mul3A_587 = arith.muli %scan3A_576, %mul3A_586 : i32
        %get3A_588 = arith.index_cast %mul3A_587 : i32 to index
        %get3A_589 = tpu.vector_load %arg11[%get3A_588] {strides = array<i32>} : memref<2000xi32, #tpu.memory_space<vmem>>, vector<16xi32>,
        %mul3A_590 = arith.constant 2 : i32
        %mul3A_591 = vector.broadcast %mul3A_590 : i32 to vector<16xi32>
        %mul3A_592 = arith.muli %get3A_585, %mul3A_591 : vector<16xi32>
        %add3A_593 = arith.addi %mul3A_592, %get3A_589 : vector<16xi32>
        tpu.vector_store_idx %arg17[%add3A_593], %broadcast_in_dim3A_5 {add = true} : memref<20480xf32, #tpu.memory_space<vmem>>[vector<16xi32>], vector<16xf32>,
        %eq3A_594 = arith.constant 0 : i32
        %eq3A_595 = vector.broadcast %eq3A_594 : i32 to vector<16xi32>
        %eq3A_596 = arith.cmpi eq, %get3A_589, %eq3A_595 : vector<16xi32>
        %not3A = arith.constant dense<true> : vector<16xi1>
        %not3A_597 = arith.xori %eq3A_596, %not3A : vector<16xi1>
        %swap3A_598 = arith.index_cast %scan3A_577 : i32 to index
        %swap3A_599 = tpu.vector_load %arg12[%swap3A_598] masked %eq3A_596 {strides = array<i32>} : memref<10512xi32, #tpu.memory_space<vmem>>, vector<16xi32>, vector<16xi1>
        tpu.vector_store %arg12[%swap3A_598], %get3A_581 masked %eq3A_596 {strides = array<i32>} : memref<10512xi32, #tpu.memory_space<vmem>>, vector<16xi32>, vector<16xi1>
        %swap3A_600 = arith.index_cast %scan3A_577 : i32 to index
        %swap3A_601 = tpu.vector_load %arg13[%swap3A_600] masked %eq3A_596 {strides = array<i32>} : memref<10512xi32, #tpu.memory_space<vmem>>, vector<16xi32>, vector<16xi1>
        tpu.vector_store %arg13[%swap3A_600], %get3A_585 masked %eq3A_596 {strides = array<i32>} : memref<10512xi32, #tpu.memory_space<vmem>>, vector<16xi32>, vector<16xi1>
        %swap3A_602 = arith.index_cast %scan3A_578 : i32 to index
        %swap3A_603 = tpu.vector_load %arg14[%swap3A_602] masked %not3A_597 {strides = array<i32>} : memref<10512xi32, #tpu.memory_space<vmem>>, vector<16xi32>, vector<16xi1>
        tpu.vector_store %arg14[%swap3A_602], %get3A_581 masked %not3A_597 {strides = array<i32>} : memref<10512xi32, #tpu.memory_space<vmem>>, vector<16xi32>, vector<16xi1>
        %swap3A_604 = arith.index_cast %scan3A_578 : i32 to index
        %swap3A_605 = tpu.vector_load %arg15[%swap3A_604] masked %not3A_597 {strides = array<i32>} : memref<10512xi32, #tpu.memory_space<vmem>>, vector<16xi32>, vector<16xi1>
        tpu.vector_store %arg15[%swap3A_604], %get3A_585 masked %not3A_597 {strides = array<i32>} : memref<10512xi32, #tpu.memory_space<vmem>>, vector<16xi32>, vector<16xi1>
        %convert_element_type3A = arith.extui %eq3A_596 : vector<16xi1> to vector<16xi32>
        %reduce_sum3A = arith.constant true
        %reduce_sum3A_606 = vector.broadcast %reduce_sum3A : i1 to vector<16xi1>
        %reduce_sum3A_607 = tpu.scan <sum>, %convert_element_type3A masked %reduce_sum3A_606 : vector<16xi32>, vector<16xi1> -> vector<16xi32>
        %reduce_sum3A_608 = vector.extract %reduce_sum3A_607[15] : i32 from vector<16xi32>
        %add3A_609 = arith.addi %scan3A_577, %reduce_sum3A_608 : i32
        %sub3A = arith.constant 16 : i32
        %sub3A_610 = arith.subi %sub3A, %reduce_sum3A_608 : i32
        %add3A_611 = arith.addi %scan3A_578, %sub3A_610 : i32
        scf.yield %add3A_609, %add3A_611 : i32, i32
      }
      %scan3A_575 = arith.constant 125 : i32
      scf.yield %scan3A_574#0, %scan3A_574#1 : i32, i32
    }
    %scan3A_20 = arith.constant 5 : i32
    %add3A_21 = arith.constant 0 : i32
    %add3A_22 = arith.addi %scan3A_19#0, %add3A_21 : i32
    %swap3A = arith.index_cast %add3A_22 : i32 to index
    %swap3A_23 = tpu.vector_load %arg12[%swap3A] {strides = array<i32>} : memref<10512xi32, #tpu.memory_space<vmem>>, vector<16xi32>,
    tpu.vector_store %arg12[%swap3A], %broadcast_in_dim3A_3 {strides = array<i32>} : memref<10512xi32, #tpu.memory_space<vmem>>, vector<16xi32>,
    %add3A_24 = arith.constant 0 : i32
    %add3A_25 = arith.addi %scan3A_19#0, %add3A_24 : i32
    %swap3A_26 = arith.index_cast %add3A_25 : i32 to index
    %swap3A_27 = tpu.vector_load %arg13[%swap3A_26] {strides = array<i32>} : memref<10512xi32, #tpu.memory_space<vmem>>, vector<16xi32>,
    tpu.vector_store %arg13[%swap3A_26], %broadcast_in_dim3A_7 {strides = array<i32>} : memref<10512xi32, #tpu.memory_space<vmem>>, vector<16xi32>,
    %add3A_28 = arith.constant 0 : i32
    %add3A_29 = arith.addi %scan3A_19#1, %add3A_28 : i32
    %swap3A_30 = arith.index_cast %add3A_29 : i32 to index
    %swap3A_31 = tpu.vector_load %arg14[%swap3A_30] {strides = array<i32>} : memref<10512xi32, #tpu.memory_space<vmem>>, vector<16xi32>,
    tpu.vector_store %arg14[%swap3A_30], %broadcast_in_dim3A_3 {strides = array<i32>} : memref<10512xi32, #tpu.memory_space<vmem>>, vector<16xi32>,
    %add3A_32 = arith.constant 0 : i32
    %add3A_33 = arith.addi %scan3A_19#1, %add3A_32 : i32
    %swap3A_34 = arith.index_cast %add3A_33 : i32 to index
    %swap3A_35 = tpu.vector_load %arg15[%swap3A_34] {strides = array<i32>} : memref<10512xi32, #tpu.memory_space<vmem>>, vector<16xi32>,
    tpu.vector_store %arg15[%swap3A_34], %broadcast_in_dim3A_7 {strides = array<i32>} : memref<10512xi32, #tpu.memory_space<vmem>>, vector<16xi32>,
    %add3A_36 = arith.constant 16 : i32
    %add3A_37 = arith.addi %scan3A_19#0, %add3A_36 : i32
    %swap3A_38 = arith.index_cast %add3A_37 : i32 to index
    %swap3A_39 = tpu.vector_load %arg12[%swap3A_38] {strides = array<i32>} : memref<10512xi32, #tpu.memory_space<vmem>>, vector<16xi32>,
    tpu.vector_store %arg12[%swap3A_38], %broadcast_in_dim3A_3 {strides = array<i32>} : memref<10512xi32, #tpu.memory_space<vmem>>, vector<16xi32>,
    %add3A_40 = arith.constant 16 : i32
    %add3A_41 = arith.addi %scan3A_19#0, %add3A_40 : i32
    %swap3A_42 = arith.index_cast %add3A_41 : i32 to index
    %swap3A_43 = tpu.vector_load %arg13[%swap3A_42] {strides = array<i32>} : memref<10512xi32, #tpu.memory_space<vmem>>, vector<16xi32>,
    tpu.vector_store %arg13[%swap3A_42], %broadcast_in_dim3A_7 {strides = array<i32>} : memref<10512xi32, #tpu.memory_space<vmem>>, vector<16xi32>,
    %add3A_44 = arith.constant 16 : i32
    %add3A_45 = arith.addi %scan3A_19#1, %add3A_44 : i32
    %swap3A_46 = arith.index_cast %add3A_45 : i32 to index
    %swap3A_47 = tpu.vector_load %arg14[%swap3A_46] {strides = array<i32>} : memref<10512xi32, #tpu.memory_space<vmem>>, vector<16xi32>,
    tpu.vector_store %arg14[%swap3A_46], %broadcast_in_dim3A_3 {strides = array<i32>} : memref<10512xi32, #tpu.memory_space<vmem>>, vector<16xi32>,
    %add3A_48 = arith.constant 16 : i32
    %add3A_49 = arith.addi %scan3A_19#1, %add3A_48 : i32
    %swap3A_50 = arith.index_cast %add3A_49 : i32 to index
    %swap3A_51 = tpu.vector_load %arg15[%swap3A_50] {strides = array<i32>} : memref<10512xi32, #tpu.memory_space<vmem>>, vector<16xi32>,
    tpu.vector_store %arg15[%swap3A_50], %broadcast_in_dim3A_7 {strides = array<i32>} : memref<10512xi32, #tpu.memory_space<vmem>>, vector<16xi32>,
    %add3A_52 = arith.constant 32 : i32
    %add3A_53 = arith.addi %scan3A_19#0, %add3A_52 : i32
    %swap3A_54 = arith.index_cast %add3A_53 : i32 to index
    %swap3A_55 = tpu.vector_load %arg12[%swap3A_54] {strides = array<i32>} : memref<10512xi32, #tpu.memory_space<vmem>>, vector<16xi32>,
    tpu.vector_store %arg12[%swap3A_54], %broadcast_in_dim3A_3 {strides = array<i32>} : memref<10512xi32, #tpu.memory_space<vmem>>, vector<16xi32>,
    %add3A_56 = arith.constant 32 : i32
    %add3A_57 = arith.addi %scan3A_19#0, %add3A_56 : i32
    %swap3A_58 = arith.index_cast %add3A_57 : i32 to index
    %swap3A_59 = tpu.vector_load %arg13[%swap3A_58] {strides = array<i32>} : memref<10512xi32, #tpu.memory_space<vmem>>, vector<16xi32>,
    tpu.vector_store %arg13[%swap3A_58], %broadcast_in_dim3A_7 {strides = array<i32>} : memref<10512xi32, #tpu.memory_space<vmem>>, vector<16xi32>,
    %add3A_60 = arith.constant 32 : i32
    %add3A_61 = arith.addi %scan3A_19#1, %add3A_60 : i32
    %swap3A_62 = arith.index_cast %add3A_61 : i32 to index
    %swap3A_63 = tpu.vector_load %arg14[%swap3A_62] {strides = array<i32>} : memref<10512xi32, #tpu.memory_space<vmem>>, vector<16xi32>,
    tpu.vector_store %arg14[%swap3A_62], %broadcast_in_dim3A_3 {strides = array<i32>} : memref<10512xi32, #tpu.memory_space<vmem>>, vector<16xi32>,
    %add3A_64 = arith.constant 32 : i32
    %add3A_65 = arith.addi %scan3A_19#1, %add3A_64 : i32
    %swap3A_66 = arith.index_cast %add3A_65 : i32 to index
    %swap3A_67 = tpu.vector_load %arg15[%swap3A_66] {strides = array<i32>} : memref<10512xi32, #tpu.memory_space<vmem>>, vector<16xi32>,
    tpu.vector_store %arg15[%swap3A_66], %broadcast_in_dim3A_7 {strides = array<i32>} : memref<10512xi32, #tpu.memory_space<vmem>>, vector<16xi32>,
    %add3A_68 = arith.constant 48 : i32
    %add3A_69 = arith.addi %scan3A_19#0, %add3A_68 : i32
    %swap3A_70 = arith.index_cast %add3A_69 : i32 to index
    %swap3A_71 = tpu.vector_load %arg12[%swap3A_70] {strides = array<i32>} : memref<10512xi32, #tpu.memory_space<vmem>>, vector<16xi32>,
    tpu.vector_store %arg12[%swap3A_70], %broadcast_in_dim3A_3 {strides = array<i32>} : memref<10512xi32, #tpu.memory_space<vmem>>, vector<16xi32>,
    %add3A_72 = arith.constant 48 : i32
    %add3A_73 = arith.addi %scan3A_19#0, %add3A_72 : i32
    %swap3A_74 = arith.index_cast %add3A_73 : i32 to index
    %swap3A_75 = tpu.vector_load %arg13[%swap3A_74] {strides = array<i32>} : memref<10512xi32, #tpu.memory_space<vmem>>, vector<16xi32>,
    tpu.vector_store %arg13[%swap3A_74], %broadcast_in_dim3A_7 {strides = array<i32>} : memref<10512xi32, #tpu.memory_space<vmem>>, vector<16xi32>,
    %add3A_76 = arith.constant 48 : i32
    %add3A_77 = arith.addi %scan3A_19#1, %add3A_76 : i32
    %swap3A_78 = arith.index_cast %add3A_77 : i32 to index
    %swap3A_79 = tpu.vector_load %arg14[%swap3A_78] {strides = array<i32>} : memref<10512xi32, #tpu.memory_space<vmem>>, vector<16xi32>,
    tpu.vector_store %arg14[%swap3A_78], %broadcast_in_dim3A_3 {strides = array<i32>} : memref<10512xi32, #tpu.memory_space<vmem>>, vector<16xi32>,
    %add3A_80 = arith.constant 48 : i32
    %add3A_81 = arith.addi %scan3A_19#1, %add3A_80 : i32
    %swap3A_82 = arith.index_cast %add3A_81 : i32 to index
    %swap3A_83 = tpu.vector_load %arg15[%swap3A_82] {strides = array<i32>} : memref<10512xi32, #tpu.memory_space<vmem>>, vector<16xi32>,
    tpu.vector_store %arg15[%swap3A_82], %broadcast_in_dim3A_7 {strides = array<i32>} : memref<10512xi32, #tpu.memory_space<vmem>>, vector<16xi32>,
    %add3A_84 = arith.constant 64 : i32
    %add3A_85 = arith.addi %scan3A_19#0, %add3A_84 : i32
    %swap3A_86 = arith.index_cast %add3A_85 : i32 to index
    %swap3A_87 = tpu.vector_load %arg12[%swap3A_86] {strides = array<i32>} : memref<10512xi32, #tpu.memory_space<vmem>>, vector<16xi32>,
    tpu.vector_store %arg12[%swap3A_86], %broadcast_in_dim3A_3 {strides = array<i32>} : memref<10512xi32, #tpu.memory_space<vmem>>, vector<16xi32>,
    %add3A_88 = arith.constant 64 : i32
    %add3A_89 = arith.addi %scan3A_19#0, %add3A_88 : i32
    %swap3A_90 = arith.index_cast %add3A_89 : i32 to index
    %swap3A_91 = tpu.vector_load %arg13[%swap3A_90] {strides = array<i32>} : memref<10512xi32, #tpu.memory_space<vmem>>, vector<16xi32>,
    tpu.vector_store %arg13[%swap3A_90], %broadcast_in_dim3A_7 {strides = array<i32>} : memref<10512xi32, #tpu.memory_space<vmem>>, vector<16xi32>,
    %add3A_92 = arith.constant 64 : i32
    %add3A_93 = arith.addi %scan3A_19#1, %add3A_92 : i32
    %swap3A_94 = arith.index_cast %add3A_93 : i32 to index
    %swap3A_95 = tpu.vector_load %arg14[%swap3A_94] {strides = array<i32>} : memref<10512xi32, #tpu.memory_space<vmem>>, vector<16xi32>,
    tpu.vector_store %arg14[%swap3A_94], %broadcast_in_dim3A_3 {strides = array<i32>} : memref<10512xi32, #tpu.memory_space<vmem>>, vector<16xi32>,
    %add3A_96 = arith.constant 64 : i32
    %add3A_97 = arith.addi %scan3A_19#1, %add3A_96 : i32
    %swap3A_98 = arith.index_cast %add3A_97 : i32 to index
    %swap3A_99 = tpu.vector_load %arg15[%swap3A_98] {strides = array<i32>} : memref<10512xi32, #tpu.memory_space<vmem>>, vector<16xi32>,
    tpu.vector_store %arg15[%swap3A_98], %broadcast_in_dim3A_7 {strides = array<i32>} : memref<10512xi32, #tpu.memory_space<vmem>>, vector<16xi32>,
    %add3A_100 = arith.constant 80 : i32
    %add3A_101 = arith.addi %scan3A_19#0, %add3A_100 : i32
    %swap3A_102 = arith.index_cast %add3A_101 : i32 to index
    %swap3A_103 = tpu.vector_load %arg12[%swap3A_102] {strides = array<i32>} : memref<10512xi32, #tpu.memory_space<vmem>>, vector<16xi32>,
    tpu.vector_store %arg12[%swap3A_102], %broadcast_in_dim3A_3 {strides = array<i32>} : memref<10512xi32, #tpu.memory_space<vmem>>, vector<16xi32>,
    %add3A_104 = arith.constant 80 : i32
    %add3A_105 = arith.addi %scan3A_19#0, %add3A_104 : i32
    %swap3A_106 = arith.index_cast %add3A_105 : i32 to index
    %swap3A_107 = tpu.vector_load %arg13[%swap3A_106] {strides = array<i32>} : memref<10512xi32, #tpu.memory_space<vmem>>, vector<16xi32>,
    tpu.vector_store %arg13[%swap3A_106], %broadcast_in_dim3A_7 {strides = array<i32>} : memref<10512xi32, #tpu.memory_space<vmem>>, vector<16xi32>,
    %add3A_108 = arith.constant 80 : i32
    %add3A_109 = arith.addi %scan3A_19#1, %add3A_108 : i32
    %swap3A_110 = arith.index_cast %add3A_109 : i32 to index
    %swap3A_111 = tpu.vector_load %arg14[%swap3A_110] {strides = array<i32>} : memref<10512xi32, #tpu.memory_space<vmem>>, vector<16xi32>,
    tpu.vector_store %arg14[%swap3A_110], %broadcast_in_dim3A_3 {strides = array<i32>} : memref<10512xi32, #tpu.memory_space<vmem>>, vector<16xi32>,
    %add3A_112 = arith.constant 80 : i32
    %add3A_113 = arith.addi %scan3A_19#1, %add3A_112 : i32
    %swap3A_114 = arith.index_cast %add3A_113 : i32 to index
    %swap3A_115 = tpu.vector_load %arg15[%swap3A_114] {strides = array<i32>} : memref<10512xi32, #tpu.memory_space<vmem>>, vector<16xi32>,
    tpu.vector_store %arg15[%swap3A_114], %broadcast_in_dim3A_7 {strides = array<i32>} : memref<10512xi32, #tpu.memory_space<vmem>>, vector<16xi32>,
    %add3A_116 = arith.constant 96 : i32
    %add3A_117 = arith.addi %scan3A_19#0, %add3A_116 : i32
    %swap3A_118 = arith.index_cast %add3A_117 : i32 to index
    %swap3A_119 = tpu.vector_load %arg12[%swap3A_118] {strides = array<i32>} : memref<10512xi32, #tpu.memory_space<vmem>>, vector<16xi32>,
    tpu.vector_store %arg12[%swap3A_118], %broadcast_in_dim3A_3 {strides = array<i32>} : memref<10512xi32, #tpu.memory_space<vmem>>, vector<16xi32>,
    %add3A_120 = arith.constant 96 : i32
    %add3A_121 = arith.addi %scan3A_19#0, %add3A_120 : i32
    %swap3A_122 = arith.index_cast %add3A_121 : i32 to index
    %swap3A_123 = tpu.vector_load %arg13[%swap3A_122] {strides = array<i32>} : memref<10512xi32, #tpu.memory_space<vmem>>, vector<16xi32>,
    tpu.vector_store %arg13[%swap3A_122], %broadcast_in_dim3A_7 {strides = array<i32>} : memref<10512xi32, #tpu.memory_space<vmem>>, vector<16xi32>,
    %add3A_124 = arith.constant 96 : i32
    %add3A_125 = arith.addi %scan3A_19#1, %add3A_124 : i32
    %swap3A_126 = arith.index_cast %add3A_125 : i32 to index
    %swap3A_127 = tpu.vector_load %arg14[%swap3A_126] {strides = array<i32>} : memref<10512xi32, #tpu.memory_space<vmem>>, vector<16xi32>,
    tpu.vector_store %arg14[%swap3A_126], %broadcast_in_dim3A_3 {strides = array<i32>} : memref<10512xi32, #tpu.memory_space<vmem>>, vector<16xi32>,
    %add3A_128 = arith.constant 96 : i32
    %add3A_129 = arith.addi %scan3A_19#1, %add3A_128 : i32
    %swap3A_130 = arith.index_cast %add3A_129 : i32 to index
    %swap3A_131 = tpu.vector_load %arg15[%swap3A_130] {strides = array<i32>} : memref<10512xi32, #tpu.memory_space<vmem>>, vector<16xi32>,
    tpu.vector_store %arg15[%swap3A_130], %broadcast_in_dim3A_7 {strides = array<i32>} : memref<10512xi32, #tpu.memory_space<vmem>>, vector<16xi32>,
    %add3A_132 = arith.constant 112 : i32
    %add3A_133 = arith.addi %scan3A_19#0, %add3A_132 : i32
    %swap3A_134 = arith.index_cast %add3A_133 : i32 to index
    %swap3A_135 = tpu.vector_load %arg12[%swap3A_134] {strides = array<i32>} : memref<10512xi32, #tpu.memory_space<vmem>>, vector<16xi32>,
    tpu.vector_store %arg12[%swap3A_134], %broadcast_in_dim3A_3 {strides = array<i32>} : memref<10512xi32, #tpu.memory_space<vmem>>, vector<16xi32>,
    %add3A_136 = arith.constant 112 : i32
    %add3A_137 = arith.addi %scan3A_19#0, %add3A_136 : i32
    %swap3A_138 = arith.index_cast %add3A_137 : i32 to index
    %swap3A_139 = tpu.vector_load %arg13[%swap3A_138] {strides = array<i32>} : memref<10512xi32, #tpu.memory_space<vmem>>, vector<16xi32>,
    tpu.vector_store %arg13[%swap3A_138], %broadcast_in_dim3A_7 {strides = array<i32>} : memref<10512xi32, #tpu.memory_space<vmem>>, vector<16xi32>,
    %add3A_140 = arith.constant 112 : i32
    %add3A_141 = arith.addi %scan3A_19#1, %add3A_140 : i32
    %swap3A_142 = arith.index_cast %add3A_141 : i32 to index
    %swap3A_143 = tpu.vector_load %arg14[%swap3A_142] {strides = array<i32>} : memref<10512xi32, #tpu.memory_space<vmem>>, vector<16xi32>,
    tpu.vector_store %arg14[%swap3A_142], %broadcast_in_dim3A_3 {strides = array<i32>} : memref<10512xi32, #tpu.memory_space<vmem>>, vector<16xi32>,
    %add3A_144 = arith.constant 112 : i32
    %add3A_145 = arith.addi %scan3A_19#1, %add3A_144 : i32
    %swap3A_146 = arith.index_cast %add3A_145 : i32 to index
    %swap3A_147 = tpu.vector_load %arg15[%swap3A_146] {strides = array<i32>} : memref<10512xi32, #tpu.memory_space<vmem>>, vector<16xi32>,
    tpu.vector_store %arg15[%swap3A_146], %broadcast_in_dim3A_7 {strides = array<i32>} : memref<10512xi32, #tpu.memory_space<vmem>>, vector<16xi32>,
    %add3A_148 = arith.constant 128 : i32
    %add3A_149 = arith.addi %scan3A_19#0, %add3A_148 : i32
    %swap3A_150 = arith.index_cast %add3A_149 : i32 to index
    %swap3A_151 = tpu.vector_load %arg12[%swap3A_150] {strides = array<i32>} : memref<10512xi32, #tpu.memory_space<vmem>>, vector<16xi32>,
    tpu.vector_store %arg12[%swap3A_150], %broadcast_in_dim3A_3 {strides = array<i32>} : memref<10512xi32, #tpu.memory_space<vmem>>, vector<16xi32>,
    %add3A_152 = arith.constant 128 : i32
    %add3A_153 = arith.addi %scan3A_19#0, %add3A_152 : i32
    %swap3A_154 = arith.index_cast %add3A_153 : i32 to index
    %swap3A_155 = tpu.vector_load %arg13[%swap3A_154] {strides = array<i32>} : memref<10512xi32, #tpu.memory_space<vmem>>, vector<16xi32>,
    tpu.vector_store %arg13[%swap3A_154], %broadcast_in_dim3A_7 {strides = array<i32>} : memref<10512xi32, #tpu.memory_space<vmem>>, vector<16xi32>,
    %add3A_156 = arith.constant 128 : i32
    %add3A_157 = arith.addi %scan3A_19#1, %add3A_156 : i32
    %swap3A_158 = arith.index_cast %add3A_157 : i32 to index
    %swap3A_159 = tpu.vector_load %arg14[%swap3A_158] {strides = array<i32>} : memref<10512xi32, #tpu.memory_space<vmem>>, vector<16xi32>,
    tpu.vector_store %arg14[%swap3A_158], %broadcast_in_dim3A_3 {strides = array<i32>} : memref<10512xi32, #tpu.memory_space<vmem>>, vector<16xi32>,
    %add3A_160 = arith.constant 128 : i32
    %add3A_161 = arith.addi %scan3A_19#1, %add3A_160 : i32
    %swap3A_162 = arith.index_cast %add3A_161 : i32 to index
    %swap3A_163 = tpu.vector_load %arg15[%swap3A_162] {strides = array<i32>} : memref<10512xi32, #tpu.memory_space<vmem>>, vector<16xi32>,
    tpu.vector_store %arg15[%swap3A_162], %broadcast_in_dim3A_7 {strides = array<i32>} : memref<10512xi32, #tpu.memory_space<vmem>>, vector<16xi32>,
    %add3A_164 = arith.constant 144 : i32
    %add3A_165 = arith.addi %scan3A_19#0, %add3A_164 : i32
    %swap3A_166 = arith.index_cast %add3A_165 : i32 to index
    %swap3A_167 = tpu.vector_load %arg12[%swap3A_166] {strides = array<i32>} : memref<10512xi32, #tpu.memory_space<vmem>>, vector<16xi32>,
    tpu.vector_store %arg12[%swap3A_166], %broadcast_in_dim3A_3 {strides = array<i32>} : memref<10512xi32, #tpu.memory_space<vmem>>, vector<16xi32>,
    %add3A_168 = arith.constant 144 : i32
    %add3A_169 = arith.addi %scan3A_19#0, %add3A_168 : i32
    %swap3A_170 = arith.index_cast %add3A_169 : i32 to index
    %swap3A_171 = tpu.vector_load %arg13[%swap3A_170] {strides = array<i32>} : memref<10512xi32, #tpu.memory_space<vmem>>, vector<16xi32>,
    tpu.vector_store %arg13[%swap3A_170], %broadcast_in_dim3A_7 {strides = array<i32>} : memref<10512xi32, #tpu.memory_space<vmem>>, vector<16xi32>,
    %add3A_172 = arith.constant 144 : i32
    %add3A_173 = arith.addi %scan3A_19#1, %add3A_172 : i32
    %swap3A_174 = arith.index_cast %add3A_173 : i32 to index
    %swap3A_175 = tpu.vector_load %arg14[%swap3A_174] {strides = array<i32>} : memref<10512xi32, #tpu.memory_space<vmem>>, vector<16xi32>,
    tpu.vector_store %arg14[%swap3A_174], %broadcast_in_dim3A_3 {strides = array<i32>} : memref<10512xi32, #tpu.memory_space<vmem>>, vector<16xi32>,
    %add3A_176 = arith.constant 144 : i32
    %add3A_177 = arith.addi %scan3A_19#1, %add3A_176 : i32
    %swap3A_178 = arith.index_cast %add3A_177 : i32 to index
    %swap3A_179 = tpu.vector_load %arg15[%swap3A_178] {strides = array<i32>} : memref<10512xi32, #tpu.memory_space<vmem>>, vector<16xi32>,
    tpu.vector_store %arg15[%swap3A_178], %broadcast_in_dim3A_7 {strides = array<i32>} : memref<10512xi32, #tpu.memory_space<vmem>>, vector<16xi32>,
    %add3A_180 = arith.constant 160 : i32
    %add3A_181 = arith.addi %scan3A_19#0, %add3A_180 : i32
    %swap3A_182 = arith.index_cast %add3A_181 : i32 to index
    %swap3A_183 = tpu.vector_load %arg12[%swap3A_182] {strides = array<i32>} : memref<10512xi32, #tpu.memory_space<vmem>>, vector<16xi32>,
    tpu.vector_store %arg12[%swap3A_182], %broadcast_in_dim3A_3 {strides = array<i32>} : memref<10512xi32, #tpu.memory_space<vmem>>, vector<16xi32>,
    %add3A_184 = arith.constant 160 : i32
    %add3A_185 = arith.addi %scan3A_19#0, %add3A_184 : i32
    %swap3A_186 = arith.index_cast %add3A_185 : i32 to index
    %swap3A_187 = tpu.vector_load %arg13[%swap3A_186] {strides = array<i32>} : memref<10512xi32, #tpu.memory_space<vmem>>, vector<16xi32>,
    tpu.vector_store %arg13[%swap3A_186], %broadcast_in_dim3A_7 {strides = array<i32>} : memref<10512xi32, #tpu.memory_space<vmem>>, vector<16xi32>,
    %add3A_188 = arith.constant 160 : i32
    %add3A_189 = arith.addi %scan3A_19#1, %add3A_188 : i32
    %swap3A_190 = arith.index_cast %add3A_189 : i32 to index
    %swap3A_191 = tpu.vector_load %arg14[%swap3A_190] {strides = array<i32>} : memref<10512xi32, #tpu.memory_space<vmem>>, vector<16xi32>,
    tpu.vector_store %arg14[%swap3A_190], %broadcast_in_dim3A_3 {strides = array<i32>} : memref<10512xi32, #tpu.memory_space<vmem>>, vector<16xi32>,
    %add3A_192 = arith.constant 160 : i32
    %add3A_193 = arith.addi %scan3A_19#1, %add3A_192 : i32
    %swap3A_194 = arith.index_cast %add3A_193 : i32 to index
    %swap3A_195 = tpu.vector_load %arg15[%swap3A_194] {strides = array<i32>} : memref<10512xi32, #tpu.memory_space<vmem>>, vector<16xi32>,
    tpu.vector_store %arg15[%swap3A_194], %broadcast_in_dim3A_7 {strides = array<i32>} : memref<10512xi32, #tpu.memory_space<vmem>>, vector<16xi32>,
    %add3A_196 = arith.constant 176 : i32
    %add3A_197 = arith.addi %scan3A_19#0, %add3A_196 : i32
    %swap3A_198 = arith.index_cast %add3A_197 : i32 to index
    %swap3A_199 = tpu.vector_load %arg12[%swap3A_198] {strides = array<i32>} : memref<10512xi32, #tpu.memory_space<vmem>>, vector<16xi32>,
    tpu.vector_store %arg12[%swap3A_198], %broadcast_in_dim3A_3 {strides = array<i32>} : memref<10512xi32, #tpu.memory_space<vmem>>, vector<16xi32>,
    %add3A_200 = arith.constant 176 : i32
    %add3A_201 = arith.addi %scan3A_19#0, %add3A_200 : i32
    %swap3A_202 = arith.index_cast %add3A_201 : i32 to index
    %swap3A_203 = tpu.vector_load %arg13[%swap3A_202] {strides = array<i32>} : memref<10512xi32, #tpu.memory_space<vmem>>, vector<16xi32>,
    tpu.vector_store %arg13[%swap3A_202], %broadcast_in_dim3A_7 {strides = array<i32>} : memref<10512xi32, #tpu.memory_space<vmem>>, vector<16xi32>,
    %add3A_204 = arith.constant 176 : i32
    %add3A_205 = arith.addi %scan3A_19#1, %add3A_204 : i32
    %swap3A_206 = arith.index_cast %add3A_205 : i32 to index
    %swap3A_207 = tpu.vector_load %arg14[%swap3A_206] {strides = array<i32>} : memref<10512xi32, #tpu.memory_space<vmem>>, vector<16xi32>,
    tpu.vector_store %arg14[%swap3A_206], %broadcast_in_dim3A_3 {strides = array<i32>} : memref<10512xi32, #tpu.memory_space<vmem>>, vector<16xi32>,
    %add3A_208 = arith.constant 176 : i32
    %add3A_209 = arith.addi %scan3A_19#1, %add3A_208 : i32
    %swap3A_210 = arith.index_cast %add3A_209 : i32 to index
    %swap3A_211 = tpu.vector_load %arg15[%swap3A_210] {strides = array<i32>} : memref<10512xi32, #tpu.memory_space<vmem>>, vector<16xi32>,
    tpu.vector_store %arg15[%swap3A_210], %broadcast_in_dim3A_7 {strides = array<i32>} : memref<10512xi32, #tpu.memory_space<vmem>>, vector<16xi32>,
    %add3A_212 = arith.constant 192 : i32
    %add3A_213 = arith.addi %scan3A_19#0, %add3A_212 : i32
    %swap3A_214 = arith.index_cast %add3A_213 : i32 to index
    %swap3A_215 = tpu.vector_load %arg12[%swap3A_214] {strides = array<i32>} : memref<10512xi32, #tpu.memory_space<vmem>>, vector<16xi32>,
    tpu.vector_store %arg12[%swap3A_214], %broadcast_in_dim3A_3 {strides = array<i32>} : memref<10512xi32, #tpu.memory_space<vmem>>, vector<16xi32>,
    %add3A_216 = arith.constant 192 : i32
    %add3A_217 = arith.addi %scan3A_19#0, %add3A_216 : i32
    %swap3A_218 = arith.index_cast %add3A_217 : i32 to index
    %swap3A_219 = tpu.vector_load %arg13[%swap3A_218] {strides = array<i32>} : memref<10512xi32, #tpu.memory_space<vmem>>, vector<16xi32>,
    tpu.vector_store %arg13[%swap3A_218], %broadcast_in_dim3A_7 {strides = array<i32>} : memref<10512xi32, #tpu.memory_space<vmem>>, vector<16xi32>,
    %add3A_220 = arith.constant 192 : i32
    %add3A_221 = arith.addi %scan3A_19#1, %add3A_220 : i32
    %swap3A_222 = arith.index_cast %add3A_221 : i32 to index
    %swap3A_223 = tpu.vector_load %arg14[%swap3A_222] {strides = array<i32>} : memref<10512xi32, #tpu.memory_space<vmem>>, vector<16xi32>,
    tpu.vector_store %arg14[%swap3A_222], %broadcast_in_dim3A_3 {strides = array<i32>} : memref<10512xi32, #tpu.memory_space<vmem>>, vector<16xi32>,
    %add3A_224 = arith.constant 192 : i32
    %add3A_225 = arith.addi %scan3A_19#1, %add3A_224 : i32
    %swap3A_226 = arith.index_cast %add3A_225 : i32 to index
    %swap3A_227 = tpu.vector_load %arg15[%swap3A_226] {strides = array<i32>} : memref<10512xi32, #tpu.memory_space<vmem>>, vector<16xi32>,
    tpu.vector_store %arg15[%swap3A_226], %broadcast_in_dim3A_7 {strides = array<i32>} : memref<10512xi32, #tpu.memory_space<vmem>>, vector<16xi32>,
    %add3A_228 = arith.constant 208 : i32
    %add3A_229 = arith.addi %scan3A_19#0, %add3A_228 : i32
    %swap3A_230 = arith.index_cast %add3A_229 : i32 to index
    %swap3A_231 = tpu.vector_load %arg12[%swap3A_230] {strides = array<i32>} : memref<10512xi32, #tpu.memory_space<vmem>>, vector<16xi32>,
    tpu.vector_store %arg12[%swap3A_230], %broadcast_in_dim3A_3 {strides = array<i32>} : memref<10512xi32, #tpu.memory_space<vmem>>, vector<16xi32>,
    %add3A_232 = arith.constant 208 : i32
    %add3A_233 = arith.addi %scan3A_19#0, %add3A_232 : i32
    %swap3A_234 = arith.index_cast %add3A_233 : i32 to index
    %swap3A_235 = tpu.vector_load %arg13[%swap3A_234] {strides = array<i32>} : memref<10512xi32, #tpu.memory_space<vmem>>, vector<16xi32>,
    tpu.vector_store %arg13[%swap3A_234], %broadcast_in_dim3A_7 {strides = array<i32>} : memref<10512xi32, #tpu.memory_space<vmem>>, vector<16xi32>,
    %add3A_236 = arith.constant 208 : i32
    %add3A_237 = arith.addi %scan3A_19#1, %add3A_236 : i32
    %swap3A_238 = arith.index_cast %add3A_237 : i32 to index
    %swap3A_239 = tpu.vector_load %arg14[%swap3A_238] {strides = array<i32>} : memref<10512xi32, #tpu.memory_space<vmem>>, vector<16xi32>,
    tpu.vector_store %arg14[%swap3A_238], %broadcast_in_dim3A_3 {strides = array<i32>} : memref<10512xi32, #tpu.memory_space<vmem>>, vector<16xi32>,
    %add3A_240 = arith.constant 208 : i32
    %add3A_241 = arith.addi %scan3A_19#1, %add3A_240 : i32
    %swap3A_242 = arith.index_cast %add3A_241 : i32 to index
    %swap3A_243 = tpu.vector_load %arg15[%swap3A_242] {strides = array<i32>} : memref<10512xi32, #tpu.memory_space<vmem>>, vector<16xi32>,
    tpu.vector_store %arg15[%swap3A_242], %broadcast_in_dim3A_7 {strides = array<i32>} : memref<10512xi32, #tpu.memory_space<vmem>>, vector<16xi32>,
    %add3A_244 = arith.constant 224 : i32
    %add3A_245 = arith.addi %scan3A_19#0, %add3A_244 : i32
    %swap3A_246 = arith.index_cast %add3A_245 : i32 to index
    %swap3A_247 = tpu.vector_load %arg12[%swap3A_246] {strides = array<i32>} : memref<10512xi32, #tpu.memory_space<vmem>>, vector<16xi32>,
    tpu.vector_store %arg12[%swap3A_246], %broadcast_in_dim3A_3 {strides = array<i32>} : memref<10512xi32, #tpu.memory_space<vmem>>, vector<16xi32>,
    %add3A_248 = arith.constant 224 : i32
    %add3A_249 = arith.addi %scan3A_19#0, %add3A_248 : i32
    %swap3A_250 = arith.index_cast %add3A_249 : i32 to index
    %swap3A_251 = tpu.vector_load %arg13[%swap3A_250] {strides = array<i32>} : memref<10512xi32, #tpu.memory_space<vmem>>, vector<16xi32>,
    tpu.vector_store %arg13[%swap3A_250], %broadcast_in_dim3A_7 {strides = array<i32>} : memref<10512xi32, #tpu.memory_space<vmem>>, vector<16xi32>,
    %add3A_252 = arith.constant 224 : i32
    %add3A_253 = arith.addi %scan3A_19#1, %add3A_252 : i32
    %swap3A_254 = arith.index_cast %add3A_253 : i32 to index
    %swap3A_255 = tpu.vector_load %arg14[%swap3A_254] {strides = array<i32>} : memref<10512xi32, #tpu.memory_space<vmem>>, vector<16xi32>,
    tpu.vector_store %arg14[%swap3A_254], %broadcast_in_dim3A_3 {strides = array<i32>} : memref<10512xi32, #tpu.memory_space<vmem>>, vector<16xi32>,
    %add3A_256 = arith.constant 224 : i32
    %add3A_257 = arith.addi %scan3A_19#1, %add3A_256 : i32
    %swap3A_258 = arith.index_cast %add3A_257 : i32 to index
    %swap3A_259 = tpu.vector_load %arg15[%swap3A_258] {strides = array<i32>} : memref<10512xi32, #tpu.memory_space<vmem>>, vector<16xi32>,
    tpu.vector_store %arg15[%swap3A_258], %broadcast_in_dim3A_7 {strides = array<i32>} : memref<10512xi32, #tpu.memory_space<vmem>>, vector<16xi32>,
    %add3A_260 = arith.constant 240 : i32
    %add3A_261 = arith.addi %scan3A_19#0, %add3A_260 : i32
    %swap3A_262 = arith.index_cast %add3A_261 : i32 to index
    %swap3A_263 = tpu.vector_load %arg12[%swap3A_262] {strides = array<i32>} : memref<10512xi32, #tpu.memory_space<vmem>>, vector<16xi32>,
    tpu.vector_store %arg12[%swap3A_262], %broadcast_in_dim3A_3 {strides = array<i32>} : memref<10512xi32, #tpu.memory_space<vmem>>, vector<16xi32>,
    %add3A_264 = arith.constant 240 : i32
    %add3A_265 = arith.addi %scan3A_19#0, %add3A_264 : i32
    %swap3A_266 = arith.index_cast %add3A_265 : i32 to index
    %swap3A_267 = tpu.vector_load %arg13[%swap3A_266] {strides = array<i32>} : memref<10512xi32, #tpu.memory_space<vmem>>, vector<16xi32>,
    tpu.vector_store %arg13[%swap3A_266], %broadcast_in_dim3A_7 {strides = array<i32>} : memref<10512xi32, #tpu.memory_space<vmem>>, vector<16xi32>,
    %add3A_268 = arith.constant 240 : i32
    %add3A_269 = arith.addi %scan3A_19#1, %add3A_268 : i32
    %swap3A_270 = arith.index_cast %add3A_269 : i32 to index
    %swap3A_271 = tpu.vector_load %arg14[%swap3A_270] {strides = array<i32>} : memref<10512xi32, #tpu.memory_space<vmem>>, vector<16xi32>,
    tpu.vector_store %arg14[%swap3A_270], %broadcast_in_dim3A_3 {strides = array<i32>} : memref<10512xi32, #tpu.memory_space<vmem>>, vector<16xi32>,
    %add3A_272 = arith.constant 240 : i32
    %add3A_273 = arith.addi %scan3A_19#1, %add3A_272 : i32
    %swap3A_274 = arith.index_cast %add3A_273 : i32 to index
    %swap3A_275 = tpu.vector_load %arg15[%swap3A_274] {strides = array<i32>} : memref<10512xi32, #tpu.memory_space<vmem>>, vector<16xi32>,
    tpu.vector_store %arg15[%swap3A_274], %broadcast_in_dim3A_7 {strides = array<i32>} : memref<10512xi32, #tpu.memory_space<vmem>>, vector<16xi32>,
    %add3A_276 = arith.constant 256 : i32
    %add3A_277 = arith.addi %scan3A_19#0, %add3A_276 : i32
    %swap3A_278 = arith.index_cast %add3A_277 : i32 to index
    %swap3A_279 = tpu.vector_load %arg12[%swap3A_278] {strides = array<i32>} : memref<10512xi32, #tpu.memory_space<vmem>>, vector<16xi32>,
    tpu.vector_store %arg12[%swap3A_278], %broadcast_in_dim3A_3 {strides = array<i32>} : memref<10512xi32, #tpu.memory_space<vmem>>, vector<16xi32>,
    %add3A_280 = arith.constant 256 : i32
    %add3A_281 = arith.addi %scan3A_19#0, %add3A_280 : i32
    %swap3A_282 = arith.index_cast %add3A_281 : i32 to index
    %swap3A_283 = tpu.vector_load %arg13[%swap3A_282] {strides = array<i32>} : memref<10512xi32, #tpu.memory_space<vmem>>, vector<16xi32>,
    tpu.vector_store %arg13[%swap3A_282], %broadcast_in_dim3A_7 {strides = array<i32>} : memref<10512xi32, #tpu.memory_space<vmem>>, vector<16xi32>,
    %add3A_284 = arith.constant 256 : i32
    %add3A_285 = arith.addi %scan3A_19#1, %add3A_284 : i32
    %swap3A_286 = arith.index_cast %add3A_285 : i32 to index
    %swap3A_287 = tpu.vector_load %arg14[%swap3A_286] {strides = array<i32>} : memref<10512xi32, #tpu.memory_space<vmem>>, vector<16xi32>,
    tpu.vector_store %arg14[%swap3A_286], %broadcast_in_dim3A_3 {strides = array<i32>} : memref<10512xi32, #tpu.memory_space<vmem>>, vector<16xi32>,
    %add3A_288 = arith.constant 256 : i32
    %add3A_289 = arith.addi %scan3A_19#1, %add3A_288 : i32
    %swap3A_290 = arith.index_cast %add3A_289 : i32 to index
    %swap3A_291 = tpu.vector_load %arg15[%swap3A_290] {strides = array<i32>} : memref<10512xi32, #tpu.memory_space<vmem>>, vector<16xi32>,
    tpu.vector_store %arg15[%swap3A_290], %broadcast_in_dim3A_7 {strides = array<i32>} : memref<10512xi32, #tpu.memory_space<vmem>>, vector<16xi32>,
    %add3A_292 = arith.constant 272 : i32
    %add3A_293 = arith.addi %scan3A_19#0, %add3A_292 : i32
    %swap3A_294 = arith.index_cast %add3A_293 : i32 to index
    %swap3A_295 = tpu.vector_load %arg12[%swap3A_294] {strides = array<i32>} : memref<10512xi32, #tpu.memory_space<vmem>>, vector<16xi32>,
    tpu.vector_store %arg12[%swap3A_294], %broadcast_in_dim3A_3 {strides = array<i32>} : memref<10512xi32, #tpu.memory_space<vmem>>, vector<16xi32>,
    %add3A_296 = arith.constant 272 : i32
    %add3A_297 = arith.addi %scan3A_19#0, %add3A_296 : i32
    %swap3A_298 = arith.index_cast %add3A_297 : i32 to index
    %swap3A_299 = tpu.vector_load %arg13[%swap3A_298] {strides = array<i32>} : memref<10512xi32, #tpu.memory_space<vmem>>, vector<16xi32>,
    tpu.vector_store %arg13[%swap3A_298], %broadcast_in_dim3A_7 {strides = array<i32>} : memref<10512xi32, #tpu.memory_space<vmem>>, vector<16xi32>,
    %add3A_300 = arith.constant 272 : i32
    %add3A_301 = arith.addi %scan3A_19#1, %add3A_300 : i32
    %swap3A_302 = arith.index_cast %add3A_301 : i32 to index
    %swap3A_303 = tpu.vector_load %arg14[%swap3A_302] {strides = array<i32>} : memref<10512xi32, #tpu.memory_space<vmem>>, vector<16xi32>,
    tpu.vector_store %arg14[%swap3A_302], %broadcast_in_dim3A_3 {strides = array<i32>} : memref<10512xi32, #tpu.memory_space<vmem>>, vector<16xi32>,
    %add3A_304 = arith.constant 272 : i32
    %add3A_305 = arith.addi %scan3A_19#1, %add3A_304 : i32
    %swap3A_306 = arith.index_cast %add3A_305 : i32 to index
    %swap3A_307 = tpu.vector_load %arg15[%swap3A_306] {strides = array<i32>} : memref<10512xi32, #tpu.memory_space<vmem>>, vector<16xi32>,
    tpu.vector_store %arg15[%swap3A_306], %broadcast_in_dim3A_7 {strides = array<i32>} : memref<10512xi32, #tpu.memory_space<vmem>>, vector<16xi32>,
    %add3A_308 = arith.constant 288 : i32
    %add3A_309 = arith.addi %scan3A_19#0, %add3A_308 : i32
    %swap3A_310 = arith.index_cast %add3A_309 : i32 to index
    %swap3A_311 = tpu.vector_load %arg12[%swap3A_310] {strides = array<i32>} : memref<10512xi32, #tpu.memory_space<vmem>>, vector<16xi32>,
    tpu.vector_store %arg12[%swap3A_310], %broadcast_in_dim3A_3 {strides = array<i32>} : memref<10512xi32, #tpu.memory_space<vmem>>, vector<16xi32>,
    %add3A_312 = arith.constant 288 : i32
    %add3A_313 = arith.addi %scan3A_19#0, %add3A_312 : i32
    %swap3A_314 = arith.index_cast %add3A_313 : i32 to index
    %swap3A_315 = tpu.vector_load %arg13[%swap3A_314] {strides = array<i32>} : memref<10512xi32, #tpu.memory_space<vmem>>, vector<16xi32>,
    tpu.vector_store %arg13[%swap3A_314], %broadcast_in_dim3A_7 {strides = array<i32>} : memref<10512xi32, #tpu.memory_space<vmem>>, vector<16xi32>,
    %add3A_316 = arith.constant 288 : i32
    %add3A_317 = arith.addi %scan3A_19#1, %add3A_316 : i32
    %swap3A_318 = arith.index_cast %add3A_317 : i32 to index
    %swap3A_319 = tpu.vector_load %arg14[%swap3A_318] {strides = array<i32>} : memref<10512xi32, #tpu.memory_space<vmem>>, vector<16xi32>,
    tpu.vector_store %arg14[%swap3A_318], %broadcast_in_dim3A_3 {strides = array<i32>} : memref<10512xi32, #tpu.memory_space<vmem>>, vector<16xi32>,
    %add3A_320 = arith.constant 288 : i32
    %add3A_321 = arith.addi %scan3A_19#1, %add3A_320 : i32
    %swap3A_322 = arith.index_cast %add3A_321 : i32 to index
    %swap3A_323 = tpu.vector_load %arg15[%swap3A_322] {strides = array<i32>} : memref<10512xi32, #tpu.memory_space<vmem>>, vector<16xi32>,
    tpu.vector_store %arg15[%swap3A_322], %broadcast_in_dim3A_7 {strides = array<i32>} : memref<10512xi32, #tpu.memory_space<vmem>>, vector<16xi32>,
    %add3A_324 = arith.constant 304 : i32
    %add3A_325 = arith.addi %scan3A_19#0, %add3A_324 : i32
    %swap3A_326 = arith.index_cast %add3A_325 : i32 to index
    %swap3A_327 = tpu.vector_load %arg12[%swap3A_326] {strides = array<i32>} : memref<10512xi32, #tpu.memory_space<vmem>>, vector<16xi32>,
    tpu.vector_store %arg12[%swap3A_326], %broadcast_in_dim3A_3 {strides = array<i32>} : memref<10512xi32, #tpu.memory_space<vmem>>, vector<16xi32>,
    %add3A_328 = arith.constant 304 : i32
    %add3A_329 = arith.addi %scan3A_19#0, %add3A_328 : i32
    %swap3A_330 = arith.index_cast %add3A_329 : i32 to index
    %swap3A_331 = tpu.vector_load %arg13[%swap3A_330] {strides = array<i32>} : memref<10512xi32, #tpu.memory_space<vmem>>, vector<16xi32>,
    tpu.vector_store %arg13[%swap3A_330], %broadcast_in_dim3A_7 {strides = array<i32>} : memref<10512xi32, #tpu.memory_space<vmem>>, vector<16xi32>,
    %add3A_332 = arith.constant 304 : i32
    %add3A_333 = arith.addi %scan3A_19#1, %add3A_332 : i32
    %swap3A_334 = arith.index_cast %add3A_333 : i32 to index
    %swap3A_335 = tpu.vector_load %arg14[%swap3A_334] {strides = array<i32>} : memref<10512xi32, #tpu.memory_space<vmem>>, vector<16xi32>,
    tpu.vector_store %arg14[%swap3A_334], %broadcast_in_dim3A_3 {strides = array<i32>} : memref<10512xi32, #tpu.memory_space<vmem>>, vector<16xi32>,
    %add3A_336 = arith.constant 304 : i32
    %add3A_337 = arith.addi %scan3A_19#1, %add3A_336 : i32
    %swap3A_338 = arith.index_cast %add3A_337 : i32 to index
    %swap3A_339 = tpu.vector_load %arg15[%swap3A_338] {strides = array<i32>} : memref<10512xi32, #tpu.memory_space<vmem>>, vector<16xi32>,
    tpu.vector_store %arg15[%swap3A_338], %broadcast_in_dim3A_7 {strides = array<i32>} : memref<10512xi32, #tpu.memory_space<vmem>>, vector<16xi32>,
    %add3A_340 = arith.constant 320 : i32
    %add3A_341 = arith.addi %scan3A_19#0, %add3A_340 : i32
    %swap3A_342 = arith.index_cast %add3A_341 : i32 to index
    %swap3A_343 = tpu.vector_load %arg12[%swap3A_342] {strides = array<i32>} : memref<10512xi32, #tpu.memory_space<vmem>>, vector<16xi32>,
    tpu.vector_store %arg12[%swap3A_342], %broadcast_in_dim3A_3 {strides = array<i32>} : memref<10512xi32, #tpu.memory_space<vmem>>, vector<16xi32>,
    %add3A_344 = arith.constant 320 : i32
    %add3A_345 = arith.addi %scan3A_19#0, %add3A_344 : i32
    %swap3A_346 = arith.index_cast %add3A_345 : i32 to index
    %swap3A_347 = tpu.vector_load %arg13[%swap3A_346] {strides = array<i32>} : memref<10512xi32, #tpu.memory_space<vmem>>, vector<16xi32>,
    tpu.vector_store %arg13[%swap3A_346], %broadcast_in_dim3A_7 {strides = array<i32>} : memref<10512xi32, #tpu.memory_space<vmem>>, vector<16xi32>,
    %add3A_348 = arith.constant 320 : i32
    %add3A_349 = arith.addi %scan3A_19#1, %add3A_348 : i32
    %swap3A_350 = arith.index_cast %add3A_349 : i32 to index
    %swap3A_351 = tpu.vector_load %arg14[%swap3A_350] {strides = array<i32>} : memref<10512xi32, #tpu.memory_space<vmem>>, vector<16xi32>,
    tpu.vector_store %arg14[%swap3A_350], %broadcast_in_dim3A_3 {strides = array<i32>} : memref<10512xi32, #tpu.memory_space<vmem>>, vector<16xi32>,
    %add3A_352 = arith.constant 320 : i32
    %add3A_353 = arith.addi %scan3A_19#1, %add3A_352 : i32
    %swap3A_354 = arith.index_cast %add3A_353 : i32 to index
    %swap3A_355 = tpu.vector_load %arg15[%swap3A_354] {strides = array<i32>} : memref<10512xi32, #tpu.memory_space<vmem>>, vector<16xi32>,
    tpu.vector_store %arg15[%swap3A_354], %broadcast_in_dim3A_7 {strides = array<i32>} : memref<10512xi32, #tpu.memory_space<vmem>>, vector<16xi32>,
    %add3A_356 = arith.constant 336 : i32
    %add3A_357 = arith.addi %scan3A_19#0, %add3A_356 : i32
    %swap3A_358 = arith.index_cast %add3A_357 : i32 to index
    %swap3A_359 = tpu.vector_load %arg12[%swap3A_358] {strides = array<i32>} : memref<10512xi32, #tpu.memory_space<vmem>>, vector<16xi32>,
    tpu.vector_store %arg12[%swap3A_358], %broadcast_in_dim3A_3 {strides = array<i32>} : memref<10512xi32, #tpu.memory_space<vmem>>, vector<16xi32>,
    %add3A_360 = arith.constant 336 : i32
    %add3A_361 = arith.addi %scan3A_19#0, %add3A_360 : i32
    %swap3A_362 = arith.index_cast %add3A_361 : i32 to index
    %swap3A_363 = tpu.vector_load %arg13[%swap3A_362] {strides = array<i32>} : memref<10512xi32, #tpu.memory_space<vmem>>, vector<16xi32>,
    tpu.vector_store %arg13[%swap3A_362], %broadcast_in_dim3A_7 {strides = array<i32>} : memref<10512xi32, #tpu.memory_space<vmem>>, vector<16xi32>,
    %add3A_364 = arith.constant 336 : i32
    %add3A_365 = arith.addi %scan3A_19#1, %add3A_364 : i32
    %swap3A_366 = arith.index_cast %add3A_365 : i32 to index
    %swap3A_367 = tpu.vector_load %arg14[%swap3A_366] {strides = array<i32>} : memref<10512xi32, #tpu.memory_space<vmem>>, vector<16xi32>,
    tpu.vector_store %arg14[%swap3A_366], %broadcast_in_dim3A_3 {strides = array<i32>} : memref<10512xi32, #tpu.memory_space<vmem>>, vector<16xi32>,
    %add3A_368 = arith.constant 336 : i32
    %add3A_369 = arith.addi %scan3A_19#1, %add3A_368 : i32
    %swap3A_370 = arith.index_cast %add3A_369 : i32 to index
    %swap3A_371 = tpu.vector_load %arg15[%swap3A_370] {strides = array<i32>} : memref<10512xi32, #tpu.memory_space<vmem>>, vector<16xi32>,
    tpu.vector_store %arg15[%swap3A_370], %broadcast_in_dim3A_7 {strides = array<i32>} : memref<10512xi32, #tpu.memory_space<vmem>>, vector<16xi32>,
    %add3A_372 = arith.constant 352 : i32
    %add3A_373 = arith.addi %scan3A_19#0, %add3A_372 : i32
    %swap3A_374 = arith.index_cast %add3A_373 : i32 to index
    %swap3A_375 = tpu.vector_load %arg12[%swap3A_374] {strides = array<i32>} : memref<10512xi32, #tpu.memory_space<vmem>>, vector<16xi32>,
    tpu.vector_store %arg12[%swap3A_374], %broadcast_in_dim3A_3 {strides = array<i32>} : memref<10512xi32, #tpu.memory_space<vmem>>, vector<16xi32>,
    %add3A_376 = arith.constant 352 : i32
    %add3A_377 = arith.addi %scan3A_19#0, %add3A_376 : i32
    %swap3A_378 = arith.index_cast %add3A_377 : i32 to index
    %swap3A_379 = tpu.vector_load %arg13[%swap3A_378] {strides = array<i32>} : memref<10512xi32, #tpu.memory_space<vmem>>, vector<16xi32>,
    tpu.vector_store %arg13[%swap3A_378], %broadcast_in_dim3A_7 {strides = array<i32>} : memref<10512xi32, #tpu.memory_space<vmem>>, vector<16xi32>,
    %add3A_380 = arith.constant 352 : i32
    %add3A_381 = arith.addi %scan3A_19#1, %add3A_380 : i32
    %swap3A_382 = arith.index_cast %add3A_381 : i32 to index
    %swap3A_383 = tpu.vector_load %arg14[%swap3A_382] {strides = array<i32>} : memref<10512xi32, #tpu.memory_space<vmem>>, vector<16xi32>,
    tpu.vector_store %arg14[%swap3A_382], %broadcast_in_dim3A_3 {strides = array<i32>} : memref<10512xi32, #tpu.memory_space<vmem>>, vector<16xi32>,
    %add3A_384 = arith.constant 352 : i32
    %add3A_385 = arith.addi %scan3A_19#1, %add3A_384 : i32
    %swap3A_386 = arith.index_cast %add3A_385 : i32 to index
    %swap3A_387 = tpu.vector_load %arg15[%swap3A_386] {strides = array<i32>} : memref<10512xi32, #tpu.memory_space<vmem>>, vector<16xi32>,
    tpu.vector_store %arg15[%swap3A_386], %broadcast_in_dim3A_7 {strides = array<i32>} : memref<10512xi32, #tpu.memory_space<vmem>>, vector<16xi32>,
    %add3A_388 = arith.constant 368 : i32
    %add3A_389 = arith.addi %scan3A_19#0, %add3A_388 : i32
    %swap3A_390 = arith.index_cast %add3A_389 : i32 to index
    %swap3A_391 = tpu.vector_load %arg12[%swap3A_390] {strides = array<i32>} : memref<10512xi32, #tpu.memory_space<vmem>>, vector<16xi32>,
    tpu.vector_store %arg12[%swap3A_390], %broadcast_in_dim3A_3 {strides = array<i32>} : memref<10512xi32, #tpu.memory_space<vmem>>, vector<16xi32>,
    %add3A_392 = arith.constant 368 : i32
    %add3A_393 = arith.addi %scan3A_19#0, %add3A_392 : i32
    %swap3A_394 = arith.index_cast %add3A_393 : i32 to index
    %swap3A_395 = tpu.vector_load %arg13[%swap3A_394] {strides = array<i32>} : memref<10512xi32, #tpu.memory_space<vmem>>, vector<16xi32>,
    tpu.vector_store %arg13[%swap3A_394], %broadcast_in_dim3A_7 {strides = array<i32>} : memref<10512xi32, #tpu.memory_space<vmem>>, vector<16xi32>,
    %add3A_396 = arith.constant 368 : i32
    %add3A_397 = arith.addi %scan3A_19#1, %add3A_396 : i32
    %swap3A_398 = arith.index_cast %add3A_397 : i32 to index
    %swap3A_399 = tpu.vector_load %arg14[%swap3A_398] {strides = array<i32>} : memref<10512xi32, #tpu.memory_space<vmem>>, vector<16xi32>,
    tpu.vector_store %arg14[%swap3A_398], %broadcast_in_dim3A_3 {strides = array<i32>} : memref<10512xi32, #tpu.memory_space<vmem>>, vector<16xi32>,
    %add3A_400 = arith.constant 368 : i32
    %add3A_401 = arith.addi %scan3A_19#1, %add3A_400 : i32
    %swap3A_402 = arith.index_cast %add3A_401 : i32 to index
    %swap3A_403 = tpu.vector_load %arg15[%swap3A_402] {strides = array<i32>} : memref<10512xi32, #tpu.memory_space<vmem>>, vector<16xi32>,
    tpu.vector_store %arg15[%swap3A_402], %broadcast_in_dim3A_7 {strides = array<i32>} : memref<10512xi32, #tpu.memory_space<vmem>>, vector<16xi32>,
    %add3A_404 = arith.constant 384 : i32
    %add3A_405 = arith.addi %scan3A_19#0, %add3A_404 : i32
    %swap3A_406 = arith.index_cast %add3A_405 : i32 to index
    %swap3A_407 = tpu.vector_load %arg12[%swap3A_406] {strides = array<i32>} : memref<10512xi32, #tpu.memory_space<vmem>>, vector<16xi32>,
    tpu.vector_store %arg12[%swap3A_406], %broadcast_in_dim3A_3 {strides = array<i32>} : memref<10512xi32, #tpu.memory_space<vmem>>, vector<16xi32>,
    %add3A_408 = arith.constant 384 : i32
    %add3A_409 = arith.addi %scan3A_19#0, %add3A_408 : i32
    %swap3A_410 = arith.index_cast %add3A_409 : i32 to index
    %swap3A_411 = tpu.vector_load %arg13[%swap3A_410] {strides = array<i32>} : memref<10512xi32, #tpu.memory_space<vmem>>, vector<16xi32>,
    tpu.vector_store %arg13[%swap3A_410], %broadcast_in_dim3A_7 {strides = array<i32>} : memref<10512xi32, #tpu.memory_space<vmem>>, vector<16xi32>,
    %add3A_412 = arith.constant 384 : i32
    %add3A_413 = arith.addi %scan3A_19#1, %add3A_412 : i32
    %swap3A_414 = arith.index_cast %add3A_413 : i32 to index
    %swap3A_415 = tpu.vector_load %arg14[%swap3A_414] {strides = array<i32>} : memref<10512xi32, #tpu.memory_space<vmem>>, vector<16xi32>,
    tpu.vector_store %arg14[%swap3A_414], %broadcast_in_dim3A_3 {strides = array<i32>} : memref<10512xi32, #tpu.memory_space<vmem>>, vector<16xi32>,
    %add3A_416 = arith.constant 384 : i32
    %add3A_417 = arith.addi %scan3A_19#1, %add3A_416 : i32
    %swap3A_418 = arith.index_cast %add3A_417 : i32 to index
    %swap3A_419 = tpu.vector_load %arg15[%swap3A_418] {strides = array<i32>} : memref<10512xi32, #tpu.memory_space<vmem>>, vector<16xi32>,
    tpu.vector_store %arg15[%swap3A_418], %broadcast_in_dim3A_7 {strides = array<i32>} : memref<10512xi32, #tpu.memory_space<vmem>>, vector<16xi32>,
    %add3A_420 = arith.constant 400 : i32
    %add3A_421 = arith.addi %scan3A_19#0, %add3A_420 : i32
    %swap3A_422 = arith.index_cast %add3A_421 : i32 to index
    %swap3A_423 = tpu.vector_load %arg12[%swap3A_422] {strides = array<i32>} : memref<10512xi32, #tpu.memory_space<vmem>>, vector<16xi32>,
    tpu.vector_store %arg12[%swap3A_422], %broadcast_in_dim3A_3 {strides = array<i32>} : memref<10512xi32, #tpu.memory_space<vmem>>, vector<16xi32>,
    %add3A_424 = arith.constant 400 : i32
    %add3A_425 = arith.addi %scan3A_19#0, %add3A_424 : i32
    %swap3A_426 = arith.index_cast %add3A_425 : i32 to index
    %swap3A_427 = tpu.vector_load %arg13[%swap3A_426] {strides = array<i32>} : memref<10512xi32, #tpu.memory_space<vmem>>, vector<16xi32>,
    tpu.vector_store %arg13[%swap3A_426], %broadcast_in_dim3A_7 {strides = array<i32>} : memref<10512xi32, #tpu.memory_space<vmem>>, vector<16xi32>,
    %add3A_428 = arith.constant 400 : i32
    %add3A_429 = arith.addi %scan3A_19#1, %add3A_428 : i32
    %swap3A_430 = arith.index_cast %add3A_429 : i32 to index
    %swap3A_431 = tpu.vector_load %arg14[%swap3A_430] {strides = array<i32>} : memref<10512xi32, #tpu.memory_space<vmem>>, vector<16xi32>,
    tpu.vector_store %arg14[%swap3A_430], %broadcast_in_dim3A_3 {strides = array<i32>} : memref<10512xi32, #tpu.memory_space<vmem>>, vector<16xi32>,
    %add3A_432 = arith.constant 400 : i32
    %add3A_433 = arith.addi %scan3A_19#1, %add3A_432 : i32
    %swap3A_434 = arith.index_cast %add3A_433 : i32 to index
    %swap3A_435 = tpu.vector_load %arg15[%swap3A_434] {strides = array<i32>} : memref<10512xi32, #tpu.memory_space<vmem>>, vector<16xi32>,
    tpu.vector_store %arg15[%swap3A_434], %broadcast_in_dim3A_7 {strides = array<i32>} : memref<10512xi32, #tpu.memory_space<vmem>>, vector<16xi32>,
    %add3A_436 = arith.constant 416 : i32
    %add3A_437 = arith.addi %scan3A_19#0, %add3A_436 : i32
    %swap3A_438 = arith.index_cast %add3A_437 : i32 to index
    %swap3A_439 = tpu.vector_load %arg12[%swap3A_438] {strides = array<i32>} : memref<10512xi32, #tpu.memory_space<vmem>>, vector<16xi32>,
    tpu.vector_store %arg12[%swap3A_438], %broadcast_in_dim3A_3 {strides = array<i32>} : memref<10512xi32, #tpu.memory_space<vmem>>, vector<16xi32>,
    %add3A_440 = arith.constant 416 : i32
    %add3A_441 = arith.addi %scan3A_19#0, %add3A_440 : i32
    %swap3A_442 = arith.index_cast %add3A_441 : i32 to index
    %swap3A_443 = tpu.vector_load %arg13[%swap3A_442] {strides = array<i32>} : memref<10512xi32, #tpu.memory_space<vmem>>, vector<16xi32>,
    tpu.vector_store %arg13[%swap3A_442], %broadcast_in_dim3A_7 {strides = array<i32>} : memref<10512xi32, #tpu.memory_space<vmem>>, vector<16xi32>,
    %add3A_444 = arith.constant 416 : i32
    %add3A_445 = arith.addi %scan3A_19#1, %add3A_444 : i32
    %swap3A_446 = arith.index_cast %add3A_445 : i32 to index
    %swap3A_447 = tpu.vector_load %arg14[%swap3A_446] {strides = array<i32>} : memref<10512xi32, #tpu.memory_space<vmem>>, vector<16xi32>,
    tpu.vector_store %arg14[%swap3A_446], %broadcast_in_dim3A_3 {strides = array<i32>} : memref<10512xi32, #tpu.memory_space<vmem>>, vector<16xi32>,
    %add3A_448 = arith.constant 416 : i32
    %add3A_449 = arith.addi %scan3A_19#1, %add3A_448 : i32
    %swap3A_450 = arith.index_cast %add3A_449 : i32 to index
    %swap3A_451 = tpu.vector_load %arg15[%swap3A_450] {strides = array<i32>} : memref<10512xi32, #tpu.memory_space<vmem>>, vector<16xi32>,
    tpu.vector_store %arg15[%swap3A_450], %broadcast_in_dim3A_7 {strides = array<i32>} : memref<10512xi32, #tpu.memory_space<vmem>>, vector<16xi32>,
    %add3A_452 = arith.constant 432 : i32
    %add3A_453 = arith.addi %scan3A_19#0, %add3A_452 : i32
    %swap3A_454 = arith.index_cast %add3A_453 : i32 to index
    %swap3A_455 = tpu.vector_load %arg12[%swap3A_454] {strides = array<i32>} : memref<10512xi32, #tpu.memory_space<vmem>>, vector<16xi32>,
    tpu.vector_store %arg12[%swap3A_454], %broadcast_in_dim3A_3 {strides = array<i32>} : memref<10512xi32, #tpu.memory_space<vmem>>, vector<16xi32>,
    %add3A_456 = arith.constant 432 : i32
    %add3A_457 = arith.addi %scan3A_19#0, %add3A_456 : i32
    %swap3A_458 = arith.index_cast %add3A_457 : i32 to index
    %swap3A_459 = tpu.vector_load %arg13[%swap3A_458] {strides = array<i32>} : memref<10512xi32, #tpu.memory_space<vmem>>, vector<16xi32>,
    tpu.vector_store %arg13[%swap3A_458], %broadcast_in_dim3A_7 {strides = array<i32>} : memref<10512xi32, #tpu.memory_space<vmem>>, vector<16xi32>,
    %add3A_460 = arith.constant 432 : i32
    %add3A_461 = arith.addi %scan3A_19#1, %add3A_460 : i32
    %swap3A_462 = arith.index_cast %add3A_461 : i32 to index
    %swap3A_463 = tpu.vector_load %arg14[%swap3A_462] {strides = array<i32>} : memref<10512xi32, #tpu.memory_space<vmem>>, vector<16xi32>,
    tpu.vector_store %arg14[%swap3A_462], %broadcast_in_dim3A_3 {strides = array<i32>} : memref<10512xi32, #tpu.memory_space<vmem>>, vector<16xi32>,
    %add3A_464 = arith.constant 432 : i32
    %add3A_465 = arith.addi %scan3A_19#1, %add3A_464 : i32
    %swap3A_466 = arith.index_cast %add3A_465 : i32 to index
    %swap3A_467 = tpu.vector_load %arg15[%swap3A_466] {strides = array<i32>} : memref<10512xi32, #tpu.memory_space<vmem>>, vector<16xi32>,
    tpu.vector_store %arg15[%swap3A_466], %broadcast_in_dim3A_7 {strides = array<i32>} : memref<10512xi32, #tpu.memory_space<vmem>>, vector<16xi32>,
    %add3A_468 = arith.constant 448 : i32
    %add3A_469 = arith.addi %scan3A_19#0, %add3A_468 : i32
    %swap3A_470 = arith.index_cast %add3A_469 : i32 to index
    %swap3A_471 = tpu.vector_load %arg12[%swap3A_470] {strides = array<i32>} : memref<10512xi32, #tpu.memory_space<vmem>>, vector<16xi32>,
    tpu.vector_store %arg12[%swap3A_470], %broadcast_in_dim3A_3 {strides = array<i32>} : memref<10512xi32, #tpu.memory_space<vmem>>, vector<16xi32>,
    %add3A_472 = arith.constant 448 : i32
    %add3A_473 = arith.addi %scan3A_19#0, %add3A_472 : i32
    %swap3A_474 = arith.index_cast %add3A_473 : i32 to index
    %swap3A_475 = tpu.vector_load %arg13[%swap3A_474] {strides = array<i32>} : memref<10512xi32, #tpu.memory_space<vmem>>, vector<16xi32>,
    tpu.vector_store %arg13[%swap3A_474], %broadcast_in_dim3A_7 {strides = array<i32>} : memref<10512xi32, #tpu.memory_space<vmem>>, vector<16xi32>,
    %add3A_476 = arith.constant 448 : i32
    %add3A_477 = arith.addi %scan3A_19#1, %add3A_476 : i32
    %swap3A_478 = arith.index_cast %add3A_477 : i32 to index
    %swap3A_479 = tpu.vector_load %arg14[%swap3A_478] {strides = array<i32>} : memref<10512xi32, #tpu.memory_space<vmem>>, vector<16xi32>,
    tpu.vector_store %arg14[%swap3A_478], %broadcast_in_dim3A_3 {strides = array<i32>} : memref<10512xi32, #tpu.memory_space<vmem>>, vector<16xi32>,
    %add3A_480 = arith.constant 448 : i32
    %add3A_481 = arith.addi %scan3A_19#1, %add3A_480 : i32
    %swap3A_482 = arith.index_cast %add3A_481 : i32 to index
    %swap3A_483 = tpu.vector_load %arg15[%swap3A_482] {strides = array<i32>} : memref<10512xi32, #tpu.memory_space<vmem>>, vector<16xi32>,
    tpu.vector_store %arg15[%swap3A_482], %broadcast_in_dim3A_7 {strides = array<i32>} : memref<10512xi32, #tpu.memory_space<vmem>>, vector<16xi32>,
    %add3A_484 = arith.constant 464 : i32
    %add3A_485 = arith.addi %scan3A_19#0, %add3A_484 : i32
    %swap3A_486 = arith.index_cast %add3A_485 : i32 to index
    %swap3A_487 = tpu.vector_load %arg12[%swap3A_486] {strides = array<i32>} : memref<10512xi32, #tpu.memory_space<vmem>>, vector<16xi32>,
    tpu.vector_store %arg12[%swap3A_486], %broadcast_in_dim3A_3 {strides = array<i32>} : memref<10512xi32, #tpu.memory_space<vmem>>, vector<16xi32>,
    %add3A_488 = arith.constant 464 : i32
    %add3A_489 = arith.addi %scan3A_19#0, %add3A_488 : i32
    %swap3A_490 = arith.index_cast %add3A_489 : i32 to index
    %swap3A_491 = tpu.vector_load %arg13[%swap3A_490] {strides = array<i32>} : memref<10512xi32, #tpu.memory_space<vmem>>, vector<16xi32>,
    tpu.vector_store %arg13[%swap3A_490], %broadcast_in_dim3A_7 {strides = array<i32>} : memref<10512xi32, #tpu.memory_space<vmem>>, vector<16xi32>,
    %add3A_492 = arith.constant 464 : i32
    %add3A_493 = arith.addi %scan3A_19#1, %add3A_492 : i32
    %swap3A_494 = arith.index_cast %add3A_493 : i32 to index
    %swap3A_495 = tpu.vector_load %arg14[%swap3A_494] {strides = array<i32>} : memref<10512xi32, #tpu.memory_space<vmem>>, vector<16xi32>,
    tpu.vector_store %arg14[%swap3A_494], %broadcast_in_dim3A_3 {strides = array<i32>} : memref<10512xi32, #tpu.memory_space<vmem>>, vector<16xi32>,
    %add3A_496 = arith.constant 464 : i32
    %add3A_497 = arith.addi %scan3A_19#1, %add3A_496 : i32
    %swap3A_498 = arith.index_cast %add3A_497 : i32 to index
    %swap3A_499 = tpu.vector_load %arg15[%swap3A_498] {strides = array<i32>} : memref<10512xi32, #tpu.memory_space<vmem>>, vector<16xi32>,
    tpu.vector_store %arg15[%swap3A_498], %broadcast_in_dim3A_7 {strides = array<i32>} : memref<10512xi32, #tpu.memory_space<vmem>>, vector<16xi32>,
    %add3A_500 = arith.constant 480 : i32
    %add3A_501 = arith.addi %scan3A_19#0, %add3A_500 : i32
    %swap3A_502 = arith.index_cast %add3A_501 : i32 to index
    %swap3A_503 = tpu.vector_load %arg12[%swap3A_502] {strides = array<i32>} : memref<10512xi32, #tpu.memory_space<vmem>>, vector<16xi32>,
    tpu.vector_store %arg12[%swap3A_502], %broadcast_in_dim3A_3 {strides = array<i32>} : memref<10512xi32, #tpu.memory_space<vmem>>, vector<16xi32>,
    %add3A_504 = arith.constant 480 : i32
    %add3A_505 = arith.addi %scan3A_19#0, %add3A_504 : i32
    %swap3A_506 = arith.index_cast %add3A_505 : i32 to index
    %swap3A_507 = tpu.vector_load %arg13[%swap3A_506] {strides = array<i32>} : memref<10512xi32, #tpu.memory_space<vmem>>, vector<16xi32>,
    tpu.vector_store %arg13[%swap3A_506], %broadcast_in_dim3A_7 {strides = array<i32>} : memref<10512xi32, #tpu.memory_space<vmem>>, vector<16xi32>,
    %add3A_508 = arith.constant 480 : i32
    %add3A_509 = arith.addi %scan3A_19#1, %add3A_508 : i32
    %swap3A_510 = arith.index_cast %add3A_509 : i32 to index
    %swap3A_511 = tpu.vector_load %arg14[%swap3A_510] {strides = array<i32>} : memref<10512xi32, #tpu.memory_space<vmem>>, vector<16xi32>,
    tpu.vector_store %arg14[%swap3A_510], %broadcast_in_dim3A_3 {strides = array<i32>} : memref<10512xi32, #tpu.memory_space<vmem>>, vector<16xi32>,
    %add3A_512 = arith.constant 480 : i32
    %add3A_513 = arith.addi %scan3A_19#1, %add3A_512 : i32
    %swap3A_514 = arith.index_cast %add3A_513 : i32 to index
    %swap3A_515 = tpu.vector_load %arg15[%swap3A_514] {strides = array<i32>} : memref<10512xi32, #tpu.memory_space<vmem>>, vector<16xi32>,
    tpu.vector_store %arg15[%swap3A_514], %broadcast_in_dim3A_7 {strides = array<i32>} : memref<10512xi32, #tpu.memory_space<vmem>>, vector<16xi32>,
    %add3A_516 = arith.constant 496 : i32
    %add3A_517 = arith.addi %scan3A_19#0, %add3A_516 : i32
    %swap3A_518 = arith.index_cast %add3A_517 : i32 to index
    %swap3A_519 = tpu.vector_load %arg12[%swap3A_518] {strides = array<i32>} : memref<10512xi32, #tpu.memory_space<vmem>>, vector<16xi32>,
    tpu.vector_store %arg12[%swap3A_518], %broadcast_in_dim3A_3 {strides = array<i32>} : memref<10512xi32, #tpu.memory_space<vmem>>, vector<16xi32>,
    %add3A_520 = arith.constant 496 : i32
    %add3A_521 = arith.addi %scan3A_19#0, %add3A_520 : i32
    %swap3A_522 = arith.index_cast %add3A_521 : i32 to index
    %swap3A_523 = tpu.vector_load %arg13[%swap3A_522] {strides = array<i32>} : memref<10512xi32, #tpu.memory_space<vmem>>, vector<16xi32>,
    tpu.vector_store %arg13[%swap3A_522], %broadcast_in_dim3A_7 {strides = array<i32>} : memref<10512xi32, #tpu.memory_space<vmem>>, vector<16xi32>,
    %add3A_524 = arith.constant 496 : i32
    %add3A_525 = arith.addi %scan3A_19#1, %add3A_524 : i32
    %swap3A_526 = arith.index_cast %add3A_525 : i32 to index
    %swap3A_527 = tpu.vector_load %arg14[%swap3A_526] {strides = array<i32>} : memref<10512xi32, #tpu.memory_space<vmem>>, vector<16xi32>,
    tpu.vector_store %arg14[%swap3A_526], %broadcast_in_dim3A_3 {strides = array<i32>} : memref<10512xi32, #tpu.memory_space<vmem>>, vector<16xi32>,
    %add3A_528 = arith.constant 496 : i32
    %add3A_529 = arith.addi %scan3A_19#1, %add3A_528 : i32
    %swap3A_530 = arith.index_cast %add3A_529 : i32 to index
    %swap3A_531 = tpu.vector_load %arg15[%swap3A_530] {strides = array<i32>} : memref<10512xi32, #tpu.memory_space<vmem>>, vector<16xi32>,
    tpu.vector_store %arg15[%swap3A_530], %broadcast_in_dim3A_7 {strides = array<i32>} : memref<10512xi32, #tpu.memory_space<vmem>>, vector<16xi32>,
    %add3A_532 = arith.constant 511 : i32
    %add3A_533 = arith.addi %scan3A_19#0, %add3A_532 : i32
    %shift_right_logical3A = arith.constant 9 : i32
    %shift_right_logical3A_534 = arith.shrui %add3A_533, %shift_right_logical3A : i32
    %add3A_535 = arith.constant 511 : i32
    %add3A_536 = arith.addi %scan3A_19#1, %add3A_535 : i32
    %shift_right_logical3A_537 = arith.constant 9 : i32
    %shift_right_logical3A_538 = arith.shrui %add3A_536, %shift_right_logical3A_537 : i32
    %eq3A = arith.constant 0 : i32
    %eq3A_539 = vector.broadcast %eq3A : i32 to vector<16xi32>
    %eq3A_540 = arith.cmpi eq, %iota3A, %eq3A_539 : vector<16xi32>
    %eq3A_541 = arith.constant 1 : i32
    %eq3A_542 = vector.broadcast %eq3A_541 : i32 to vector<16xi32>
    %eq3A_543 = arith.cmpi eq, %iota3A, %eq3A_542 : vector<16xi32>
    %jit3A = arith.constant 0 : i32
    %broadcast_in_dim3A_544 = vector.broadcast %shift_right_logical3A_538 : i32 to vector<16xi32>
    %broadcast_in_dim3A_545 = vector.broadcast %jit3A : i32 to vector<16xi32>
    %select_n3A = arith.select %eq3A_543, %broadcast_in_dim3A_544, %broadcast_in_dim3A_545 : vector<16xi1>, vector<16xi32>
    %broadcast_in_dim3A_546 = vector.broadcast %shift_right_logical3A_534 : i32 to vector<16xi32>
    %select_n3A_547 = arith.select %eq3A_540, %broadcast_in_dim3A_546, %select_n3A : vector<16xi1>, vector<16xi32>
    %swap3A_548 = arith.constant 0 : index
    %swap3A_549 = tpu.vector_load %arg16[%swap3A_548] {strides = array<i32>} : memref<16xi32, #tpu.memory_space<vmem>>, vector<16xi32>,
    tpu.vector_store %arg16[%swap3A_548], %select_n3A_547 {strides = array<i32>} : memref<16xi32, #tpu.memory_space<vmem>>, vector<16xi32>,
    %mul3A_550 = arith.constant 10512 : i32
    %mul3A_551 = arith.muli %add3A, %mul3A_550 : i32
    "tpu.region"() ({
      %run_scoped3A = tpu.sem_alloc : memref<!tpu.dma_semaphore, #tpu.memory_space<semaphore_mem>>
      %dma_start3A = tpu.memref_slice %arg5[%mul3A_551] : memref<672768xi32, #tpu.memory_space<hbm>> -> memref<10512xi32, #tpu.memory_space<hbm>>
      %dma_start3A_562 = tpu.memref_slice %arg5[%mul3A_551] : memref<672768xi32, #tpu.memory_space<hbm>> -> memref<10512xi32, #tpu.memory_space<hbm>>
      tpu.enqueue_dma source(%arg12 : memref<10512xi32, #tpu.memory_space<vmem>>) target(%dma_start3A_562 : memref<10512xi32, #tpu.memory_space<hbm>>) target_semaphore(%run_scoped3A : memref<!tpu.dma_semaphore, #tpu.memory_space<semaphore_mem>>)
      %dma_wait3A = tpu.memref_slice %arg5[%mul3A_551] : memref<672768xi32, #tpu.memory_space<hbm>> -> memref<10512xi32, #tpu.memory_space<hbm>>
      %dma_wait3A_563 = tpu.memref_slice %arg5[%mul3A_551] : memref<672768xi32, #tpu.memory_space<hbm>> -> memref<10512xi32, #tpu.memory_space<hbm>>
      tpu.wait_dma2 semaphore(%run_scoped3A : memref<!tpu.dma_semaphore, #tpu.memory_space<semaphore_mem>>) src(%arg12 : memref<10512xi32, #tpu.memory_space<vmem>>) dst(%dma_wait3A_563 : memref<10512xi32, #tpu.memory_space<hbm>>)
      tpu.yield
    }) : () -> ()
    %mul3A_552 = arith.constant 10512 : i32
    %mul3A_553 = arith.muli %add3A, %mul3A_552 : i32
    "tpu.region"() ({
      %run_scoped3A = tpu.sem_alloc : memref<!tpu.dma_semaphore, #tpu.memory_space<semaphore_mem>>
      %dma_start3A = tpu.memref_slice %arg6[%mul3A_553] : memref<672768xi32, #tpu.memory_space<hbm>> -> memref<10512xi32, #tpu.memory_space<hbm>>
      %dma_start3A_562 = tpu.memref_slice %arg6[%mul3A_553] : memref<672768xi32, #tpu.memory_space<hbm>> -> memref<10512xi32, #tpu.memory_space<hbm>>
      tpu.enqueue_dma source(%arg13 : memref<10512xi32, #tpu.memory_space<vmem>>) target(%dma_start3A_562 : memref<10512xi32, #tpu.memory_space<hbm>>) target_semaphore(%run_scoped3A : memref<!tpu.dma_semaphore, #tpu.memory_space<semaphore_mem>>)
      %dma_wait3A = tpu.memref_slice %arg6[%mul3A_553] : memref<672768xi32, #tpu.memory_space<hbm>> -> memref<10512xi32, #tpu.memory_space<hbm>>
      %dma_wait3A_563 = tpu.memref_slice %arg6[%mul3A_553] : memref<672768xi32, #tpu.memory_space<hbm>> -> memref<10512xi32, #tpu.memory_space<hbm>>
      tpu.wait_dma2 semaphore(%run_scoped3A : memref<!tpu.dma_semaphore, #tpu.memory_space<semaphore_mem>>) src(%arg13 : memref<10512xi32, #tpu.memory_space<vmem>>) dst(%dma_wait3A_563 : memref<10512xi32, #tpu.memory_space<hbm>>)
      tpu.yield
    }) : () -> ()
    %add3A_554 = arith.constant 32 : i32
    %add3A_555 = arith.addi %add3A_554, %add3A : i32
    %mul3A_556 = arith.constant 10512 : i32
    %mul3A_557 = arith.muli %add3A_555, %mul3A_556 : i32
    "tpu.region"() ({
      %run_scoped3A = tpu.sem_alloc : memref<!tpu.dma_semaphore, #tpu.memory_space<semaphore_mem>>
      %dma_start3A = tpu.memref_slice %arg5[%mul3A_557] : memref<672768xi32, #tpu.memory_space<hbm>> -> memref<10512xi32, #tpu.memory_space<hbm>>
      %dma_start3A_562 = tpu.memref_slice %arg5[%mul3A_557] : memref<672768xi32, #tpu.memory_space<hbm>> -> memref<10512xi32, #tpu.memory_space<hbm>>
      tpu.enqueue_dma source(%arg14 : memref<10512xi32, #tpu.memory_space<vmem>>) target(%dma_start3A_562 : memref<10512xi32, #tpu.memory_space<hbm>>) target_semaphore(%run_scoped3A : memref<!tpu.dma_semaphore, #tpu.memory_space<semaphore_mem>>)
      %dma_wait3A = tpu.memref_slice %arg5[%mul3A_557] : memref<672768xi32, #tpu.memory_space<hbm>> -> memref<10512xi32, #tpu.memory_space<hbm>>
      %dma_wait3A_563 = tpu.memref_slice %arg5[%mul3A_557] : memref<672768xi32, #tpu.memory_space<hbm>> -> memref<10512xi32, #tpu.memory_space<hbm>>
      tpu.wait_dma2 semaphore(%run_scoped3A : memref<!tpu.dma_semaphore, #tpu.memory_space<semaphore_mem>>) src(%arg14 : memref<10512xi32, #tpu.memory_space<vmem>>) dst(%dma_wait3A_563 : memref<10512xi32, #tpu.memory_space<hbm>>)
      tpu.yield
    }) : () -> ()
    %add3A_558 = arith.constant 32 : i32
    %add3A_559 = arith.addi %add3A_558, %add3A : i32
    %mul3A_560 = arith.constant 10512 : i32
    %mul3A_561 = arith.muli %add3A_559, %mul3A_560 : i32
    "tpu.region"() ({
      %run_scoped3A = tpu.sem_alloc : memref<!tpu.dma_semaphore, #tpu.memory_space<semaphore_mem>>
      %dma_start3A = tpu.memref_slice %arg6[%mul3A_561] : memref<672768xi32, #tpu.memory_space<hbm>> -> memref<10512xi32, #tpu.memory_space<hbm>>
      %dma_start3A_562 = tpu.memref_slice %arg6[%mul3A_561] : memref<672768xi32, #tpu.memory_space<hbm>> -> memref<10512xi32, #tpu.memory_space<hbm>>
      tpu.enqueue_dma source(%arg15 : memref<10512xi32, #tpu.memory_space<vmem>>) target(%dma_start3A_562 : memref<10512xi32, #tpu.memory_space<hbm>>) target_semaphore(%run_scoped3A : memref<!tpu.dma_semaphore, #tpu.memory_space<semaphore_mem>>)
      %dma_wait3A = tpu.memref_slice %arg6[%mul3A_561] : memref<672768xi32, #tpu.memory_space<hbm>> -> memref<10512xi32, #tpu.memory_space<hbm>>
      %dma_wait3A_563 = tpu.memref_slice %arg6[%mul3A_561] : memref<672768xi32, #tpu.memory_space<hbm>> -> memref<10512xi32, #tpu.memory_space<hbm>>
      tpu.wait_dma2 semaphore(%run_scoped3A : memref<!tpu.dma_semaphore, #tpu.memory_space<semaphore_mem>>) src(%arg15 : memref<10512xi32, #tpu.memory_space<vmem>>) dst(%dma_wait3A_563 : memref<10512xi32, #tpu.memory_space<hbm>>)
      tpu.yield
    }) : () -> ()
    "tpu.region"() ({
      %run_scoped3A = tpu.sem_alloc : memref<!tpu.dma_semaphore, #tpu.memory_space<semaphore_mem>>
      %dma_start3A = arith.constant 0 : i32
      %dma_start3A_562 = tpu.memref_slice %arg7[%add3A, %dma_start3A] : memref<32x16xi32, #tpu.memory_space<hbm>> -> memref<1x16xi32, #tpu.memory_space<hbm>>
      %dma_start3A_563 = tpu.memref_squeeze %dma_start3A_562 : memref<1x16xi32, #tpu.memory_space<hbm>> -> memref<16xi32, #tpu.memory_space<hbm>>
      %dma_start3A_564 = arith.constant 0 : i32
      %dma_start3A_565 = tpu.memref_slice %arg7[%add3A, %dma_start3A_564] : memref<32x16xi32, #tpu.memory_space<hbm>> -> memref<1x16xi32, #tpu.memory_space<hbm>>
      %dma_start3A_566 = tpu.memref_squeeze %dma_start3A_565 : memref<1x16xi32, #tpu.memory_space<hbm>> -> memref<16xi32, #tpu.memory_space<hbm>>
      tpu.enqueue_dma source(%arg16 : memref<16xi32, #tpu.memory_space<vmem>>) target(%dma_start3A_566 : memref<16xi32, #tpu.memory_space<hbm>>) target_semaphore(%run_scoped3A : memref<!tpu.dma_semaphore, #tpu.memory_space<semaphore_mem>>)
      %dma_wait3A = arith.constant 0 : i32
      %dma_wait3A_567 = tpu.memref_slice %arg7[%add3A, %dma_wait3A] : memref<32x16xi32, #tpu.memory_space<hbm>> -> memref<1x16xi32, #tpu.memory_space<hbm>>
      %dma_wait3A_568 = tpu.memref_squeeze %dma_wait3A_567 : memref<1x16xi32, #tpu.memory_space<hbm>> -> memref<16xi32, #tpu.memory_space<hbm>>
      %dma_wait3A_569 = arith.constant 0 : i32
      %dma_wait3A_570 = tpu.memref_slice %arg7[%add3A, %dma_wait3A_569] : memref<32x16xi32, #tpu.memory_space<hbm>> -> memref<1x16xi32, #tpu.memory_space<hbm>>
      %dma_wait3A_571 = tpu.memref_squeeze %dma_wait3A_570 : memref<1x16xi32, #tpu.memory_space<hbm>> -> memref<16xi32, #tpu.memory_space<hbm>>
      tpu.wait_dma2 semaphore(%run_scoped3A : memref<!tpu.dma_semaphore, #tpu.memory_space<semaphore_mem>>) src(%arg16 : memref<16xi32, #tpu.memory_space<vmem>>) dst(%dma_wait3A_571 : memref<16xi32, #tpu.memory_space<hbm>>)
      tpu.yield
    }) : () -> ()
    "tpu.region"() ({
      %run_scoped3A = tpu.sem_alloc : memref<!tpu.dma_semaphore, #tpu.memory_space<semaphore_mem>>
      %dma_start3A = arith.constant 0 : i32
      %dma_start3A_562 = tpu.memref_slice %arg8[%add3A, %dma_start3A] : memref<32x20480xf32, #tpu.memory_space<hbm>> -> memref<1x20480xf32, #tpu.memory_space<hbm>>
      %dma_start3A_563 = tpu.memref_squeeze %dma_start3A_562 : memref<1x20480xf32, #tpu.memory_space<hbm>> -> memref<20480xf32, #tpu.memory_space<hbm>>
      %dma_start3A_564 = arith.constant 0 : i32
      %dma_start3A_565 = tpu.memref_slice %arg8[%add3A, %dma_start3A_564] : memref<32x20480xf32, #tpu.memory_space<hbm>> -> memref<1x20480xf32, #tpu.memory_space<hbm>>
      %dma_start3A_566 = tpu.memref_squeeze %dma_start3A_565 : memref<1x20480xf32, #tpu.memory_space<hbm>> -> memref<20480xf32, #tpu.memory_space<hbm>>
      tpu.enqueue_dma source(%arg17 : memref<20480xf32, #tpu.memory_space<vmem>>) target(%dma_start3A_566 : memref<20480xf32, #tpu.memory_space<hbm>>) target_semaphore(%run_scoped3A : memref<!tpu.dma_semaphore, #tpu.memory_space<semaphore_mem>>)
      %dma_wait3A = arith.constant 0 : i32
      %dma_wait3A_567 = tpu.memref_slice %arg8[%add3A, %dma_wait3A] : memref<32x20480xf32, #tpu.memory_space<hbm>> -> memref<1x20480xf32, #tpu.memory_space<hbm>>
      %dma_wait3A_568 = tpu.memref_squeeze %dma_wait3A_567 : memref<1x20480xf32, #tpu.memory_space<hbm>> -> memref<20480xf32, #tpu.memory_space<hbm>>
      %dma_wait3A_569 = arith.constant 0 : i32
      %dma_wait3A_570 = tpu.memref_slice %arg8[%add3A, %dma_wait3A_569] : memref<32x20480xf32, #tpu.memory_space<hbm>> -> memref<1x20480xf32, #tpu.memory_space<hbm>>
      %dma_wait3A_571 = tpu.memref_squeeze %dma_wait3A_570 : memref<1x20480xf32, #tpu.memory_space<hbm>> -> memref<20480xf32, #tpu.memory_space<hbm>>
      tpu.wait_dma2 semaphore(%run_scoped3A : memref<!tpu.dma_semaphore, #tpu.memory_space<semaphore_mem>>) src(%arg17 : memref<20480xf32, #tpu.memory_space<vmem>>) dst(%dma_wait3A_571 : memref<20480xf32, #tpu.memory_space<hbm>>)
      tpu.yield
    }) : () -> ()
    return
  }
}

module attributes {stable_mosaic.version = 14 : i64} {
  func.func @_tc_pre_body(%arg0: i32, %arg1: memref<1000x768xf32, #tpu.memory_space<vmem>>, %arg2: memref<1000x768xf32, #tpu.memory_space<vmem>>, %arg3: memref<1000x8xf32, #tpu.memory_space<vmem>>, %arg4: memref<1000x8xf32, #tpu.memory_space<vmem>>, %arg5: memref<768x32xf32, #tpu.memory_space<vmem>>, %arg6: memref<768x32xf32, #tpu.memory_space<vmem>>, %arg7: memref<8x32xf32, #tpu.memory_space<vmem>>, %arg8: memref<8x32xf32, #tpu.memory_space<vmem>>, %arg9: memref<1x32xf32, #tpu.memory_space<vmem>>, %arg10: memref<1x32xf32, #tpu.memory_space<vmem>>, %arg11: memref<1x32xf32, #tpu.memory_space<vmem>>, %arg12: memref<1x32xf32, #tpu.memory_space<vmem>>, %arg13: memref<128x128xf32, #tpu.memory_space<vmem>>, %arg14: memref<1x128xf32, #tpu.memory_space<vmem>>, %arg15: memref<1000x128xf32, #tpu.memory_space<vmem>>) attributes {dimension_semantics = [#tpu.dimension_semantics<arbitrary>], iteration_bounds = array<i64: 10>, scalar_prefetch = 0 : i64, scratch_operands = 0 : i64, tpu.core_type = #tpu.core_type<tc>, window_params = [{transform_indices = @transform_0, window_bounds = array<i64: 1000, 768>}, {transform_indices = @transform_1, window_bounds = array<i64: 1000, 768>}, {transform_indices = @transform_2, window_bounds = array<i64: 1000, 8>}, {transform_indices = @transform_3, window_bounds = array<i64: 1000, 8>}, {pipeline_mode = #tpu.pipeline_mode<synchronous>, transform_indices = @transform_4, window_bounds = array<i64: 768, 32>}, {pipeline_mode = #tpu.pipeline_mode<synchronous>, transform_indices = @transform_5, window_bounds = array<i64: 768, 32>}, {pipeline_mode = #tpu.pipeline_mode<synchronous>, transform_indices = @transform_6, window_bounds = array<i64: 8, 32>}, {pipeline_mode = #tpu.pipeline_mode<synchronous>, transform_indices = @transform_7, window_bounds = array<i64: 8, 32>}, {pipeline_mode = #tpu.pipeline_mode<synchronous>, transform_indices = @transform_8, window_bounds = array<i64: 1, 32>}, {pipeline_mode = #tpu.pipeline_mode<synchronous>, transform_indices = @transform_9, window_bounds = array<i64: 1, 32>}, {pipeline_mode = #tpu.pipeline_mode<synchronous>, transform_indices = @transform_10, window_bounds = array<i64: 1, 32>}, {pipeline_mode = #tpu.pipeline_mode<synchronous>, transform_indices = @transform_11, window_bounds = array<i64: 1, 32>}, {pipeline_mode = #tpu.pipeline_mode<synchronous>, transform_indices = @transform_12, window_bounds = array<i64: 128, 128>}, {pipeline_mode = #tpu.pipeline_mode<synchronous>, transform_indices = @transform_13, window_bounds = array<i64: 1, 128>}, {transform_indices = @transform_14, window_bounds = array<i64: 1000, 128>}]} {
    %get3A = arith.constant 0 : index
    %get3A_0 = arith.constant 0 : index
    %get3A_1 = vector.load %arg1[%get3A, %get3A_0] : memref<1000x768xf32, #tpu.memory_space<vmem>>, vector<1000x768xf32>
    %get3A_2 = arith.constant 0 : index
    %get3A_3 = arith.constant 0 : index
    %get3A_4 = vector.load %arg5[%get3A_2, %get3A_3] : memref<768x32xf32, #tpu.memory_space<vmem>>, vector<768x32xf32>
    %dot_general3A = arith.constant dense<0.000000e+00> : vector<1000x32xf32>
    %dot_general3A_5 = tpu.matmul %get3A_1, %get3A_4, %dot_general3A {dimension_numbers = #tpu.dot_dimension_numbers<[1], [0], [0], [1], [0, 0, 1, 1], [], []>, transpose_lhs_hint = false} : vector<1000x768xf32>, vector<768x32xf32>, vector<1000x32xf32> -> vector<1000x32xf32>
    %get3A_6 = arith.constant 0 : index
    %get3A_7 = arith.constant 0 : index
    %get3A_8 = vector.load %arg9[%get3A_6, %get3A_7] : memref<1x32xf32, #tpu.memory_space<vmem>>, vector<1x32xf32>
    %add3A = vector.broadcast %get3A_8 : vector<1x32xf32> to vector<1000x32xf32>
    %add3A_9 = arith.addf %dot_general3A_5, %add3A : vector<1000x32xf32>
    %ge3A = arith.constant 0.000000e+00 : f32
    %ge3A_10 = vector.broadcast %ge3A : f32 to vector<1000x32xf32>
    %ge3A_11 = arith.cmpf oge, %add3A_9, %ge3A_10 : vector<1000x32xf32>
    %mul3A = arith.constant 0.00999999977 : f32
    %mul3A_12 = vector.broadcast %mul3A : f32 to vector<1000x32xf32>
    %mul3A_13 = arith.mulf %mul3A_12, %add3A_9 : vector<1000x32xf32>
    %select_n3A = arith.select %ge3A_11, %add3A_9, %mul3A_13 : vector<1000x32xi1>, vector<1000x32xf32>
    %get3A_14 = arith.constant 0 : index
    %get3A_15 = arith.constant 0 : index
    %get3A_16 = vector.load %arg2[%get3A_14, %get3A_15] : memref<1000x768xf32, #tpu.memory_space<vmem>>, vector<1000x768xf32>
    %get3A_17 = arith.constant 0 : index
    %get3A_18 = arith.constant 0 : index
    %get3A_19 = vector.load %arg6[%get3A_17, %get3A_18] : memref<768x32xf32, #tpu.memory_space<vmem>>, vector<768x32xf32>
    %dot_general3A_20 = arith.constant dense<0.000000e+00> : vector<1000x32xf32>
    %dot_general3A_21 = tpu.matmul %get3A_16, %get3A_19, %dot_general3A_20 {dimension_numbers = #tpu.dot_dimension_numbers<[1], [0], [0], [1], [0, 0, 1, 1], [], []>, transpose_lhs_hint = false} : vector<1000x768xf32>, vector<768x32xf32>, vector<1000x32xf32> -> vector<1000x32xf32>
    %get3A_22 = arith.constant 0 : index
    %get3A_23 = arith.constant 0 : index
    %get3A_24 = vector.load %arg10[%get3A_22, %get3A_23] : memref<1x32xf32, #tpu.memory_space<vmem>>, vector<1x32xf32>
    %add3A_25 = vector.broadcast %get3A_24 : vector<1x32xf32> to vector<1000x32xf32>
    %add3A_26 = arith.addf %dot_general3A_21, %add3A_25 : vector<1000x32xf32>
    %ge3A_27 = arith.constant 0.000000e+00 : f32
    %ge3A_28 = vector.broadcast %ge3A_27 : f32 to vector<1000x32xf32>
    %ge3A_29 = arith.cmpf oge, %add3A_26, %ge3A_28 : vector<1000x32xf32>
    %mul3A_30 = arith.constant 0.00999999977 : f32
    %mul3A_31 = vector.broadcast %mul3A_30 : f32 to vector<1000x32xf32>
    %mul3A_32 = arith.mulf %mul3A_31, %add3A_26 : vector<1000x32xf32>
    %select_n3A_33 = arith.select %ge3A_29, %add3A_26, %mul3A_32 : vector<1000x32xi1>, vector<1000x32xf32>
    %get3A_34 = arith.constant 0 : index
    %get3A_35 = arith.constant 0 : index
    %get3A_36 = vector.load %arg3[%get3A_34, %get3A_35] : memref<1000x8xf32, #tpu.memory_space<vmem>>, vector<1000x8xf32>
    %get3A_37 = arith.constant 0 : index
    %get3A_38 = arith.constant 0 : index
    %get3A_39 = vector.load %arg7[%get3A_37, %get3A_38] : memref<8x32xf32, #tpu.memory_space<vmem>>, vector<8x32xf32>
    %dot_general3A_40 = arith.constant dense<0.000000e+00> : vector<1000x32xf32>
    %dot_general3A_41 = tpu.matmul %get3A_36, %get3A_39, %dot_general3A_40 {dimension_numbers = #tpu.dot_dimension_numbers<[1], [0], [0], [1], [0, 0, 1, 1], [], []>, transpose_lhs_hint = false} : vector<1000x8xf32>, vector<8x32xf32>, vector<1000x32xf32> -> vector<1000x32xf32>
    %get3A_42 = arith.constant 0 : index
    %get3A_43 = arith.constant 0 : index
    %get3A_44 = vector.load %arg11[%get3A_42, %get3A_43] : memref<1x32xf32, #tpu.memory_space<vmem>>, vector<1x32xf32>
    %add3A_45 = vector.broadcast %get3A_44 : vector<1x32xf32> to vector<1000x32xf32>
    %add3A_46 = arith.addf %dot_general3A_41, %add3A_45 : vector<1000x32xf32>
    %ge3A_47 = arith.constant 0.000000e+00 : f32
    %ge3A_48 = vector.broadcast %ge3A_47 : f32 to vector<1000x32xf32>
    %ge3A_49 = arith.cmpf oge, %add3A_46, %ge3A_48 : vector<1000x32xf32>
    %mul3A_50 = arith.constant 0.00999999977 : f32
    %mul3A_51 = vector.broadcast %mul3A_50 : f32 to vector<1000x32xf32>
    %mul3A_52 = arith.mulf %mul3A_51, %add3A_46 : vector<1000x32xf32>
    %select_n3A_53 = arith.select %ge3A_49, %add3A_46, %mul3A_52 : vector<1000x32xi1>, vector<1000x32xf32>
    %get3A_54 = arith.constant 0 : index
    %get3A_55 = arith.constant 0 : index
    %get3A_56 = vector.load %arg4[%get3A_54, %get3A_55] : memref<1000x8xf32, #tpu.memory_space<vmem>>, vector<1000x8xf32>
    %get3A_57 = arith.constant 0 : index
    %get3A_58 = arith.constant 0 : index
    %get3A_59 = vector.load %arg8[%get3A_57, %get3A_58] : memref<8x32xf32, #tpu.memory_space<vmem>>, vector<8x32xf32>
    %dot_general3A_60 = arith.constant dense<0.000000e+00> : vector<1000x32xf32>
    %dot_general3A_61 = tpu.matmul %get3A_56, %get3A_59, %dot_general3A_60 {dimension_numbers = #tpu.dot_dimension_numbers<[1], [0], [0], [1], [0, 0, 1, 1], [], []>, transpose_lhs_hint = false} : vector<1000x8xf32>, vector<8x32xf32>, vector<1000x32xf32> -> vector<1000x32xf32>
    %get3A_62 = arith.constant 0 : index
    %get3A_63 = arith.constant 0 : index
    %get3A_64 = vector.load %arg12[%get3A_62, %get3A_63] : memref<1x32xf32, #tpu.memory_space<vmem>>, vector<1x32xf32>
    %add3A_65 = vector.broadcast %get3A_64 : vector<1x32xf32> to vector<1000x32xf32>
    %add3A_66 = arith.addf %dot_general3A_61, %add3A_65 : vector<1000x32xf32>
    %ge3A_67 = arith.constant 0.000000e+00 : f32
    %ge3A_68 = vector.broadcast %ge3A_67 : f32 to vector<1000x32xf32>
    %ge3A_69 = arith.cmpf oge, %add3A_66, %ge3A_68 : vector<1000x32xf32>
    %mul3A_70 = arith.constant 0.00999999977 : f32
    %mul3A_71 = vector.broadcast %mul3A_70 : f32 to vector<1000x32xf32>
    %mul3A_72 = arith.mulf %mul3A_71, %add3A_66 : vector<1000x32xf32>
    %select_n3A_73 = arith.select %ge3A_69, %add3A_66, %mul3A_72 : vector<1000x32xi1>, vector<1000x32xf32>
    %concatenate3A = tpu.concatenate %select_n3A, %select_n3A_33, %select_n3A_53, %select_n3A_73 in 1 : vector<1000x32xf32>, vector<1000x32xf32>, vector<1000x32xf32>, vector<1000x32xf32> -> vector<1000x128xf32>
    %get3A_74 = arith.constant 0 : index
    %get3A_75 = arith.constant 0 : index
    %get3A_76 = vector.load %arg13[%get3A_74, %get3A_75] : memref<128x128xf32, #tpu.memory_space<vmem>>, vector<128x128xf32>
    %dot_general3A_77 = arith.constant dense<0.000000e+00> : vector<1000x128xf32>
    %dot_general3A_78 = tpu.matmul %concatenate3A, %get3A_76, %dot_general3A_77 {dimension_numbers = #tpu.dot_dimension_numbers<[1], [0], [0], [1], [0, 0, 1, 1], [], []>, transpose_lhs_hint = false} : vector<1000x128xf32>, vector<128x128xf32>, vector<1000x128xf32> -> vector<1000x128xf32>
    %get3A_79 = arith.constant 0 : index
    %get3A_80 = arith.constant 0 : index
    %get3A_81 = vector.load %arg14[%get3A_79, %get3A_80] : memref<1x128xf32, #tpu.memory_space<vmem>>, vector<1x128xf32>
    %add3A_82 = vector.broadcast %get3A_81 : vector<1x128xf32> to vector<1000x128xf32>
    %add3A_83 = arith.addf %dot_general3A_78, %add3A_82 : vector<1000x128xf32>
    %ge3A_84 = arith.constant 0.000000e+00 : f32
    %ge3A_85 = vector.broadcast %ge3A_84 : f32 to vector<1000x128xf32>
    %ge3A_86 = arith.cmpf oge, %add3A_83, %ge3A_85 : vector<1000x128xf32>
    %mul3A_87 = arith.constant 0.00999999977 : f32
    %mul3A_88 = vector.broadcast %mul3A_87 : f32 to vector<1000x128xf32>
    %mul3A_89 = arith.mulf %mul3A_88, %add3A_83 : vector<1000x128xf32>
    %select_n3A_90 = arith.select %ge3A_86, %add3A_83, %mul3A_89 : vector<1000x128xi1>, vector<1000x128xf32>
    %swap3A = arith.constant 0 : index
    %swap3A_91 = arith.constant 0 : index
    %swap3A_92 = vector.load %arg15[%swap3A, %swap3A_91] : memref<1000x128xf32, #tpu.memory_space<vmem>>, vector<1000x128xf32>
    tpu.vector_store %arg15[%swap3A, %swap3A_91], %select_n3A_90 {strides = array<i32>} : memref<1000x128xf32, #tpu.memory_space<vmem>>, vector<1000x128xf32>,
    return
  }
  func.func @transform_0(%arg0: i32) -> (i32, i32) {
    %c0_i32 = arith.constant 0 : i32
    %c0_i32_0 = arith.constant 0 : i32
    return %arg0, %c0_i32 : i32, i32
  }
  func.func @transform_1(%arg0: i32) -> (i32, i32) {
    %c0_i32 = arith.constant 0 : i32
    %c0_i32_0 = arith.constant 0 : i32
    return %arg0, %c0_i32 : i32, i32
  }
  func.func @transform_2(%arg0: i32) -> (i32, i32) {
    %c0_i32 = arith.constant 0 : i32
    %c0_i32_0 = arith.constant 0 : i32
    return %arg0, %c0_i32 : i32, i32
  }
  func.func @transform_3(%arg0: i32) -> (i32, i32) {
    %c0_i32 = arith.constant 0 : i32
    %c0_i32_0 = arith.constant 0 : i32
    return %arg0, %c0_i32 : i32, i32
  }
  func.func @transform_4(%arg0: i32) -> (i32, i32) {
    %c0_i32 = arith.constant 0 : i32
    %c0_i32_0 = arith.constant 0 : i32
    %c0_i32_1 = arith.constant 0 : i32
    return %c0_i32, %c0_i32_0 : i32, i32
  }
  func.func @transform_5(%arg0: i32) -> (i32, i32) {
    %c0_i32 = arith.constant 0 : i32
    %c0_i32_0 = arith.constant 0 : i32
    %c0_i32_1 = arith.constant 0 : i32
    return %c0_i32, %c0_i32_0 : i32, i32
  }
  func.func @transform_6(%arg0: i32) -> (i32, i32) {
    %c0_i32 = arith.constant 0 : i32
    %c0_i32_0 = arith.constant 0 : i32
    %c0_i32_1 = arith.constant 0 : i32
    return %c0_i32, %c0_i32_0 : i32, i32
  }
  func.func @transform_7(%arg0: i32) -> (i32, i32) {
    %c0_i32 = arith.constant 0 : i32
    %c0_i32_0 = arith.constant 0 : i32
    %c0_i32_1 = arith.constant 0 : i32
    return %c0_i32, %c0_i32_0 : i32, i32
  }
  func.func @transform_8(%arg0: i32) -> (i32, i32) {
    %c0_i32 = arith.constant 0 : i32
    %c0_i32_0 = arith.constant 0 : i32
    %c0_i32_1 = arith.constant 0 : i32
    return %c0_i32, %c0_i32_0 : i32, i32
  }
  func.func @transform_9(%arg0: i32) -> (i32, i32) {
    %c0_i32 = arith.constant 0 : i32
    %c0_i32_0 = arith.constant 0 : i32
    %c0_i32_1 = arith.constant 0 : i32
    return %c0_i32, %c0_i32_0 : i32, i32
  }
  func.func @transform_10(%arg0: i32) -> (i32, i32) {
    %c0_i32 = arith.constant 0 : i32
    %c0_i32_0 = arith.constant 0 : i32
    %c0_i32_1 = arith.constant 0 : i32
    return %c0_i32, %c0_i32_0 : i32, i32
  }
  func.func @transform_11(%arg0: i32) -> (i32, i32) {
    %c0_i32 = arith.constant 0 : i32
    %c0_i32_0 = arith.constant 0 : i32
    %c0_i32_1 = arith.constant 0 : i32
    return %c0_i32, %c0_i32_0 : i32, i32
  }
  func.func @transform_12(%arg0: i32) -> (i32, i32) {
    %c0_i32 = arith.constant 0 : i32
    %c0_i32_0 = arith.constant 0 : i32
    %c0_i32_1 = arith.constant 0 : i32
    return %c0_i32, %c0_i32_0 : i32, i32
  }
  func.func @transform_13(%arg0: i32) -> (i32, i32) {
    %c0_i32 = arith.constant 0 : i32
    %c0_i32_0 = arith.constant 0 : i32
    %c0_i32_1 = arith.constant 0 : i32
    return %c0_i32, %c0_i32_0 : i32, i32
  }
  func.func @transform_14(%arg0: i32) -> (i32, i32) {
    %c0_i32 = arith.constant 0 : i32
    %c0_i32_0 = arith.constant 0 : i32
    return %arg0, %c0_i32 : i32, i32
  }
}

module attributes {stable_mosaic.version = 14 : i64} {
  func.func @_tc_conv_body(%arg0: i32, %arg1: memref<1000x128xf32, #tpu.memory_space<vmem>>, %arg2: memref<1000x128xf32, #tpu.memory_space<vmem>>, %arg3: memref<1000x128xf32, #tpu.memory_space<vmem>>, %arg4: memref<32x1000x2xf32, #tpu.memory_space<vmem>>, %arg5: memref<128x128xf32, #tpu.memory_space<vmem>>, %arg6: memref<128x128xf32, #tpu.memory_space<vmem>>, %arg7: memref<128x128xf32, #tpu.memory_space<vmem>>, %arg8: memref<1x128xf32, #tpu.memory_space<vmem>>, %arg9: memref<1000x128xf32, #tpu.memory_space<vmem>>) attributes {dimension_semantics = [#tpu.dimension_semantics<arbitrary>], iteration_bounds = array<i64: 10>, scalar_prefetch = 0 : i64, scratch_operands = 0 : i64, tpu.core_type = #tpu.core_type<tc>, window_params = [{transform_indices = @transform_0, window_bounds = array<i64: 1000, 128>}, {transform_indices = @transform_1, window_bounds = array<i64: 1000, 128>}, {transform_indices = @transform_2, window_bounds = array<i64: 1000, 128>}, {transform_indices = @transform_3, window_bounds = array<i64: 32, 1000, 2>}, {pipeline_mode = #tpu.pipeline_mode<synchronous>, transform_indices = @transform_4, window_bounds = array<i64: 128, 128>}, {pipeline_mode = #tpu.pipeline_mode<synchronous>, transform_indices = @transform_5, window_bounds = array<i64: 128, 128>}, {pipeline_mode = #tpu.pipeline_mode<synchronous>, transform_indices = @transform_6, window_bounds = array<i64: 128, 128>}, {pipeline_mode = #tpu.pipeline_mode<synchronous>, transform_indices = @transform_7, window_bounds = array<i64: 1, 128>}, {transform_indices = @transform_8, window_bounds = array<i64: 1000, 128>}]} {
    %get3A = arith.constant 0 : index
    %get3A_0 = arith.constant 0 : index
    %get3A_1 = arith.constant 0 : index
    %get3A_2 = vector.load %arg4[%get3A, %get3A_0, %get3A_1] : memref<32x1000x2xf32, #tpu.memory_space<vmem>>, vector<32x1000x2xf32>
    %reduce_sum3A = arith.constant dense<0.000000e+00> : vector<1000x2xf32>
    %reduce_sum3A_3 = vector.multi_reduction <add>, %get3A_2, %reduce_sum3A [0] : vector<32x1000x2xf32> to vector<1000x2xf32>
    %slice3A = vector.extract_strided_slice %reduce_sum3A_3 {offsets = [0, 0], sizes = [1000, 1], strides = [1, 1]} : vector<1000x2xf32> to vector<1000x1xf32>
    %max3A = arith.constant 1.000000e+00 : f32
    %max3A_4 = vector.broadcast %max3A : f32 to vector<1000x1xf32>
    %max3A_5 = arith.maximumf %slice3A, %max3A_4 : vector<1000x1xf32>
    %slice3A_6 = vector.extract_strided_slice %reduce_sum3A_3 {offsets = [0, 1], sizes = [1000, 1], strides = [1, 1]} : vector<1000x2xf32> to vector<1000x1xf32>
    %max3A_7 = arith.constant 1.000000e+00 : f32
    %max3A_8 = vector.broadcast %max3A_7 : f32 to vector<1000x1xf32>
    %max3A_9 = arith.maximumf %slice3A_6, %max3A_8 : vector<1000x1xf32>
    %get3A_10 = arith.constant 0 : index
    %get3A_11 = arith.constant 0 : index
    %get3A_12 = vector.load %arg2[%get3A_10, %get3A_11] : memref<1000x128xf32, #tpu.memory_space<vmem>>, vector<1000x128xf32>
    %div3A = vector.broadcast %max3A_5 : vector<1000x1xf32> to vector<1000x128xf32>
    %div3A_13 = arith.divf %get3A_12, %div3A : vector<1000x128xf32>
    %get3A_14 = arith.constant 0 : index
    %get3A_15 = arith.constant 0 : index
    %get3A_16 = vector.load %arg3[%get3A_14, %get3A_15] : memref<1000x128xf32, #tpu.memory_space<vmem>>, vector<1000x128xf32>
    %div3A_17 = vector.broadcast %max3A_9 : vector<1000x1xf32> to vector<1000x128xf32>
    %div3A_18 = arith.divf %get3A_16, %div3A_17 : vector<1000x128xf32>
    %get3A_19 = arith.constant 0 : index
    %get3A_20 = arith.constant 0 : index
    %get3A_21 = vector.load %arg1[%get3A_19, %get3A_20] : memref<1000x128xf32, #tpu.memory_space<vmem>>, vector<1000x128xf32>
    %get3A_22 = arith.constant 0 : index
    %get3A_23 = arith.constant 0 : index
    %get3A_24 = vector.load %arg5[%get3A_22, %get3A_23] : memref<128x128xf32, #tpu.memory_space<vmem>>, vector<128x128xf32>
    %dot_general3A = arith.constant dense<0.000000e+00> : vector<1000x128xf32>
    %dot_general3A_25 = tpu.matmul %get3A_21, %get3A_24, %dot_general3A {dimension_numbers = #tpu.dot_dimension_numbers<[1], [0], [0], [1], [0, 0, 1, 1], [], []>, transpose_lhs_hint = false} : vector<1000x128xf32>, vector<128x128xf32>, vector<1000x128xf32> -> vector<1000x128xf32>
    %get3A_26 = arith.constant 0 : index
    %get3A_27 = arith.constant 0 : index
    %get3A_28 = vector.load %arg8[%get3A_26, %get3A_27] : memref<1x128xf32, #tpu.memory_space<vmem>>, vector<1x128xf32>
    %add3A = vector.broadcast %get3A_28 : vector<1x128xf32> to vector<1000x128xf32>
    %add3A_29 = arith.addf %dot_general3A_25, %add3A : vector<1000x128xf32>
    %get3A_30 = arith.constant 0 : index
    %get3A_31 = arith.constant 0 : index
    %get3A_32 = vector.load %arg6[%get3A_30, %get3A_31] : memref<128x128xf32, #tpu.memory_space<vmem>>, vector<128x128xf32>
    %dot_general3A_33 = arith.constant dense<0.000000e+00> : vector<1000x128xf32>
    %dot_general3A_34 = tpu.matmul %div3A_13, %get3A_32, %dot_general3A_33 {dimension_numbers = #tpu.dot_dimension_numbers<[1], [0], [0], [1], [0, 0, 1, 1], [], []>, transpose_lhs_hint = false} : vector<1000x128xf32>, vector<128x128xf32>, vector<1000x128xf32> -> vector<1000x128xf32>
    %add3A_35 = arith.addf %add3A_29, %dot_general3A_34 : vector<1000x128xf32>
    %get3A_36 = arith.constant 0 : index
    %get3A_37 = arith.constant 0 : index
    %get3A_38 = vector.load %arg7[%get3A_36, %get3A_37] : memref<128x128xf32, #tpu.memory_space<vmem>>, vector<128x128xf32>
    %dot_general3A_39 = arith.constant dense<0.000000e+00> : vector<1000x128xf32>
    %dot_general3A_40 = tpu.matmul %div3A_18, %get3A_38, %dot_general3A_39 {dimension_numbers = #tpu.dot_dimension_numbers<[1], [0], [0], [1], [0, 0, 1, 1], [], []>, transpose_lhs_hint = false} : vector<1000x128xf32>, vector<128x128xf32>, vector<1000x128xf32> -> vector<1000x128xf32>
    %add3A_41 = arith.addf %add3A_35, %dot_general3A_40 : vector<1000x128xf32>
    %swap3A = arith.constant 0 : index
    %swap3A_42 = arith.constant 0 : index
    %swap3A_43 = vector.load %arg9[%swap3A, %swap3A_42] : memref<1000x128xf32, #tpu.memory_space<vmem>>, vector<1000x128xf32>
    tpu.vector_store %arg9[%swap3A, %swap3A_42], %add3A_41 {strides = array<i32>} : memref<1000x128xf32, #tpu.memory_space<vmem>>, vector<1000x128xf32>,
    return
  }
  func.func @transform_0(%arg0: i32) -> (i32, i32) {
    %c0_i32 = arith.constant 0 : i32
    %c0_i32_0 = arith.constant 0 : i32
    return %arg0, %c0_i32 : i32, i32
  }
  func.func @transform_1(%arg0: i32) -> (i32, i32) {
    %c0_i32 = arith.constant 0 : i32
    %c0_i32_0 = arith.constant 0 : i32
    return %arg0, %c0_i32 : i32, i32
  }
  func.func @transform_2(%arg0: i32) -> (i32, i32) {
    %c0_i32 = arith.constant 0 : i32
    %c0_i32_0 = arith.constant 0 : i32
    return %arg0, %c0_i32 : i32, i32
  }
  func.func @transform_3(%arg0: i32) -> (i32, i32, i32) {
    %c0_i32 = arith.constant 0 : i32
    %c0_i32_0 = arith.constant 0 : i32
    %c0_i32_1 = arith.constant 0 : i32
    return %c0_i32, %arg0, %c0_i32_0 : i32, i32, i32
  }
  func.func @transform_4(%arg0: i32) -> (i32, i32) {
    %c0_i32 = arith.constant 0 : i32
    %c0_i32_0 = arith.constant 0 : i32
    %c0_i32_1 = arith.constant 0 : i32
    return %c0_i32, %c0_i32_0 : i32, i32
  }
  func.func @transform_5(%arg0: i32) -> (i32, i32) {
    %c0_i32 = arith.constant 0 : i32
    %c0_i32_0 = arith.constant 0 : i32
    %c0_i32_1 = arith.constant 0 : i32
    return %c0_i32, %c0_i32_0 : i32, i32
  }
  func.func @transform_6(%arg0: i32) -> (i32, i32) {
    %c0_i32 = arith.constant 0 : i32
    %c0_i32_0 = arith.constant 0 : i32
    %c0_i32_1 = arith.constant 0 : i32
    return %c0_i32, %c0_i32_0 : i32, i32
  }
  func.func @transform_7(%arg0: i32) -> (i32, i32) {
    %c0_i32 = arith.constant 0 : i32
    %c0_i32_0 = arith.constant 0 : i32
    %c0_i32_1 = arith.constant 0 : i32
    return %c0_i32, %c0_i32_0 : i32, i32
  }
  func.func @transform_8(%arg0: i32) -> (i32, i32) {
    %c0_i32 = arith.constant 0 : i32
    %c0_i32_0 = arith.constant 0 : i32
    return %arg0, %c0_i32 : i32, i32
  }
}

module attributes {stable_mosaic.version = 14 : i64} {
  func.func @_tc_conv2_body(%arg0: i32, %arg1: memref<1000x128xf32, #tpu.memory_space<vmem>>, %arg2: memref<1000x128xf32, #tpu.memory_space<vmem>>, %arg3: memref<1000x128xf32, #tpu.memory_space<vmem>>, %arg4: memref<32x1000x2xf32, #tpu.memory_space<vmem>>, %arg5: memref<128x128xf32, #tpu.memory_space<vmem>>, %arg6: memref<128x128xf32, #tpu.memory_space<vmem>>, %arg7: memref<128x128xf32, #tpu.memory_space<vmem>>, %arg8: memref<1x128xf32, #tpu.memory_space<vmem>>, %arg9: memref<128x128xf32, #tpu.memory_space<vmem>>, %arg10: memref<1x128xf32, #tpu.memory_space<vmem>>, %arg11: memref<128x2xf32, #tpu.memory_space<vmem>>, %arg12: memref<1x2xf32, #tpu.memory_space<vmem>>, %arg13: memref<1000x2xf32, #tpu.memory_space<vmem>>) attributes {dimension_semantics = [#tpu.dimension_semantics<arbitrary>], iteration_bounds = array<i64: 10>, scalar_prefetch = 0 : i64, scratch_operands = 0 : i64, tpu.core_type = #tpu.core_type<tc>, window_params = [{transform_indices = @transform_0, window_bounds = array<i64: 1000, 128>}, {transform_indices = @transform_1, window_bounds = array<i64: 1000, 128>}, {transform_indices = @transform_2, window_bounds = array<i64: 1000, 128>}, {transform_indices = @transform_3, window_bounds = array<i64: 32, 1000, 2>}, {pipeline_mode = #tpu.pipeline_mode<synchronous>, transform_indices = @transform_4, window_bounds = array<i64: 128, 128>}, {pipeline_mode = #tpu.pipeline_mode<synchronous>, transform_indices = @transform_5, window_bounds = array<i64: 128, 128>}, {pipeline_mode = #tpu.pipeline_mode<synchronous>, transform_indices = @transform_6, window_bounds = array<i64: 128, 128>}, {pipeline_mode = #tpu.pipeline_mode<synchronous>, transform_indices = @transform_7, window_bounds = array<i64: 1, 128>}, {pipeline_mode = #tpu.pipeline_mode<synchronous>, transform_indices = @transform_8, window_bounds = array<i64: 128, 128>}, {pipeline_mode = #tpu.pipeline_mode<synchronous>, transform_indices = @transform_9, window_bounds = array<i64: 1, 128>}, {pipeline_mode = #tpu.pipeline_mode<synchronous>, transform_indices = @transform_10, window_bounds = array<i64: 128, 2>}, {pipeline_mode = #tpu.pipeline_mode<synchronous>, transform_indices = @transform_11, window_bounds = array<i64: 1, 2>}, {transform_indices = @transform_12, window_bounds = array<i64: 1000, 2>}]} {
    %get3A = arith.constant 0 : index
    %get3A_0 = arith.constant 0 : index
    %get3A_1 = arith.constant 0 : index
    %get3A_2 = vector.load %arg4[%get3A, %get3A_0, %get3A_1] : memref<32x1000x2xf32, #tpu.memory_space<vmem>>, vector<32x1000x2xf32>
    %reduce_sum3A = arith.constant dense<0.000000e+00> : vector<1000x2xf32>
    %reduce_sum3A_3 = vector.multi_reduction <add>, %get3A_2, %reduce_sum3A [0] : vector<32x1000x2xf32> to vector<1000x2xf32>
    %slice3A = vector.extract_strided_slice %reduce_sum3A_3 {offsets = [0, 0], sizes = [1000, 1], strides = [1, 1]} : vector<1000x2xf32> to vector<1000x1xf32>
    %max3A = arith.constant 1.000000e+00 : f32
    %max3A_4 = vector.broadcast %max3A : f32 to vector<1000x1xf32>
    %max3A_5 = arith.maximumf %slice3A, %max3A_4 : vector<1000x1xf32>
    %slice3A_6 = vector.extract_strided_slice %reduce_sum3A_3 {offsets = [0, 1], sizes = [1000, 1], strides = [1, 1]} : vector<1000x2xf32> to vector<1000x1xf32>
    %max3A_7 = arith.constant 1.000000e+00 : f32
    %max3A_8 = vector.broadcast %max3A_7 : f32 to vector<1000x1xf32>
    %max3A_9 = arith.maximumf %slice3A_6, %max3A_8 : vector<1000x1xf32>
    %get3A_10 = arith.constant 0 : index
    %get3A_11 = arith.constant 0 : index
    %get3A_12 = vector.load %arg2[%get3A_10, %get3A_11] : memref<1000x128xf32, #tpu.memory_space<vmem>>, vector<1000x128xf32>
    %div3A = vector.broadcast %max3A_5 : vector<1000x1xf32> to vector<1000x128xf32>
    %div3A_13 = arith.divf %get3A_12, %div3A : vector<1000x128xf32>
    %get3A_14 = arith.constant 0 : index
    %get3A_15 = arith.constant 0 : index
    %get3A_16 = vector.load %arg3[%get3A_14, %get3A_15] : memref<1000x128xf32, #tpu.memory_space<vmem>>, vector<1000x128xf32>
    %div3A_17 = vector.broadcast %max3A_9 : vector<1000x1xf32> to vector<1000x128xf32>
    %div3A_18 = arith.divf %get3A_16, %div3A_17 : vector<1000x128xf32>
    %get3A_19 = arith.constant 0 : index
    %get3A_20 = arith.constant 0 : index
    %get3A_21 = vector.load %arg1[%get3A_19, %get3A_20] : memref<1000x128xf32, #tpu.memory_space<vmem>>, vector<1000x128xf32>
    %get3A_22 = arith.constant 0 : index
    %get3A_23 = arith.constant 0 : index
    %get3A_24 = vector.load %arg5[%get3A_22, %get3A_23] : memref<128x128xf32, #tpu.memory_space<vmem>>, vector<128x128xf32>
    %dot_general3A = arith.constant dense<0.000000e+00> : vector<1000x128xf32>
    %dot_general3A_25 = tpu.matmul %get3A_21, %get3A_24, %dot_general3A {dimension_numbers = #tpu.dot_dimension_numbers<[1], [0], [0], [1], [0, 0, 1, 1], [], []>, transpose_lhs_hint = false} : vector<1000x128xf32>, vector<128x128xf32>, vector<1000x128xf32> -> vector<1000x128xf32>
    %get3A_26 = arith.constant 0 : index
    %get3A_27 = arith.constant 0 : index
    %get3A_28 = vector.load %arg8[%get3A_26, %get3A_27] : memref<1x128xf32, #tpu.memory_space<vmem>>, vector<1x128xf32>
    %add3A = vector.broadcast %get3A_28 : vector<1x128xf32> to vector<1000x128xf32>
    %add3A_29 = arith.addf %dot_general3A_25, %add3A : vector<1000x128xf32>
    %get3A_30 = arith.constant 0 : index
    %get3A_31 = arith.constant 0 : index
    %get3A_32 = vector.load %arg6[%get3A_30, %get3A_31] : memref<128x128xf32, #tpu.memory_space<vmem>>, vector<128x128xf32>
    %dot_general3A_33 = arith.constant dense<0.000000e+00> : vector<1000x128xf32>
    %dot_general3A_34 = tpu.matmul %div3A_13, %get3A_32, %dot_general3A_33 {dimension_numbers = #tpu.dot_dimension_numbers<[1], [0], [0], [1], [0, 0, 1, 1], [], []>, transpose_lhs_hint = false} : vector<1000x128xf32>, vector<128x128xf32>, vector<1000x128xf32> -> vector<1000x128xf32>
    %add3A_35 = arith.addf %add3A_29, %dot_general3A_34 : vector<1000x128xf32>
    %get3A_36 = arith.constant 0 : index
    %get3A_37 = arith.constant 0 : index
    %get3A_38 = vector.load %arg7[%get3A_36, %get3A_37] : memref<128x128xf32, #tpu.memory_space<vmem>>, vector<128x128xf32>
    %dot_general3A_39 = arith.constant dense<0.000000e+00> : vector<1000x128xf32>
    %dot_general3A_40 = tpu.matmul %div3A_18, %get3A_38, %dot_general3A_39 {dimension_numbers = #tpu.dot_dimension_numbers<[1], [0], [0], [1], [0, 0, 1, 1], [], []>, transpose_lhs_hint = false} : vector<1000x128xf32>, vector<128x128xf32>, vector<1000x128xf32> -> vector<1000x128xf32>
    %add3A_41 = arith.addf %add3A_35, %dot_general3A_40 : vector<1000x128xf32>
    %get3A_42 = arith.constant 0 : index
    %get3A_43 = arith.constant 0 : index
    %get3A_44 = vector.load %arg9[%get3A_42, %get3A_43] : memref<128x128xf32, #tpu.memory_space<vmem>>, vector<128x128xf32>
    %dot_general3A_45 = arith.constant dense<0.000000e+00> : vector<1000x128xf32>
    %dot_general3A_46 = tpu.matmul %add3A_41, %get3A_44, %dot_general3A_45 {dimension_numbers = #tpu.dot_dimension_numbers<[1], [0], [0], [1], [0, 0, 1, 1], [], []>, transpose_lhs_hint = false} : vector<1000x128xf32>, vector<128x128xf32>, vector<1000x128xf32> -> vector<1000x128xf32>
    %get3A_47 = arith.constant 0 : index
    %get3A_48 = arith.constant 0 : index
    %get3A_49 = vector.load %arg10[%get3A_47, %get3A_48] : memref<1x128xf32, #tpu.memory_space<vmem>>, vector<1x128xf32>
    %add3A_50 = vector.broadcast %get3A_49 : vector<1x128xf32> to vector<1000x128xf32>
    %add3A_51 = arith.addf %dot_general3A_46, %add3A_50 : vector<1000x128xf32>
    %ge3A = arith.constant 0.000000e+00 : f32
    %ge3A_52 = vector.broadcast %ge3A : f32 to vector<1000x128xf32>
    %ge3A_53 = arith.cmpf oge, %add3A_51, %ge3A_52 : vector<1000x128xf32>
    %mul3A = arith.constant 0.00999999977 : f32
    %mul3A_54 = vector.broadcast %mul3A : f32 to vector<1000x128xf32>
    %mul3A_55 = arith.mulf %mul3A_54, %add3A_51 : vector<1000x128xf32>
    %select_n3A = arith.select %ge3A_53, %add3A_51, %mul3A_55 : vector<1000x128xi1>, vector<1000x128xf32>
    %get3A_56 = arith.constant 0 : index
    %get3A_57 = arith.constant 0 : index
    %get3A_58 = vector.load %arg11[%get3A_56, %get3A_57] : memref<128x2xf32, #tpu.memory_space<vmem>>, vector<128x2xf32>
    %dot_general3A_59 = arith.constant dense<0.000000e+00> : vector<1000x2xf32>
    %dot_general3A_60 = tpu.matmul %select_n3A, %get3A_58, %dot_general3A_59 {dimension_numbers = #tpu.dot_dimension_numbers<[1], [0], [0], [1], [0, 0, 1, 1], [], []>, transpose_lhs_hint = false} : vector<1000x128xf32>, vector<128x2xf32>, vector<1000x2xf32> -> vector<1000x2xf32>
    %get3A_61 = arith.constant 0 : index
    %get3A_62 = arith.constant 0 : index
    %get3A_63 = vector.load %arg12[%get3A_61, %get3A_62] : memref<1x2xf32, #tpu.memory_space<vmem>>, vector<1x2xf32>
    %add3A_64 = vector.broadcast %get3A_63 : vector<1x2xf32> to vector<1000x2xf32>
    %add3A_65 = arith.addf %dot_general3A_60, %add3A_64 : vector<1000x2xf32>
    %swap3A = arith.constant 0 : index
    %swap3A_66 = arith.constant 0 : index
    %swap3A_67 = vector.load %arg13[%swap3A, %swap3A_66] : memref<1000x2xf32, #tpu.memory_space<vmem>>, vector<1000x2xf32>
    tpu.vector_store %arg13[%swap3A, %swap3A_66], %add3A_65 {strides = array<i32>} : memref<1000x2xf32, #tpu.memory_space<vmem>>, vector<1000x2xf32>,
    return
  }
  func.func @transform_0(%arg0: i32) -> (i32, i32) {
    %c0_i32 = arith.constant 0 : i32
    %c0_i32_0 = arith.constant 0 : i32
    return %arg0, %c0_i32 : i32, i32
  }
  func.func @transform_1(%arg0: i32) -> (i32, i32) {
    %c0_i32 = arith.constant 0 : i32
    %c0_i32_0 = arith.constant 0 : i32
    return %arg0, %c0_i32 : i32, i32
  }
  func.func @transform_2(%arg0: i32) -> (i32, i32) {
    %c0_i32 = arith.constant 0 : i32
    %c0_i32_0 = arith.constant 0 : i32
    return %arg0, %c0_i32 : i32, i32
  }
  func.func @transform_3(%arg0: i32) -> (i32, i32, i32) {
    %c0_i32 = arith.constant 0 : i32
    %c0_i32_0 = arith.constant 0 : i32
    %c0_i32_1 = arith.constant 0 : i32
    return %c0_i32, %arg0, %c0_i32_0 : i32, i32, i32
  }
  func.func @transform_4(%arg0: i32) -> (i32, i32) {
    %c0_i32 = arith.constant 0 : i32
    %c0_i32_0 = arith.constant 0 : i32
    %c0_i32_1 = arith.constant 0 : i32
    return %c0_i32, %c0_i32_0 : i32, i32
  }
  func.func @transform_5(%arg0: i32) -> (i32, i32) {
    %c0_i32 = arith.constant 0 : i32
    %c0_i32_0 = arith.constant 0 : i32
    %c0_i32_1 = arith.constant 0 : i32
    return %c0_i32, %c0_i32_0 : i32, i32
  }
  func.func @transform_6(%arg0: i32) -> (i32, i32) {
    %c0_i32 = arith.constant 0 : i32
    %c0_i32_0 = arith.constant 0 : i32
    %c0_i32_1 = arith.constant 0 : i32
    return %c0_i32, %c0_i32_0 : i32, i32
  }
  func.func @transform_7(%arg0: i32) -> (i32, i32) {
    %c0_i32 = arith.constant 0 : i32
    %c0_i32_0 = arith.constant 0 : i32
    %c0_i32_1 = arith.constant 0 : i32
    return %c0_i32, %c0_i32_0 : i32, i32
  }
  func.func @transform_8(%arg0: i32) -> (i32, i32) {
    %c0_i32 = arith.constant 0 : i32
    %c0_i32_0 = arith.constant 0 : i32
    %c0_i32_1 = arith.constant 0 : i32
    return %c0_i32, %c0_i32_0 : i32, i32
  }
  func.func @transform_9(%arg0: i32) -> (i32, i32) {
    %c0_i32 = arith.constant 0 : i32
    %c0_i32_0 = arith.constant 0 : i32
    %c0_i32_1 = arith.constant 0 : i32
    return %c0_i32, %c0_i32_0 : i32, i32
  }
  func.func @transform_10(%arg0: i32) -> (i32, i32) {
    %c0_i32 = arith.constant 0 : i32
    %c0_i32_0 = arith.constant 0 : i32
    %c0_i32_1 = arith.constant 0 : i32
    return %c0_i32, %c0_i32_0 : i32, i32
  }
  func.func @transform_11(%arg0: i32) -> (i32, i32) {
    %c0_i32 = arith.constant 0 : i32
    %c0_i32_0 = arith.constant 0 : i32
    %c0_i32_1 = arith.constant 0 : i32
    return %c0_i32, %c0_i32_0 : i32, i32
  }
  func.func @transform_12(%arg0: i32) -> (i32, i32) {
    %c0_i32 = arith.constant 0 : i32
    %c0_i32_0 = arith.constant 0 : i32
    return %arg0, %c0_i32 : i32, i32
  }
}

</mosaic_0001>

<sc_bundles>
// kernel: kernel.11.cloned.1.call-start
scs
__scs_entry_jumppad:
0x0: {  	(pc) =	sbr.rel $0x88, $3  }
0x1: {  	(tag) =	ssettag $0x0;
	lr =	simm.s32 $0x1  }
0x2: {  	[smem:$0x3F87] =	sst lr;
	_ =	strace $0xD0000000  }
0x3: {  	_ = 	snop  }
0x4: {  	_ = 	snop  }
0x5: {  	_ = 	snop  }
0x6: {  	_ = 	snop  }
0x7: {  	_ = 	snop  }
__scs_overlays_trampoline_lowered:
0x8: {  	[smem:$0x3F96] =	sst s0  }
0x9: {  	[smem:$0x3F97] =	sst s1  }
0xa: {  	[smem:$0x3F98] =	sst s2  }
0xb: {  	[smem:$0x3F99] =	sst s3  }
0xc: {  	[smem:$0x3F9A] =	sst s4  }
0xd: {  	[smem:$0x3F9B] =	sst s5  }
0xe: {  	[smem:$0x3F9C] =	sst s6  }
0xf: {  	[smem:$0x3F9D] =	sst s7  }
0x10: {  	[smem:$0x3F9E] =	sst s8  }
0x11: {  	[smem:$0x3F9F] =	sst s9;
	s0 =	simm.s32 @!p0 $0x0  }
0x12: {  	s1 =	sld [smem:$0x3F85];
	s0 =	simm.s32 @p0 $0x1  }
0x13: {  	[smem:$0x3FA0] =	sst s0;
	s0 =	simm.s32 @!p1 $0x0  }
0x14: {  	s2 =	sld [smem:$0x3F84];
	s0 =	simm.s32 @p1 $0x1  }
0x15: {  	[smem:$0x3FA1] =	sst s0;
	s0 =	simm.s32 @!p2 $0x0  }
0x16: {  	s3 =	sld [smem:$0x3FDB];
	s0 =	simm.s32 @p2 $0x1  }
0x17: {  	s4 =	simm.s32 $0x1BF5;
	[smem:$0x3FA3] =	sst s0  }
0x18: {  	s0 =	sld [smem:$0x3F86];
	_ =	swait.ge [sflag:s4], $0x0  }
0x19: {  	s7 =	sld [smem:$0x3F87]  }
0x1a: {  	s8 =	sadd.s32 $0xFFFFE003, lr  }
0x1b: {  	s9 =	sadd.s32 $0xFFFFFEF7, lr;
	s5 =	simm.s32 $0xFFFFFFFF;
	p2 =	slt.u32 s8, $0xFFFFF086  }
0x1c: {  	p1 =	slt.u32 s9, $0xF7A;
	s5 =	simm.s32 @!p2 $0x0  }
0x1d: {  	s5 =	simm.s32 @p1 $0x1;
	p0 =	seq.s32 s7, s2  }
0x1e: {  	s7 =	smul.u32 @!p0 $0xF7A, s2;
	p2 =	seq.s32 @!p0 s5, $0x0  }
0x1f: {  	s9 =	smul.u32 $0xF7A, s1;
	s8 =	simm.s32 @!p0 $0x1BF5;
	p2 =	por !p2, p0  }
0x20: {  	[sflag:s8] =	ssyncset.s32 @!p0 $0xFFFFF086;
	s6 =	sadd.s32 @!p0 s3, s7;
	s7 =	simm.s32 @!p0 $0x108  }
0x21: {  	s3 =	sadd.s32 s3, s9;
	s6 =	sadd.s32 @!p0 $0x88, s6;
	s7 =	simm.s32 @p2 $0x1082  }
0x22: {  	[simem:s7], [sflag:s8] =	dma.local @!p0 [hbm:s6], $0xF7A  }
0x23: {  	s9 =	sor.u32 $0xD0000000, s2;
	s6 =	simm.s32 $0x108;
	_ =	swait.ge @!p0 [sflag:s8], $0x0  }
0x24: {  	s3 =	sadd.s32 $0x88, s3;
	s6 =	simm.s32 @!p1 $0x1082;
	[sflag:s4] =	ssyncset.s32 $0xFFFFF086  }
0x25: {  	[simem:s6], [sflag:s4] =	dma.local [hbm:s3], $0xF7A  }
0x26: {  	[smem:$0x3F87] =	sst s1;
	(tag) =	ssettag s2;
	_ =	strace s9  }
0x27: {  	s1 =	sld [smem:$0x3F97]  }
0x28: {  	s2 =	sld [smem:$0x3F98]  }
0x29: {  	s4 =	sld [smem:$0x3F9A]  }
0x2a: {  	p0 =	seq.s32 s5, $0x0;
	s5 =	sld [smem:$0x3F9B]  }
0x2b: {  	s6 =	sld [smem:$0x3F9C]  }
0x2c: {  	s7 =	sld [smem:$0x3F9D]  }
0x2d: {  	s3 =	simm.s32 $0x108;
	s8 =	sld [smem:$0x3F9E]  }
0x2e: {  	s3 =	simm.s32 @!p0 $0x1082;
	s9 =	sld [smem:$0x3F9F]  }
0x2f: {  	lr =	sadd.s32 s0, s3;
	s0 =	sld [smem:$0x3F96]  }
0x30: {  	s3 =	sld [smem:$0x3F99]  }
0x31: {  	[smem:$0x3FA2] =	sst s10  }
0x32: {  	s10 =	sld [smem:$0x3FA0];
	_ =	sdelay $0x3  }
0x33: {  	p0 =	seq.s32 s10, $0x1;
	s10 =	sld [smem:$0x3FA2];
	_ =	sdelay $0x3  }
0x34: {  	[smem:$0x3FA2] =	sst s10  }
0x35: {  	s10 =	sld [smem:$0x3FA1];
	_ =	sdelay $0x3  }
0x36: {  	p1 =	seq.s32 s10, $0x1;
	s10 =	sld [smem:$0x3FA2];
	_ =	sdelay $0x3  }
0x37: {  	[smem:$0x3FA2] =	sst s10  }
0x38: {  	s10 =	sld [smem:$0x3FA3]  }
0x39: {  	_ = 	snop;
	(pc) =	sbr.ind lr, $3  }
0x3a: {  	_ = 	snop  }
0x3b: {  	_ = 	snop  }
0x3c: {  	p2 =	seq.s32 s10, $0x1;
	s10 =	sld [smem:$0x3FA2]  }
0x3d: {  	_ =	shalt  }
0x3e: {  	_ =	shalt  }
0x3f: {  	_ =	shalt  }
0x40: {  	_ =	shalt  }
0x41: {  	_ =	shalt  }
0x42: {  	_ =	shalt  }
0x43: {  	_ =	shalt  }
0x44: {  	_ =	shalt  }
0x45: {  	_ =	shalt  }
0x46: {  	_ =	shalt  }
0x47: {  	_ =	shalt  }
0x48: {  	_ =	shalt  }
0x49: {  	_ =	shalt  }
0x4a: {  	_ =	shalt  }
0x4b: {  	_ =	shalt  }
0x4c: {  	_ =	shalt  }
0x4d: {  	_ =	shalt  }
0x4e: {  	_ =	shalt  }
0x4f: {  	_ =	shalt  }
0x50: {  	_ =	shalt  }
0x51: {  	_ =	shalt  }
0x52: {  	_ =	shalt  }
0x53: {  	_ =	shalt  }
0x54: {  	_ =	shalt  }
0x55: {  	_ =	shalt  }
0x56: {  	_ =	shalt  }
0x57: {  	_ =	shalt  }
0x58: {  	_ =	shalt  }
0x59: {  	_ =	shalt  }
0x5a: {  	_ =	shalt  }
0x5b: {  	_ =	shalt  }
0x5c: {  	_ =	shalt  }
0x5d: {  	_ =	shalt  }
0x5e: {  	_ =	shalt  }
0x5f: {  	_ =	shalt  }
0x60: {  	_ =	shalt  }
0x61: {  	_ =	shalt  }
0x62: {  	_ =	shalt  }
0x63: {  	_ =	shalt  }
0x64: {  	_ =	shalt  }
0x65: {  	_ =	shalt  }
0x66: {  	_ =	shalt  }
0x67: {  	_ =	shalt  }
0x68: {  	_ =	shalt  }
0x69: {  	_ =	shalt  }
0x6a: {  	_ =	shalt  }
0x6b: {  	_ =	shalt  }
0x6c: {  	_ =	shalt  }
0x6d: {  	_ =	shalt  }
0x6e: {  	_ =	shalt  }
0x6f: {  	_ =	shalt  }
0x70: {  	_ =	shalt  }
0x71: {  	_ =	shalt  }
0x72: {  	_ =	shalt  }
0x73: {  	_ =	shalt  }
0x74: {  	_ =	shalt  }
0x75: {  	_ =	shalt  }
0x76: {  	_ =	shalt  }
0x77: {  	_ =	shalt  }
0x78: {  	_ =	shalt  }
0x79: {  	_ =	shalt  }
0x7a: {  	_ =	shalt  }
0x7b: {  	_ =	shalt  }
0x7c: {  	_ =	shalt  }
0x7d: {  	_ =	shalt  }
0x7e: {  	_ =	shalt  }
0x7f: {  	_ =	shalt  }
0x80: {  	_ =	shalt  }
0x81: {  	_ =	shalt  }
0x82: {  	_ =	shalt  }
0x83: {  	_ =	shalt  }
0x84: {  	_ =	shalt  }
0x85: {  	_ =	shalt  }
0x86: {  	_ =	shalt  }
0x87: {  	_ =	shalt  }
.Lfunc_end0:
.L_simem_size_0:
called_computation.1_lowered:
.L_overlay_start_0:
0x88: {  	s2 =	sld [smem:$0x3FD9]  }
0x89: {  	s3 =	sld [smem:$0x3FFE];
	_ =	sdelay $0x1  }
0x8a: {  	s1 =	srdreg.scid  }
0x8b: {  	s0 =	sand.u32 $0x1, s1  }
0x8c: {  	s17 =	sshll.u32 s0, $0xA;
	s2 =	sadd.s32 s3, s2  }
0x8d: {  	s2 =	sadd.s32 s2, s17  }
0x8e: {  	[smem:$0x3FAE] =	sst s2  }
0x8f: {  	_ = 	snop  }
0x90: {  	s2 =	sld [smem:$0x3FD0];
	(tm) =	ssettm $0x1  }
0x91: {  	s18 =	sld [smem:$0x3FFB];
	_ =	sdelay $0x3  }
0x92: {  	_ =	strace s18  }
0x93: {  	s3 =	sld [smem:$0x3FFC];
	_ =	sdelay $0x3  }
0x94: {  	_ =	strace s3  }
0x95: {  	s3 =	sld [smem:$0x3FFD];
	_ =	sdelay $0x3  }
0x96: {  	_ =	strace s3  }
0x97: {  	_ =	strace $0x8FFFFFFF  }
0x98: {  	s19 =	sld [smem:$0x3FDB];
	_ =	sdelay $0x1  }
0x99: {  	s4 =	simm.s32 $_scs_section_size  }
0x9a: {  	s5 =	simm.s32 $_size__tile_overlayer_lowered;
	s6 =	simm.s32 $_tile_overlayer_lowered  }
0x9b: {  	s22 =	simm.s32 $0x1BFF;
	s21 =	sshll.u32 s6, $0x1;
	s3 =	sadd.s32 s4, s19  }
0x9c: {  	s7 =	simm.s32 $0x0;
	s20 =	sshll.u32 s5, $0x1;
	s5 =	sadd.s32 s21, s3  }
0x9d: {  	[timem:s7], [sflag:s22] =	dma.local [hbm:s5], s20  }
0x9e: {  	_ =	swait.ge [sflag:s22], s20  }
0x9f: {  	s4 =	ssub.s32 $0x0, s20;
	[sflag:s22] =	ssyncset.done $0x0  }
0xa0: {  	[sflag:s22] =	ssyncadd.s32 s4;
	_ =	sdelay $0x1  }
0xa1: {  	s23 =	simm.s32 $0x1B8B  }
0xa2: {  	_ =	swait.ge [sflag:s23], $0x1  }
0xa3: {  	[sflag:s23] =	ssyncset.done $0x0  }
0xa4: {  	s25 =	simm.s32 $0x1B8E;
	s24 =	sld [smem:$0x3FFE];
	[sflag:s23] =	ssyncadd.s32 $0xFFFFFFFF  }
0xa5: {  	s26 =	simm.s32 $execute0_lowered;
	[smem:$0x3FD2] =	sst s25  }
0xa6: {  	s5 =	sshll.u32 s26, $0x1;
	_ =	strace $0x80000049;
	[dreg:$0x1] =	wrdreg $0xFFFFFFFF  }
0xa7: {  	s28 =	simm.s32 $_size_execute0_lowered;
	s3 =	sadd.s32 s3, s5;
	[dreg:$0x0] =	wrdreg $0x0  }
0xa8: {  	s5 =	sshll.u32 s28, $0x1;
	[dreg:$0x2] =	wrdreg s3  }
0xa9: {  	[dreg:$0x3] =	wrdreg s5  }
0xaa: {  	[dreg:$0x4] =	wrdreg $0xC0  }
0xab: {  	_ =	task [dreg:s7], $0x5FFFF  }
0xac: {  	[dreg:$0x1] =	wrdreg $0xFFFFFFFF  }
0xad: {  	[dreg:$0x0] =	wrdreg $0x60  }
0xae: {  	[dreg:$0x2] =	wrdreg s24  }
0xaf: {  	[dreg:$0x3] =	wrdreg s2  }
0xb0: {  	[dreg:$0x4] =	wrdreg $0x0  }
0xb1: {  	[dreg:$0x5] =	wrdreg $0x9  }
0xb2: {  	_ =	task.clear_ibuf [dreg:s7], $0x6FFFF;
	_ =	strace $0x90000049  }
0xb3: {  	s29 =	simm.s32 $0x9;
	_ =	strace $0x8000004B  }
0xb4: {  	_ =	swait.ge [sflag:s29], $0x1  }
0xb5: {  	[sflag:s29] =	ssyncadd.s32 $0xFFFFFFFF  }
0xb6: {  	_ =	strace $0x9000004B  }
0xb7: {  	_ =	sfence  }
0xb8: {  	s30 =	sld [smem:$0x0];
	_ =	sdelay $0x2  }
0xb9: {  	s31 =	sshll.u32 s1, $0xD;
	s1 =	sshrl.u32 s1, $0x2  }
0xba: {  	s3 =	sand.u32 $0x4000, s31;
	s1 =	sadd.s32 s1, s30  }
0xbb: {  	s0 =	sor.u32 s3, s0;
	s1 =	sshll.u32 s1, $0x11  }
0xbc: {  	s0 =	sor.u32 s1, s0  }
0xbd: {  	s0 =	sadd.s32 $0x8F2B, s0  }
0xbe: {  	[sflag:s0] =	ssyncadd.remote.s32 $0x1  }
0xbf: {  	_ =	sfence.sel $0xFFFF  }
0xc0: {  	[dreg:$0x0] =	wrdreg $0xFFFFFFFF;
	(pc) =	sbr.abs _section_cstart, $3  }
0xc1: {  	[dreg:$0x1] =	wrdreg $0xFFFFFFFF  }
0xc2: {  	_ =	task.clear_ibuf [dreg:s7], $0x2FFFF;
	_ =	strace $0x9FFFFFFF  }
0xc3: {  	(tm) =	ssettm $0x7FFFFFFF  }
tec
execute0_lowered:
.L_overlay_start_1:
0x0: {  	(tag) =	ssettag $0x1  }
0x1: {  	s0 =	rddreg [dreg:$0x0]  }
0x2: {  	s2 =	rddreg [dreg:$0x1]  }
0x3: {  	s25 =	rddreg [dreg:$0x2]  }
0x4: {  	s3 =	srdreg.scid;
	s13 =	stileid.u32;
	s30 =	simm.s32 $0x14420  }
0x5: {  	s28 =	simm.s32 $0x144A0;
	s29 =	simm.s32 $0x14520;
	s9 =	smul.u32 $0x2800, s13  }
0x6: {  	s7 =	sand.u32 $0x1, s3;
	s3 =	simm.s32 $0x0;
	s22 =	smul.u32 $0x51000, s13  }
0x7: {  	s4 =	sadd.s32 $0x55E00, s0;
	s5 =	sadd.s32 $0x2CA00, s0;
	s14 =	smul.u32 $0x50000, s13  }
0x8: {  	s6 =	sadd.s32 $0x41400, s0;
	s11 =	sshll.u32 s13, $0x1;
	s20 =	smul.u32 $0x5220, s13  }
0x9: {  	s1 =	sshll.u32 s13, $0x2;
	s8 =	smul.u32 $0x28000, s7;
	[smem:$0x7FF] =	sst s3  }
0xa: {  	s21 =	ssub.s32 $0x2, s7;
	s12 =	sshll.u32 s7, $0x5;
	s18 =	smul.u32 $0x52200, s7  }
0xb: {  	_ =	strace $0x8000004A;
	s10 =	sshrl.u32 s21, $0x1;
	s23 =	sshrl.u32 s22, $0x2  }
0xc: {  	s24 =	sor.u32 s11, s12;
	s11 =	sadd.s32 s2, s1;
	s2 =	sshrl.u32 s14, $0x2  }
0xd: {  	s8 =	sadd.s32 s9, s8;
	[dreg:$0x9] =	wrdreg s11;
	s9 =	sadd.s32 $0x2, s11  }
0xe: {  	s10 =	ssub.s32 s21, s10;
	s26 =	sadd.s32 s23, s25;
	[dreg:$0xa] =	wrdreg s9  }
0xf: {  	s19 =	sadd.s32 s2, s25;
	s2 =	sadd.s32 s20, s18;
	[dreg:$0x7] =	wrdreg s26  }
0x10: {  	s0 =	sadd.s32 s8, s0;
	s8 =	sadd.s32 $0x14000, s26;
	[dreg:$0x14] =	wrdreg s2  }
0x11: {  	s31 =	simm.s32 $0x145A0;
	s10 =	smax.u32 s10, $0x1;
	[dreg:$0x8] =	wrdreg s8  }
0x12: {  	s13 =	simm.s32 $0x2;
	s21 =	sadd.s32 $0x4000, s26;
	[dreg:$0xf] =	wrdreg s10  }
0x13: {  	s1 =	simm.s32 $0x9;
	s23 =	sadd.s32 $0x8000, s26;
	[dreg:$0x10] =	wrdreg s21  }
0x14: {  	s22 =	smul.u32 $0x2910, s24;
	s24 =	sadd.s32 $0xC000, s26;
	[dreg:$0x11] =	wrdreg s23  }
0x15: {  	s14 =	simm.s32 $0x8;
	s26 =	sadd.s32 $0x10000, s26;
	[dreg:$0x12] =	wrdreg s24  }
0x16: {  	s11 =	simm.s32 $0x7;
	s18 =	simm.s32 $0x6;
	[dreg:$0x13] =	wrdreg s26  }
0x17: {  	s2 =	simm.s32 $0x18820;
	s15 =	sadd.s32 $0x2910, s22;
	[dreg:$0x6] =	wrdreg s22  }
0x18: {  	s9 =	simm.s32 $0x1;
	s16 =	sadd.s32 $0x80, s22;
	[dreg:$0xb] =	wrdreg s15  }
.Ltmp0:
0x19: {  	s17 =	sadd.s32 $0x2990, s22;
	[dreg:$0xc] =	wrdreg s16;
	(pc) =	sbr.rel .LBB2_1-.Ltmp0, $4  }
0x1a: {  	s0 =	sadd.s32 $0x7D000, s0;
	s8 =	simm.s32 $0x14820;
	[dreg:$0xd] =	wrdreg s17  }
0x1b: {  	s26 =	simm.s32 $0x14620;
	s21 =	simm.s32 $0x0;
	[dreg:$0xe] =	wrdreg s0  }
0x1c: {  	v2 =	vlaneseq.u32;
	v1 =	vmov s7;
	s0 =	sshrl.u32 s19, $0x3;
	s16 =	simm.s32 $0x8;
	s17 =	simm.s32 $0x5  }
0x1d: {  	v0 =	vimm.f32 $0.0e+00;
	vm0 =	veq.s32 v1, v2;
	v1 =	vimm.s32 $0x2800;
	s19 =	simm.s32 $0x3;
	[dreg:$0x15] =	wrdreg s0;
	s0 =	simm.s32 $0x80  }
.LBB2_6:
0x1e: {  	[spmem:s25] =	stream.indirect.scatter.add.f32 [tilespmem:s9], [sflag:$0x8], $0x80, s2, s0, $0xb8;
	[tilespmem:$0x1C820] =	vst v63  }
0x1f: {  	s1 =	simm.s32 $0x9;
	s21 =	rddreg [dreg:$0x16]  }
0x20: {  	s22 =	rddreg [dreg:$0x6];
	s2 =	simm.s32 $0x18820;
	s9 =	simm.s32 $0x1  }
0x21: {  	s11 =	simm.s32 $0x7;
	s13 =	simm.s32 $0x2;
	s14 =	simm.s32 $0x8  }
.LBB2_7:
0x22: {  	_ =	swait.ge [sflag:s11], $0x4000  }
0x23: {  	[sflag:s11] =	ssyncset.done $0x0  }
0x24: {  	[sflag:s11] =	ssyncadd.s32 $0xFFFFC000  }
0x25: {  	_ =	swait.ge [sflag:s14], $0x4000  }
0x26: {  	[sflag:s14] =	ssyncset.done $0x0  }
0x27: {  	[sflag:s14] =	ssyncadd.s32 $0xFFFFC000  }
0x28: {  	_ =	swait.ge [sflag:s9], $0x80  }
0x29: {  	[sflag:s9] =	ssyncset.done $0x0  }
0x2a: {  	[sflag:s9] =	ssyncadd.s32 $0xFFFFFF80  }
0x2b: {  	_ =	swait.ge [sflag:s9], $0x80  }
0x2c: {  	[sflag:s9] =	ssyncset.done $0x0  }
0x2d: {  	[sflag:s9] =	ssyncadd.s32 $0xFFFFFF80  }
0x2e: {  	_ =	swait.ge [sflag:s13], $0x80  }
0x2f: {  	[sflag:s13] =	ssyncset.done $0x0  }
0x30: {  	[sflag:s13] =	ssyncadd.s32 $0xFFFFFF80  }
0x31: {  	_ =	swait.ge [sflag:s13], $0x80  }
0x32: {  	[sflag:s13] =	ssyncset.done $0x0  }
0x33: {  	[sflag:s13] =	ssyncadd.s32 $0xFFFFFF80  }
0x34: {  	s7 =	stileid.u32;
	[bflag:$0x0] =	sbarrier.arrive $0xFFFF  }
0x35: {  	s7 =	sshll.u32 s7, $0x6;
	s10 =	rddreg [dreg:$0xe]  }
0x36: {  	s7 =	sor.u32 $0x1C09, s7;
	s20 =	rddreg [dreg:$0x15]  }
0x37: {  	[hbm:s10], [sflag:s7] =	dma.local [spmem:s20], $0x2800  }
0x38: {  	_ =	swait.ge [sflag:s1], $0x2800  }
0x39: {  	s21 =	sadd.s32 $0x1, s21;
	s24 =	rddreg [dreg:$0xf]  }
0x3a: {  	p0 =	sne.s32 s21, s24  }
.Ltmp1:
0x3b: {  	_ = 	snop;
	(pc) =	sbr.rel @!p0 .LBB2_8-.Ltmp1, $3  }
0x3c: {  	_ =	sdelay $0x1  }
0x3d: {  	[sflag:s1] =	ssyncset.done $0x0  }
0x3e: {  	s8 =	simm.s32 $0x14820;
	[sflag:s1] =	ssyncadd.s32 $0xFFFFD800  }
.LBB2_1:
0x3f: {  	[dreg:$0x16] =	wrdreg s21;
	s7 =	simm.s32 $0x0;
	s10 =	simm.s32 $0x200  }
.LBB2_2:
0x40: {  	p0 =	sne.s32 s10, $0xFE00;
	[tilespmem:s7+$0x18890] =	vst v0  }
0x41: {  	[tilespmem:s7+$0x14820] =	vst v0  }
0x42: {  	[tilespmem:s7+$0x18820] =	vst v0  }
0x43: {  	[tilespmem:s7+$0x14830] =	vst v0  }
0x44: {  	[tilespmem:s7+$0x18830] =	vst v0  }
0x45: {  	[tilespmem:s7+$0x14840] =	vst v0  }
0x46: {  	[tilespmem:s7+$0x18840] =	vst v0  }
0x47: {  	[tilespmem:s7+$0x14850] =	vst v0  }
0x48: {  	[tilespmem:s7+$0x18850] =	vst v0  }
0x49: {  	[tilespmem:s7+$0x14860] =	vst v0  }
0x4a: {  	[tilespmem:s7+$0x18860] =	vst v0  }
.Ltmp2:
0x4b: {  	[tilespmem:s7+$0x14870] =	vst v0;
	(pc) =	sbr.rel @p0 .LBB2_2-.Ltmp2, $4  }
0x4c: {  	[tilespmem:s7+$0x18870] =	vst v0  }
0x4d: {  	[tilespmem:s7+$0x14880] =	vst v0  }
0x4e: {  	[tilespmem:s7+$0x18880] =	vst v0  }
0x4f: {  	[tilespmem:s7+$0x14890] =	vst v0;
	s7 =	sshra.s32 s10, $0x2;
	s10 =	sadd.s32 $0x200, s10  }
0x50: {  	[tilespmem:s7+$0x18890] =	vst v0  }
0x51: {  	[tilespmem:s7+$0x14820] =	vst v0  }
0x52: {  	[tilespmem:s7+$0x18820] =	vst v0  }
0x53: {  	[tilespmem:s7+$0x14830] =	vst v0  }
0x54: {  	[tilespmem:s7+$0x18830] =	vst v0  }
0x55: {  	[tilespmem:s7+$0x14840] =	vst v0  }
0x56: {  	[tilespmem:s7+$0x18840] =	vst v0  }
0x57: {  	[tilespmem:s7+$0x14850] =	vst v0  }
0x58: {  	[tilespmem:s7+$0x18850] =	vst v0  }
0x59: {  	[tilespmem:s7+$0x14860] =	vst v0  }
0x5a: {  	[tilespmem:s7+$0x18860] =	vst v0  }
0x5b: {  	[tilespmem:s7+$0x14870] =	vst v0  }
0x5c: {  	[tilespmem:s7+$0x18870] =	vst v0  }
0x5d: {  	[tilespmem:s7+$0x14880] =	vst v0  }
0x5e: {  	[tilespmem:s7+$0x18880] =	vst v0  }
0x5f: {  	[tilespmem:s7+$0x14890] =	vst v0  }
0x60: {  	[tilespmem:$0x146A0] =	vst v1  }
0x61: {  	[tilespmem:$0x147A0] =	vst v1  }
0x62: {  	[tilespmem:$0x146B0] =	vst v1  }
0x63: {  	[tilespmem:$0x147B0] =	vst v1  }
0x64: {  	[tilespmem:$0x146C0] =	vst v1  }
0x65: {  	[tilespmem:$0x147C0] =	vst v1  }
0x66: {  	[tilespmem:$0x146D0] =	vst v1  }
0x67: {  	[tilespmem:$0x147D0] =	vst v1  }
0x68: {  	[tilespmem:$0x146E0] =	vst v1  }
0x69: {  	[tilespmem:$0x147E0] =	vst v1  }
0x6a: {  	[tilespmem:$0x146F0] =	vst v1  }
0x6b: {  	[tilespmem:$0x147F0] =	vst v1  }
0x6c: {  	[tilespmem:$0x14700] =	vst v1  }
0x6d: {  	[tilespmem:$0x14800] =	vst v1  }
0x6e: {  	[tilespmem:$0x14710] =	vst v1  }
0x6f: {  	s23 =	rddreg [dreg:$0x7];
	[tilespmem:$0x14810] =	vst v1  }
0x70: {  	[spmem:s23] =	stream.linear.scatter [tilespmem:s8], [sflag:$0x9], $0x4000, $0x38;
	[tilespmem:$0x1C820] =	vst v63  }
0x71: {  	_ =	swait.ge [sflag:s1], $0x4000  }
0x72: {  	[sflag:s1] =	ssyncset.done $0x0  }
0x73: {  	s24 =	rddreg [dreg:$0x10];
	[sflag:s1] =	ssyncadd.s32 $0xFFFFC000  }
0x74: {  	[spmem:s24] =	stream.linear.scatter [tilespmem:s8], [sflag:$0x9], $0x4000, $0x38;
	[tilespmem:$0x1C820] =	vst v63  }
0x75: {  	_ =	swait.ge [sflag:s1], $0x4000  }
0x76: {  	[sflag:s1] =	ssyncset.done $0x0  }
0x77: {  	s10 =	rddreg [dreg:$0x11];
	[sflag:s1] =	ssyncadd.s32 $0xFFFFC000  }
0x78: {  	[spmem:s10] =	stream.linear.scatter [tilespmem:s8], [sflag:$0x9], $0x4000, $0x38;
	[tilespmem:$0x1C820] =	vst v63  }
0x79: {  	_ =	swait.ge [sflag:s1], $0x4000  }
0x7a: {  	[sflag:s1] =	ssyncset.done $0x0  }
0x7b: {  	s12 =	rddreg [dreg:$0x12];
	[sflag:s1] =	ssyncadd.s32 $0xFFFFC000  }
0x7c: {  	[spmem:s12] =	stream.linear.scatter [tilespmem:s8], [sflag:$0x9], $0x4000, $0x38;
	[tilespmem:$0x1C820] =	vst v63  }
0x7d: {  	_ =	swait.ge [sflag:s1], $0x4000  }
0x7e: {  	[sflag:s1] =	ssyncset.done $0x0  }
0x7f: {  	s15 =	rddreg [dreg:$0x13];
	[sflag:s1] =	ssyncadd.s32 $0xFFFFC000  }
0x80: {  	[spmem:s15] =	stream.linear.scatter [tilespmem:s8], [sflag:$0x9], $0x4000, $0x38;
	[tilespmem:$0x1C820] =	vst v63  }
0x81: {  	_ =	swait.ge [sflag:s1], $0x4000  }
0x82: {  	[sflag:s1] =	ssyncset.done $0x0  }
0x83: {  	s20 =	rddreg [dreg:$0x8];
	[sflag:s1] =	ssyncadd.s32 $0xFFFFC000  }
0x84: {  	[spmem:s20] =	stream.linear.scatter [tilespmem:s8], [sflag:$0x9], $0x400, $0x38;
	[tilespmem:$0x1C820] =	vst v63  }
0x85: {  	_ =	swait.ge [sflag:s1], $0x400  }
0x86: {  	[sflag:s1] =	ssyncset.done $0x0  }
0x87: {  	[sflag:s1] =	ssyncadd.s32 $0xFFFFFC00  }
0x88: {  	[bflag:$0x0] =	sbarrier.arrive $0xFFFF  }
0x89: {  	s10 =	simm.s32 $0x14400;
	s21 =	rddreg [dreg:$0x9]  }
0x8a: {  	[tilespmem:s10], [sflag:$0x9] =	stream.linear.gather [hbm4b:s21+s3], $0x10, $0x38;
	[tilespmem:$0x1C820] =	vst v63  }
0x8b: {  	_ =	swait.ge [sflag:s1], $0x10  }
0x8c: {  	[sflag:s1] =	ssyncset.done $0x0  }
0x8d: {  	s24 =	simm.s32 $0x14410;
	s23 =	rddreg [dreg:$0xa];
	[sflag:s1] =	ssyncadd.s32 $0xFFFFFFF0  }
0x8e: {  	[tilespmem:s24], [sflag:$0x9] =	stream.linear.gather [hbm4b:s23+s3], $0x10, $0x38;
	[tilespmem:$0x1C820] =	vst v63  }
0x8f: {  	_ =	swait.ge [sflag:s1], $0x10  }
0x90: {  	[sflag:s1] =	ssyncset.done $0x0  }
0x91: {  	[sflag:s1] =	ssyncadd.s32 $0xFFFFFFF0  }
0x92: {  	v2 =	vld [tilespmem:$0x14400]  }
0x93: {  	v3 =	vld [tilespmem:$0x14410];
	_ =	sdelay $0x3  }
0x94: {  	v2 =	vnsel vm0, $0x0, v2  }
0x95: {  	(xrf0) =	vadd.scan.msk.s32 $0xffff, v2;
	v2 =	vnsel vm0, $0x0, v3  }
0x96: {  	(xrf0) =	vadd.scan.msk.s32 $0xffff, v2;
	_ =	sdelay $0x4  }
0x97: {  	v2, _, _ =	vpop (xrf0)  }
0x98: {  	(v2sf) =	vpush v2, $0xF;
	v2, _, _ =	vpop (xrf0)  }
0x99: {  	(v2sf) =	vpush v2, $0xF;
	_ =	sdelay $0xd  }
0x9a: {  	s21 =	spop (v2sf)  }
0x9b: {  	s10 =	spop (v2sf)  }
0x9c: {  	s23 =	smov.u32 s22;
	s15 =	sadd.s32 s21, s10  }
0x9d: {  	s20 =	rddreg [dreg:$0xb];
	s7 =	sshll.u32 s21, $0x9;
	s12 =	sshll.u32 s15, $0x2  }
0x9e: {  	s24 =	sshll.u32 s21, $0x2;
	s21 =	ssub.s32 s20, s7;
	p0 =	sgt.s32 s12, $0x0  }
0x9f: {  	p1 =	slt.s32 s24, $0x1;
	s23 =	smov.u32 @p0 s21;
	s21 =	smov.u32 s22  }
0xa0: {  	s21 =	smov.u32 @p1 s23  }
0xa1: {  	s21 =	sshrl.u32 s21, $0x3  }
0xa2: {  	s20 =	sadd.s32 s5, s21  }
0xa3: {  	[tilespmem:s30], [sflag:$0x1] =	stream.linear.gather [hbm4b:s20+s3], $0x80, $0x38;
	[tilespmem:$0x1C820] =	vst v63  }
0xa4: {  	s23 =	rddreg [dreg:$0xd];
	s21 =	sadd.s32 s6, s21  }
0xa5: {  	[tilespmem:s28], [sflag:$0x1] =	stream.linear.gather [hbm4b:s21+s3], $0x80, $0x38;
	[tilespmem:$0x1C820] =	vst v63  }
0xa6: {  	p0 =	sgt.s32 s24, $0x1;
	s20 =	rddreg [dreg:$0xc];
	s21 =	ssub.s32 s23, s7  }
0xa7: {  	p1 =	sgt.s32 s12, $0x1;
	s23 =	smov.u32 s22;
	s21 =	smov.u32 @p0 s20  }
0xa8: {  	s23 =	smov.u32 @p1 s21  }
0xa9: {  	s21 =	sshrl.u32 s23, $0x3  }
0xaa: {  	s23 =	sadd.s32 s5, s21  }
0xab: {  	[tilespmem:s29], [sflag:$0x2] =	stream.linear.gather [hbm4b:s23+s3], $0x80, $0x38;
	[tilespmem:$0x1C820] =	vst v63  }
0xac: {  	p0 =	slt.s32 s15, $0x1;
	s21 =	sadd.s32 s6, s21  }
0xad: {  	[tilespmem:s31], [sflag:$0x2] =	stream.linear.gather [hbm4b:s21+s3], $0x80, $0x38;
	[tilespmem:$0x1C820] =	vst v63  }
.Ltmp3:
0xae: {  	_ = 	snop;
	(pc) =	sbr.rel @p0 .LBB2_7-.Ltmp3, $4  }
0xaf: {  	[dreg:$0x5] =	wrdreg s12;
	s12 =	simm.s32 $0x146A0  }
0xb0: {  	[spmem:s25] =	stream.indirect.scatter.add.f32 [tilespmem:s8], [sflag:$0x7], $0x80, s12, s0, $0xb8;
	[tilespmem:$0x1C820] =	vst v63  }
0xb1: {  	s10 =	simm.s32 $0x14720;
	s20 =	simm.s32 $0x147A0;
	s21 =	rddreg [dreg:$0x16]  }
0xb2: {  	[spmem:s25] =	stream.indirect.scatter.add.f32 [tilespmem:s2], [sflag:$0x8], $0x80, s20, s0, $0xb8;
	[tilespmem:$0x1C820] =	vst v63  }
0xb3: {  	s7 =	ssub.s32 $0x0, s7  }
0xb4: {  	[dreg:$0x4] =	wrdreg s7  }
0xb5: {  	_ =	swait.ge [sflag:s9], $0x80  }
0xb6: {  	[sflag:s9] =	ssyncset.done $0x0  }
0xb7: {  	[sflag:s9] =	ssyncadd.s32 $0xFFFFFF80  }
0xb8: {  	_ =	swait.ge [sflag:s9], $0x80  }
0xb9: {  	[sflag:s9] =	ssyncset.done $0x0  }
0xba: {  	[sflag:s9] =	ssyncadd.s32 $0xFFFFFF80  }
0xbb: {  	_ =	swait.ge [sflag:s11], $0x4000  }
0xbc: {  	s9 =	rddreg [dreg:$0x4]  }
0xbd: {  	s12 =	rddreg [dreg:$0x14]  }
0xbe: {  	s21 =	sadd.s32 s12, s9  }
0xbf: {  	p0 =	sgt.s32 s24, $0x2;
	s7 =	sadd.s32 $0x100, s12;
	s23 =	sadd.s32 $0x2A10, s21  }
0xc0: {  	s23 =	smov.u32 @p0 s7  }
0xc1: {  	[sflag:s11] =	ssyncset.done $0x0;
	s7 =	sshrl.u32 s23, $0x3  }
0xc2: {  	[sflag:s11] =	ssyncadd.s32 $0xFFFFC000;
	s23 =	sadd.s32 s5, s7  }
0xc3: {  	[tilespmem:s26], [sflag:$0x3] =	stream.linear.gather [hbm4b:s23+s3], $0x80, $0x38;
	[tilespmem:$0x1C820] =	vst v63  }
0xc4: {  	s2 =	simm.s32 $0x146A0;
	s7 =	sadd.s32 s6, s7  }
0xc5: {  	[tilespmem:s2], [sflag:$0x3] =	stream.linear.gather [hbm4b:s7+s3], $0x80, $0x38;
	[tilespmem:$0x1C820] =	vst v63  }
0xc6: {  	s14 =	simm.s32 $0x2;
	s8 =	smov.u32 s15;
	s15 =	simm.s32 $0x14820  }
0xc7: {  	[tilespmem:s15], [sflag:$0x5] =	stream.indirect.gather [hbm4b:s4+s0], $0x80, s30, s0, $0xb8;
	[tilespmem:$0x1C820] =	vst v63  }
0xc8: {  	_ =	swait.ge [sflag:s14], $0x80  }
0xc9: {  	[sflag:s14] =	ssyncset.done $0x0  }
0xca: {  	[sflag:s14] =	ssyncadd.s32 $0xFFFFFF80  }
0xcb: {  	_ =	swait.ge [sflag:s14], $0x80  }
0xcc: {  	p0 =	sgt.s32 s24, $0x3;
	[sflag:s14] =	ssyncset.done $0x0  }
0xcd: {  	s23 =	sadd.s32 $0x2A90, s21;
	s7 =	sadd.s32 $0x180, s12;
	[sflag:s14] =	ssyncadd.s32 $0xFFFFFF80  }
0xce: {  	s23 =	smov.u32 @p0 s7;
	_ =	swait.ge [sflag:s16], $0x4000  }
0xcf: {  	s7 =	sshrl.u32 s23, $0x3;
	[sflag:s16] =	ssyncset.done $0x0  }
0xd0: {  	s23 =	sadd.s32 s5, s7;
	[sflag:s16] =	ssyncadd.s32 $0xFFFFC000  }
0xd1: {  	[tilespmem:s10], [sflag:$0x4] =	stream.linear.gather [hbm4b:s23+s3], $0x80, $0x38;
	[tilespmem:$0x1C820] =	vst v63  }
0xd2: {  	s7 =	sadd.s32 s6, s7  }
0xd3: {  	[tilespmem:s20], [sflag:$0x4] =	stream.linear.gather [hbm4b:s7+s3], $0x80, $0x38;
	[tilespmem:$0x1C820] =	vst v63  }
0xd4: {  	s9 =	simm.s32 $0x18820  }
0xd5: {  	[tilespmem:s9], [sflag:$0x6] =	stream.indirect.gather [hbm4b:s4+s0], $0x80, s29, s0, $0xb8;
	[tilespmem:$0x1C820] =	vst v63  }
0xd6: {  	_ =	swait.ge [sflag:s17], $0x4000  }
0xd7: {  	s1 =	smov.u32 s25;
	s25 =	smov.u32 s22;
	[sflag:s17] =	ssyncset.done $0x0  }
0xd8: {  	s13 =	simm.s32 $0x7;
	p0 =	sgt.s32 s24, $0x4;
	[sflag:s17] =	ssyncadd.s32 $0xFFFFC000  }
0xd9: {  	[spmem:s1] =	stream.indirect.scatter.add.f32 [tilespmem:s15], [sflag:$0x7], $0x80, s28, s0, $0xb8;
	[tilespmem:$0x1C820] =	vst v63  }
0xda: {  	s23 =	sadd.s32 $0x2B10, s21;
	s7 =	sadd.s32 $0x200, s12;
	_ =	swait.ge [sflag:s18], $0x4000  }
0xdb: {  	s20 =	smov.u32 s25;
	[sflag:s18] =	ssyncset.done $0x0;
	s10 =	rddreg [dreg:$0x5]  }
0xdc: {  	s23 =	smov.u32 @p0 s7;
	p1 =	sgt.s32 s10, $0x4;
	[sflag:s18] =	ssyncadd.s32 $0xFFFFC000  }
0xdd: {  	[spmem:s1] =	stream.indirect.scatter.add.f32 [tilespmem:s9], [sflag:$0x8], $0x80, s31, s0, $0xb8;
	[tilespmem:$0x1C820] =	vst v63  }
0xde: {  	s20 =	smov.u32 @p1 s23;
	_ =	swait.ge [sflag:s13], $0x4000  }
0xdf: {  	s20 =	sshrl.u32 s20, $0x3;
	[sflag:s13] =	ssyncset.done $0x0  }
0xe0: {  	s23 =	sadd.s32 s5, s20;
	[sflag:s13] =	ssyncadd.s32 $0xFFFFC000  }
0xe1: {  	[tilespmem:s30], [sflag:$0x1] =	stream.linear.gather [hbm4b:s23+s3], $0x80, $0x38;
	[tilespmem:$0x1C820] =	vst v63  }
0xe2: {  	s20 =	sadd.s32 s6, s20  }
0xe3: {  	[tilespmem:s28], [sflag:$0x1] =	stream.linear.gather [hbm4b:s20+s3], $0x80, $0x38;
	[tilespmem:$0x1C820] =	vst v63  }
0xe4: {  	_ =	swait.ge [sflag:s19], $0x80  }
0xe5: {  	[sflag:s19] =	ssyncset.done $0x0  }
0xe6: {  	[sflag:s19] =	ssyncadd.s32 $0xFFFFFF80  }
0xe7: {  	s21 =	sadd.s32 $0x2B90, s21;
	p0 =	sgt.s32 s24, $0x5;
	_ =	swait.ge [sflag:s19], $0x80  }
0xe8: {  	p1 =	sgt.s32 s10, $0x5;
	s20 =	sadd.s32 $0x280, s12;
	[sflag:s19] =	ssyncset.done $0x0  }
0xe9: {  	s21 =	smov.u32 @p0 s20;
	s20 =	smov.u32 s25;
	[sflag:s19] =	ssyncadd.s32 $0xFFFFFF80  }
0xea: {  	[tilespmem:s15], [sflag:$0x5] =	stream.indirect.gather [hbm4b:s4+s0], $0x80, s26, s0, $0xb8;
	[tilespmem:$0x1C820] =	vst v63  }
0xeb: {  	s20 =	smov.u32 @p1 s21;
	_ =	swait.ge [sflag:s16], $0x4000  }
0xec: {  	s20 =	sshrl.u32 s20, $0x3;
	[sflag:s16] =	ssyncset.done $0x0  }
0xed: {  	s12 =	sadd.s32 s5, s20;
	[sflag:s16] =	ssyncadd.s32 $0xFFFFC000  }
0xee: {  	[tilespmem:s29], [sflag:$0x2] =	stream.linear.gather [hbm4b:s12+s3], $0x80, $0x38;
	[tilespmem:$0x1C820] =	vst v63  }
0xef: {  	s22 =	simm.s32 $0x4;
	s20 =	sadd.s32 s6, s20  }
0xf0: {  	[tilespmem:s31], [sflag:$0x2] =	stream.linear.gather [hbm4b:s20+s3], $0x80, $0x38;
	[tilespmem:$0x1C820] =	vst v63  }
0xf1: {  	_ =	swait.ge [sflag:s22], $0x80  }
0xf2: {  	[sflag:s22] =	ssyncset.done $0x0  }
0xf3: {  	[sflag:s22] =	ssyncadd.s32 $0xFFFFFF80  }
0xf4: {  	_ =	swait.ge [sflag:s22], $0x80  }
0xf5: {  	[sflag:s22] =	ssyncset.done $0x0  }
0xf6: {  	s23 =	simm.s32 $0x14720;
	[sflag:s22] =	ssyncadd.s32 $0xFFFFFF80  }
0xf7: {  	[tilespmem:s9], [sflag:$0x6] =	stream.indirect.gather [hbm4b:s4+s0], $0x80, s23, s0, $0xb8;
	[tilespmem:$0x1C820] =	vst v63  }
0xf8: {  	_ =	swait.ge [sflag:s17], $0x4000  }
0xf9: {  	p0 =	sne.s32 s8, $0x1;
	[sflag:s17] =	ssyncset.done $0x0  }
.Ltmp4:
0xfa: {  	s25 =	simm.s32 $0x146A0;
	[sflag:s17] =	ssyncadd.s32 $0xFFFFC000;
	(pc) =	sbr.rel @!p0 .LBB2_6-.Ltmp4, $4  }
0xfb: {  	[spmem:s1] =	stream.indirect.scatter.add.f32 [tilespmem:s15], [sflag:$0x7], $0x80, s25, s0, $0xb8;
	[tilespmem:$0x1C820] =	vst v63  }
0xfc: {  	s11 =	simm.s32 $0x1;
	_ =	swait.ge [sflag:s18], $0x4000  }
0xfd: {  	s2 =	simm.s32 $0x147A0;
	s21 =	sadd.s32 $0xFFFFFFFF, s8;
	[sflag:s18] =	ssyncset.done $0x0  }
0xfe: {  	s20 =	simm.s32 $0x9;
	s25 =	smov.u32 s1;
	[sflag:s18] =	ssyncadd.s32 $0xFFFFC000  }
.LBB2_5:
0xff: {  	s10 =	simm.s32 $0x147A0  }
0x100: {  	[spmem:s25] =	stream.indirect.scatter.add.f32 [tilespmem:s9], [sflag:$0x8], $0x80, s10, s0, $0xb8;
	[tilespmem:$0x1C820] =	vst v63  }
0x101: {  	_ =	swait.ge [sflag:s11], $0x80  }
0x102: {  	[sflag:s11] =	ssyncset.done $0x0  }
0x103: {  	[sflag:s11] =	ssyncadd.s32 $0xFFFFFF80  }
0x104: {  	_ =	swait.ge [sflag:s11], $0x80  }
0x105: {  	[sflag:s11] =	ssyncset.done $0x0  }
0x106: {  	[sflag:s11] =	ssyncadd.s32 $0xFFFFFF80  }
0x107: {  	_ =	swait.ge [sflag:s13], $0x4000  }
0x108: {  	s23 =	rddreg [dreg:$0x4]  }
0x109: {  	s8 =	sadd.s32 $0xFFFFFFFD, s20;
	s23 =	sadd.s32 s7, s23  }
0x10a: {  	p4 =	slt.s32 s8, s24;
	s25 =	sadd.s32 $0x100, s7;
	s26 =	sadd.s32 $0x2A10, s23  }
0x10b: {  	s29 =	sadd.s32 $0xFFFFFFFE, s20;
	s30 =	sadd.s32 $0x180, s7;
	s26 =	smov.u32 @p4 s25  }
0x10c: {  	s12 =	simm.s32 $0x14620;
	[sflag:s13] =	ssyncset.done $0x0;
	s26 =	sshrl.u32 s26, $0x3  }
0x10d: {  	[sflag:s13] =	ssyncadd.s32 $0xFFFFC000;
	p4 =	slt.s32 s29, s24;
	s29 =	sadd.s32 s5, s26  }
0x10e: {  	[tilespmem:s12], [sflag:$0x3] =	stream.linear.gather [hbm4b:s29+s3], $0x80, $0x38;
	[tilespmem:$0x1C820] =	vst v63  }
0x10f: {  	s8 =	simm.s32 $0x146A0;
	s25 =	sadd.s32 $0x2A90, s23;
	s26 =	sadd.s32 s6, s26  }
0x110: {  	[tilespmem:s8], [sflag:$0x3] =	stream.linear.gather [hbm4b:s26+s3], $0x80, $0x38;
	[tilespmem:$0x1C820] =	vst v63  }
0x111: {  	s25 =	smov.u32 @p4 s30;
	s30 =	simm.s32 $0x14420  }
0x112: {  	[tilespmem:s15], [sflag:$0x5] =	stream.indirect.gather [hbm4b:s4+s0], $0x80, s30, s0, $0xb8;
	[tilespmem:$0x1C820] =	vst v63  }
0x113: {  	p2 =	slt.s32 s20, s24;
	s2 =	rddreg [dreg:$0x5];
	_ =	swait.ge [sflag:s14], $0x80  }
0x114: {  	s28 =	sadd.s32 $0x280, s7;
	s31 =	sadd.s32 $0xFFFFFFFF, s20;
	[sflag:s14] =	ssyncset.done $0x0  }
0x115: {  	p3 =	slt.s32 s31, s24;
	p1 =	slt.s32 s20, s2;
	[sflag:s14] =	ssyncadd.s32 $0xFFFFFF80  }
0x116: {  	p4 =	slt.s32 s31, s2;
	s2 =	rddreg [dreg:$0x6];
	_ =	swait.ge [sflag:s14], $0x80  }
0x117: {  	s7 =	sadd.s32 $0x200, s7;
	s25 =	sshrl.u32 s25, $0x3;
	[sflag:s14] =	ssyncset.done $0x0  }
0x118: {  	s29 =	sadd.s32 $0x2B10, s23;
	s23 =	sadd.s32 $0x2B90, s23;
	[sflag:s14] =	ssyncadd.s32 $0xFFFFFF80  }
0x119: {  	s23 =	smov.u32 @p2 s28;
	s28 =	smov.u32 s2;
	_ =	swait.ge [sflag:s16], $0x4000  }
0x11a: {  	s12 =	simm.s32 $0x14720;
	s28 =	smov.u32 @p1 s23;
	[sflag:s16] =	ssyncset.done $0x0  }
0x11b: {  	s23 =	sshrl.u32 s28, $0x3;
	s28 =	sadd.s32 s5, s25;
	[sflag:s16] =	ssyncadd.s32 $0xFFFFC000  }
0x11c: {  	[tilespmem:s12], [sflag:$0x4] =	stream.linear.gather [hbm4b:s28+s3], $0x80, $0x38;
	[tilespmem:$0x1C820] =	vst v63  }
0x11d: {  	s29 =	smov.u32 @p3 s7;
	s26 =	smov.u32 s2;
	s25 =	sadd.s32 s6, s25  }
0x11e: {  	[tilespmem:s10], [sflag:$0x4] =	stream.linear.gather [hbm4b:s25+s3], $0x80, $0x38;
	[tilespmem:$0x1C820] =	vst v63  }
0x11f: {  	s26 =	smov.u32 @p4 s29;
	s29 =	simm.s32 $0x14520  }
0x120: {  	[tilespmem:s9], [sflag:$0x6] =	stream.indirect.gather [hbm4b:s4+s0], $0x80, s29, s0, $0xb8;
	[tilespmem:$0x1C820] =	vst v63  }
0x121: {  	_ =	swait.ge [sflag:s17], $0x4000  }
0x122: {  	[sflag:s17] =	ssyncset.done $0x0  }
0x123: {  	s28 =	simm.s32 $0x144A0;
	[sflag:s17] =	ssyncadd.s32 $0xFFFFC000  }
0x124: {  	[spmem:s1] =	stream.indirect.scatter.add.f32 [tilespmem:s15], [sflag:$0x7], $0x80, s28, s0, $0xb8;
	[tilespmem:$0x1C820] =	vst v63  }
0x125: {  	_ =	swait.ge [sflag:s18], $0x4000  }
0x126: {  	[sflag:s18] =	ssyncset.done $0x0  }
0x127: {  	s31 =	simm.s32 $0x145A0;
	[sflag:s18] =	ssyncadd.s32 $0xFFFFC000  }
0x128: {  	[spmem:s1] =	stream.indirect.scatter.add.f32 [tilespmem:s9], [sflag:$0x8], $0x80, s31, s0, $0xb8;
	[tilespmem:$0x1C820] =	vst v63  }
0x129: {  	_ =	swait.ge [sflag:s13], $0x4000  }
0x12a: {  	s26 =	sshrl.u32 s26, $0x3;
	[sflag:s13] =	ssyncset.done $0x0  }
0x12b: {  	s10 =	sadd.s32 s5, s26;
	[sflag:s13] =	ssyncadd.s32 $0xFFFFC000  }
0x12c: {  	[tilespmem:s30], [sflag:$0x1] =	stream.linear.gather [hbm4b:s10+s3], $0x80, $0x38;
	[tilespmem:$0x1C820] =	vst v63  }
0x12d: {  	s10 =	sadd.s32 s6, s26  }
0x12e: {  	[tilespmem:s28], [sflag:$0x1] =	stream.linear.gather [hbm4b:s10+s3], $0x80, $0x38;
	[tilespmem:$0x1C820] =	vst v63  }
0x12f: {  	_ =	swait.ge [sflag:s19], $0x80  }
0x130: {  	[sflag:s19] =	ssyncset.done $0x0  }
0x131: {  	[sflag:s19] =	ssyncadd.s32 $0xFFFFFF80  }
0x132: {  	_ =	swait.ge [sflag:s19], $0x80  }
0x133: {  	[sflag:s19] =	ssyncset.done $0x0  }
0x134: {  	s26 =	simm.s32 $0x14620;
	[sflag:s19] =	ssyncadd.s32 $0xFFFFFF80  }
0x135: {  	[tilespmem:s15], [sflag:$0x5] =	stream.indirect.gather [hbm4b:s4+s0], $0x80, s26, s0, $0xb8;
	[tilespmem:$0x1C820] =	vst v63  }
0x136: {  	_ =	swait.ge [sflag:s16], $0x4000  }
0x137: {  	[sflag:s16] =	ssyncset.done $0x0  }
0x138: {  	s10 =	sadd.s32 s5, s23;
	[sflag:s16] =	ssyncadd.s32 $0xFFFFC000  }
0x139: {  	[tilespmem:s29], [sflag:$0x2] =	stream.linear.gather [hbm4b:s10+s3], $0x80, $0x38;
	[tilespmem:$0x1C820] =	vst v63  }
0x13a: {  	s23 =	sadd.s32 s6, s23  }
0x13b: {  	[tilespmem:s31], [sflag:$0x2] =	stream.linear.gather [hbm4b:s23+s3], $0x80, $0x38;
	[tilespmem:$0x1C820] =	vst v63  }
0x13c: {  	_ =	swait.ge [sflag:s22], $0x80  }
0x13d: {  	[sflag:s22] =	ssyncset.done $0x0  }
0x13e: {  	[sflag:s22] =	ssyncadd.s32 $0xFFFFFF80  }
0x13f: {  	_ =	swait.ge [sflag:s22], $0x80  }
0x140: {  	[sflag:s22] =	ssyncset.done $0x0  }
0x141: {  	[sflag:s22] =	ssyncadd.s32 $0xFFFFFF80  }
0x142: {  	[tilespmem:s9], [sflag:$0x6] =	stream.indirect.gather [hbm4b:s4+s0], $0x80, s12, s0, $0xb8;
	[tilespmem:$0x1C820] =	vst v63  }
0x143: {  	_ =	swait.ge [sflag:s17], $0x4000  }
0x144: {  	p0 =	sne.s32 s21, $0x1;
	[sflag:s17] =	ssyncset.done $0x0  }
.Ltmp5:
0x145: {  	[sflag:s17] =	ssyncadd.s32 $0xFFFFC000;
	(pc) =	sbr.rel @p0 .LBB2_5-.Ltmp5, $4  }
0x146: {  	[spmem:s1] =	stream.indirect.scatter.add.f32 [tilespmem:s15], [sflag:$0x7], $0x80, s8, s0, $0xb8;
	[tilespmem:$0x1C820] =	vst v63  }
0x147: {  	_ =	swait.ge [sflag:s18], $0x4000  }
0x148: {  	s21 =	sadd.s32 $0xFFFFFFFF, s21;
	s20 =	sadd.s32 $0x4, s20;
	[sflag:s18] =	ssyncset.done $0x0  }
0x149: {  	s2 =	simm.s32 $0x147A0;
	s25 =	smov.u32 s1;
	[sflag:s18] =	ssyncadd.s32 $0xFFFFC000  }
.Ltmp6:
0x14a: {  	_ = 	snop;
	(pc) =	sbr.rel .LBB2_6-.Ltmp6, $1  }
0x14b: {  	_ =	sdelay $0x3  }
.LBB2_8:
0x14c: {  	_ =	sfence.sel $0x180000  }
0x14d: {  	[bflag:$0x0] =	sbarrier.arrive $0xFFFF  }
0x14e: {  	_ =	strace $0x9000004A  }
0x14f: {  	s0 =	stileid.u32;
	[bflag:$0x2] =	sbarrier.arrive $0xFFFF  }
0x150: {  	p0 =	sne.s32 s0, $0x0;
	s0 =	rddreg [dreg:$0x3]  }
0x151: {  	s0 =	sadd.s32 @!p0 $0x100000, s0  }
0x152: {  	[sflag:s0] =	ssyncadd.tile.s32 @!p0 $0x1;
	_ =	shalt  }
.Lfunc_end2:
_tile_overlayer_lowered:
.L_overlay_start_2:
0x153: {  	(tag) =	ssettag $0x2  }
0x154: {  	s0 =	rddreg [dreg:$0x0];
	s2 =	stileid.u32  }
0x155: {  	s1 =	rddreg [dreg:$0x1];
	p0 =	sne.s32 s2, $0x0  }
0x156: {  	s3 =	rddreg [dreg:$0x2];
	[bflag:$0x3] =	sbarrier.arrive $0xFFFF;
	s2 =	simm.s32 @!p0 $0x1C09  }
0x157: {  	[timem:s3], [sflag:s2] =	dma.local @!p0 [hbm:s0], s1  }
0x158: {  	s0 =	simm.s32 @!p0 $0x9  }
0x159: {  	_ =	swait.ge @!p0 [sflag:s0], s1  }
0x15a: {  	s1 =	ssub.s32 @!p0 $0x0, s1;
	[sflag:s0] =	ssyncset.done @!p0 $0x0  }
0x15b: {  	[sflag:s0] =	ssyncadd.s32 @!p0 s1  }
0x15c: {  	[bflag:$0x3] =	sbarrier.arrive $0xFFFF  }
0x15d: {  	_ =	shalt  }

// kernel: kernel.14.cloned.1.call-start
scs
__scs_entry_jumppad:
0x0: {  	(pc) =	sbr.rel $0x88, $3  }
0x1: {  	(tag) =	ssettag $0x0;
	lr =	simm.s32 $0x1  }
0x2: {  	[smem:$0x3F87] =	sst lr;
	_ =	strace $0xD0000000  }
0x3: {  	_ = 	snop  }
0x4: {  	_ = 	snop  }
0x5: {  	_ = 	snop  }
0x6: {  	_ = 	snop  }
0x7: {  	_ = 	snop  }
__scs_overlays_trampoline_lowered:
0x8: {  	[smem:$0x3F96] =	sst s0  }
0x9: {  	[smem:$0x3F97] =	sst s1  }
0xa: {  	[smem:$0x3F98] =	sst s2  }
0xb: {  	[smem:$0x3F99] =	sst s3  }
0xc: {  	[smem:$0x3F9A] =	sst s4  }
0xd: {  	[smem:$0x3F9B] =	sst s5  }
0xe: {  	[smem:$0x3F9C] =	sst s6  }
0xf: {  	[smem:$0x3F9D] =	sst s7  }
0x10: {  	[smem:$0x3F9E] =	sst s8  }
0x11: {  	[smem:$0x3F9F] =	sst s9;
	s0 =	simm.s32 @!p0 $0x0  }
0x12: {  	s1 =	sld [smem:$0x3F85];
	s0 =	simm.s32 @p0 $0x1  }
0x13: {  	[smem:$0x3FA0] =	sst s0;
	s0 =	simm.s32 @!p1 $0x0  }
0x14: {  	s2 =	sld [smem:$0x3F84];
	s0 =	simm.s32 @p1 $0x1  }
0x15: {  	[smem:$0x3FA1] =	sst s0;
	s0 =	simm.s32 @!p2 $0x0  }
0x16: {  	s3 =	sld [smem:$0x3FDB];
	s0 =	simm.s32 @p2 $0x1  }
0x17: {  	s4 =	simm.s32 $0x1BF5;
	[smem:$0x3FA3] =	sst s0  }
0x18: {  	s0 =	sld [smem:$0x3F86];
	_ =	swait.ge [sflag:s4], $0x0  }
0x19: {  	s7 =	sld [smem:$0x3F87]  }
0x1a: {  	s8 =	sadd.s32 $0xFFFFE003, lr  }
0x1b: {  	s9 =	sadd.s32 $0xFFFFFEF7, lr;
	s5 =	simm.s32 $0xFFFFFFFF;
	p2 =	slt.u32 s8, $0xFFFFF086  }
0x1c: {  	p1 =	slt.u32 s9, $0xF7A;
	s5 =	simm.s32 @!p2 $0x0  }
0x1d: {  	s5 =	simm.s32 @p1 $0x1;
	p0 =	seq.s32 s7, s2  }
0x1e: {  	s7 =	smul.u32 @!p0 $0xF7A, s2;
	p2 =	seq.s32 @!p0 s5, $0x0  }
0x1f: {  	s9 =	smul.u32 $0xF7A, s1;
	s8 =	simm.s32 @!p0 $0x1BF5;
	p2 =	por !p2, p0  }
0x20: {  	[sflag:s8] =	ssyncset.s32 @!p0 $0xFFFFF086;
	s6 =	sadd.s32 @!p0 s3, s7;
	s7 =	simm.s32 @!p0 $0x108  }
0x21: {  	s3 =	sadd.s32 s3, s9;
	s6 =	sadd.s32 @!p0 $0x88, s6;
	s7 =	simm.s32 @p2 $0x1082  }
0x22: {  	[simem:s7], [sflag:s8] =	dma.local @!p0 [hbm:s6], $0xF7A  }
0x23: {  	s9 =	sor.u32 $0xD0000000, s2;
	s6 =	simm.s32 $0x108;
	_ =	swait.ge @!p0 [sflag:s8], $0x0  }
0x24: {  	s3 =	sadd.s32 $0x88, s3;
	s6 =	simm.s32 @!p1 $0x1082;
	[sflag:s4] =	ssyncset.s32 $0xFFFFF086  }
0x25: {  	[simem:s6], [sflag:s4] =	dma.local [hbm:s3], $0xF7A  }
0x26: {  	[smem:$0x3F87] =	sst s1;
	(tag) =	ssettag s2;
	_ =	strace s9  }
0x27: {  	s1 =	sld [smem:$0x3F97]  }
0x28: {  	s2 =	sld [smem:$0x3F98]  }
0x29: {  	s4 =	sld [smem:$0x3F9A]  }
0x2a: {  	p0 =	seq.s32 s5, $0x0;
	s5 =	sld [smem:$0x3F9B]  }
0x2b: {  	s6 =	sld [smem:$0x3F9C]  }
0x2c: {  	s7 =	sld [smem:$0x3F9D]  }
0x2d: {  	s3 =	simm.s32 $0x108;
	s8 =	sld [smem:$0x3F9E]  }
0x2e: {  	s3 =	simm.s32 @!p0 $0x1082;
	s9 =	sld [smem:$0x3F9F]  }
0x2f: {  	lr =	sadd.s32 s0, s3;
	s0 =	sld [smem:$0x3F96]  }
0x30: {  	s3 =	sld [smem:$0x3F99]  }
0x31: {  	[smem:$0x3FA2] =	sst s10  }
0x32: {  	s10 =	sld [smem:$0x3FA0];
	_ =	sdelay $0x3  }
0x33: {  	p0 =	seq.s32 s10, $0x1;
	s10 =	sld [smem:$0x3FA2];
	_ =	sdelay $0x3  }
0x34: {  	[smem:$0x3FA2] =	sst s10  }
0x35: {  	s10 =	sld [smem:$0x3FA1];
	_ =	sdelay $0x3  }
0x36: {  	p1 =	seq.s32 s10, $0x1;
	s10 =	sld [smem:$0x3FA2];
	_ =	sdelay $0x3  }
0x37: {  	[smem:$0x3FA2] =	sst s10  }
0x38: {  	s10 =	sld [smem:$0x3FA3]  }
0x39: {  	_ = 	snop;
	(pc) =	sbr.ind lr, $3  }
0x3a: {  	_ = 	snop  }
0x3b: {  	_ = 	snop  }
0x3c: {  	p2 =	seq.s32 s10, $0x1;
	s10 =	sld [smem:$0x3FA2]  }
0x3d: {  	_ =	shalt  }
0x3e: {  	_ =	shalt  }
0x3f: {  	_ =	shalt  }
0x40: {  	_ =	shalt  }
0x41: {  	_ =	shalt  }
0x42: {  	_ =	shalt  }
0x43: {  	_ =	shalt  }
0x44: {  	_ =	shalt  }
0x45: {  	_ =	shalt  }
0x46: {  	_ =	shalt  }
0x47: {  	_ =	shalt  }
0x48: {  	_ =	shalt  }
0x49: {  	_ =	shalt  }
0x4a: {  	_ =	shalt  }
0x4b: {  	_ =	shalt  }
0x4c: {  	_ =	shalt  }
0x4d: {  	_ =	shalt  }
0x4e: {  	_ =	shalt  }
0x4f: {  	_ =	shalt  }
0x50: {  	_ =	shalt  }
0x51: {  	_ =	shalt  }
0x52: {  	_ =	shalt  }
0x53: {  	_ =	shalt  }
0x54: {  	_ =	shalt  }
0x55: {  	_ =	shalt  }
0x56: {  	_ =	shalt  }
0x57: {  	_ =	shalt  }
0x58: {  	_ =	shalt  }
0x59: {  	_ =	shalt  }
0x5a: {  	_ =	shalt  }
0x5b: {  	_ =	shalt  }
0x5c: {  	_ =	shalt  }
0x5d: {  	_ =	shalt  }
0x5e: {  	_ =	shalt  }
0x5f: {  	_ =	shalt  }
0x60: {  	_ =	shalt  }
0x61: {  	_ =	shalt  }
0x62: {  	_ =	shalt  }
0x63: {  	_ =	shalt  }
0x64: {  	_ =	shalt  }
0x65: {  	_ =	shalt  }
0x66: {  	_ =	shalt  }
0x67: {  	_ =	shalt  }
0x68: {  	_ =	shalt  }
0x69: {  	_ =	shalt  }
0x6a: {  	_ =	shalt  }
0x6b: {  	_ =	shalt  }
0x6c: {  	_ =	shalt  }
0x6d: {  	_ =	shalt  }
0x6e: {  	_ =	shalt  }
0x6f: {  	_ =	shalt  }
0x70: {  	_ =	shalt  }
0x71: {  	_ =	shalt  }
0x72: {  	_ =	shalt  }
0x73: {  	_ =	shalt  }
0x74: {  	_ =	shalt  }
0x75: {  	_ =	shalt  }
0x76: {  	_ =	shalt  }
0x77: {  	_ =	shalt  }
0x78: {  	_ =	shalt  }
0x79: {  	_ =	shalt  }
0x7a: {  	_ =	shalt  }
0x7b: {  	_ =	shalt  }
0x7c: {  	_ =	shalt  }
0x7d: {  	_ =	shalt  }
0x7e: {  	_ =	shalt  }
0x7f: {  	_ =	shalt  }
0x80: {  	_ =	shalt  }
0x81: {  	_ =	shalt  }
0x82: {  	_ =	shalt  }
0x83: {  	_ =	shalt  }
0x84: {  	_ =	shalt  }
0x85: {  	_ =	shalt  }
0x86: {  	_ =	shalt  }
0x87: {  	_ =	shalt  }
.Lfunc_end0:
.L_simem_size_0:
called_computation.2_lowered:
.L_overlay_start_0:
0x88: {  	s2 =	sld [smem:$0x3FD9]  }
0x89: {  	s3 =	sld [smem:$0x3FFE];
	_ =	sdelay $0x1  }
0x8a: {  	s1 =	srdreg.scid  }
0x8b: {  	s0 =	sand.u32 $0x1, s1  }
0x8c: {  	s17 =	sshll.u32 s0, $0xA;
	s2 =	sadd.s32 s3, s2  }
0x8d: {  	s2 =	sadd.s32 s2, s17  }
0x8e: {  	[smem:$0x3FAE] =	sst s2  }
0x8f: {  	_ = 	snop  }
0x90: {  	s2 =	sld [smem:$0x3FD0];
	(tm) =	ssettm $0x1  }
0x91: {  	s18 =	sld [smem:$0x3FFB];
	_ =	sdelay $0x3  }
0x92: {  	_ =	strace s18  }
0x93: {  	s3 =	sld [smem:$0x3FFC];
	_ =	sdelay $0x3  }
0x94: {  	_ =	strace s3  }
0x95: {  	s3 =	sld [smem:$0x3FFD];
	_ =	sdelay $0x3  }
0x96: {  	_ =	strace s3  }
0x97: {  	_ =	strace $0x8FFFFFFF  }
0x98: {  	s19 =	sld [smem:$0x3FDB];
	_ =	sdelay $0x1  }
0x99: {  	s4 =	simm.s32 $_scs_section_size  }
0x9a: {  	s5 =	simm.s32 $_size__tile_overlayer_lowered;
	s6 =	simm.s32 $_tile_overlayer_lowered  }
0x9b: {  	s22 =	simm.s32 $0x1BFF;
	s21 =	sshll.u32 s6, $0x1;
	s3 =	sadd.s32 s4, s19  }
0x9c: {  	s7 =	simm.s32 $0x0;
	s20 =	sshll.u32 s5, $0x1;
	s5 =	sadd.s32 s21, s3  }
0x9d: {  	[timem:s7], [sflag:s22] =	dma.local [hbm:s5], s20  }
0x9e: {  	_ =	swait.ge [sflag:s22], s20  }
0x9f: {  	s4 =	ssub.s32 $0x0, s20;
	[sflag:s22] =	ssyncset.done $0x0  }
0xa0: {  	[sflag:s22] =	ssyncadd.s32 s4;
	_ =	sdelay $0x1  }
0xa1: {  	s23 =	simm.s32 $0x1B8B  }
0xa2: {  	_ =	swait.ge [sflag:s23], $0x1  }
0xa3: {  	[sflag:s23] =	ssyncset.done $0x0  }
0xa4: {  	s25 =	simm.s32 $0x1B8E;
	s24 =	sld [smem:$0x3FFE];
	[sflag:s23] =	ssyncadd.s32 $0xFFFFFFFF  }
0xa5: {  	s26 =	simm.s32 $execute0_lowered;
	[smem:$0x3FD2] =	sst s25  }
0xa6: {  	s5 =	sshll.u32 s26, $0x1;
	_ =	strace $0x8000004C;
	[dreg:$0x1] =	wrdreg $0xFFFFFFFF  }
0xa7: {  	s28 =	simm.s32 $_size_execute0_lowered;
	s3 =	sadd.s32 s3, s5;
	[dreg:$0x0] =	wrdreg $0x0  }
0xa8: {  	s5 =	sshll.u32 s28, $0x1;
	[dreg:$0x2] =	wrdreg s3  }
0xa9: {  	[dreg:$0x3] =	wrdreg s5  }
0xaa: {  	[dreg:$0x4] =	wrdreg $0xC0  }
0xab: {  	_ =	task [dreg:s7], $0x5FFFF  }
0xac: {  	[dreg:$0x1] =	wrdreg $0xFFFFFFFF  }
0xad: {  	[dreg:$0x0] =	wrdreg $0x60  }
0xae: {  	[dreg:$0x2] =	wrdreg s24  }
0xaf: {  	[dreg:$0x3] =	wrdreg s2  }
0xb0: {  	[dreg:$0x4] =	wrdreg $0x0  }
0xb1: {  	[dreg:$0x5] =	wrdreg $0x9  }
0xb2: {  	_ =	task.clear_ibuf [dreg:s7], $0x6FFFF;
	_ =	strace $0x9000004C  }
0xb3: {  	s29 =	simm.s32 $0x9;
	_ =	strace $0x8000004E  }
0xb4: {  	_ =	swait.ge [sflag:s29], $0x1  }
0xb5: {  	[sflag:s29] =	ssyncadd.s32 $0xFFFFFFFF  }
0xb6: {  	_ =	strace $0x9000004E  }
0xb7: {  	_ =	sfence  }
0xb8: {  	s30 =	sld [smem:$0x0];
	_ =	sdelay $0x2  }
0xb9: {  	s31 =	sshll.u32 s1, $0xD;
	s1 =	sshrl.u32 s1, $0x2  }
0xba: {  	s3 =	sand.u32 $0x4000, s31;
	s1 =	sadd.s32 s1, s30  }
0xbb: {  	s0 =	sor.u32 s3, s0;
	s1 =	sshll.u32 s1, $0x11  }
0xbc: {  	s0 =	sor.u32 s1, s0  }
0xbd: {  	s0 =	sadd.s32 $0x8F2B, s0  }
0xbe: {  	[sflag:s0] =	ssyncadd.remote.s32 $0x1  }
0xbf: {  	_ =	sfence.sel $0xFFFF  }
0xc0: {  	[dreg:$0x0] =	wrdreg $0xFFFFFFFF;
	(pc) =	sbr.abs _section_cstart, $3  }
0xc1: {  	[dreg:$0x1] =	wrdreg $0xFFFFFFFF  }
0xc2: {  	_ =	task.clear_ibuf [dreg:s7], $0x2FFFF;
	_ =	strace $0x9FFFFFFF  }
0xc3: {  	(tm) =	ssettm $0x7FFFFFFF  }
tec
execute0_lowered:
.L_overlay_start_1:
0x0: {  	(tag) =	ssettag $0x1  }
0x1: {  	s0 =	rddreg [dreg:$0x0]  }
0x2: {  	s2 =	rddreg [dreg:$0x1]  }
0x3: {  	s25 =	rddreg [dreg:$0x2]  }
0x4: {  	s3 =	srdreg.scid;
	s13 =	stileid.u32;
	s30 =	simm.s32 $0x14420  }
0x5: {  	s28 =	simm.s32 $0x144A0;
	s29 =	simm.s32 $0x14520;
	s9 =	smul.u32 $0x2800, s13  }
0x6: {  	s7 =	sand.u32 $0x1, s3;
	s3 =	simm.s32 $0x0;
	s22 =	smul.u32 $0x51000, s13  }
0x7: {  	s4 =	sadd.s32 $0x4E00, s0;
	s5 =	sadd.s32 $0x2CA00, s0;
	s14 =	smul.u32 $0x50000, s13  }
0x8: {  	s6 =	sadd.s32 $0x41400, s0;
	s11 =	sshll.u32 s13, $0x1;
	s20 =	smul.u32 $0x5220, s13  }
0x9: {  	s1 =	sshll.u32 s13, $0x2;
	s8 =	smul.u32 $0x28000, s7;
	[smem:$0x7FF] =	sst s3  }
0xa: {  	s21 =	ssub.s32 $0x2, s7;
	s12 =	sshll.u32 s7, $0x5;
	s18 =	smul.u32 $0x52200, s7  }
0xb: {  	_ =	strace $0x8000004D;
	s10 =	sshrl.u32 s21, $0x1;
	s23 =	sshrl.u32 s22, $0x2  }
0xc: {  	s24 =	sor.u32 s11, s12;
	s11 =	sadd.s32 s2, s1;
	s2 =	sshrl.u32 s14, $0x2  }
0xd: {  	s8 =	sadd.s32 s9, s8;
	[dreg:$0x9] =	wrdreg s11;
	s9 =	sadd.s32 $0x2, s11  }
0xe: {  	s10 =	ssub.s32 s21, s10;
	s26 =	sadd.s32 s23, s25;
	[dreg:$0xa] =	wrdreg s9  }
0xf: {  	s19 =	sadd.s32 s2, s25;
	s2 =	sadd.s32 s20, s18;
	[dreg:$0x7] =	wrdreg s26  }
0x10: {  	s0 =	sadd.s32 s8, s0;
	s8 =	sadd.s32 $0x14000, s26;
	[dreg:$0x14] =	wrdreg s2  }
0x11: {  	s31 =	simm.s32 $0x145A0;
	s10 =	smax.u32 s10, $0x1;
	[dreg:$0x8] =	wrdreg s8  }
0x12: {  	s13 =	simm.s32 $0x2;
	s21 =	sadd.s32 $0x4000, s26;
	[dreg:$0xf] =	wrdreg s10  }
0x13: {  	s1 =	simm.s32 $0x9;
	s23 =	sadd.s32 $0x8000, s26;
	[dreg:$0x10] =	wrdreg s21  }
0x14: {  	s22 =	smul.u32 $0x2910, s24;
	s24 =	sadd.s32 $0xC000, s26;
	[dreg:$0x11] =	wrdreg s23  }
0x15: {  	s14 =	simm.s32 $0x8;
	s26 =	sadd.s32 $0x10000, s26;
	[dreg:$0x12] =	wrdreg s24  }
0x16: {  	s11 =	simm.s32 $0x7;
	s18 =	simm.s32 $0x6;
	[dreg:$0x13] =	wrdreg s26  }
0x17: {  	s2 =	simm.s32 $0x18820;
	s15 =	sadd.s32 $0x2910, s22;
	[dreg:$0x6] =	wrdreg s22  }
0x18: {  	s9 =	simm.s32 $0x1;
	s16 =	sadd.s32 $0x80, s22;
	[dreg:$0xb] =	wrdreg s15  }
.Ltmp0:
0x19: {  	s17 =	sadd.s32 $0x2990, s22;
	[dreg:$0xc] =	wrdreg s16;
	(pc) =	sbr.rel .LBB2_1-.Ltmp0, $4  }
0x1a: {  	s0 =	sadd.s32 $0x55E00, s0;
	s8 =	simm.s32 $0x14820;
	[dreg:$0xd] =	wrdreg s17  }
0x1b: {  	s26 =	simm.s32 $0x14620;
	s21 =	simm.s32 $0x0;
	[dreg:$0xe] =	wrdreg s0  }
0x1c: {  	v2 =	vlaneseq.u32;
	v1 =	vmov s7;
	s0 =	sshrl.u32 s19, $0x3;
	s16 =	simm.s32 $0x8;
	s17 =	simm.s32 $0x5  }
0x1d: {  	v0 =	vimm.f32 $0.0e+00;
	vm0 =	veq.s32 v1, v2;
	v1 =	vimm.s32 $0x2800;
	s19 =	simm.s32 $0x3;
	[dreg:$0x15] =	wrdreg s0;
	s0 =	simm.s32 $0x80  }
.LBB2_6:
0x1e: {  	[spmem:s25] =	stream.indirect.scatter.add.f32 [tilespmem:s9], [sflag:$0x8], $0x80, s2, s0, $0xb8;
	[tilespmem:$0x1C820] =	vst v63  }
0x1f: {  	s1 =	simm.s32 $0x9;
	s21 =	rddreg [dreg:$0x16]  }
0x20: {  	s22 =	rddreg [dreg:$0x6];
	s2 =	simm.s32 $0x18820;
	s9 =	simm.s32 $0x1  }
0x21: {  	s11 =	simm.s32 $0x7;
	s13 =	simm.s32 $0x2;
	s14 =	simm.s32 $0x8  }
.LBB2_7:
0x22: {  	_ =	swait.ge [sflag:s11], $0x4000  }
0x23: {  	[sflag:s11] =	ssyncset.done $0x0  }
0x24: {  	[sflag:s11] =	ssyncadd.s32 $0xFFFFC000  }
0x25: {  	_ =	swait.ge [sflag:s14], $0x4000  }
0x26: {  	[sflag:s14] =	ssyncset.done $0x0  }
0x27: {  	[sflag:s14] =	ssyncadd.s32 $0xFFFFC000  }
0x28: {  	_ =	swait.ge [sflag:s9], $0x80  }
0x29: {  	[sflag:s9] =	ssyncset.done $0x0  }
0x2a: {  	[sflag:s9] =	ssyncadd.s32 $0xFFFFFF80  }
0x2b: {  	_ =	swait.ge [sflag:s9], $0x80  }
0x2c: {  	[sflag:s9] =	ssyncset.done $0x0  }
0x2d: {  	[sflag:s9] =	ssyncadd.s32 $0xFFFFFF80  }
0x2e: {  	_ =	swait.ge [sflag:s13], $0x80  }
0x2f: {  	[sflag:s13] =	ssyncset.done $0x0  }
0x30: {  	[sflag:s13] =	ssyncadd.s32 $0xFFFFFF80  }
0x31: {  	_ =	swait.ge [sflag:s13], $0x80  }
0x32: {  	[sflag:s13] =	ssyncset.done $0x0  }
0x33: {  	[sflag:s13] =	ssyncadd.s32 $0xFFFFFF80  }
0x34: {  	s7 =	stileid.u32;
	[bflag:$0x0] =	sbarrier.arrive $0xFFFF  }
0x35: {  	s7 =	sshll.u32 s7, $0x6;
	s10 =	rddreg [dreg:$0xe]  }
0x36: {  	s7 =	sor.u32 $0x1C09, s7;
	s20 =	rddreg [dreg:$0x15]  }
0x37: {  	[hbm:s10], [sflag:s7] =	dma.local [spmem:s20], $0x2800  }
0x38: {  	_ =	swait.ge [sflag:s1], $0x2800  }
0x39: {  	s21 =	sadd.s32 $0x1, s21;
	s24 =	rddreg [dreg:$0xf]  }
0x3a: {  	p0 =	sne.s32 s21, s24  }
.Ltmp1:
0x3b: {  	_ = 	snop;
	(pc) =	sbr.rel @!p0 .LBB2_8-.Ltmp1, $3  }
0x3c: {  	_ =	sdelay $0x1  }
0x3d: {  	[sflag:s1] =	ssyncset.done $0x0  }
0x3e: {  	s8 =	simm.s32 $0x14820;
	[sflag:s1] =	ssyncadd.s32 $0xFFFFD800  }
.LBB2_1:
0x3f: {  	[dreg:$0x16] =	wrdreg s21;
	s7 =	simm.s32 $0x0;
	s10 =	simm.s32 $0x200  }
.LBB2_2:
0x40: {  	p0 =	sne.s32 s10, $0xFE00;
	[tilespmem:s7+$0x18890] =	vst v0  }
0x41: {  	[tilespmem:s7+$0x14820] =	vst v0  }
0x42: {  	[tilespmem:s7+$0x18820] =	vst v0  }
0x43: {  	[tilespmem:s7+$0x14830] =	vst v0  }
0x44: {  	[tilespmem:s7+$0x18830] =	vst v0  }
0x45: {  	[tilespmem:s7+$0x14840] =	vst v0  }
0x46: {  	[tilespmem:s7+$0x18840] =	vst v0  }
0x47: {  	[tilespmem:s7+$0x14850] =	vst v0  }
0x48: {  	[tilespmem:s7+$0x18850] =	vst v0  }
0x49: {  	[tilespmem:s7+$0x14860] =	vst v0  }
0x4a: {  	[tilespmem:s7+$0x18860] =	vst v0  }
.Ltmp2:
0x4b: {  	[tilespmem:s7+$0x14870] =	vst v0;
	(pc) =	sbr.rel @p0 .LBB2_2-.Ltmp2, $4  }
0x4c: {  	[tilespmem:s7+$0x18870] =	vst v0  }
0x4d: {  	[tilespmem:s7+$0x14880] =	vst v0  }
0x4e: {  	[tilespmem:s7+$0x18880] =	vst v0  }
0x4f: {  	[tilespmem:s7+$0x14890] =	vst v0;
	s7 =	sshra.s32 s10, $0x2;
	s10 =	sadd.s32 $0x200, s10  }
0x50: {  	[tilespmem:s7+$0x18890] =	vst v0  }
0x51: {  	[tilespmem:s7+$0x14820] =	vst v0  }
0x52: {  	[tilespmem:s7+$0x18820] =	vst v0  }
0x53: {  	[tilespmem:s7+$0x14830] =	vst v0  }
0x54: {  	[tilespmem:s7+$0x18830] =	vst v0  }
0x55: {  	[tilespmem:s7+$0x14840] =	vst v0  }
0x56: {  	[tilespmem:s7+$0x18840] =	vst v0  }
0x57: {  	[tilespmem:s7+$0x14850] =	vst v0  }
0x58: {  	[tilespmem:s7+$0x18850] =	vst v0  }
0x59: {  	[tilespmem:s7+$0x14860] =	vst v0  }
0x5a: {  	[tilespmem:s7+$0x18860] =	vst v0  }
0x5b: {  	[tilespmem:s7+$0x14870] =	vst v0  }
0x5c: {  	[tilespmem:s7+$0x18870] =	vst v0  }
0x5d: {  	[tilespmem:s7+$0x14880] =	vst v0  }
0x5e: {  	[tilespmem:s7+$0x18880] =	vst v0  }
0x5f: {  	[tilespmem:s7+$0x14890] =	vst v0  }
0x60: {  	[tilespmem:$0x146A0] =	vst v1  }
0x61: {  	[tilespmem:$0x147A0] =	vst v1  }
0x62: {  	[tilespmem:$0x146B0] =	vst v1  }
0x63: {  	[tilespmem:$0x147B0] =	vst v1  }
0x64: {  	[tilespmem:$0x146C0] =	vst v1  }
0x65: {  	[tilespmem:$0x147C0] =	vst v1  }
0x66: {  	[tilespmem:$0x146D0] =	vst v1  }
0x67: {  	[tilespmem:$0x147D0] =	vst v1  }
0x68: {  	[tilespmem:$0x146E0] =	vst v1  }
0x69: {  	[tilespmem:$0x147E0] =	vst v1  }
0x6a: {  	[tilespmem:$0x146F0] =	vst v1  }
0x6b: {  	[tilespmem:$0x147F0] =	vst v1  }
0x6c: {  	[tilespmem:$0x14700] =	vst v1  }
0x6d: {  	[tilespmem:$0x14800] =	vst v1  }
0x6e: {  	[tilespmem:$0x14710] =	vst v1  }
0x6f: {  	s23 =	rddreg [dreg:$0x7];
	[tilespmem:$0x14810] =	vst v1  }
0x70: {  	[spmem:s23] =	stream.linear.scatter [tilespmem:s8], [sflag:$0x9], $0x4000, $0x38;
	[tilespmem:$0x1C820] =	vst v63  }
0x71: {  	_ =	swait.ge [sflag:s1], $0x4000  }
0x72: {  	[sflag:s1] =	ssyncset.done $0x0  }
0x73: {  	s24 =	rddreg [dreg:$0x10];
	[sflag:s1] =	ssyncadd.s32 $0xFFFFC000  }
0x74: {  	[spmem:s24] =	stream.linear.scatter [tilespmem:s8], [sflag:$0x9], $0x4000, $0x38;
	[tilespmem:$0x1C820] =	vst v63  }
0x75: {  	_ =	swait.ge [sflag:s1], $0x4000  }
0x76: {  	[sflag:s1] =	ssyncset.done $0x0  }
0x77: {  	s10 =	rddreg [dreg:$0x11];
	[sflag:s1] =	ssyncadd.s32 $0xFFFFC000  }
0x78: {  	[spmem:s10] =	stream.linear.scatter [tilespmem:s8], [sflag:$0x9], $0x4000, $0x38;
	[tilespmem:$0x1C820] =	vst v63  }
0x79: {  	_ =	swait.ge [sflag:s1], $0x4000  }
0x7a: {  	[sflag:s1] =	ssyncset.done $0x0  }
0x7b: {  	s12 =	rddreg [dreg:$0x12];
	[sflag:s1] =	ssyncadd.s32 $0xFFFFC000  }
0x7c: {  	[spmem:s12] =	stream.linear.scatter [tilespmem:s8], [sflag:$0x9], $0x4000, $0x38;
	[tilespmem:$0x1C820] =	vst v63  }
0x7d: {  	_ =	swait.ge [sflag:s1], $0x4000  }
0x7e: {  	[sflag:s1] =	ssyncset.done $0x0  }
0x7f: {  	s15 =	rddreg [dreg:$0x13];
	[sflag:s1] =	ssyncadd.s32 $0xFFFFC000  }
0x80: {  	[spmem:s15] =	stream.linear.scatter [tilespmem:s8], [sflag:$0x9], $0x4000, $0x38;
	[tilespmem:$0x1C820] =	vst v63  }
0x81: {  	_ =	swait.ge [sflag:s1], $0x4000  }
0x82: {  	[sflag:s1] =	ssyncset.done $0x0  }
0x83: {  	s20 =	rddreg [dreg:$0x8];
	[sflag:s1] =	ssyncadd.s32 $0xFFFFC000  }
0x84: {  	[spmem:s20] =	stream.linear.scatter [tilespmem:s8], [sflag:$0x9], $0x400, $0x38;
	[tilespmem:$0x1C820] =	vst v63  }
0x85: {  	_ =	swait.ge [sflag:s1], $0x400  }
0x86: {  	[sflag:s1] =	ssyncset.done $0x0  }
0x87: {  	[sflag:s1] =	ssyncadd.s32 $0xFFFFFC00  }
0x88: {  	[bflag:$0x0] =	sbarrier.arrive $0xFFFF  }
0x89: {  	s10 =	simm.s32 $0x14400;
	s21 =	rddreg [dreg:$0x9]  }
0x8a: {  	[tilespmem:s10], [sflag:$0x9] =	stream.linear.gather [hbm4b:s21+s3], $0x10, $0x38;
	[tilespmem:$0x1C820] =	vst v63  }
0x8b: {  	_ =	swait.ge [sflag:s1], $0x10  }
0x8c: {  	[sflag:s1] =	ssyncset.done $0x0  }
0x8d: {  	s24 =	simm.s32 $0x14410;
	s23 =	rddreg [dreg:$0xa];
	[sflag:s1] =	ssyncadd.s32 $0xFFFFFFF0  }
0x8e: {  	[tilespmem:s24], [sflag:$0x9] =	stream.linear.gather [hbm4b:s23+s3], $0x10, $0x38;
	[tilespmem:$0x1C820] =	vst v63  }
0x8f: {  	_ =	swait.ge [sflag:s1], $0x10  }
0x90: {  	[sflag:s1] =	ssyncset.done $0x0  }
0x91: {  	[sflag:s1] =	ssyncadd.s32 $0xFFFFFFF0  }
0x92: {  	v2 =	vld [tilespmem:$0x14400]  }
0x93: {  	v3 =	vld [tilespmem:$0x14410];
	_ =	sdelay $0x3  }
0x94: {  	v2 =	vnsel vm0, $0x0, v2  }
0x95: {  	(xrf0) =	vadd.scan.msk.s32 $0xffff, v2;
	v2 =	vnsel vm0, $0x0, v3  }
0x96: {  	(xrf0) =	vadd.scan.msk.s32 $0xffff, v2;
	_ =	sdelay $0x4  }
0x97: {  	v2, _, _ =	vpop (xrf0)  }
0x98: {  	(v2sf) =	vpush v2, $0xF;
	v2, _, _ =	vpop (xrf0)  }
0x99: {  	(v2sf) =	vpush v2, $0xF;
	_ =	sdelay $0xd  }
0x9a: {  	s21 =	spop (v2sf)  }
0x9b: {  	s10 =	spop (v2sf)  }
0x9c: {  	s23 =	smov.u32 s22;
	s15 =	sadd.s32 s21, s10  }
0x9d: {  	s20 =	rddreg [dreg:$0xb];
	s7 =	sshll.u32 s21, $0x9;
	s12 =	sshll.u32 s15, $0x2  }
0x9e: {  	s24 =	sshll.u32 s21, $0x2;
	s21 =	ssub.s32 s20, s7;
	p0 =	sgt.s32 s12, $0x0  }
0x9f: {  	p1 =	slt.s32 s24, $0x1;
	s23 =	smov.u32 @p0 s21;
	s21 =	smov.u32 s22  }
0xa0: {  	s21 =	smov.u32 @p1 s23  }
0xa1: {  	s21 =	sshrl.u32 s21, $0x3  }
0xa2: {  	s20 =	sadd.s32 s5, s21  }
0xa3: {  	[tilespmem:s30], [sflag:$0x1] =	stream.linear.gather [hbm4b:s20+s3], $0x80, $0x38;
	[tilespmem:$0x1C820] =	vst v63  }
0xa4: {  	s23 =	rddreg [dreg:$0xd];
	s21 =	sadd.s32 s6, s21  }
0xa5: {  	[tilespmem:s28], [sflag:$0x1] =	stream.linear.gather [hbm4b:s21+s3], $0x80, $0x38;
	[tilespmem:$0x1C820] =	vst v63  }
0xa6: {  	p0 =	sgt.s32 s24, $0x1;
	s20 =	rddreg [dreg:$0xc];
	s21 =	ssub.s32 s23, s7  }
0xa7: {  	p1 =	sgt.s32 s12, $0x1;
	s23 =	smov.u32 s22;
	s21 =	smov.u32 @p0 s20  }
0xa8: {  	s23 =	smov.u32 @p1 s21  }
0xa9: {  	s21 =	sshrl.u32 s23, $0x3  }
0xaa: {  	s23 =	sadd.s32 s5, s21  }
0xab: {  	[tilespmem:s29], [sflag:$0x2] =	stream.linear.gather [hbm4b:s23+s3], $0x80, $0x38;
	[tilespmem:$0x1C820] =	vst v63  }
0xac: {  	p0 =	slt.s32 s15, $0x1;
	s21 =	sadd.s32 s6, s21  }
0xad: {  	[tilespmem:s31], [sflag:$0x2] =	stream.linear.gather [hbm4b:s21+s3], $0x80, $0x38;
	[tilespmem:$0x1C820] =	vst v63  }
.Ltmp3:
0xae: {  	_ = 	snop;
	(pc) =	sbr.rel @p0 .LBB2_7-.Ltmp3, $4  }
0xaf: {  	[dreg:$0x5] =	wrdreg s12;
	s12 =	simm.s32 $0x146A0  }
0xb0: {  	[spmem:s25] =	stream.indirect.scatter.add.f32 [tilespmem:s8], [sflag:$0x7], $0x80, s12, s0, $0xb8;
	[tilespmem:$0x1C820] =	vst v63  }
0xb1: {  	s10 =	simm.s32 $0x14720;
	s20 =	simm.s32 $0x147A0;
	s21 =	rddreg [dreg:$0x16]  }
0xb2: {  	[spmem:s25] =	stream.indirect.scatter.add.f32 [tilespmem:s2], [sflag:$0x8], $0x80, s20, s0, $0xb8;
	[tilespmem:$0x1C820] =	vst v63  }
0xb3: {  	s7 =	ssub.s32 $0x0, s7  }
0xb4: {  	[dreg:$0x4] =	wrdreg s7  }
0xb5: {  	_ =	swait.ge [sflag:s9], $0x80  }
0xb6: {  	[sflag:s9] =	ssyncset.done $0x0  }
0xb7: {  	[sflag:s9] =	ssyncadd.s32 $0xFFFFFF80  }
0xb8: {  	_ =	swait.ge [sflag:s9], $0x80  }
0xb9: {  	[sflag:s9] =	ssyncset.done $0x0  }
0xba: {  	[sflag:s9] =	ssyncadd.s32 $0xFFFFFF80  }
0xbb: {  	_ =	swait.ge [sflag:s11], $0x4000  }
0xbc: {  	s9 =	rddreg [dreg:$0x4]  }
0xbd: {  	s12 =	rddreg [dreg:$0x14]  }
0xbe: {  	s21 =	sadd.s32 s12, s9  }
0xbf: {  	p0 =	sgt.s32 s24, $0x2;
	s7 =	sadd.s32 $0x100, s12;
	s23 =	sadd.s32 $0x2A10, s21  }
0xc0: {  	s23 =	smov.u32 @p0 s7  }
0xc1: {  	[sflag:s11] =	ssyncset.done $0x0;
	s7 =	sshrl.u32 s23, $0x3  }
0xc2: {  	[sflag:s11] =	ssyncadd.s32 $0xFFFFC000;
	s23 =	sadd.s32 s5, s7  }
0xc3: {  	[tilespmem:s26], [sflag:$0x3] =	stream.linear.gather [hbm4b:s23+s3], $0x80, $0x38;
	[tilespmem:$0x1C820] =	vst v63  }
0xc4: {  	s2 =	simm.s32 $0x146A0;
	s7 =	sadd.s32 s6, s7  }
0xc5: {  	[tilespmem:s2], [sflag:$0x3] =	stream.linear.gather [hbm4b:s7+s3], $0x80, $0x38;
	[tilespmem:$0x1C820] =	vst v63  }
0xc6: {  	s14 =	simm.s32 $0x2;
	s8 =	smov.u32 s15;
	s15 =	simm.s32 $0x14820  }
0xc7: {  	[tilespmem:s15], [sflag:$0x5] =	stream.indirect.gather [hbm4b:s4+s0], $0x80, s30, s0, $0xb8;
	[tilespmem:$0x1C820] =	vst v63  }
0xc8: {  	_ =	swait.ge [sflag:s14], $0x80  }
0xc9: {  	[sflag:s14] =	ssyncset.done $0x0  }
0xca: {  	[sflag:s14] =	ssyncadd.s32 $0xFFFFFF80  }
0xcb: {  	_ =	swait.ge [sflag:s14], $0x80  }
0xcc: {  	p0 =	sgt.s32 s24, $0x3;
	[sflag:s14] =	ssyncset.done $0x0  }
0xcd: {  	s23 =	sadd.s32 $0x2A90, s21;
	s7 =	sadd.s32 $0x180, s12;
	[sflag:s14] =	ssyncadd.s32 $0xFFFFFF80  }
0xce: {  	s23 =	smov.u32 @p0 s7;
	_ =	swait.ge [sflag:s16], $0x4000  }
0xcf: {  	s7 =	sshrl.u32 s23, $0x3;
	[sflag:s16] =	ssyncset.done $0x0  }
0xd0: {  	s23 =	sadd.s32 s5, s7;
	[sflag:s16] =	ssyncadd.s32 $0xFFFFC000  }
0xd1: {  	[tilespmem:s10], [sflag:$0x4] =	stream.linear.gather [hbm4b:s23+s3], $0x80, $0x38;
	[tilespmem:$0x1C820] =	vst v63  }
0xd2: {  	s7 =	sadd.s32 s6, s7  }
0xd3: {  	[tilespmem:s20], [sflag:$0x4] =	stream.linear.gather [hbm4b:s7+s3], $0x80, $0x38;
	[tilespmem:$0x1C820] =	vst v63  }
0xd4: {  	s9 =	simm.s32 $0x18820  }
0xd5: {  	[tilespmem:s9], [sflag:$0x6] =	stream.indirect.gather [hbm4b:s4+s0], $0x80, s29, s0, $0xb8;
	[tilespmem:$0x1C820] =	vst v63  }
0xd6: {  	_ =	swait.ge [sflag:s17], $0x4000  }
0xd7: {  	s1 =	smov.u32 s25;
	s25 =	smov.u32 s22;
	[sflag:s17] =	ssyncset.done $0x0  }
0xd8: {  	s13 =	simm.s32 $0x7;
	p0 =	sgt.s32 s24, $0x4;
	[sflag:s17] =	ssyncadd.s32 $0xFFFFC000  }
0xd9: {  	[spmem:s1] =	stream.indirect.scatter.add.f32 [tilespmem:s15], [sflag:$0x7], $0x80, s28, s0, $0xb8;
	[tilespmem:$0x1C820] =	vst v63  }
0xda: {  	s23 =	sadd.s32 $0x2B10, s21;
	s7 =	sadd.s32 $0x200, s12;
	_ =	swait.ge [sflag:s18], $0x4000  }
0xdb: {  	s20 =	smov.u32 s25;
	[sflag:s18] =	ssyncset.done $0x0;
	s10 =	rddreg [dreg:$0x5]  }
0xdc: {  	s23 =	smov.u32 @p0 s7;
	p1 =	sgt.s32 s10, $0x4;
	[sflag:s18] =	ssyncadd.s32 $0xFFFFC000  }
0xdd: {  	[spmem:s1] =	stream.indirect.scatter.add.f32 [tilespmem:s9], [sflag:$0x8], $0x80, s31, s0, $0xb8;
	[tilespmem:$0x1C820] =	vst v63  }
0xde: {  	s20 =	smov.u32 @p1 s23;
	_ =	swait.ge [sflag:s13], $0x4000  }
0xdf: {  	s20 =	sshrl.u32 s20, $0x3;
	[sflag:s13] =	ssyncset.done $0x0  }
0xe0: {  	s23 =	sadd.s32 s5, s20;
	[sflag:s13] =	ssyncadd.s32 $0xFFFFC000  }
0xe1: {  	[tilespmem:s30], [sflag:$0x1] =	stream.linear.gather [hbm4b:s23+s3], $0x80, $0x38;
	[tilespmem:$0x1C820] =	vst v63  }
0xe2: {  	s20 =	sadd.s32 s6, s20  }
0xe3: {  	[tilespmem:s28], [sflag:$0x1] =	stream.linear.gather [hbm4b:s20+s3], $0x80, $0x38;
	[tilespmem:$0x1C820] =	vst v63  }
0xe4: {  	_ =	swait.ge [sflag:s19], $0x80  }
0xe5: {  	[sflag:s19] =	ssyncset.done $0x0  }
0xe6: {  	[sflag:s19] =	ssyncadd.s32 $0xFFFFFF80  }
0xe7: {  	s21 =	sadd.s32 $0x2B90, s21;
	p0 =	sgt.s32 s24, $0x5;
	_ =	swait.ge [sflag:s19], $0x80  }
0xe8: {  	p1 =	sgt.s32 s10, $0x5;
	s20 =	sadd.s32 $0x280, s12;
	[sflag:s19] =	ssyncset.done $0x0  }
0xe9: {  	s21 =	smov.u32 @p0 s20;
	s20 =	smov.u32 s25;
	[sflag:s19] =	ssyncadd.s32 $0xFFFFFF80  }
0xea: {  	[tilespmem:s15], [sflag:$0x5] =	stream.indirect.gather [hbm4b:s4+s0], $0x80, s26, s0, $0xb8;
	[tilespmem:$0x1C820] =	vst v63  }
0xeb: {  	s20 =	smov.u32 @p1 s21;
	_ =	swait.ge [sflag:s16], $0x4000  }
0xec: {  	s20 =	sshrl.u32 s20, $0x3;
	[sflag:s16] =	ssyncset.done $0x0  }
0xed: {  	s12 =	sadd.s32 s5, s20;
	[sflag:s16] =	ssyncadd.s32 $0xFFFFC000  }
0xee: {  	[tilespmem:s29], [sflag:$0x2] =	stream.linear.gather [hbm4b:s12+s3], $0x80, $0x38;
	[tilespmem:$0x1C820] =	vst v63  }
0xef: {  	s22 =	simm.s32 $0x4;
	s20 =	sadd.s32 s6, s20  }
0xf0: {  	[tilespmem:s31], [sflag:$0x2] =	stream.linear.gather [hbm4b:s20+s3], $0x80, $0x38;
	[tilespmem:$0x1C820] =	vst v63  }
0xf1: {  	_ =	swait.ge [sflag:s22], $0x80  }
0xf2: {  	[sflag:s22] =	ssyncset.done $0x0  }
0xf3: {  	[sflag:s22] =	ssyncadd.s32 $0xFFFFFF80  }
0xf4: {  	_ =	swait.ge [sflag:s22], $0x80  }
0xf5: {  	[sflag:s22] =	ssyncset.done $0x0  }
0xf6: {  	s23 =	simm.s32 $0x14720;
	[sflag:s22] =	ssyncadd.s32 $0xFFFFFF80  }
0xf7: {  	[tilespmem:s9], [sflag:$0x6] =	stream.indirect.gather [hbm4b:s4+s0], $0x80, s23, s0, $0xb8;
	[tilespmem:$0x1C820] =	vst v63  }
0xf8: {  	_ =	swait.ge [sflag:s17], $0x4000  }
0xf9: {  	p0 =	sne.s32 s8, $0x1;
	[sflag:s17] =	ssyncset.done $0x0  }
.Ltmp4:
0xfa: {  	s25 =	simm.s32 $0x146A0;
	[sflag:s17] =	ssyncadd.s32 $0xFFFFC000;
	(pc) =	sbr.rel @!p0 .LBB2_6-.Ltmp4, $4  }
0xfb: {  	[spmem:s1] =	stream.indirect.scatter.add.f32 [tilespmem:s15], [sflag:$0x7], $0x80, s25, s0, $0xb8;
	[tilespmem:$0x1C820] =	vst v63  }
0xfc: {  	s11 =	simm.s32 $0x1;
	_ =	swait.ge [sflag:s18], $0x4000  }
0xfd: {  	s2 =	simm.s32 $0x147A0;
	s21 =	sadd.s32 $0xFFFFFFFF, s8;
	[sflag:s18] =	ssyncset.done $0x0  }
0xfe: {  	s20 =	simm.s32 $0x9;
	s25 =	smov.u32 s1;
	[sflag:s18] =	ssyncadd.s32 $0xFFFFC000  }
.LBB2_5:
0xff: {  	s10 =	simm.s32 $0x147A0  }
0x100: {  	[spmem:s25] =	stream.indirect.scatter.add.f32 [tilespmem:s9], [sflag:$0x8], $0x80, s10, s0, $0xb8;
	[tilespmem:$0x1C820] =	vst v63  }
0x101: {  	_ =	swait.ge [sflag:s11], $0x80  }
0x102: {  	[sflag:s11] =	ssyncset.done $0x0  }
0x103: {  	[sflag:s11] =	ssyncadd.s32 $0xFFFFFF80  }
0x104: {  	_ =	swait.ge [sflag:s11], $0x80  }
0x105: {  	[sflag:s11] =	ssyncset.done $0x0  }
0x106: {  	[sflag:s11] =	ssyncadd.s32 $0xFFFFFF80  }
0x107: {  	_ =	swait.ge [sflag:s13], $0x4000  }
0x108: {  	s23 =	rddreg [dreg:$0x4]  }
0x109: {  	s8 =	sadd.s32 $0xFFFFFFFD, s20;
	s23 =	sadd.s32 s7, s23  }
0x10a: {  	p4 =	slt.s32 s8, s24;
	s25 =	sadd.s32 $0x100, s7;
	s26 =	sadd.s32 $0x2A10, s23  }
0x10b: {  	s29 =	sadd.s32 $0xFFFFFFFE, s20;
	s30 =	sadd.s32 $0x180, s7;
	s26 =	smov.u32 @p4 s25  }
0x10c: {  	s12 =	simm.s32 $0x14620;
	[sflag:s13] =	ssyncset.done $0x0;
	s26 =	sshrl.u32 s26, $0x3  }
0x10d: {  	[sflag:s13] =	ssyncadd.s32 $0xFFFFC000;
	p4 =	slt.s32 s29, s24;
	s29 =	sadd.s32 s5, s26  }
0x10e: {  	[tilespmem:s12], [sflag:$0x3] =	stream.linear.gather [hbm4b:s29+s3], $0x80, $0x38;
	[tilespmem:$0x1C820] =	vst v63  }
0x10f: {  	s8 =	simm.s32 $0x146A0;
	s25 =	sadd.s32 $0x2A90, s23;
	s26 =	sadd.s32 s6, s26  }
0x110: {  	[tilespmem:s8], [sflag:$0x3] =	stream.linear.gather [hbm4b:s26+s3], $0x80, $0x38;
	[tilespmem:$0x1C820] =	vst v63  }
0x111: {  	s25 =	smov.u32 @p4 s30;
	s30 =	simm.s32 $0x14420  }
0x112: {  	[tilespmem:s15], [sflag:$0x5] =	stream.indirect.gather [hbm4b:s4+s0], $0x80, s30, s0, $0xb8;
	[tilespmem:$0x1C820] =	vst v63  }
0x113: {  	p2 =	slt.s32 s20, s24;
	s2 =	rddreg [dreg:$0x5];
	_ =	swait.ge [sflag:s14], $0x80  }
0x114: {  	s28 =	sadd.s32 $0x280, s7;
	s31 =	sadd.s32 $0xFFFFFFFF, s20;
	[sflag:s14] =	ssyncset.done $0x0  }
0x115: {  	p3 =	slt.s32 s31, s24;
	p1 =	slt.s32 s20, s2;
	[sflag:s14] =	ssyncadd.s32 $0xFFFFFF80  }
0x116: {  	p4 =	slt.s32 s31, s2;
	s2 =	rddreg [dreg:$0x6];
	_ =	swait.ge [sflag:s14], $0x80  }
0x117: {  	s7 =	sadd.s32 $0x200, s7;
	s25 =	sshrl.u32 s25, $0x3;
	[sflag:s14] =	ssyncset.done $0x0  }
0x118: {  	s29 =	sadd.s32 $0x2B10, s23;
	s23 =	sadd.s32 $0x2B90, s23;
	[sflag:s14] =	ssyncadd.s32 $0xFFFFFF80  }
0x119: {  	s23 =	smov.u32 @p2 s28;
	s28 =	smov.u32 s2;
	_ =	swait.ge [sflag:s16], $0x4000  }
0x11a: {  	s12 =	simm.s32 $0x14720;
	s28 =	smov.u32 @p1 s23;
	[sflag:s16] =	ssyncset.done $0x0  }
0x11b: {  	s23 =	sshrl.u32 s28, $0x3;
	s28 =	sadd.s32 s5, s25;
	[sflag:s16] =	ssyncadd.s32 $0xFFFFC000  }
0x11c: {  	[tilespmem:s12], [sflag:$0x4] =	stream.linear.gather [hbm4b:s28+s3], $0x80, $0x38;
	[tilespmem:$0x1C820] =	vst v63  }
0x11d: {  	s29 =	smov.u32 @p3 s7;
	s26 =	smov.u32 s2;
	s25 =	sadd.s32 s6, s25  }
0x11e: {  	[tilespmem:s10], [sflag:$0x4] =	stream.linear.gather [hbm4b:s25+s3], $0x80, $0x38;
	[tilespmem:$0x1C820] =	vst v63  }
0x11f: {  	s26 =	smov.u32 @p4 s29;
	s29 =	simm.s32 $0x14520  }
0x120: {  	[tilespmem:s9], [sflag:$0x6] =	stream.indirect.gather [hbm4b:s4+s0], $0x80, s29, s0, $0xb8;
	[tilespmem:$0x1C820] =	vst v63  }
0x121: {  	_ =	swait.ge [sflag:s17], $0x4000  }
0x122: {  	[sflag:s17] =	ssyncset.done $0x0  }
0x123: {  	s28 =	simm.s32 $0x144A0;
	[sflag:s17] =	ssyncadd.s32 $0xFFFFC000  }
0x124: {  	[spmem:s1] =	stream.indirect.scatter.add.f32 [tilespmem:s15], [sflag:$0x7], $0x80, s28, s0, $0xb8;
	[tilespmem:$0x1C820] =	vst v63  }
0x125: {  	_ =	swait.ge [sflag:s18], $0x4000  }
0x126: {  	[sflag:s18] =	ssyncset.done $0x0  }
0x127: {  	s31 =	simm.s32 $0x145A0;
	[sflag:s18] =	ssyncadd.s32 $0xFFFFC000  }
0x128: {  	[spmem:s1] =	stream.indirect.scatter.add.f32 [tilespmem:s9], [sflag:$0x8], $0x80, s31, s0, $0xb8;
	[tilespmem:$0x1C820] =	vst v63  }
0x129: {  	_ =	swait.ge [sflag:s13], $0x4000  }
0x12a: {  	s26 =	sshrl.u32 s26, $0x3;
	[sflag:s13] =	ssyncset.done $0x0  }
0x12b: {  	s10 =	sadd.s32 s5, s26;
	[sflag:s13] =	ssyncadd.s32 $0xFFFFC000  }
0x12c: {  	[tilespmem:s30], [sflag:$0x1] =	stream.linear.gather [hbm4b:s10+s3], $0x80, $0x38;
	[tilespmem:$0x1C820] =	vst v63  }
0x12d: {  	s10 =	sadd.s32 s6, s26  }
0x12e: {  	[tilespmem:s28], [sflag:$0x1] =	stream.linear.gather [hbm4b:s10+s3], $0x80, $0x38;
	[tilespmem:$0x1C820] =	vst v63  }
0x12f: {  	_ =	swait.ge [sflag:s19], $0x80  }
0x130: {  	[sflag:s19] =	ssyncset.done $0x0  }
0x131: {  	[sflag:s19] =	ssyncadd.s32 $0xFFFFFF80  }
0x132: {  	_ =	swait.ge [sflag:s19], $0x80  }
0x133: {  	[sflag:s19] =	ssyncset.done $0x0  }
0x134: {  	s26 =	simm.s32 $0x14620;
	[sflag:s19] =	ssyncadd.s32 $0xFFFFFF80  }
0x135: {  	[tilespmem:s15], [sflag:$0x5] =	stream.indirect.gather [hbm4b:s4+s0], $0x80, s26, s0, $0xb8;
	[tilespmem:$0x1C820] =	vst v63  }
0x136: {  	_ =	swait.ge [sflag:s16], $0x4000  }
0x137: {  	[sflag:s16] =	ssyncset.done $0x0  }
0x138: {  	s10 =	sadd.s32 s5, s23;
	[sflag:s16] =	ssyncadd.s32 $0xFFFFC000  }
0x139: {  	[tilespmem:s29], [sflag:$0x2] =	stream.linear.gather [hbm4b:s10+s3], $0x80, $0x38;
	[tilespmem:$0x1C820] =	vst v63  }
0x13a: {  	s23 =	sadd.s32 s6, s23  }
0x13b: {  	[tilespmem:s31], [sflag:$0x2] =	stream.linear.gather [hbm4b:s23+s3], $0x80, $0x38;
	[tilespmem:$0x1C820] =	vst v63  }
0x13c: {  	_ =	swait.ge [sflag:s22], $0x80  }
0x13d: {  	[sflag:s22] =	ssyncset.done $0x0  }
0x13e: {  	[sflag:s22] =	ssyncadd.s32 $0xFFFFFF80  }
0x13f: {  	_ =	swait.ge [sflag:s22], $0x80  }
0x140: {  	[sflag:s22] =	ssyncset.done $0x0  }
0x141: {  	[sflag:s22] =	ssyncadd.s32 $0xFFFFFF80  }
0x142: {  	[tilespmem:s9], [sflag:$0x6] =	stream.indirect.gather [hbm4b:s4+s0], $0x80, s12, s0, $0xb8;
	[tilespmem:$0x1C820] =	vst v63  }
0x143: {  	_ =	swait.ge [sflag:s17], $0x4000  }
0x144: {  	p0 =	sne.s32 s21, $0x1;
	[sflag:s17] =	ssyncset.done $0x0  }
.Ltmp5:
0x145: {  	[sflag:s17] =	ssyncadd.s32 $0xFFFFC000;
	(pc) =	sbr.rel @p0 .LBB2_5-.Ltmp5, $4  }
0x146: {  	[spmem:s1] =	stream.indirect.scatter.add.f32 [tilespmem:s15], [sflag:$0x7], $0x80, s8, s0, $0xb8;
	[tilespmem:$0x1C820] =	vst v63  }
0x147: {  	_ =	swait.ge [sflag:s18], $0x4000  }
0x148: {  	s21 =	sadd.s32 $0xFFFFFFFF, s21;
	s20 =	sadd.s32 $0x4, s20;
	[sflag:s18] =	ssyncset.done $0x0  }
0x149: {  	s2 =	simm.s32 $0x147A0;
	s25 =	smov.u32 s1;
	[sflag:s18] =	ssyncadd.s32 $0xFFFFC000  }
.Ltmp6:
0x14a: {  	_ = 	snop;
	(pc) =	sbr.rel .LBB2_6-.Ltmp6, $1  }
0x14b: {  	_ =	sdelay $0x3  }
.LBB2_8:
0x14c: {  	_ =	sfence.sel $0x180000  }
0x14d: {  	[bflag:$0x0] =	sbarrier.arrive $0xFFFF  }
0x14e: {  	_ =	strace $0x9000004D  }
0x14f: {  	s0 =	stileid.u32;
	[bflag:$0x2] =	sbarrier.arrive $0xFFFF  }
0x150: {  	p0 =	sne.s32 s0, $0x0;
	s0 =	rddreg [dreg:$0x3]  }
0x151: {  	s0 =	sadd.s32 @!p0 $0x100000, s0  }
0x152: {  	[sflag:s0] =	ssyncadd.tile.s32 @!p0 $0x1;
	_ =	shalt  }
.Lfunc_end2:
_tile_overlayer_lowered:
.L_overlay_start_2:
0x153: {  	(tag) =	ssettag $0x2  }
0x154: {  	s0 =	rddreg [dreg:$0x0];
	s2 =	stileid.u32  }
0x155: {  	s1 =	rddreg [dreg:$0x1];
	p0 =	sne.s32 s2, $0x0  }
0x156: {  	s3 =	rddreg [dreg:$0x2];
	[bflag:$0x3] =	sbarrier.arrive $0xFFFF;
	s2 =	simm.s32 @!p0 $0x1C09  }
0x157: {  	[timem:s3], [sflag:s2] =	dma.local @!p0 [hbm:s0], s1  }
0x158: {  	s0 =	simm.s32 @!p0 $0x9  }
0x159: {  	_ =	swait.ge @!p0 [sflag:s0], s1  }
0x15a: {  	s1 =	ssub.s32 @!p0 $0x0, s1;
	[sflag:s0] =	ssyncset.done @!p0 $0x0  }
0x15b: {  	[sflag:s0] =	ssyncadd.s32 @!p0 s1  }
0x15c: {  	[bflag:$0x3] =	sbarrier.arrive $0xFFFF  }
0x15d: {  	_ =	shalt  }

// kernel: kernel.8.cloned.1.call-start
scs
__scs_entry_jumppad:
0x0: {  	(pc) =	sbr.rel $0x88, $3  }
0x1: {  	(tag) =	ssettag $0x0;
	lr =	simm.s32 $0x1  }
0x2: {  	[smem:$0x3F87] =	sst lr;
	_ =	strace $0xD0000000  }
0x3: {  	_ = 	snop  }
0x4: {  	_ = 	snop  }
0x5: {  	_ = 	snop  }
0x6: {  	_ = 	snop  }
0x7: {  	_ = 	snop  }
__scs_overlays_trampoline_lowered:
0x8: {  	[smem:$0x3F96] =	sst s0  }
0x9: {  	[smem:$0x3F97] =	sst s1  }
0xa: {  	[smem:$0x3F98] =	sst s2  }
0xb: {  	[smem:$0x3F99] =	sst s3  }
0xc: {  	[smem:$0x3F9A] =	sst s4  }
0xd: {  	[smem:$0x3F9B] =	sst s5  }
0xe: {  	[smem:$0x3F9C] =	sst s6  }
0xf: {  	[smem:$0x3F9D] =	sst s7  }
0x10: {  	[smem:$0x3F9E] =	sst s8  }
0x11: {  	[smem:$0x3F9F] =	sst s9;
	s0 =	simm.s32 @!p0 $0x0  }
0x12: {  	s1 =	sld [smem:$0x3F85];
	s0 =	simm.s32 @p0 $0x1  }
0x13: {  	[smem:$0x3FA0] =	sst s0;
	s0 =	simm.s32 @!p1 $0x0  }
0x14: {  	s2 =	sld [smem:$0x3F84];
	s0 =	simm.s32 @p1 $0x1  }
0x15: {  	[smem:$0x3FA1] =	sst s0;
	s0 =	simm.s32 @!p2 $0x0  }
0x16: {  	s3 =	sld [smem:$0x3FDB];
	s0 =	simm.s32 @p2 $0x1  }
0x17: {  	s4 =	simm.s32 $0x1BF5;
	[smem:$0x3FA3] =	sst s0  }
0x18: {  	s0 =	sld [smem:$0x3F86];
	_ =	swait.ge [sflag:s4], $0x0  }
0x19: {  	s7 =	sld [smem:$0x3F87]  }
0x1a: {  	s8 =	sadd.s32 $0xFFFFE003, lr  }
0x1b: {  	s9 =	sadd.s32 $0xFFFFFEF7, lr;
	s5 =	simm.s32 $0xFFFFFFFF;
	p2 =	slt.u32 s8, $0xFFFFF086  }
0x1c: {  	p1 =	slt.u32 s9, $0xF7A;
	s5 =	simm.s32 @!p2 $0x0  }
0x1d: {  	s5 =	simm.s32 @p1 $0x1;
	p0 =	seq.s32 s7, s2  }
0x1e: {  	s7 =	smul.u32 @!p0 $0xF7A, s2;
	p2 =	seq.s32 @!p0 s5, $0x0  }
0x1f: {  	s9 =	smul.u32 $0xF7A, s1;
	s8 =	simm.s32 @!p0 $0x1BF5;
	p2 =	por !p2, p0  }
0x20: {  	[sflag:s8] =	ssyncset.s32 @!p0 $0xFFFFF086;
	s6 =	sadd.s32 @!p0 s3, s7;
	s7 =	simm.s32 @!p0 $0x108  }
0x21: {  	s3 =	sadd.s32 s3, s9;
	s6 =	sadd.s32 @!p0 $0x88, s6;
	s7 =	simm.s32 @p2 $0x1082  }
0x22: {  	[simem:s7], [sflag:s8] =	dma.local @!p0 [hbm:s6], $0xF7A  }
0x23: {  	s9 =	sor.u32 $0xD0000000, s2;
	s6 =	simm.s32 $0x108;
	_ =	swait.ge @!p0 [sflag:s8], $0x0  }
0x24: {  	s3 =	sadd.s32 $0x88, s3;
	s6 =	simm.s32 @!p1 $0x1082;
	[sflag:s4] =	ssyncset.s32 $0xFFFFF086  }
0x25: {  	[simem:s6], [sflag:s4] =	dma.local [hbm:s3], $0xF7A  }
0x26: {  	[smem:$0x3F87] =	sst s1;
	(tag) =	ssettag s2;
	_ =	strace s9  }
0x27: {  	s1 =	sld [smem:$0x3F97]  }
0x28: {  	s2 =	sld [smem:$0x3F98]  }
0x29: {  	s4 =	sld [smem:$0x3F9A]  }
0x2a: {  	p0 =	seq.s32 s5, $0x0;
	s5 =	sld [smem:$0x3F9B]  }
0x2b: {  	s6 =	sld [smem:$0x3F9C]  }
0x2c: {  	s7 =	sld [smem:$0x3F9D]  }
0x2d: {  	s3 =	simm.s32 $0x108;
	s8 =	sld [smem:$0x3F9E]  }
0x2e: {  	s3 =	simm.s32 @!p0 $0x1082;
	s9 =	sld [smem:$0x3F9F]  }
0x2f: {  	lr =	sadd.s32 s0, s3;
	s0 =	sld [smem:$0x3F96]  }
0x30: {  	s3 =	sld [smem:$0x3F99]  }
0x31: {  	[smem:$0x3FA2] =	sst s10  }
0x32: {  	s10 =	sld [smem:$0x3FA0];
	_ =	sdelay $0x3  }
0x33: {  	p0 =	seq.s32 s10, $0x1;
	s10 =	sld [smem:$0x3FA2];
	_ =	sdelay $0x3  }
0x34: {  	[smem:$0x3FA2] =	sst s10  }
0x35: {  	s10 =	sld [smem:$0x3FA1];
	_ =	sdelay $0x3  }
0x36: {  	p1 =	seq.s32 s10, $0x1;
	s10 =	sld [smem:$0x3FA2];
	_ =	sdelay $0x3  }
0x37: {  	[smem:$0x3FA2] =	sst s10  }
0x38: {  	s10 =	sld [smem:$0x3FA3]  }
0x39: {  	_ = 	snop;
	(pc) =	sbr.ind lr, $3  }
0x3a: {  	_ = 	snop  }
0x3b: {  	_ = 	snop  }
0x3c: {  	p2 =	seq.s32 s10, $0x1;
	s10 =	sld [smem:$0x3FA2]  }
0x3d: {  	_ =	shalt  }
0x3e: {  	_ =	shalt  }
0x3f: {  	_ =	shalt  }
0x40: {  	_ =	shalt  }
0x41: {  	_ =	shalt  }
0x42: {  	_ =	shalt  }
0x43: {  	_ =	shalt  }
0x44: {  	_ =	shalt  }
0x45: {  	_ =	shalt  }
0x46: {  	_ =	shalt  }
0x47: {  	_ =	shalt  }
0x48: {  	_ =	shalt  }
0x49: {  	_ =	shalt  }
0x4a: {  	_ =	shalt  }
0x4b: {  	_ =	shalt  }
0x4c: {  	_ =	shalt  }
0x4d: {  	_ =	shalt  }
0x4e: {  	_ =	shalt  }
0x4f: {  	_ =	shalt  }
0x50: {  	_ =	shalt  }
0x51: {  	_ =	shalt  }
0x52: {  	_ =	shalt  }
0x53: {  	_ =	shalt  }
0x54: {  	_ =	shalt  }
0x55: {  	_ =	shalt  }
0x56: {  	_ =	shalt  }
0x57: {  	_ =	shalt  }
0x58: {  	_ =	shalt  }
0x59: {  	_ =	shalt  }
0x5a: {  	_ =	shalt  }
0x5b: {  	_ =	shalt  }
0x5c: {  	_ =	shalt  }
0x5d: {  	_ =	shalt  }
0x5e: {  	_ =	shalt  }
0x5f: {  	_ =	shalt  }
0x60: {  	_ =	shalt  }
0x61: {  	_ =	shalt  }
0x62: {  	_ =	shalt  }
0x63: {  	_ =	shalt  }
0x64: {  	_ =	shalt  }
0x65: {  	_ =	shalt  }
0x66: {  	_ =	shalt  }
0x67: {  	_ =	shalt  }
0x68: {  	_ =	shalt  }
0x69: {  	_ =	shalt  }
0x6a: {  	_ =	shalt  }
0x6b: {  	_ =	shalt  }
0x6c: {  	_ =	shalt  }
0x6d: {  	_ =	shalt  }
0x6e: {  	_ =	shalt  }
0x6f: {  	_ =	shalt  }
0x70: {  	_ =	shalt  }
0x71: {  	_ =	shalt  }
0x72: {  	_ =	shalt  }
0x73: {  	_ =	shalt  }
0x74: {  	_ =	shalt  }
0x75: {  	_ =	shalt  }
0x76: {  	_ =	shalt  }
0x77: {  	_ =	shalt  }
0x78: {  	_ =	shalt  }
0x79: {  	_ =	shalt  }
0x7a: {  	_ =	shalt  }
0x7b: {  	_ =	shalt  }
0x7c: {  	_ =	shalt  }
0x7d: {  	_ =	shalt  }
0x7e: {  	_ =	shalt  }
0x7f: {  	_ =	shalt  }
0x80: {  	_ =	shalt  }
0x81: {  	_ =	shalt  }
0x82: {  	_ =	shalt  }
0x83: {  	_ =	shalt  }
0x84: {  	_ =	shalt  }
0x85: {  	_ =	shalt  }
0x86: {  	_ =	shalt  }
0x87: {  	_ =	shalt  }
.Lfunc_end0:
.L_simem_size_0:
called_computation_lowered:
.L_overlay_start_0:
0x88: {  	s2 =	sld [smem:$0x3FD9]  }
0x89: {  	s3 =	sld [smem:$0x3FFE];
	_ =	sdelay $0x1  }
0x8a: {  	s1 =	srdreg.scid  }
0x8b: {  	s0 =	sand.u32 $0x1, s1  }
0x8c: {  	s17 =	sshll.u32 s0, $0xA;
	s2 =	sadd.s32 s3, s2  }
0x8d: {  	s2 =	sadd.s32 s2, s17  }
0x8e: {  	[smem:$0x3FAE] =	sst s2  }
0x8f: {  	_ = 	snop  }
0x90: {  	s2 =	sld [smem:$0x3FC4]  }
0x91: {  	s18 =	sld [smem:$0x3FD0];
	(tm) =	ssettm $0x1  }
0x92: {  	s4 =	sld [smem:$0x3FFB];
	_ =	sdelay $0x3  }
0x93: {  	_ =	strace s4  }
0x94: {  	s4 =	sld [smem:$0x3FFC];
	_ =	sdelay $0x3  }
0x95: {  	_ =	strace s4  }
0x96: {  	s4 =	sld [smem:$0x3FFD];
	_ =	sdelay $0x3  }
0x97: {  	_ =	strace s4  }
0x98: {  	_ =	strace $0x8FFFFFFF  }
0x99: {  	s19 =	sld [smem:$0x3FDB];
	_ =	sdelay $0x1  }
0x9a: {  	s5 =	simm.s32 $_scs_section_size  }
0x9b: {  	s6 =	simm.s32 $_size__tile_overlayer_lowered;
	s7 =	simm.s32 $_tile_overlayer_lowered  }
0x9c: {  	s22 =	simm.s32 $0x1BFF;
	s21 =	sshll.u32 s7, $0x1;
	s4 =	sadd.s32 s5, s19  }
0x9d: {  	s8 =	simm.s32 $0x0;
	s20 =	sshll.u32 s6, $0x1;
	s6 =	sadd.s32 s21, s4  }
0x9e: {  	[timem:s8], [sflag:s22] =	dma.local [hbm:s6], s20  }
0x9f: {  	_ =	swait.ge [sflag:s22], s20  }
0xa0: {  	s5 =	ssub.s32 $0x0, s20;
	[sflag:s22] =	ssyncset.done $0x0  }
0xa1: {  	[sflag:s22] =	ssyncadd.s32 s5;
	_ =	sdelay $0x1  }
0xa2: {  	s23 =	simm.s32 $0x1B8B  }
0xa3: {  	_ =	swait.ge [sflag:s23], $0x1  }
0xa4: {  	[sflag:s23] =	ssyncset.done $0x0  }
0xa5: {  	s25 =	simm.s32 $0x1B8E;
	s24 =	sld [smem:$0x3FFE];
	[sflag:s23] =	ssyncadd.s32 $0xFFFFFFFF  }
0xa6: {  	s26 =	simm.s32 $execute0_lowered;
	[smem:$0x3FD2] =	sst s25  }
0xa7: {  	s6 =	sshll.u32 s26, $0x1;
	_ =	strace $0x80000046;
	[dreg:$0x1] =	wrdreg $0xFFFFFFFF  }
0xa8: {  	s28 =	simm.s32 $_size_execute0_lowered;
	s4 =	sadd.s32 s4, s6;
	[dreg:$0x0] =	wrdreg $0x0  }
0xa9: {  	s6 =	sshll.u32 s28, $0x1;
	[dreg:$0x2] =	wrdreg s4  }
0xaa: {  	[dreg:$0x3] =	wrdreg s6  }
0xab: {  	[dreg:$0x4] =	wrdreg $0xC0  }
0xac: {  	_ =	task [dreg:s8], $0x5FFFF  }
0xad: {  	[dreg:$0x1] =	wrdreg $0xFFFFFFFF  }
0xae: {  	[dreg:$0x0] =	wrdreg $0x60  }
0xaf: {  	[dreg:$0x2] =	wrdreg s24  }
0xb0: {  	[dreg:$0x3] =	wrdreg s2  }
0xb1: {  	[dreg:$0x4] =	wrdreg s18  }
0xb2: {  	[dreg:$0x5] =	wrdreg $0x9  }
0xb3: {  	_ =	task.clear_ibuf [dreg:s8], $0x6FFFF;
	_ =	strace $0x90000046  }
0xb4: {  	s29 =	simm.s32 $0x9;
	_ =	strace $0x80000048  }
0xb5: {  	_ =	swait.ge [sflag:s29], $0x1  }
0xb6: {  	[sflag:s29] =	ssyncadd.s32 $0xFFFFFFFF  }
0xb7: {  	_ =	strace $0x90000048  }
0xb8: {  	_ =	sfence  }
0xb9: {  	s30 =	sld [smem:$0x0];
	_ =	sdelay $0x2  }
0xba: {  	s31 =	sshll.u32 s1, $0xD;
	s1 =	sshrl.u32 s1, $0x2  }
0xbb: {  	s3 =	sand.u32 $0x4000, s31;
	s1 =	sadd.s32 s1, s30  }
0xbc: {  	s0 =	sor.u32 s3, s0;
	s1 =	sshll.u32 s1, $0x11  }
0xbd: {  	s0 =	sor.u32 s1, s0  }
0xbe: {  	s0 =	sadd.s32 $0x8F2B, s0  }
0xbf: {  	[sflag:s0] =	ssyncadd.remote.s32 $0x1  }
0xc0: {  	_ =	sfence.sel $0xFFFF  }
0xc1: {  	[dreg:$0x0] =	wrdreg $0xFFFFFFFF;
	(pc) =	sbr.abs _section_cstart, $3  }
0xc2: {  	[dreg:$0x1] =	wrdreg $0xFFFFFFFF  }
0xc3: {  	_ =	task.clear_ibuf [dreg:s8], $0x2FFFF;
	_ =	strace $0x9FFFFFFF  }
0xc4: {  	(tm) =	ssettm $0x7FFFFFFF  }
0xc5: {  	_ =	shalt  }
tec
execute0_lowered:
.L_overlay_start_1:
0x0: {  	(tag) =	ssettag $0x1  }
0x1: {  	s6 =	rddreg [dreg:$0x0]  }
0x2: {  	s1 =	rddreg [dreg:$0x1]  }
0x3: {  	s11 =	rddreg [dreg:$0x2]  }
0x4: {  	s2 =	srdreg.scid;
	s0 =	rddreg [dreg:$0x3]  }
0x5: {  	s3 =	simm.s32 $0x0;
	s17 =	simm.s32 $0xBBC0;
	s18 =	simm.s32 $0x1770  }
0x6: {  	s19 =	simm.s32 $0x4080;
	s20 =	simm.s32 $0x6990;
	s21 =	simm.s32 $0x92A0  }
0x7: {  	s22 =	simm.s32 $0xBBB0;
	s23 =	simm.s32 $0x0;
	s7 =	sand.u32 $0x1, s2  }
0x8: {  	s2 =	stileid.u32;
	[smem:$0x7FF] =	sst s3;
	s5 =	sadd.s32 $0x4E00, s6  }
0x9: {  	s12 =	sadd.s32 $0x2CA00, s6;
	s15 =	sadd.s32 $0x41400, s6;
	s4 =	sshll.u32 s7, $0x4  }
0xa: {  	_ =	strace $0x80000047;
	s7 =	ssub.s32 $0x2, s7;
	s9 =	sor.u32 s2, s4  }
0xb: {  	s4 =	sadd.s32 $0xEC00, s6;
	s13 =	sshrl.u32 s7, $0x1;
	s8 =	smul.u32 $0xA00, s9  }
0xc: {  	s14 =	smul.u32 $0x2910, s9;
	s13 =	ssub.s32 s7, s13;
	s31 =	sshll.u32 s9, $0x1  }
0xd: {  	s10 =	smul.u32 $0x522, s9;
	s11 =	sadd.s32 s11, s31;
	s13 =	smax.u32 s13, $0x1  }
0xe: {  	s16 =	sadd.s32 s8, s6;
	s6 =	smul.u32 $0x2710, s9;
	s14 =	sshrl.u32 s14, $0x3  }
0xf: {  	s7 =	sadd.s32 s12, s10;
	s8 =	sadd.s32 s15, s10;
	s30 =	sadd.s32 $0xA440, s14  }
0x10: {  	v0 =	vimm.f32 $0.0e+00;
	v1 =	vimm.f32 $1.000000000e+00;
	v2 =	vimm.s32 $0x0;
	s14 =	simm.s32 $0x1;
	s9 =	sadd.s32 s12, s30;
	s10 =	sadd.s32 s15, s30  }
0x11: {  	v3 =	vimm.s32 $0x2800;
	vm0 =	vcmask $0x300;
	vm1 =	vcmask $0x704;
	s12 =	sadd.s32 $0x18A00, s16;
	s15 =	simm.s32 $0x7D0;
	s16 =	simm.s32 $0xFA0  }
.LBB2_1:
0x12: {  	s24 =	simm.s32 $0x40;
	s25 =	simm.s32 $0x0  }
.LBB2_2:
0x13: {  	p0 =	sne.s32 s24, $0x13FC0;
	[tilespmem:s25+$0xBBC0] =	vst v0;
	s25 =	smov.u32 s24;
	s24 =	sadd.s32 $0x40, s24  }
.Ltmp0:
0x14: {  	(pc) =	sbr.rel @p0 .LBB2_2-.Ltmp0, $2  }
0x15: {  	_ =	sdelay $0x2  }
0x16: {  	s25 =	sshra.s32 s25, $0x2  }
0x17: {  	s26 =	simm.s32 $0x0  }
0x18: {  	[tilespmem:s25+$0xBBC0] =	vst v0;
	s24 =	simm.s32 $0x0;
	s25 =	simm.s32 $0x0;
	s28 =	simm.s32 $0x0  }
.LBB2_4:
0x19: {  	s29 =	smul.u32 $0x7D0, s28;
	_ =	sdelay $0x1  }
0x1a: {  	s29 =	sadd.s32 s6, s29  }
0x1b: {  	s29 =	sshrl.u32 s29, $0x3  }
0x1c: {  	s30 =	sadd.s32 s4, s29  }
0x1d: {  	[tilespmem:s26], [sflag:$0x1] =	stream.linear.gather [hbm4b:s30+s26], $0x7D0, $0x38;
	[tilespmem:$0x10BC0] =	vst v63  }
0x1e: {  	_ =	swait.ge [sflag:s14], $0x7D0  }
0x1f: {  	[sflag:s14] =	ssyncset.done $0x0  }
0x20: {  	s31 =	sadd.s32 s5, s29;
	[sflag:s14] =	ssyncadd.s32 $0xFFFFF830  }
0x21: {  	[tilespmem:s15], [sflag:$0x1] =	stream.linear.gather [hbm4b:s31+s26], $0x7D0, $0x38;
	[tilespmem:$0x10BC0] =	vst v63  }
0x22: {  	_ =	swait.ge [sflag:s14], $0x7D0  }
0x23: {  	[sflag:s14] =	ssyncset.done $0x0  }
0x24: {  	s29 =	sadd.s32 s1, s29;
	[sflag:s14] =	ssyncadd.s32 $0xFFFFF830  }
0x25: {  	[tilespmem:s16], [sflag:$0x1] =	stream.linear.gather [hbm4b:s29+s26], $0x7D0, $0x38;
	[tilespmem:$0x10BC0] =	vst v63  }
0x26: {  	_ =	swait.ge [sflag:s14], $0x7D0  }
0x27: {  	[sflag:s14] =	ssyncset.done $0x0  }
0x28: {  	s29 =	simm.s32 $0x0;
	[sflag:s14] =	ssyncadd.s32 $0xFFFFF830  }
0x29: {  	v4 =	vld [tilespmem:s29+$0xFA0];
	_ =	sdelay $0x4  }
0x2a: {  	vm2 =	veq.s32 v4, $0x0  }
0x2b: {  	v5 =	vsel vm2, $0x1, v2  }
0x2c: {  	v6 =	vld [tilespmem:s29+$0x7D0];
	(xrf0) =	vadd.scan.msk.s32 $0xffff, v5;
	_ =	sdelay $0x4  }
0x2d: {  	v5 =	vshll.u32 v6, $0x1  }
0x2e: {  	v5 =	vadd.s32 v4, v5;
	v7, _, _ =	vpop (xrf0)  }
0x2f: {  	(v2sf) =	vpush v7, $0xF;
	v7 =	vld [tilespmem:s29+$0x0];
	_ =	sdelay $0x3  }
0x30: {  	[tilespmem:v5+s17+$0x0] =	vst.idx.add.f32.msk $0xffff, v1  }
0x31: {  	[tilespmem:s25+$0x1770] =	vst.msk vm2, v7  }
0x32: {  	vm3 =	vne.s32 v4, $0x0;
	[tilespmem:s25+$0x4080] =	vst.msk vm2, v6  }
0x33: {  	[tilespmem:s24+$0x6990] =	vst.msk vm3, v7  }
0x34: {  	s29 =	simm.s32 $0x10;
	[tilespmem:s24+$0x92A0] =	vst.msk vm3, v6  }
0x35: {  	v5 =	vld [tilespmem:s29+$0xFA0];
	_ =	sdelay $0x1  }
0x36: {  	v4 =	vld [tilespmem:s29+$0x7D0];
	_ =	sdelay $0x2  }
0x37: {  	vm2 =	veq.s32 v5, $0x0  }
0x38: {  	v6 =	vsel vm2, $0x1, v2  }
0x39: {  	v7 =	vshll.u32 v4, $0x1;
	(xrf0) =	vadd.scan.msk.s32 $0xffff, v6  }
0x3a: {  	v7 =	vadd.s32 v5, v7  }
0x3b: {  	v6 =	vld [tilespmem:s29+$0x0]  }
0x3c: {  	s31 =	spop (v2sf)  }
0x3d: {  	s29 =	simm.s32 $0x80;
	s25 =	sadd.s32 s25, s31;
	s24 =	ssub.s32 s24, s31  }
.LBB2_5:
0x3e: {  	p0 =	sne.s32 s29, $0x1F00  }
0x3f: {  	[tilespmem:v7+s17+$0x0] =	vst.idx.add.f32.msk $0xffff, v1;
	v7, _, _ =	vpop (xrf0);
	s24 =	sadd.s32 $0x10, s24;
	s30 =	smov.u32 s29;
	s29 =	sadd.s32 $0x40, s29  }
0x40: {  	[tilespmem:s25+$0x1770] =	vst.msk vm2, v6;
	(v2sf) =	vpush v7, $0xF  }
0x41: {  	vm3 =	vne.s32 v5, $0x0;
	[tilespmem:s25+$0x4080] =	vst.msk vm2, v4  }
0x42: {  	[tilespmem:s24+$0x6990] =	vst.msk vm3, v6  }
0x43: {  	s30 =	sshra.s32 s30, $0x2;
	[tilespmem:s24+$0x92A0] =	vst.msk vm3, v4  }
0x44: {  	v5 =	vld [tilespmem:s30+$0xFA0];
	_ =	sdelay $0x1  }
0x45: {  	v4 =	vld [tilespmem:s30+$0x7D0];
	_ =	sdelay $0x2  }
0x46: {  	vm2 =	veq.s32 v5, $0x0  }
0x47: {  	v6 =	vsel vm2, $0x1, v2  }
0x48: {  	v7 =	vshll.u32 v4, $0x1;
	(xrf0) =	vadd.scan.msk.s32 $0xffff, v6  }
.Ltmp1:
0x49: {  	v7 =	vadd.s32 v5, v7;
	(pc) =	sbr.rel @p0 .LBB2_5-.Ltmp1, $3  }
0x4a: {  	v6 =	vld [tilespmem:s30+$0x0];
	_ =	sdelay $0x1  }
0x4b: {  	s30 =	spop (v2sf)  }
0x4c: {  	s25 =	sadd.s32 s25, s30;
	s24 =	ssub.s32 s24, s30  }
0x4d: {  	v8, _, _ =	vpop (xrf0)  }
0x4e: {  	(v2sf) =	vpush v8, $0xF;
	_ =	sdelay $0xa  }
0x4f: {  	s28 =	sadd.s32 $0x1, s28  }
0x50: {  	p0 =	sne.s32 s28, $0x5  }
.Ltmp2:
0x51: {  	[tilespmem:v7+s17+$0x0] =	vst.idx.add.f32.msk $0xffff, v1;
	(pc) =	sbr.rel @p0 .LBB2_4-.Ltmp2, $4  }
0x52: {  	[tilespmem:s25+$0x1770] =	vst.msk vm2, v6  }
0x53: {  	s24 =	sadd.s32 $0x10, s24;
	vm3 =	vne.s32 v5, $0x0;
	[tilespmem:s25+$0x4080] =	vst.msk vm2, v4;
	s29 =	spop (v2sf)  }
0x54: {  	[tilespmem:s24+$0x6990] =	vst.msk vm3, v6;
	s30 =	ssub.s32 s24, s29  }
0x55: {  	[tilespmem:s24+$0x92A0] =	vst.msk vm3, v4;
	s25 =	sadd.s32 s25, s29;
	s24 =	sadd.s32 $0x10, s30  }
0x56: {  	[tilespmem:s25+$0x1770] =	vst v2  }
0x57: {  	[tilespmem:s25+$0x4080] =	vst v3  }
0x58: {  	[tilespmem:s24+$0x6990] =	vst v2  }
0x59: {  	[tilespmem:s24+$0x92A0] =	vst v3  }
0x5a: {  	[tilespmem:s25+$0x1780] =	vst v2  }
0x5b: {  	[tilespmem:s25+$0x4090] =	vst v3  }
0x5c: {  	[tilespmem:s24+$0x69A0] =	vst v2  }
0x5d: {  	[tilespmem:s24+$0x92B0] =	vst v3  }
0x5e: {  	[tilespmem:s25+$0x1790] =	vst v2  }
0x5f: {  	[tilespmem:s25+$0x40A0] =	vst v3  }
0x60: {  	[tilespmem:s24+$0x69B0] =	vst v2  }
0x61: {  	[tilespmem:s24+$0x92C0] =	vst v3  }
0x62: {  	[tilespmem:s25+$0x17A0] =	vst v2  }
0x63: {  	[tilespmem:s25+$0x40B0] =	vst v3  }
0x64: {  	[tilespmem:s24+$0x69C0] =	vst v2  }
0x65: {  	[tilespmem:s24+$0x92D0] =	vst v3  }
0x66: {  	[tilespmem:s25+$0x17B0] =	vst v2  }
0x67: {  	[tilespmem:s25+$0x40C0] =	vst v3  }
0x68: {  	[tilespmem:s24+$0x69D0] =	vst v2  }
0x69: {  	[tilespmem:s24+$0x92E0] =	vst v3  }
0x6a: {  	[tilespmem:s25+$0x17C0] =	vst v2  }
0x6b: {  	[tilespmem:s25+$0x40D0] =	vst v3  }
0x6c: {  	[tilespmem:s24+$0x69E0] =	vst v2  }
0x6d: {  	[tilespmem:s24+$0x92F0] =	vst v3  }
0x6e: {  	[tilespmem:s25+$0x17D0] =	vst v2  }
0x6f: {  	[tilespmem:s25+$0x40E0] =	vst v3  }
0x70: {  	[tilespmem:s24+$0x69F0] =	vst v2  }
0x71: {  	[tilespmem:s24+$0x9300] =	vst v3  }
0x72: {  	[tilespmem:s25+$0x17E0] =	vst v2  }
0x73: {  	[tilespmem:s25+$0x40F0] =	vst v3  }
0x74: {  	[tilespmem:s24+$0x6A00] =	vst v2  }
0x75: {  	[tilespmem:s24+$0x9310] =	vst v3  }
0x76: {  	[tilespmem:s25+$0x17F0] =	vst v2  }
0x77: {  	[tilespmem:s25+$0x4100] =	vst v3  }
0x78: {  	[tilespmem:s24+$0x6A10] =	vst v2  }
0x79: {  	[tilespmem:s24+$0x9320] =	vst v3  }
0x7a: {  	[tilespmem:s25+$0x1800] =	vst v2  }
0x7b: {  	[tilespmem:s25+$0x4110] =	vst v3  }
0x7c: {  	[tilespmem:s24+$0x6A20] =	vst v2  }
0x7d: {  	[tilespmem:s24+$0x9330] =	vst v3  }
0x7e: {  	[tilespmem:s25+$0x1810] =	vst v2  }
0x7f: {  	[tilespmem:s25+$0x4120] =	vst v3  }
0x80: {  	[tilespmem:s24+$0x6A30] =	vst v2  }
0x81: {  	[tilespmem:s24+$0x9340] =	vst v3  }
0x82: {  	[tilespmem:s25+$0x1820] =	vst v2  }
0x83: {  	[tilespmem:s25+$0x4130] =	vst v3  }
0x84: {  	[tilespmem:s24+$0x6A40] =	vst v2  }
0x85: {  	[tilespmem:s24+$0x9350] =	vst v3  }
0x86: {  	[tilespmem:s25+$0x1830] =	vst v2  }
0x87: {  	[tilespmem:s25+$0x4140] =	vst v3  }
0x88: {  	[tilespmem:s24+$0x6A50] =	vst v2  }
0x89: {  	[tilespmem:s24+$0x9360] =	vst v3  }
0x8a: {  	[tilespmem:s25+$0x1840] =	vst v2  }
0x8b: {  	[tilespmem:s25+$0x4150] =	vst v3  }
0x8c: {  	[tilespmem:s24+$0x6A60] =	vst v2  }
0x8d: {  	[tilespmem:s24+$0x9370] =	vst v3  }
0x8e: {  	[tilespmem:s25+$0x1850] =	vst v2  }
0x8f: {  	[tilespmem:s25+$0x4160] =	vst v3  }
0x90: {  	[tilespmem:s24+$0x6A70] =	vst v2  }
0x91: {  	[tilespmem:s24+$0x9380] =	vst v3  }
0x92: {  	[tilespmem:s25+$0x1860] =	vst v2  }
0x93: {  	[tilespmem:s25+$0x4170] =	vst v3  }
0x94: {  	[tilespmem:s24+$0x6A80] =	vst v2  }
0x95: {  	[tilespmem:s24+$0x9390] =	vst v3  }
0x96: {  	[tilespmem:s25+$0x1870] =	vst v2  }
0x97: {  	[tilespmem:s25+$0x4180] =	vst v3  }
0x98: {  	[tilespmem:s24+$0x6A90] =	vst v2  }
0x99: {  	[tilespmem:s24+$0x93A0] =	vst v3  }
0x9a: {  	[tilespmem:s25+$0x1880] =	vst v2  }
0x9b: {  	[tilespmem:s25+$0x4190] =	vst v3  }
0x9c: {  	[tilespmem:s24+$0x6AA0] =	vst v2  }
0x9d: {  	[tilespmem:s24+$0x93B0] =	vst v3  }
0x9e: {  	[tilespmem:s25+$0x1890] =	vst v2  }
0x9f: {  	[tilespmem:s25+$0x41A0] =	vst v3  }
0xa0: {  	[tilespmem:s24+$0x6AB0] =	vst v2  }
0xa1: {  	[tilespmem:s24+$0x93C0] =	vst v3  }
0xa2: {  	[tilespmem:s25+$0x18A0] =	vst v2  }
0xa3: {  	[tilespmem:s25+$0x41B0] =	vst v3  }
0xa4: {  	[tilespmem:s24+$0x6AC0] =	vst v2  }
0xa5: {  	[tilespmem:s24+$0x93D0] =	vst v3  }
0xa6: {  	[tilespmem:s25+$0x18B0] =	vst v2  }
0xa7: {  	[tilespmem:s25+$0x41C0] =	vst v3  }
0xa8: {  	[tilespmem:s24+$0x6AD0] =	vst v2  }
0xa9: {  	[tilespmem:s24+$0x93E0] =	vst v3  }
0xaa: {  	[tilespmem:s25+$0x18C0] =	vst v2  }
0xab: {  	[tilespmem:s25+$0x41D0] =	vst v3  }
0xac: {  	[tilespmem:s24+$0x6AE0] =	vst v2  }
0xad: {  	[tilespmem:s24+$0x93F0] =	vst v3  }
0xae: {  	[tilespmem:s25+$0x18D0] =	vst v2  }
0xaf: {  	[tilespmem:s25+$0x41E0] =	vst v3  }
0xb0: {  	[tilespmem:s24+$0x6AF0] =	vst v2  }
0xb1: {  	[tilespmem:s24+$0x9400] =	vst v3  }
0xb2: {  	[tilespmem:s25+$0x18E0] =	vst v2  }
0xb3: {  	[tilespmem:s25+$0x41F0] =	vst v3  }
0xb4: {  	[tilespmem:s24+$0x6B00] =	vst v2  }
0xb5: {  	[tilespmem:s24+$0x9410] =	vst v3  }
0xb6: {  	[tilespmem:s25+$0x18F0] =	vst v2  }
0xb7: {  	[tilespmem:s25+$0x4200] =	vst v3  }
0xb8: {  	[tilespmem:s24+$0x6B10] =	vst v2  }
0xb9: {  	[tilespmem:s24+$0x9420] =	vst v3  }
0xba: {  	[tilespmem:s25+$0x1900] =	vst v2  }
0xbb: {  	[tilespmem:s25+$0x4210] =	vst v3  }
0xbc: {  	[tilespmem:s24+$0x6B20] =	vst v2  }
0xbd: {  	[tilespmem:s24+$0x9430] =	vst v3  }
0xbe: {  	[tilespmem:s25+$0x1910] =	vst v2  }
0xbf: {  	[tilespmem:s25+$0x4220] =	vst v3  }
0xc0: {  	[tilespmem:s24+$0x6B30] =	vst v2  }
0xc1: {  	[tilespmem:s24+$0x9440] =	vst v3  }
0xc2: {  	[tilespmem:s25+$0x1920] =	vst v2  }
0xc3: {  	[tilespmem:s25+$0x4230] =	vst v3  }
0xc4: {  	[tilespmem:s24+$0x6B40] =	vst v2  }
0xc5: {  	[tilespmem:s24+$0x9450] =	vst v3  }
0xc6: {  	[tilespmem:s25+$0x1930] =	vst v2  }
0xc7: {  	[tilespmem:s25+$0x4240] =	vst v3  }
0xc8: {  	[tilespmem:s24+$0x6B50] =	vst v2  }
0xc9: {  	[tilespmem:s24+$0x9460] =	vst v3  }
0xca: {  	[tilespmem:s25+$0x1940] =	vst v2  }
0xcb: {  	[tilespmem:s25+$0x4250] =	vst v3  }
0xcc: {  	[tilespmem:s24+$0x6B60] =	vst v2  }
0xcd: {  	[tilespmem:s24+$0x9470] =	vst v3  }
0xce: {  	[tilespmem:s25+$0x1950] =	vst v2  }
0xcf: {  	[tilespmem:s25+$0x4260] =	vst v3  }
0xd0: {  	[tilespmem:s24+$0x6B70] =	vst v2  }
0xd1: {  	s26 =	sadd.s32 $0x1FF, s25;
	[tilespmem:s24+$0x9480] =	vst v3  }
0xd2: {  	s26 =	sshrl.u32 s26, $0x9;
	[tilespmem:s25+$0x1960] =	vst v2  }
0xd3: {  	s31 =	sadd.s32 $0x1FF, s24;
	v4 =	vmov s26;
	[tilespmem:s25+$0x4270] =	vst v3  }
0xd4: {  	v4 =	vnsel vm0, $0x0, v4;
	s25 =	sshrl.u32 s31, $0x9;
	[tilespmem:s24+$0x6B80] =	vst v2  }
0xd5: {  	[tilespmem:s24+$0x9490] =	vst v3;
	v4 =	vsel vm1, s25, v4  }
0xd6: {  	[tilespmem:$0xBBB0] =	vst v4  }
0xd7: {  	[hbm4b:s7+s3] =	stream.linear.scatter [tilespmem:s18], [sflag:$0x1], $0x2910, $0x38;
	[tilespmem:$0x10BC0] =	vst v63  }
0xd8: {  	_ =	swait.ge [sflag:s14], $0x2910  }
0xd9: {  	[sflag:s14] =	ssyncset.done $0x0  }
0xda: {  	[sflag:s14] =	ssyncadd.s32 $0xFFFFD6F0  }
0xdb: {  	[hbm4b:s8+s3] =	stream.linear.scatter [tilespmem:s19], [sflag:$0x1], $0x2910, $0x38;
	[tilespmem:$0x10BC0] =	vst v63  }
0xdc: {  	_ =	swait.ge [sflag:s14], $0x2910  }
0xdd: {  	[sflag:s14] =	ssyncset.done $0x0  }
0xde: {  	[sflag:s14] =	ssyncadd.s32 $0xFFFFD6F0  }
0xdf: {  	[hbm4b:s9+s3] =	stream.linear.scatter [tilespmem:s20], [sflag:$0x1], $0x2910, $0x38;
	[tilespmem:$0x10BC0] =	vst v63  }
0xe0: {  	_ =	swait.ge [sflag:s14], $0x2910  }
0xe1: {  	[sflag:s14] =	ssyncset.done $0x0  }
0xe2: {  	[sflag:s14] =	ssyncadd.s32 $0xFFFFD6F0  }
0xe3: {  	[hbm4b:s10+s3] =	stream.linear.scatter [tilespmem:s21], [sflag:$0x1], $0x2910, $0x38;
	[tilespmem:$0x10BC0] =	vst v63  }
0xe4: {  	_ =	swait.ge [sflag:s14], $0x2910  }
0xe5: {  	[sflag:s14] =	ssyncset.done $0x0  }
0xe6: {  	[sflag:s14] =	ssyncadd.s32 $0xFFFFD6F0  }
0xe7: {  	[hbm4b:s11+s3] =	stream.linear.scatter [tilespmem:s22], [sflag:$0x1], $0x10, $0x38;
	[tilespmem:$0x10BC0] =	vst v63  }
0xe8: {  	s23 =	sadd.s32 $0x1, s23;
	_ =	swait.ge [sflag:s14], $0x10  }
0xe9: {  	p0 =	sne.s32 s23, s13;
	[sflag:s14] =	ssyncset.done $0x0  }
.Ltmp3:
0xea: {  	[sflag:s14] =	ssyncadd.s32 $0xFFFFFFF0;
	(pc) =	sbr.rel @p0 .LBB2_1-.Ltmp3, $4  }
0xeb: {  	[hbm4b:s12+s3] =	stream.linear.scatter [tilespmem:s17], [sflag:$0x1], $0x5000, $0x38;
	[tilespmem:$0x10BC0] =	vst v63  }
0xec: {  	_ =	swait.ge [sflag:s14], $0x5000  }
0xed: {  	[sflag:s14] =	ssyncset.done $0x0  }
0xee: {  	[sflag:s14] =	ssyncadd.s32 $0xFFFFB000  }
0xef: {  	_ =	sfence.sel $0x180000  }
0xf0: {  	[bflag:$0x0] =	sbarrier.arrive $0xFFFF  }
0xf1: {  	p0 =	sne.s32 s2, $0x0;
	_ =	strace $0x90000047  }
0xf2: {  	s0 =	sadd.s32 @!p0 $0x100000, s0;
	[bflag:$0x2] =	sbarrier.arrive $0xFFFF  }
0xf3: {  	[sflag:s0] =	ssyncadd.tile.s32 @!p0 $0x1;
	_ =	shalt  }
.Lfunc_end2:
_tile_overlayer_lowered:
.L_overlay_start_2:
0xf4: {  	(tag) =	ssettag $0x2  }
0xf5: {  	s0 =	rddreg [dreg:$0x0];
	s2 =	stileid.u32  }
0xf6: {  	s1 =	rddreg [dreg:$0x1];
	p0 =	sne.s32 s2, $0x0  }
0xf7: {  	s3 =	rddreg [dreg:$0x2];
	[bflag:$0x3] =	sbarrier.arrive $0xFFFF;
	s2 =	simm.s32 @!p0 $0x1C01  }
0xf8: {  	[timem:s3], [sflag:s2] =	dma.local @!p0 [hbm:s0], s1  }
0xf9: {  	s0 =	simm.s32 @!p0 $0x1  }
0xfa: {  	_ =	swait.ge @!p0 [sflag:s0], s1  }
0xfb: {  	s1 =	ssub.s32 @!p0 $0x0, s1;
	[sflag:s0] =	ssyncset.done @!p0 $0x0  }
0xfc: {  	[sflag:s0] =	ssyncadd.s32 @!p0 s1  }
0xfd: {  	[bflag:$0x3] =	sbarrier.arrive $0xFFFF  }
0xfe: {  	_ =	shalt  }

</sc_bundles>
